<compile_context>
chip_gen: v7x
topology: tpu7x:2x2x1
jax: 0.10.2.dev20260603
libtpu: 0.0.44.dev20260713+nightly
codegen_flags: <defaults>
</compile_context>

<pallas_src>
import functools

import jax
import jax.numpy as jnp
from jax import lax
from jax.experimental import pallas as pl
from jax.experimental.pallas import tpu as pltpu
from jax.experimental.pallas import tpu_sc as plsc

N = 10000
E = 320000
F_IN = 128
DIM = 32
C = 10

NC = 2
NS = 16
NW = NC * NS
CH = 128
NCHUNK = E // CH
FULL = NCHUNK // NW
EXTRA = NCHUNK - FULL * NW

N_UP = 10240
RSLICE = N_UP // NS
NBUF = 6
HBM_CID = 0
FF = 90
FS = 66


@functools.cache
def _sc_kernels():
    mesh = plsc.VectorSubcoreMesh(
        core_axis_name="c", subcore_axis_name="s", num_cores=NC, num_subcores=NS
    )
    params = pltpu.CompilerParams(use_tc_tiling_on_sc=False)
    deg = functools.partial(
        pl.kernel,
        out_type=jax.ShapeDtypeStruct((NC, N_UP), jnp.float32),
        mesh=mesh,
        compiler_params=params,
        scratch_types=[
            pltpu.VMEM((FULL, CH), jnp.int32),
            pltpu.VMEM((1, CH), jnp.int32),
            pltpu.VMEM((CH,), jnp.float32),
            pltpu.VMEM_SHARED((N_UP,), jnp.float32),
            pltpu.SemaphoreType.DMA,
        ],
    )(_deg_body)
    scat = functools.partial(
        pl.kernel,
        out_type=jax.ShapeDtypeStruct((NC, N_UP, DIM), jnp.float32),
        mesh=mesh,
        compiler_params=params,
        scratch_types=[
            pltpu.VMEM((FF, CH), jnp.int32),
            pltpu.VMEM((FF, CH), jnp.int32),
            pltpu.VMEM((1, CH), jnp.int32),
            pltpu.VMEM((1, CH), jnp.int32),
            [pltpu.VMEM((CH, DIM), jnp.float32) for _ in range(NBUF)],
            pltpu.VMEM_SHARED((N_UP, DIM), jnp.float32),
            pltpu.VMEM_SHARED((N_UP, DIM), jnp.float32),
            [pltpu.SemaphoreType.DMA for _ in range(NBUF)],
            [pltpu.SemaphoreType.DMA for _ in range(NBUF)],
        ],
    )(_scat_body)
    return deg, scat


def _deg_body(e3_hbm, zeros_hbm, out_hbm, idxs_v, idxe_v, ones_v, acc, sem):
    dst_hbm = e3_hbm.at[1]
    cid = lax.axis_index("c")
    sid = lax.axis_index("s")
    wid = sid * NC + cid
    for k in range(CH // 16):
        ones_v[pl.ds(k * 16, 16)] = jnp.ones((16,), jnp.float32)
    pltpu.sync_copy(zeros_hbm, acc.at[pl.ds(sid * RSLICE, RSLICE)])
    plsc.subcore_barrier()
    pltpu.sync_copy(dst_hbm.at[pl.ds(wid * FULL, FULL)], idxs_v)

    def fire(j, carry):
        pltpu.async_copy(ones_v, acc.at[idxs_v.at[j]], sem, add=True)
        return carry

    lax.fori_loop(0, FULL, fire, 0)

    @pl.when(wid < EXTRA)
    def _():
        pltpu.sync_copy(dst_hbm.at[pl.ds(NW * FULL + wid, 1)], idxe_v)
        pltpu.async_copy(ones_v, acc.at[idxe_v.at[0]], sem, add=True)

    def drain(j, carry):
        pltpu.make_async_copy(ones_v, acc.at[idxs_v.at[0]], sem).wait()
        return carry

    lax.fori_loop(0, FULL, drain, 0)

    @pl.when(wid < EXTRA)
    def _():
        pltpu.make_async_copy(ones_v, acc.at[idxs_v.at[0]], sem).wait()

    plsc.subcore_barrier()
    pltpu.sync_copy(
        acc.at[pl.ds(sid * RSLICE, RSLICE)],
        out_hbm.at[cid, pl.ds(sid * RSLICE, RSLICE)],
    )


def _scat_body(e3_hbm, p_hbm, zrows_hbm, out_hbm,
               srcs_v, dsts_v, srce_v, dste_v, rows, acc, p_sh, gsem, ssem):
    src_hbm = e3_hbm.at[0]
    dst_hbm = e3_hbm.at[1]
    cid = lax.axis_index("c")
    sid = lax.axis_index("s")
    wid = sid * NC + cid
    pltpu.sync_copy(zrows_hbm, acc.at[pl.ds(sid * RSLICE, RSLICE)])
    pltpu.sync_copy(p_hbm.at[pl.ds(sid * RSLICE, RSLICE)],
                    p_sh.at[pl.ds(sid * RSLICE, RSLICE)])
    plsc.subcore_barrier()

    def ring(gref, nfull, base):
        pltpu.sync_copy(src_hbm.at[pl.ds(base, nfull)],
                        srcs_v.at[pl.ds(0, nfull)])
        pltpu.sync_copy(dst_hbm.at[pl.ds(base, nfull)],
                        dsts_v.at[pl.ds(0, nfull)])
        for b in range(NBUF):
            pltpu.async_copy(gref.at[srcs_v.at[b]], rows[b], gsem[b])

        def body(t, carry):
            for b in range(NBUF):
                j = t * NBUF + b
                pltpu.make_async_copy(p_hbm.at[srcs_v.at[0]], rows[b],
                                      gsem[b]).wait()
                pltpu.async_copy(rows[b], acc.at[dsts_v.at[j]], ssem[b],
                                 add=True)
            for b in range(NBUF):
                j = (t + 1) * NBUF + b
                pltpu.make_async_copy(rows[b], acc.at[dsts_v.at[0]],
                                      ssem[b]).wait()

                @pl.when(j < nfull)
                def _():
                    pltpu.async_copy(gref.at[srcs_v.at[j]], rows[b], gsem[b])
            return carry

        lax.fori_loop(0, nfull // NBUF, body, 0)

    @pl.when(cid == HBM_CID)
    def _():
        ring(p_hbm, FF, sid * FF)

    @pl.when(cid != HBM_CID)
    def _():
        ring(p_sh, FS, NS * FF + sid * FS)

    @pl.when((cid == HBM_CID) & (sid < EXTRA))
    def _():
        pltpu.sync_copy(src_hbm.at[pl.ds(NS * (FF + FS) + sid, 1)], srce_v)
        pltpu.sync_copy(dst_hbm.at[pl.ds(NS * (FF + FS) + sid, 1)], dste_v)
        pltpu.async_copy(p_hbm.at[srce_v.at[0]], rows[0], gsem[0]).wait()
        pltpu.sync_copy(rows[0], acc.at[dste_v.at[0]], add=True)

    plsc.subcore_barrier()
    pltpu.sync_copy(
        acc.at[pl.ds(sid * RSLICE, RSLICE)],
        out_hbm.at[cid, pl.ds(sid * RSLICE, RSLICE)],
    )


BLK = 2048
GRID = N_UP // BLK


def _tc1a_body(x_ref, w1_ref, u_ref):
    u_ref[...] = jnp.dot(x_ref[...], w1_ref[...],
                         preferred_element_type=jnp.float32)


def _tc1b_body(degp_ref, u_ref, dis_ref, p1_ref):
    degp = degp_ref[...]
    deg = degp[0] + degp[1]
    safe = jnp.where(deg > 0, deg, 1.0)
    dis = jnp.where(deg > 0, lax.rsqrt(safe), 0.0)
    dis_col = dis[:, None]
    dis_ref[...] = dis_col
    p1_ref[...] = u_ref[...] * dis_col


def _tc2_body(sp_ref, dis_ref, b_ref, w_ref, h_ref, p_ref):
    s = sp_ref[0] + sp_ref[1]
    dis = dis_ref[...]
    h = jnp.maximum(s * dis + b_ref[...], 0.0)
    h_ref[...] = h
    p_ref[...] = jnp.dot(h, w_ref[...], preferred_element_type=jnp.float32) * dis


def _tc3_body(sp_ref, dis_ref, b_ref, x_ref, h1_ref, h2_ref,
              wx_ref, w1c_ref, w2c_ref, w3c_ref, bfc_ref, out_ref):
    s = sp_ref[0] + sp_ref[1]
    dis = dis_ref[...]
    h3 = jnp.maximum(s * dis + b_ref[...], 0.0)
    logits = (
        jnp.dot(x_ref[...], wx_ref[...], preferred_element_type=jnp.float32)
        + jnp.dot(h1_ref[...], w1c_ref[...], preferred_element_type=jnp.float32)
        + jnp.dot(h2_ref[...], w2c_ref[...], preferred_element_type=jnp.float32)
        + jnp.dot(h3, w3c_ref[...], preferred_element_type=jnp.float32)
        + bfc_ref[...]
    )
    m = jnp.max(logits, axis=1, keepdims=True)
    lse = jnp.log(jnp.sum(jnp.exp(logits - m), axis=1, keepdims=True)) + m
    out_ref[...] = logits - lse


def _row_spec(cols):
    return pl.BlockSpec((BLK, cols), lambda i: (i, 0))


def _full_spec(shape):
    return pl.BlockSpec(shape, lambda i: tuple(0 for _ in shape))


_tc1a = pl.pallas_call(
    _tc1a_body,
    grid=(GRID,),
    in_specs=[_row_spec(F_IN), _full_spec((F_IN, DIM))],
    out_specs=_row_spec(DIM),
    out_shape=jax.ShapeDtypeStruct((N_UP, DIM), jnp.float32),
)

_tc1b = pl.pallas_call(
    _tc1b_body,
    grid=(GRID,),
    in_specs=[
        pl.BlockSpec((NC, BLK), lambda i: (0, i)),
        _row_spec(DIM),
    ],
    out_specs=[_row_spec(1), _row_spec(DIM)],
    out_shape=[
        jax.ShapeDtypeStruct((N_UP, 1), jnp.float32),
        jax.ShapeDtypeStruct((N_UP, DIM), jnp.float32),
    ],
)

_tc2 = pl.pallas_call(
    _tc2_body,
    grid=(GRID,),
    in_specs=[
        pl.BlockSpec((NC, BLK, DIM), lambda i: (0, i, 0)),
        _row_spec(1),
        _full_spec((1, DIM)),
        _full_spec((DIM, DIM)),
    ],
    out_specs=[_row_spec(DIM), _row_spec(DIM)],
    out_shape=[
        jax.ShapeDtypeStruct((N_UP, DIM), jnp.float32),
        jax.ShapeDtypeStruct((N_UP, DIM), jnp.float32),
    ],
)

_tc3 = pl.pallas_call(
    _tc3_body,
    grid=(GRID,),
    in_specs=[
        pl.BlockSpec((NC, BLK, DIM), lambda i: (0, i, 0)),
        _row_spec(1),
        _full_spec((1, DIM)),
        _row_spec(F_IN),
        _row_spec(DIM),
        _row_spec(DIM),
        _full_spec((F_IN, C)),
        _full_spec((DIM, C)),
        _full_spec((DIM, C)),
        _full_spec((DIM, C)),
        _full_spec((1, C)),
    ],
    out_specs=_row_spec(C),
    out_shape=jax.ShapeDtypeStruct((N, C), jnp.float32),
)


def kernel(x, edge_index, W1, b1, W2, b2, W3, b3, Wfc, bfc):
    e3 = edge_index.reshape(2, NCHUNK, CH)
    zflat = jnp.zeros((RSLICE,), jnp.float32)
    zrows = jnp.zeros((RSLICE, DIM), jnp.float32)

    deg_kernel, scat_kernel = _sc_kernels()
    degp = deg_kernel(e3, zflat)
    u1 = _tc1a(x, W1)
    dis, p1 = _tc1b(degp, u1)
    s1 = scat_kernel(e3, p1, zrows)
    h1, p2 = _tc2(s1, dis, b1.reshape(1, DIM), W2)
    s2 = scat_kernel(e3, p2, zrows)
    h2, p3 = _tc2(s2, dis, b2.reshape(1, DIM), W3)
    s3 = scat_kernel(e3, p3, zrows)
    out = _tc3(
        s3, dis, b3.reshape(1, DIM), x, h1, h2,
        Wfc[:F_IN], Wfc[F_IN:F_IN + DIM], Wfc[F_IN + DIM:F_IN + 2 * DIM],
        Wfc[F_IN + 2 * DIM:], bfc.reshape(1, C),
    )
    return out

# --- scband reference (transcript-rebuilt; emitter-appended) ---
"""Pipeline reference for scband-net1-36335423324471 (READ-ONLY COPY).

The authoritative reference and input builder live on the scoring server;
editing this copy changes nothing except your own understanding.
"""

import jax, jax.numpy as jnp
import numpy as np

N = 10000
E = 320000
F_IN = 128
DIM = 32
C = 10
NUM_LAYERS = 3


def setup_inputs(seed: int = 0) -> dict:
    key = jax.random.key(seed)
    ks = jax.random.split(key, 10)
    x = jax.random.normal(ks[0], (N, F_IN), dtype=jnp.float32)
    edge_index = jax.random.randint(ks[1], (2, E), 0, N, dtype=jnp.int32)
    W1 = jax.random.normal(ks[2], (F_IN, DIM), dtype=jnp.float32) / np.sqrt(F_IN)
    b1 = jnp.zeros((DIM,), dtype=jnp.float32)
    W2 = jax.random.normal(ks[3], (DIM, DIM), dtype=jnp.float32) / np.sqrt(DIM)
    b2 = jnp.zeros((DIM,), dtype=jnp.float32)
    W3 = jax.random.normal(ks[4], (DIM, DIM), dtype=jnp.float32) / np.sqrt(DIM)
    b3 = jnp.zeros((DIM,), dtype=jnp.float32)
    Wfc = jax.random.normal(ks[5], (F_IN + NUM_LAYERS * DIM, C), dtype=jnp.float32) / np.sqrt(F_IN + NUM_LAYERS * DIM)
    bfc = jnp.zeros((C,), dtype=jnp.float32)
    return {"x": x, "edge_index": edge_index, "W1": W1, "b1": b1, "W2": W2, "b2": b2, "W3": W3, "b3": b3, "Wfc": Wfc, "bfc": bfc}


def _gcn_conv(x, W, b, src, dst, n):
    # PyG GCNConv with add_self_loops=False, normalize=True, edge_weight=None
    ew = jnp.ones((src.shape[0],), dtype=x.dtype)
    deg = jax.ops.segment_sum(ew, dst, num_segments=n)
    deg_inv_sqrt = jnp.where(deg > 0, jax.lax.rsqrt(jnp.where(deg > 0, deg, 1.0)), 0.0)
    norm = deg_inv_sqrt[src] * ew * deg_inv_sqrt[dst]
    h = x @ W
    msg = h[src] * norm[:, None]
    out = jax.ops.segment_sum(msg, dst, num_segments=n)
    return out + b


def reference(x, edge_index, W1, b1, W2, b2, W3, b3, Wfc, bfc):
    src = edge_index[0]
    dst = edge_index[1]
    n = x.shape[0]
    xs = [x]
    h = x
    for (W, b) in ((W1, b1), (W2, b2), (W3, b3)):
        h = _gcn_conv(h, W, b, src, dst, n)
        h = jax.nn.relu(h)
        xs.append(h)
    h = jnp.concatenate(xs, axis=1)
    logits = h @ Wfc + bfc
    return jax.nn.log_softmax(logits, axis=1)

if __name__ == "__main__":
    import jax
    _d = setup_inputs()
    print(jax.jit(kernel)(*tuple(_d.values())))

</pallas_src>

<mosaic_0001>
#map = affine_map<(d0, d1) -> (0, 0, 0)>
#map1 = affine_map<(d0, d1) -> (0, 0)>
module attributes {stable_mosaic.version = 14 : i64} {
  func.func @_scat_body(%arg0: i32, %arg1: i32, %arg2: memref<2x2500x128xi32, #tpu.memory_space<hbm>>, %arg3: memref<10240x32xf32, #tpu.memory_space<hbm>>, %arg4: memref<640x32xf32, #tpu.memory_space<hbm>>, %arg5: memref<2x10240x32xf32, #tpu.memory_space<hbm>>, %arg6: memref<90x128xi32, #tpu.memory_space<vmem>>, %arg7: memref<90x128xi32, #tpu.memory_space<vmem>>, %arg8: memref<1x128xi32, #tpu.memory_space<vmem>>, %arg9: memref<1x128xi32, #tpu.memory_space<vmem>>, %arg10: memref<128x32xf32, #tpu.memory_space<vmem>>, %arg11: memref<128x32xf32, #tpu.memory_space<vmem>>, %arg12: memref<128x32xf32, #tpu.memory_space<vmem>>, %arg13: memref<128x32xf32, #tpu.memory_space<vmem>>, %arg14: memref<128x32xf32, #tpu.memory_space<vmem>>, %arg15: memref<128x32xf32, #tpu.memory_space<vmem>>, %arg16: memref<10240x32xf32, #tpu.memory_space<vmem_shared>>, %arg17: memref<10240x32xf32, #tpu.memory_space<vmem_shared>>, %arg18: memref<!tpu.dma_semaphore, #tpu.memory_space<semaphore_mem>>, %arg19: memref<!tpu.dma_semaphore, #tpu.memory_space<semaphore_mem>>, %arg20: memref<!tpu.dma_semaphore, #tpu.memory_space<semaphore_mem>>, %arg21: memref<!tpu.dma_semaphore, #tpu.memory_space<semaphore_mem>>, %arg22: memref<!tpu.dma_semaphore, #tpu.memory_space<semaphore_mem>>, %arg23: memref<!tpu.dma_semaphore, #tpu.memory_space<semaphore_mem>>, %arg24: memref<!tpu.dma_semaphore, #tpu.memory_space<semaphore_mem>>, %arg25: memref<!tpu.dma_semaphore, #tpu.memory_space<semaphore_mem>>, %arg26: memref<!tpu.dma_semaphore, #tpu.memory_space<semaphore_mem>>, %arg27: memref<!tpu.dma_semaphore, #tpu.memory_space<semaphore_mem>>, %arg28: memref<!tpu.dma_semaphore, #tpu.memory_space<semaphore_mem>>, %arg29: memref<!tpu.dma_semaphore, #tpu.memory_space<semaphore_mem>>) attributes {dimension_semantics = [#tpu.dimension_semantics<core_parallel>, #tpu.dimension_semantics<subcore_parallel>], iteration_bounds = array<i64: 2, 16>, scalar_prefetch = 0 : i64, scratch_operands = 24 : i64, tpu.core_type = #tpu.core_type<sc_vector_subcore>, window_params = [{transform_indices = #map}, {transform_indices = #map1}, {transform_indices = #map1}, {transform_indices = #map}]} {
    %mul3A = arith.constant 2 : i32
    %mul3A_0 = arith.muli %arg1, %mul3A : i32
    %add3A = arith.addi %mul3A_0, %arg0 : i32
    %mul3A_1 = arith.constant 640 : i32
    %mul3A_2 = arith.muli %arg1, %mul3A_1 : i32
    "tpu.region"() ({
      %run_scoped3A = tpu.sem_alloc : memref<!tpu.dma_semaphore, #tpu.memory_space<semaphore_mem>>
      %dma_start3A = arith.constant 0 : i32
      %dma_start3A_30 = tpu.memref_slice %arg16[%mul3A_2, %dma_start3A] : memref<10240x32xf32, #tpu.memory_space<vmem_shared>> -> memref<640x32xf32, #tpu.memory_space<vmem_shared>>
      tpu.enqueue_dma source(%arg4 : memref<640x32xf32, #tpu.memory_space<hbm>>) target(%dma_start3A_30 : memref<640x32xf32, #tpu.memory_space<vmem_shared>>) target_semaphore(%run_scoped3A : memref<!tpu.dma_semaphore, #tpu.memory_space<semaphore_mem>>)
      %dma_wait3A = arith.constant 0 : i32
      %dma_wait3A_31 = tpu.memref_slice %arg16[%mul3A_2, %dma_wait3A] : memref<10240x32xf32, #tpu.memory_space<vmem_shared>> -> memref<640x32xf32, #tpu.memory_space<vmem_shared>>
      tpu.wait_dma2 semaphore(%run_scoped3A : memref<!tpu.dma_semaphore, #tpu.memory_space<semaphore_mem>>) src(%arg4 : memref<640x32xf32, #tpu.memory_space<hbm>>) dst(%dma_wait3A_31 : memref<640x32xf32, #tpu.memory_space<vmem_shared>>)
      tpu.yield
    }) : () -> ()
    %mul3A_3 = arith.constant 640 : i32
    %mul3A_4 = arith.muli %arg1, %mul3A_3 : i32
    %mul3A_5 = arith.constant 640 : i32
    %mul3A_6 = arith.muli %arg1, %mul3A_5 : i32
    "tpu.region"() ({
      %run_scoped3A = tpu.sem_alloc : memref<!tpu.dma_semaphore, #tpu.memory_space<semaphore_mem>>
      %dma_start3A = arith.constant 0 : i32
      %dma_start3A_30 = tpu.memref_slice %arg17[%mul3A_6, %dma_start3A] : memref<10240x32xf32, #tpu.memory_space<vmem_shared>> -> memref<640x32xf32, #tpu.memory_space<vmem_shared>>
      %dma_start3A_31 = arith.constant 0 : i32
      %dma_start3A_32 = tpu.memref_slice %arg3[%mul3A_4, %dma_start3A_31] : memref<10240x32xf32, #tpu.memory_space<hbm>> -> memref<640x32xf32, #tpu.memory_space<hbm>>
      tpu.enqueue_dma source(%dma_start3A_32 : memref<640x32xf32, #tpu.memory_space<hbm>>) target(%dma_start3A_30 : memref<640x32xf32, #tpu.memory_space<vmem_shared>>) target_semaphore(%run_scoped3A : memref<!tpu.dma_semaphore, #tpu.memory_space<semaphore_mem>>)
      %dma_wait3A = arith.constant 0 : i32
      %dma_wait3A_33 = tpu.memref_slice %arg17[%mul3A_6, %dma_wait3A] : memref<10240x32xf32, #tpu.memory_space<vmem_shared>> -> memref<640x32xf32, #tpu.memory_space<vmem_shared>>
      %dma_wait3A_34 = arith.constant 0 : i32
      %dma_wait3A_35 = tpu.memref_slice %arg3[%mul3A_4, %dma_wait3A_34] : memref<10240x32xf32, #tpu.memory_space<hbm>> -> memref<640x32xf32, #tpu.memory_space<hbm>>
      tpu.wait_dma2 semaphore(%run_scoped3A : memref<!tpu.dma_semaphore, #tpu.memory_space<semaphore_mem>>) src(%dma_wait3A_35 : memref<640x32xf32, #tpu.memory_space<hbm>>) dst(%dma_wait3A_33 : memref<640x32xf32, #tpu.memory_space<vmem_shared>>)
      tpu.yield
    }) : () -> ()
    %barrier3A = arith.constant 0 : index
    tpu.barrier barrier_id(%barrier3A)
    %eq3A = arith.constant 0 : i32
    %eq3A_7 = arith.cmpi eq, %arg0, %eq3A : i32
    %convert_element_type3A = arith.extui %eq3A_7 : i1 to i32
    %cond3A = arith.constant 0 : i32
    %cond3A_8 = arith.constant 1 : i32
    %cond3A_9 = arith.constant 0 : i32
    %cond3A_10 = arith.cmpi ne, %convert_element_type3A, %cond3A_9 : i32
    scf.if %cond3A_10 {
      %mul3A_30 = arith.constant 90 : i32
      %mul3A_31 = arith.muli %arg1, %mul3A_30 : i32
      "tpu.region"() ({
        %run_scoped3A = tpu.sem_alloc : memref<!tpu.dma_semaphore, #tpu.memory_space<semaphore_mem>>
        %dma_start3A_78 = arith.constant 0 : i32
        %dma_start3A_79 = arith.constant 0 : i32
        %dma_start3A_80 = tpu.memref_slice %arg6[%dma_start3A_78, %dma_start3A_79] : memref<90x128xi32, #tpu.memory_space<vmem>> -> memref<90x128xi32, #tpu.memory_space<vmem>>
        %dma_start3A_81 = arith.constant 0 : i32
        %dma_start3A_82 = arith.constant 0 : i32
        %dma_start3A_83 = tpu.memref_slice %arg2[%cond3A, %dma_start3A_81, %dma_start3A_82] : memref<2x2500x128xi32, #tpu.memory_space<hbm>> -> memref<1x2500x128xi32, #tpu.memory_space<hbm>>
        %dma_start3A_84 = tpu.memref_squeeze %dma_start3A_83 : memref<1x2500x128xi32, #tpu.memory_space<hbm>> -> memref<2500x128xi32, #tpu.memory_space<hbm>>
        %dma_start3A_85 = arith.constant 0 : i32
        %dma_start3A_86 = tpu.memref_slice %dma_start3A_84[%mul3A_31, %dma_start3A_85] : memref<2500x128xi32, #tpu.memory_space<hbm>> -> memref<90x128xi32, #tpu.memory_space<hbm>>
        %dma_start3A_87 = arith.constant 0 : i32
        %dma_start3A_88 = arith.constant 0 : i32
        %dma_start3A_89 = tpu.memref_slice %arg6[%dma_start3A_87, %dma_start3A_88] : memref<90x128xi32, #tpu.memory_space<vmem>> -> memref<90x128xi32, #tpu.memory_space<vmem>>
        %dma_start3A_90 = arith.constant 0 : i32
        %dma_start3A_91 = arith.constant 0 : i32
        %dma_start3A_92 = tpu.memref_slice %arg2[%cond3A, %dma_start3A_90, %dma_start3A_91] : memref<2x2500x128xi32, #tpu.memory_space<hbm>> -> memref<1x2500x128xi32, #tpu.memory_space<hbm>>
        %dma_start3A_93 = tpu.memref_squeeze %dma_start3A_92 : memref<1x2500x128xi32, #tpu.memory_space<hbm>> -> memref<2500x128xi32, #tpu.memory_space<hbm>>
        %dma_start3A_94 = arith.constant 0 : i32
        %dma_start3A_95 = tpu.memref_slice %dma_start3A_93[%mul3A_31, %dma_start3A_94] : memref<2500x128xi32, #tpu.memory_space<hbm>> -> memref<90x128xi32, #tpu.memory_space<hbm>>
        tpu.enqueue_dma source(%dma_start3A_95 : memref<90x128xi32, #tpu.memory_space<hbm>>) target(%dma_start3A_89 : memref<90x128xi32, #tpu.memory_space<vmem>>) target_semaphore(%run_scoped3A : memref<!tpu.dma_semaphore, #tpu.memory_space<semaphore_mem>>)
        %dma_wait3A = arith.constant 0 : i32
        %dma_wait3A_96 = arith.constant 0 : i32
        %dma_wait3A_97 = tpu.memref_slice %arg6[%dma_wait3A, %dma_wait3A_96] : memref<90x128xi32, #tpu.memory_space<vmem>> -> memref<90x128xi32, #tpu.memory_space<vmem>>
        %dma_wait3A_98 = arith.constant 0 : i32
        %dma_wait3A_99 = arith.constant 0 : i32
        %dma_wait3A_100 = tpu.memref_slice %arg2[%cond3A, %dma_wait3A_98, %dma_wait3A_99] : memref<2x2500x128xi32, #tpu.memory_space<hbm>> -> memref<1x2500x128xi32, #tpu.memory_space<hbm>>
        %dma_wait3A_101 = tpu.memref_squeeze %dma_wait3A_100 : memref<1x2500x128xi32, #tpu.memory_space<hbm>> -> memref<2500x128xi32, #tpu.memory_space<hbm>>
        %dma_wait3A_102 = arith.constant 0 : i32
        %dma_wait3A_103 = tpu.memref_slice %dma_wait3A_101[%mul3A_31, %dma_wait3A_102] : memref<2500x128xi32, #tpu.memory_space<hbm>> -> memref<90x128xi32, #tpu.memory_space<hbm>>
        %dma_wait3A_104 = arith.constant 0 : i32
        %dma_wait3A_105 = arith.constant 0 : i32
        %dma_wait3A_106 = tpu.memref_slice %arg6[%dma_wait3A_104, %dma_wait3A_105] : memref<90x128xi32, #tpu.memory_space<vmem>> -> memref<90x128xi32, #tpu.memory_space<vmem>>
        %dma_wait3A_107 = arith.constant 0 : i32
        %dma_wait3A_108 = arith.constant 0 : i32
        %dma_wait3A_109 = tpu.memref_slice %arg2[%cond3A, %dma_wait3A_107, %dma_wait3A_108] : memref<2x2500x128xi32, #tpu.memory_space<hbm>> -> memref<1x2500x128xi32, #tpu.memory_space<hbm>>
        %dma_wait3A_110 = tpu.memref_squeeze %dma_wait3A_109 : memref<1x2500x128xi32, #tpu.memory_space<hbm>> -> memref<2500x128xi32, #tpu.memory_space<hbm>>
        %dma_wait3A_111 = arith.constant 0 : i32
        %dma_wait3A_112 = tpu.memref_slice %dma_wait3A_110[%mul3A_31, %dma_wait3A_111] : memref<2500x128xi32, #tpu.memory_space<hbm>> -> memref<90x128xi32, #tpu.memory_space<hbm>>
        tpu.wait_dma2 semaphore(%run_scoped3A : memref<!tpu.dma_semaphore, #tpu.memory_space<semaphore_mem>>) src(%dma_wait3A_112 : memref<90x128xi32, #tpu.memory_space<hbm>>) dst(%dma_wait3A_106 : memref<90x128xi32, #tpu.memory_space<vmem>>)
        tpu.yield
      }) : () -> ()
      "tpu.region"() ({
        %run_scoped3A = tpu.sem_alloc : memref<!tpu.dma_semaphore, #tpu.memory_space<semaphore_mem>>
        %dma_start3A_78 = arith.constant 0 : i32
        %dma_start3A_79 = arith.constant 0 : i32
        %dma_start3A_80 = tpu.memref_slice %arg7[%dma_start3A_78, %dma_start3A_79] : memref<90x128xi32, #tpu.memory_space<vmem>> -> memref<90x128xi32, #tpu.memory_space<vmem>>
        %dma_start3A_81 = arith.constant 0 : i32
        %dma_start3A_82 = arith.constant 0 : i32
        %dma_start3A_83 = tpu.memref_slice %arg2[%cond3A_8, %dma_start3A_81, %dma_start3A_82] : memref<2x2500x128xi32, #tpu.memory_space<hbm>> -> memref<1x2500x128xi32, #tpu.memory_space<hbm>>
        %dma_start3A_84 = tpu.memref_squeeze %dma_start3A_83 : memref<1x2500x128xi32, #tpu.memory_space<hbm>> -> memref<2500x128xi32, #tpu.memory_space<hbm>>
        %dma_start3A_85 = arith.constant 0 : i32
        %dma_start3A_86 = tpu.memref_slice %dma_start3A_84[%mul3A_31, %dma_start3A_85] : memref<2500x128xi32, #tpu.memory_space<hbm>> -> memref<90x128xi32, #tpu.memory_space<hbm>>
        %dma_start3A_87 = arith.constant 0 : i32
        %dma_start3A_88 = arith.constant 0 : i32
        %dma_start3A_89 = tpu.memref_slice %arg7[%dma_start3A_87, %dma_start3A_88] : memref<90x128xi32, #tpu.memory_space<vmem>> -> memref<90x128xi32, #tpu.memory_space<vmem>>
        %dma_start3A_90 = arith.constant 0 : i32
        %dma_start3A_91 = arith.constant 0 : i32
        %dma_start3A_92 = tpu.memref_slice %arg2[%cond3A_8, %dma_start3A_90, %dma_start3A_91] : memref<2x2500x128xi32, #tpu.memory_space<hbm>> -> memref<1x2500x128xi32, #tpu.memory_space<hbm>>
        %dma_start3A_93 = tpu.memref_squeeze %dma_start3A_92 : memref<1x2500x128xi32, #tpu.memory_space<hbm>> -> memref<2500x128xi32, #tpu.memory_space<hbm>>
        %dma_start3A_94 = arith.constant 0 : i32
        %dma_start3A_95 = tpu.memref_slice %dma_start3A_93[%mul3A_31, %dma_start3A_94] : memref<2500x128xi32, #tpu.memory_space<hbm>> -> memref<90x128xi32, #tpu.memory_space<hbm>>
        tpu.enqueue_dma source(%dma_start3A_95 : memref<90x128xi32, #tpu.memory_space<hbm>>) target(%dma_start3A_89 : memref<90x128xi32, #tpu.memory_space<vmem>>) target_semaphore(%run_scoped3A : memref<!tpu.dma_semaphore, #tpu.memory_space<semaphore_mem>>)
        %dma_wait3A = arith.constant 0 : i32
        %dma_wait3A_96 = arith.constant 0 : i32
        %dma_wait3A_97 = tpu.memref_slice %arg7[%dma_wait3A, %dma_wait3A_96] : memref<90x128xi32, #tpu.memory_space<vmem>> -> memref<90x128xi32, #tpu.memory_space<vmem>>
        %dma_wait3A_98 = arith.constant 0 : i32
        %dma_wait3A_99 = arith.constant 0 : i32
        %dma_wait3A_100 = tpu.memref_slice %arg2[%cond3A_8, %dma_wait3A_98, %dma_wait3A_99] : memref<2x2500x128xi32, #tpu.memory_space<hbm>> -> memref<1x2500x128xi32, #tpu.memory_space<hbm>>
        %dma_wait3A_101 = tpu.memref_squeeze %dma_wait3A_100 : memref<1x2500x128xi32, #tpu.memory_space<hbm>> -> memref<2500x128xi32, #tpu.memory_space<hbm>>
        %dma_wait3A_102 = arith.constant 0 : i32
        %dma_wait3A_103 = tpu.memref_slice %dma_wait3A_101[%mul3A_31, %dma_wait3A_102] : memref<2500x128xi32, #tpu.memory_space<hbm>> -> memref<90x128xi32, #tpu.memory_space<hbm>>
        %dma_wait3A_104 = arith.constant 0 : i32
        %dma_wait3A_105 = arith.constant 0 : i32
        %dma_wait3A_106 = tpu.memref_slice %arg7[%dma_wait3A_104, %dma_wait3A_105] : memref<90x128xi32, #tpu.memory_space<vmem>> -> memref<90x128xi32, #tpu.memory_space<vmem>>
        %dma_wait3A_107 = arith.constant 0 : i32
        %dma_wait3A_108 = arith.constant 0 : i32
        %dma_wait3A_109 = tpu.memref_slice %arg2[%cond3A_8, %dma_wait3A_107, %dma_wait3A_108] : memref<2x2500x128xi32, #tpu.memory_space<hbm>> -> memref<1x2500x128xi32, #tpu.memory_space<hbm>>
        %dma_wait3A_110 = tpu.memref_squeeze %dma_wait3A_109 : memref<1x2500x128xi32, #tpu.memory_space<hbm>> -> memref<2500x128xi32, #tpu.memory_space<hbm>>
        %dma_wait3A_111 = arith.constant 0 : i32
        %dma_wait3A_112 = tpu.memref_slice %dma_wait3A_110[%mul3A_31, %dma_wait3A_111] : memref<2500x128xi32, #tpu.memory_space<hbm>> -> memref<90x128xi32, #tpu.memory_space<hbm>>
        tpu.wait_dma2 semaphore(%run_scoped3A : memref<!tpu.dma_semaphore, #tpu.memory_space<semaphore_mem>>) src(%dma_wait3A_112 : memref<90x128xi32, #tpu.memory_space<hbm>>) dst(%dma_wait3A_106 : memref<90x128xi32, #tpu.memory_space<vmem>>)
        tpu.yield
      }) : () -> ()
      %dma_start3A = arith.constant 0 : i32
      %dma_start3A_32 = arith.constant 0 : i32
      %dma_start3A_33 = tpu.memref_slice %arg6[%dma_start3A, %dma_start3A_32] : memref<90x128xi32, #tpu.memory_space<vmem>> -> memref<1x128xi32, #tpu.memory_space<vmem>>
      %dma_start3A_34 = tpu.memref_squeeze %dma_start3A_33 : memref<1x128xi32, #tpu.memory_space<vmem>> -> memref<128xi32, #tpu.memory_space<vmem>>
      %dma_start3A_35 = arith.constant 0 : i32
      %dma_start3A_36 = arith.constant 0 : i32
      %dma_start3A_37 = tpu.memref_slice %arg3[%dma_start3A_35, %dma_start3A_36] : memref<10240x32xf32, #tpu.memory_space<hbm>> -> memref<10240x32xf32, #tpu.memory_space<hbm>>
      tpu.enqueue_indirect_dma source(%dma_start3A_37 : memref<10240x32xf32, #tpu.memory_space<hbm>>) target(%arg10 : memref<128x32xf32, #tpu.memory_space<vmem>>) offsets(%dma_start3A_34 : memref<128xi32, #tpu.memory_space<vmem>>) semaphore(%arg18 : memref<!tpu.dma_semaphore, #tpu.memory_space<semaphore_mem>>)
      %dma_start3A_38 = arith.constant 1 : i32
      %dma_start3A_39 = arith.constant 0 : i32
      %dma_start3A_40 = tpu.memref_slice %arg6[%dma_start3A_38, %dma_start3A_39] : memref<90x128xi32, #tpu.memory_space<vmem>> -> memref<1x128xi32, #tpu.memory_space<vmem>>
      %dma_start3A_41 = tpu.memref_squeeze %dma_start3A_40 : memref<1x128xi32, #tpu.memory_space<vmem>> -> memref<128xi32, #tpu.memory_space<vmem>>
      %dma_start3A_42 = arith.constant 0 : i32
      %dma_start3A_43 = arith.constant 0 : i32
      %dma_start3A_44 = tpu.memref_slice %arg3[%dma_start3A_42, %dma_start3A_43] : memref<10240x32xf32, #tpu.memory_space<hbm>> -> memref<10240x32xf32, #tpu.memory_space<hbm>>
      tpu.enqueue_indirect_dma source(%dma_start3A_44 : memref<10240x32xf32, #tpu.memory_space<hbm>>) target(%arg11 : memref<128x32xf32, #tpu.memory_space<vmem>>) offsets(%dma_start3A_41 : memref<128xi32, #tpu.memory_space<vmem>>) semaphore(%arg19 : memref<!tpu.dma_semaphore, #tpu.memory_space<semaphore_mem>>)
      %dma_start3A_45 = arith.constant 2 : i32
      %dma_start3A_46 = arith.constant 0 : i32
      %dma_start3A_47 = tpu.memref_slice %arg6[%dma_start3A_45, %dma_start3A_46] : memref<90x128xi32, #tpu.memory_space<vmem>> -> memref<1x128xi32, #tpu.memory_space<vmem>>
      %dma_start3A_48 = tpu.memref_squeeze %dma_start3A_47 : memref<1x128xi32, #tpu.memory_space<vmem>> -> memref<128xi32, #tpu.memory_space<vmem>>
      %dma_start3A_49 = arith.constant 0 : i32
      %dma_start3A_50 = arith.constant 0 : i32
      %dma_start3A_51 = tpu.memref_slice %arg3[%dma_start3A_49, %dma_start3A_50] : memref<10240x32xf32, #tpu.memory_space<hbm>> -> memref<10240x32xf32, #tpu.memory_space<hbm>>
      tpu.enqueue_indirect_dma source(%dma_start3A_51 : memref<10240x32xf32, #tpu.memory_space<hbm>>) target(%arg12 : memref<128x32xf32, #tpu.memory_space<vmem>>) offsets(%dma_start3A_48 : memref<128xi32, #tpu.memory_space<vmem>>) semaphore(%arg20 : memref<!tpu.dma_semaphore, #tpu.memory_space<semaphore_mem>>)
      %dma_start3A_52 = arith.constant 3 : i32
      %dma_start3A_53 = arith.constant 0 : i32
      %dma_start3A_54 = tpu.memref_slice %arg6[%dma_start3A_52, %dma_start3A_53] : memref<90x128xi32, #tpu.memory_space<vmem>> -> memref<1x128xi32, #tpu.memory_space<vmem>>
      %dma_start3A_55 = tpu.memref_squeeze %dma_start3A_54 : memref<1x128xi32, #tpu.memory_space<vmem>> -> memref<128xi32, #tpu.memory_space<vmem>>
      %dma_start3A_56 = arith.constant 0 : i32
      %dma_start3A_57 = arith.constant 0 : i32
      %dma_start3A_58 = tpu.memref_slice %arg3[%dma_start3A_56, %dma_start3A_57] : memref<10240x32xf32, #tpu.memory_space<hbm>> -> memref<10240x32xf32, #tpu.memory_space<hbm>>
      tpu.enqueue_indirect_dma source(%dma_start3A_58 : memref<10240x32xf32, #tpu.memory_space<hbm>>) target(%arg13 : memref<128x32xf32, #tpu.memory_space<vmem>>) offsets(%dma_start3A_55 : memref<128xi32, #tpu.memory_space<vmem>>) semaphore(%arg21 : memref<!tpu.dma_semaphore, #tpu.memory_space<semaphore_mem>>)
      %dma_start3A_59 = arith.constant 4 : i32
      %dma_start3A_60 = arith.constant 0 : i32
      %dma_start3A_61 = tpu.memref_slice %arg6[%dma_start3A_59, %dma_start3A_60] : memref<90x128xi32, #tpu.memory_space<vmem>> -> memref<1x128xi32, #tpu.memory_space<vmem>>
      %dma_start3A_62 = tpu.memref_squeeze %dma_start3A_61 : memref<1x128xi32, #tpu.memory_space<vmem>> -> memref<128xi32, #tpu.memory_space<vmem>>
      %dma_start3A_63 = arith.constant 0 : i32
      %dma_start3A_64 = arith.constant 0 : i32
      %dma_start3A_65 = tpu.memref_slice %arg3[%dma_start3A_63, %dma_start3A_64] : memref<10240x32xf32, #tpu.memory_space<hbm>> -> memref<10240x32xf32, #tpu.memory_space<hbm>>
      tpu.enqueue_indirect_dma source(%dma_start3A_65 : memref<10240x32xf32, #tpu.memory_space<hbm>>) target(%arg14 : memref<128x32xf32, #tpu.memory_space<vmem>>) offsets(%dma_start3A_62 : memref<128xi32, #tpu.memory_space<vmem>>) semaphore(%arg22 : memref<!tpu.dma_semaphore, #tpu.memory_space<semaphore_mem>>)
      %dma_start3A_66 = arith.constant 5 : i32
      %dma_start3A_67 = arith.constant 0 : i32
      %dma_start3A_68 = tpu.memref_slice %arg6[%dma_start3A_66, %dma_start3A_67] : memref<90x128xi32, #tpu.memory_space<vmem>> -> memref<1x128xi32, #tpu.memory_space<vmem>>
      %dma_start3A_69 = tpu.memref_squeeze %dma_start3A_68 : memref<1x128xi32, #tpu.memory_space<vmem>> -> memref<128xi32, #tpu.memory_space<vmem>>
      %dma_start3A_70 = arith.constant 0 : i32
      %dma_start3A_71 = arith.constant 0 : i32
      %dma_start3A_72 = tpu.memref_slice %arg3[%dma_start3A_70, %dma_start3A_71] : memref<10240x32xf32, #tpu.memory_space<hbm>> -> memref<10240x32xf32, #tpu.memory_space<hbm>>
      tpu.enqueue_indirect_dma source(%dma_start3A_72 : memref<10240x32xf32, #tpu.memory_space<hbm>>) target(%arg15 : memref<128x32xf32, #tpu.memory_space<vmem>>) offsets(%dma_start3A_69 : memref<128xi32, #tpu.memory_space<vmem>>) semaphore(%arg23 : memref<!tpu.dma_semaphore, #tpu.memory_space<semaphore_mem>>)
      %scan3A = arith.constant 0 : i32
      %scan3A_73 = arith.constant 0 : i32
      %scan3A_74 = arith.constant 15 : i32
      %scan3A_75 = arith.addi %scan3A_73, %scan3A_74 : i32
      %scan3A_76 = arith.constant 1 : i32
      scf.for %scan3A_78 = %scan3A_73 to %scan3A_75 step %scan3A_76  : i32 {
        %mul3A_79 = arith.constant 6 : i32
        %mul3A_80 = arith.muli %scan3A_78, %mul3A_79 : i32
        %add3A_81 = arith.constant 0 : i32
        %add3A_82 = arith.addi %mul3A_80, %add3A_81 : i32
        %dma_wait3A = arith.constant 0 : i32
        %dma_wait3A_83 = arith.constant 0 : i32
        %dma_wait3A_84 = tpu.memref_slice %arg6[%dma_wait3A, %dma_wait3A_83] : memref<90x128xi32, #tpu.memory_space<vmem>> -> memref<1x128xi32, #tpu.memory_space<vmem>>
        %dma_wait3A_85 = tpu.memref_squeeze %dma_wait3A_84 : memref<1x128xi32, #tpu.memory_space<vmem>> -> memref<128xi32, #tpu.memory_space<vmem>>
        %dma_wait3A_86 = arith.constant 0 : i32
        %dma_wait3A_87 = arith.constant 0 : i32
        %dma_wait3A_88 = tpu.memref_slice %arg3[%dma_wait3A_86, %dma_wait3A_87] : memref<10240x32xf32, #tpu.memory_space<hbm>> -> memref<10240x32xf32, #tpu.memory_space<hbm>>
        tpu.wait_indirect_dma semaphore(%arg18 : memref<!tpu.dma_semaphore, #tpu.memory_space<semaphore_mem>>) src(%dma_wait3A_88 : memref<10240x32xf32, #tpu.memory_space<hbm>>) dst(%arg10 : memref<128x32xf32, #tpu.memory_space<vmem>>)
        %dma_start3A_89 = arith.constant 0 : i32
        %dma_start3A_90 = tpu.memref_slice %arg7[%add3A_82, %dma_start3A_89] : memref<90x128xi32, #tpu.memory_space<vmem>> -> memref<1x128xi32, #tpu.memory_space<vmem>>
        %dma_start3A_91 = tpu.memref_squeeze %dma_start3A_90 : memref<1x128xi32, #tpu.memory_space<vmem>> -> memref<128xi32, #tpu.memory_space<vmem>>
        %dma_start3A_92 = arith.constant 0 : i32
        %dma_start3A_93 = arith.constant 0 : i32
        %dma_start3A_94 = tpu.memref_slice %arg16[%dma_start3A_92, %dma_start3A_93] : memref<10240x32xf32, #tpu.memory_space<vmem_shared>> -> memref<10240x32xf32, #tpu.memory_space<vmem_shared>>
        tpu.enqueue_indirect_dma source(%arg10 : memref<128x32xf32, #tpu.memory_space<vmem>>) target(%dma_start3A_94 : memref<10240x32xf32, #tpu.memory_space<vmem_shared>>) offsets(%dma_start3A_91 : memref<128xi32, #tpu.memory_space<vmem>>) semaphore(%arg24 : memref<!tpu.dma_semaphore, #tpu.memory_space<semaphore_mem>>) {add = true}
        %mul3A_95 = arith.constant 6 : i32
        %mul3A_96 = arith.muli %scan3A_78, %mul3A_95 : i32
        %add3A_97 = arith.constant 1 : i32
        %add3A_98 = arith.addi %mul3A_96, %add3A_97 : i32
        %dma_wait3A_99 = arith.constant 0 : i32
        %dma_wait3A_100 = arith.constant 0 : i32
        %dma_wait3A_101 = tpu.memref_slice %arg6[%dma_wait3A_99, %dma_wait3A_100] : memref<90x128xi32, #tpu.memory_space<vmem>> -> memref<1x128xi32, #tpu.memory_space<vmem>>
        %dma_wait3A_102 = tpu.memref_squeeze %dma_wait3A_101 : memref<1x128xi32, #tpu.memory_space<vmem>> -> memref<128xi32, #tpu.memory_space<vmem>>
        %dma_wait3A_103 = arith.constant 0 : i32
        %dma_wait3A_104 = arith.constant 0 : i32
        %dma_wait3A_105 = tpu.memref_slice %arg3[%dma_wait3A_103, %dma_wait3A_104] : memref<10240x32xf32, #tpu.memory_space<hbm>> -> memref<10240x32xf32, #tpu.memory_space<hbm>>
        tpu.wait_indirect_dma semaphore(%arg19 : memref<!tpu.dma_semaphore, #tpu.memory_space<semaphore_mem>>) src(%dma_wait3A_105 : memref<10240x32xf32, #tpu.memory_space<hbm>>) dst(%arg11 : memref<128x32xf32, #tpu.memory_space<vmem>>)
        %dma_start3A_106 = arith.constant 0 : i32
        %dma_start3A_107 = tpu.memref_slice %arg7[%add3A_98, %dma_start3A_106] : memref<90x128xi32, #tpu.memory_space<vmem>> -> memref<1x128xi32, #tpu.memory_space<vmem>>
        %dma_start3A_108 = tpu.memref_squeeze %dma_start3A_107 : memref<1x128xi32, #tpu.memory_space<vmem>> -> memref<128xi32, #tpu.memory_space<vmem>>
        %dma_start3A_109 = arith.constant 0 : i32
        %dma_start3A_110 = arith.constant 0 : i32
        %dma_start3A_111 = tpu.memref_slice %arg16[%dma_start3A_109, %dma_start3A_110] : memref<10240x32xf32, #tpu.memory_space<vmem_shared>> -> memref<10240x32xf32, #tpu.memory_space<vmem_shared>>
        tpu.enqueue_indirect_dma source(%arg11 : memref<128x32xf32, #tpu.memory_space<vmem>>) target(%dma_start3A_111 : memref<10240x32xf32, #tpu.memory_space<vmem_shared>>) offsets(%dma_start3A_108 : memref<128xi32, #tpu.memory_space<vmem>>) semaphore(%arg25 : memref<!tpu.dma_semaphore, #tpu.memory_space<semaphore_mem>>) {add = true}
        %mul3A_112 = arith.constant 6 : i32
        %mul3A_113 = arith.muli %scan3A_78, %mul3A_112 : i32
        %add3A_114 = arith.constant 2 : i32
        %add3A_115 = arith.addi %mul3A_113, %add3A_114 : i32
        %dma_wait3A_116 = arith.constant 0 : i32
        %dma_wait3A_117 = arith.constant 0 : i32
        %dma_wait3A_118 = tpu.memref_slice %arg6[%dma_wait3A_116, %dma_wait3A_117] : memref<90x128xi32, #tpu.memory_space<vmem>> -> memref<1x128xi32, #tpu.memory_space<vmem>>
        %dma_wait3A_119 = tpu.memref_squeeze %dma_wait3A_118 : memref<1x128xi32, #tpu.memory_space<vmem>> -> memref<128xi32, #tpu.memory_space<vmem>>
        %dma_wait3A_120 = arith.constant 0 : i32
        %dma_wait3A_121 = arith.constant 0 : i32
        %dma_wait3A_122 = tpu.memref_slice %arg3[%dma_wait3A_120, %dma_wait3A_121] : memref<10240x32xf32, #tpu.memory_space<hbm>> -> memref<10240x32xf32, #tpu.memory_space<hbm>>
        tpu.wait_indirect_dma semaphore(%arg20 : memref<!tpu.dma_semaphore, #tpu.memory_space<semaphore_mem>>) src(%dma_wait3A_122 : memref<10240x32xf32, #tpu.memory_space<hbm>>) dst(%arg12 : memref<128x32xf32, #tpu.memory_space<vmem>>)
        %dma_start3A_123 = arith.constant 0 : i32
        %dma_start3A_124 = tpu.memref_slice %arg7[%add3A_115, %dma_start3A_123] : memref<90x128xi32, #tpu.memory_space<vmem>> -> memref<1x128xi32, #tpu.memory_space<vmem>>
        %dma_start3A_125 = tpu.memref_squeeze %dma_start3A_124 : memref<1x128xi32, #tpu.memory_space<vmem>> -> memref<128xi32, #tpu.memory_space<vmem>>
        %dma_start3A_126 = arith.constant 0 : i32
        %dma_start3A_127 = arith.constant 0 : i32
        %dma_start3A_128 = tpu.memref_slice %arg16[%dma_start3A_126, %dma_start3A_127] : memref<10240x32xf32, #tpu.memory_space<vmem_shared>> -> memref<10240x32xf32, #tpu.memory_space<vmem_shared>>
        tpu.enqueue_indirect_dma source(%arg12 : memref<128x32xf32, #tpu.memory_space<vmem>>) target(%dma_start3A_128 : memref<10240x32xf32, #tpu.memory_space<vmem_shared>>) offsets(%dma_start3A_125 : memref<128xi32, #tpu.memory_space<vmem>>) semaphore(%arg26 : memref<!tpu.dma_semaphore, #tpu.memory_space<semaphore_mem>>) {add = true}
        %mul3A_129 = arith.constant 6 : i32
        %mul3A_130 = arith.muli %scan3A_78, %mul3A_129 : i32
        %add3A_131 = arith.constant 3 : i32
        %add3A_132 = arith.addi %mul3A_130, %add3A_131 : i32
        %dma_wait3A_133 = arith.constant 0 : i32
        %dma_wait3A_134 = arith.constant 0 : i32
        %dma_wait3A_135 = tpu.memref_slice %arg6[%dma_wait3A_133, %dma_wait3A_134] : memref<90x128xi32, #tpu.memory_space<vmem>> -> memref<1x128xi32, #tpu.memory_space<vmem>>
        %dma_wait3A_136 = tpu.memref_squeeze %dma_wait3A_135 : memref<1x128xi32, #tpu.memory_space<vmem>> -> memref<128xi32, #tpu.memory_space<vmem>>
        %dma_wait3A_137 = arith.constant 0 : i32
        %dma_wait3A_138 = arith.constant 0 : i32
        %dma_wait3A_139 = tpu.memref_slice %arg3[%dma_wait3A_137, %dma_wait3A_138] : memref<10240x32xf32, #tpu.memory_space<hbm>> -> memref<10240x32xf32, #tpu.memory_space<hbm>>
        tpu.wait_indirect_dma semaphore(%arg21 : memref<!tpu.dma_semaphore, #tpu.memory_space<semaphore_mem>>) src(%dma_wait3A_139 : memref<10240x32xf32, #tpu.memory_space<hbm>>) dst(%arg13 : memref<128x32xf32, #tpu.memory_space<vmem>>)
        %dma_start3A_140 = arith.constant 0 : i32
        %dma_start3A_141 = tpu.memref_slice %arg7[%add3A_132, %dma_start3A_140] : memref<90x128xi32, #tpu.memory_space<vmem>> -> memref<1x128xi32, #tpu.memory_space<vmem>>
        %dma_start3A_142 = tpu.memref_squeeze %dma_start3A_141 : memref<1x128xi32, #tpu.memory_space<vmem>> -> memref<128xi32, #tpu.memory_space<vmem>>
        %dma_start3A_143 = arith.constant 0 : i32
        %dma_start3A_144 = arith.constant 0 : i32
        %dma_start3A_145 = tpu.memref_slice %arg16[%dma_start3A_143, %dma_start3A_144] : memref<10240x32xf32, #tpu.memory_space<vmem_shared>> -> memref<10240x32xf32, #tpu.memory_space<vmem_shared>>
        tpu.enqueue_indirect_dma source(%arg13 : memref<128x32xf32, #tpu.memory_space<vmem>>) target(%dma_start3A_145 : memref<10240x32xf32, #tpu.memory_space<vmem_shared>>) offsets(%dma_start3A_142 : memref<128xi32, #tpu.memory_space<vmem>>) semaphore(%arg27 : memref<!tpu.dma_semaphore, #tpu.memory_space<semaphore_mem>>) {add = true}
        %mul3A_146 = arith.constant 6 : i32
        %mul3A_147 = arith.muli %scan3A_78, %mul3A_146 : i32
        %add3A_148 = arith.constant 4 : i32
        %add3A_149 = arith.addi %mul3A_147, %add3A_148 : i32
        %dma_wait3A_150 = arith.constant 0 : i32
        %dma_wait3A_151 = arith.constant 0 : i32
        %dma_wait3A_152 = tpu.memref_slice %arg6[%dma_wait3A_150, %dma_wait3A_151] : memref<90x128xi32, #tpu.memory_space<vmem>> -> memref<1x128xi32, #tpu.memory_space<vmem>>
        %dma_wait3A_153 = tpu.memref_squeeze %dma_wait3A_152 : memref<1x128xi32, #tpu.memory_space<vmem>> -> memref<128xi32, #tpu.memory_space<vmem>>
        %dma_wait3A_154 = arith.constant 0 : i32
        %dma_wait3A_155 = arith.constant 0 : i32
        %dma_wait3A_156 = tpu.memref_slice %arg3[%dma_wait3A_154, %dma_wait3A_155] : memref<10240x32xf32, #tpu.memory_space<hbm>> -> memref<10240x32xf32, #tpu.memory_space<hbm>>
        tpu.wait_indirect_dma semaphore(%arg22 : memref<!tpu.dma_semaphore, #tpu.memory_space<semaphore_mem>>) src(%dma_wait3A_156 : memref<10240x32xf32, #tpu.memory_space<hbm>>) dst(%arg14 : memref<128x32xf32, #tpu.memory_space<vmem>>)
        %dma_start3A_157 = arith.constant 0 : i32
        %dma_start3A_158 = tpu.memref_slice %arg7[%add3A_149, %dma_start3A_157] : memref<90x128xi32, #tpu.memory_space<vmem>> -> memref<1x128xi32, #tpu.memory_space<vmem>>
        %dma_start3A_159 = tpu.memref_squeeze %dma_start3A_158 : memref<1x128xi32, #tpu.memory_space<vmem>> -> memref<128xi32, #tpu.memory_space<vmem>>
        %dma_start3A_160 = arith.constant 0 : i32
        %dma_start3A_161 = arith.constant 0 : i32
        %dma_start3A_162 = tpu.memref_slice %arg16[%dma_start3A_160, %dma_start3A_161] : memref<10240x32xf32, #tpu.memory_space<vmem_shared>> -> memref<10240x32xf32, #tpu.memory_space<vmem_shared>>
        tpu.enqueue_indirect_dma source(%arg14 : memref<128x32xf32, #tpu.memory_space<vmem>>) target(%dma_start3A_162 : memref<10240x32xf32, #tpu.memory_space<vmem_shared>>) offsets(%dma_start3A_159 : memref<128xi32, #tpu.memory_space<vmem>>) semaphore(%arg28 : memref<!tpu.dma_semaphore, #tpu.memory_space<semaphore_mem>>) {add = true}
        %mul3A_163 = arith.constant 6 : i32
        %mul3A_164 = arith.muli %scan3A_78, %mul3A_163 : i32
        %add3A_165 = arith.constant 5 : i32
        %add3A_166 = arith.addi %mul3A_164, %add3A_165 : i32
        %dma_wait3A_167 = arith.constant 0 : i32
        %dma_wait3A_168 = arith.constant 0 : i32
        %dma_wait3A_169 = tpu.memref_slice %arg6[%dma_wait3A_167, %dma_wait3A_168] : memref<90x128xi32, #tpu.memory_space<vmem>> -> memref<1x128xi32, #tpu.memory_space<vmem>>
        %dma_wait3A_170 = tpu.memref_squeeze %dma_wait3A_169 : memref<1x128xi32, #tpu.memory_space<vmem>> -> memref<128xi32, #tpu.memory_space<vmem>>
        %dma_wait3A_171 = arith.constant 0 : i32
        %dma_wait3A_172 = arith.constant 0 : i32
        %dma_wait3A_173 = tpu.memref_slice %arg3[%dma_wait3A_171, %dma_wait3A_172] : memref<10240x32xf32, #tpu.memory_space<hbm>> -> memref<10240x32xf32, #tpu.memory_space<hbm>>
        tpu.wait_indirect_dma semaphore(%arg23 : memref<!tpu.dma_semaphore, #tpu.memory_space<semaphore_mem>>) src(%dma_wait3A_173 : memref<10240x32xf32, #tpu.memory_space<hbm>>) dst(%arg15 : memref<128x32xf32, #tpu.memory_space<vmem>>)
        %dma_start3A_174 = arith.constant 0 : i32
        %dma_start3A_175 = tpu.memref_slice %arg7[%add3A_166, %dma_start3A_174] : memref<90x128xi32, #tpu.memory_space<vmem>> -> memref<1x128xi32, #tpu.memory_space<vmem>>
        %dma_start3A_176 = tpu.memref_squeeze %dma_start3A_175 : memref<1x128xi32, #tpu.memory_space<vmem>> -> memref<128xi32, #tpu.memory_space<vmem>>
        %dma_start3A_177 = arith.constant 0 : i32
        %dma_start3A_178 = arith.constant 0 : i32
        %dma_start3A_179 = tpu.memref_slice %arg16[%dma_start3A_177, %dma_start3A_178] : memref<10240x32xf32, #tpu.memory_space<vmem_shared>> -> memref<10240x32xf32, #tpu.memory_space<vmem_shared>>
        tpu.enqueue_indirect_dma source(%arg15 : memref<128x32xf32, #tpu.memory_space<vmem>>) target(%dma_start3A_179 : memref<10240x32xf32, #tpu.memory_space<vmem_shared>>) offsets(%dma_start3A_176 : memref<128xi32, #tpu.memory_space<vmem>>) semaphore(%arg29 : memref<!tpu.dma_semaphore, #tpu.memory_space<semaphore_mem>>) {add = true}
        %add3A_180 = arith.constant 1 : i32
        %add3A_181 = arith.addi %scan3A_78, %add3A_180 : i32
        %mul3A_182 = arith.constant 6 : i32
        %mul3A_183 = arith.muli %add3A_181, %mul3A_182 : i32
        %add3A_184 = arith.constant 0 : i32
        %add3A_185 = arith.addi %mul3A_183, %add3A_184 : i32
        %dma_wait3A_186 = arith.constant 0 : i32
        %dma_wait3A_187 = arith.constant 0 : i32
        %dma_wait3A_188 = tpu.memref_slice %arg7[%dma_wait3A_186, %dma_wait3A_187] : memref<90x128xi32, #tpu.memory_space<vmem>> -> memref<1x128xi32, #tpu.memory_space<vmem>>
        %dma_wait3A_189 = tpu.memref_squeeze %dma_wait3A_188 : memref<1x128xi32, #tpu.memory_space<vmem>> -> memref<128xi32, #tpu.memory_space<vmem>>
        %dma_wait3A_190 = arith.constant 0 : i32
        %dma_wait3A_191 = arith.constant 0 : i32
        %dma_wait3A_192 = tpu.memref_slice %arg16[%dma_wait3A_190, %dma_wait3A_191] : memref<10240x32xf32, #tpu.memory_space<vmem_shared>> -> memref<10240x32xf32, #tpu.memory_space<vmem_shared>>
        tpu.wait_indirect_dma semaphore(%arg24 : memref<!tpu.dma_semaphore, #tpu.memory_space<semaphore_mem>>) src(%arg10 : memref<128x32xf32, #tpu.memory_space<vmem>>) dst(%dma_wait3A_192 : memref<10240x32xf32, #tpu.memory_space<vmem_shared>>)
        %lt3A_193 = arith.constant 90 : i32
        %lt3A_194 = arith.cmpi slt, %add3A_185, %lt3A_193 : i32
        %convert_element_type3A_195 = arith.extui %lt3A_194 : i1 to i32
        %cond3A_196 = arith.constant 0 : i32
        %cond3A_197 = arith.cmpi ne, %convert_element_type3A_195, %cond3A_196 : i32
        scf.if %cond3A_197 {
          %dma_start3A_288 = arith.constant 0 : i32
          %dma_start3A_289 = tpu.memref_slice %arg6[%add3A_185, %dma_start3A_288] : memref<90x128xi32, #tpu.memory_space<vmem>> -> memref<1x128xi32, #tpu.memory_space<vmem>>
          %dma_start3A_290 = tpu.memref_squeeze %dma_start3A_289 : memref<1x128xi32, #tpu.memory_space<vmem>> -> memref<128xi32, #tpu.memory_space<vmem>>
          %dma_start3A_291 = arith.constant 0 : i32
          %dma_start3A_292 = arith.constant 0 : i32
          %dma_start3A_293 = tpu.memref_slice %arg3[%dma_start3A_291, %dma_start3A_292] : memref<10240x32xf32, #tpu.memory_space<hbm>> -> memref<10240x32xf32, #tpu.memory_space<hbm>>
          tpu.enqueue_indirect_dma source(%dma_start3A_293 : memref<10240x32xf32, #tpu.memory_space<hbm>>) target(%arg10 : memref<128x32xf32, #tpu.memory_space<vmem>>) offsets(%dma_start3A_290 : memref<128xi32, #tpu.memory_space<vmem>>) semaphore(%arg18 : memref<!tpu.dma_semaphore, #tpu.memory_space<semaphore_mem>>)
        } else {
        }
        %add3A_198 = arith.constant 1 : i32
        %add3A_199 = arith.addi %scan3A_78, %add3A_198 : i32
        %mul3A_200 = arith.constant 6 : i32
        %mul3A_201 = arith.muli %add3A_199, %mul3A_200 : i32
        %add3A_202 = arith.constant 1 : i32
        %add3A_203 = arith.addi %mul3A_201, %add3A_202 : i32
        %dma_wait3A_204 = arith.constant 0 : i32
        %dma_wait3A_205 = arith.constant 0 : i32
        %dma_wait3A_206 = tpu.memref_slice %arg7[%dma_wait3A_204, %dma_wait3A_205] : memref<90x128xi32, #tpu.memory_space<vmem>> -> memref<1x128xi32, #tpu.memory_space<vmem>>
        %dma_wait3A_207 = tpu.memref_squeeze %dma_wait3A_206 : memref<1x128xi32, #tpu.memory_space<vmem>> -> memref<128xi32, #tpu.memory_space<vmem>>
        %dma_wait3A_208 = arith.constant 0 : i32
        %dma_wait3A_209 = arith.constant 0 : i32
        %dma_wait3A_210 = tpu.memref_slice %arg16[%dma_wait3A_208, %dma_wait3A_209] : memref<10240x32xf32, #tpu.memory_space<vmem_shared>> -> memref<10240x32xf32, #tpu.memory_space<vmem_shared>>
        tpu.wait_indirect_dma semaphore(%arg25 : memref<!tpu.dma_semaphore, #tpu.memory_space<semaphore_mem>>) src(%arg11 : memref<128x32xf32, #tpu.memory_space<vmem>>) dst(%dma_wait3A_210 : memref<10240x32xf32, #tpu.memory_space<vmem_shared>>)
        %lt3A_211 = arith.constant 90 : i32
        %lt3A_212 = arith.cmpi slt, %add3A_203, %lt3A_211 : i32
        %convert_element_type3A_213 = arith.extui %lt3A_212 : i1 to i32
        %cond3A_214 = arith.constant 0 : i32
        %cond3A_215 = arith.cmpi ne, %convert_element_type3A_213, %cond3A_214 : i32
        scf.if %cond3A_215 {
          %dma_start3A_288 = arith.constant 0 : i32
          %dma_start3A_289 = tpu.memref_slice %arg6[%add3A_203, %dma_start3A_288] : memref<90x128xi32, #tpu.memory_space<vmem>> -> memref<1x128xi32, #tpu.memory_space<vmem>>
          %dma_start3A_290 = tpu.memref_squeeze %dma_start3A_289 : memref<1x128xi32, #tpu.memory_space<vmem>> -> memref<128xi32, #tpu.memory_space<vmem>>
          %dma_start3A_291 = arith.constant 0 : i32
          %dma_start3A_292 = arith.constant 0 : i32
          %dma_start3A_293 = tpu.memref_slice %arg3[%dma_start3A_291, %dma_start3A_292] : memref<10240x32xf32, #tpu.memory_space<hbm>> -> memref<10240x32xf32, #tpu.memory_space<hbm>>
          tpu.enqueue_indirect_dma source(%dma_start3A_293 : memref<10240x32xf32, #tpu.memory_space<hbm>>) target(%arg11 : memref<128x32xf32, #tpu.memory_space<vmem>>) offsets(%dma_start3A_290 : memref<128xi32, #tpu.memory_space<vmem>>) semaphore(%arg19 : memref<!tpu.dma_semaphore, #tpu.memory_space<semaphore_mem>>)
        } else {
        }
        %add3A_216 = arith.constant 1 : i32
        %add3A_217 = arith.addi %scan3A_78, %add3A_216 : i32
        %mul3A_218 = arith.constant 6 : i32
        %mul3A_219 = arith.muli %add3A_217, %mul3A_218 : i32
        %add3A_220 = arith.constant 2 : i32
        %add3A_221 = arith.addi %mul3A_219, %add3A_220 : i32
        %dma_wait3A_222 = arith.constant 0 : i32
        %dma_wait3A_223 = arith.constant 0 : i32
        %dma_wait3A_224 = tpu.memref_slice %arg7[%dma_wait3A_222, %dma_wait3A_223] : memref<90x128xi32, #tpu.memory_space<vmem>> -> memref<1x128xi32, #tpu.memory_space<vmem>>
        %dma_wait3A_225 = tpu.memref_squeeze %dma_wait3A_224 : memref<1x128xi32, #tpu.memory_space<vmem>> -> memref<128xi32, #tpu.memory_space<vmem>>
        %dma_wait3A_226 = arith.constant 0 : i32
        %dma_wait3A_227 = arith.constant 0 : i32
        %dma_wait3A_228 = tpu.memref_slice %arg16[%dma_wait3A_226, %dma_wait3A_227] : memref<10240x32xf32, #tpu.memory_space<vmem_shared>> -> memref<10240x32xf32, #tpu.memory_space<vmem_shared>>
        tpu.wait_indirect_dma semaphore(%arg26 : memref<!tpu.dma_semaphore, #tpu.memory_space<semaphore_mem>>) src(%arg12 : memref<128x32xf32, #tpu.memory_space<vmem>>) dst(%dma_wait3A_228 : memref<10240x32xf32, #tpu.memory_space<vmem_shared>>)
        %lt3A_229 = arith.constant 90 : i32
        %lt3A_230 = arith.cmpi slt, %add3A_221, %lt3A_229 : i32
        %convert_element_type3A_231 = arith.extui %lt3A_230 : i1 to i32
        %cond3A_232 = arith.constant 0 : i32
        %cond3A_233 = arith.cmpi ne, %convert_element_type3A_231, %cond3A_232 : i32
        scf.if %cond3A_233 {
          %dma_start3A_288 = arith.constant 0 : i32
          %dma_start3A_289 = tpu.memref_slice %arg6[%add3A_221, %dma_start3A_288] : memref<90x128xi32, #tpu.memory_space<vmem>> -> memref<1x128xi32, #tpu.memory_space<vmem>>
          %dma_start3A_290 = tpu.memref_squeeze %dma_start3A_289 : memref<1x128xi32, #tpu.memory_space<vmem>> -> memref<128xi32, #tpu.memory_space<vmem>>
          %dma_start3A_291 = arith.constant 0 : i32
          %dma_start3A_292 = arith.constant 0 : i32
          %dma_start3A_293 = tpu.memref_slice %arg3[%dma_start3A_291, %dma_start3A_292] : memref<10240x32xf32, #tpu.memory_space<hbm>> -> memref<10240x32xf32, #tpu.memory_space<hbm>>
          tpu.enqueue_indirect_dma source(%dma_start3A_293 : memref<10240x32xf32, #tpu.memory_space<hbm>>) target(%arg12 : memref<128x32xf32, #tpu.memory_space<vmem>>) offsets(%dma_start3A_290 : memref<128xi32, #tpu.memory_space<vmem>>) semaphore(%arg20 : memref<!tpu.dma_semaphore, #tpu.memory_space<semaphore_mem>>)
        } else {
        }
        %add3A_234 = arith.constant 1 : i32
        %add3A_235 = arith.addi %scan3A_78, %add3A_234 : i32
        %mul3A_236 = arith.constant 6 : i32
        %mul3A_237 = arith.muli %add3A_235, %mul3A_236 : i32
        %add3A_238 = arith.constant 3 : i32
        %add3A_239 = arith.addi %mul3A_237, %add3A_238 : i32
        %dma_wait3A_240 = arith.constant 0 : i32
        %dma_wait3A_241 = arith.constant 0 : i32
        %dma_wait3A_242 = tpu.memref_slice %arg7[%dma_wait3A_240, %dma_wait3A_241] : memref<90x128xi32, #tpu.memory_space<vmem>> -> memref<1x128xi32, #tpu.memory_space<vmem>>
        %dma_wait3A_243 = tpu.memref_squeeze %dma_wait3A_242 : memref<1x128xi32, #tpu.memory_space<vmem>> -> memref<128xi32, #tpu.memory_space<vmem>>
        %dma_wait3A_244 = arith.constant 0 : i32
        %dma_wait3A_245 = arith.constant 0 : i32
        %dma_wait3A_246 = tpu.memref_slice %arg16[%dma_wait3A_244, %dma_wait3A_245] : memref<10240x32xf32, #tpu.memory_space<vmem_shared>> -> memref<10240x32xf32, #tpu.memory_space<vmem_shared>>
        tpu.wait_indirect_dma semaphore(%arg27 : memref<!tpu.dma_semaphore, #tpu.memory_space<semaphore_mem>>) src(%arg13 : memref<128x32xf32, #tpu.memory_space<vmem>>) dst(%dma_wait3A_246 : memref<10240x32xf32, #tpu.memory_space<vmem_shared>>)
        %lt3A_247 = arith.constant 90 : i32
        %lt3A_248 = arith.cmpi slt, %add3A_239, %lt3A_247 : i32
        %convert_element_type3A_249 = arith.extui %lt3A_248 : i1 to i32
        %cond3A_250 = arith.constant 0 : i32
        %cond3A_251 = arith.cmpi ne, %convert_element_type3A_249, %cond3A_250 : i32
        scf.if %cond3A_251 {
          %dma_start3A_288 = arith.constant 0 : i32
          %dma_start3A_289 = tpu.memref_slice %arg6[%add3A_239, %dma_start3A_288] : memref<90x128xi32, #tpu.memory_space<vmem>> -> memref<1x128xi32, #tpu.memory_space<vmem>>
          %dma_start3A_290 = tpu.memref_squeeze %dma_start3A_289 : memref<1x128xi32, #tpu.memory_space<vmem>> -> memref<128xi32, #tpu.memory_space<vmem>>
          %dma_start3A_291 = arith.constant 0 : i32
          %dma_start3A_292 = arith.constant 0 : i32
          %dma_start3A_293 = tpu.memref_slice %arg3[%dma_start3A_291, %dma_start3A_292] : memref<10240x32xf32, #tpu.memory_space<hbm>> -> memref<10240x32xf32, #tpu.memory_space<hbm>>
          tpu.enqueue_indirect_dma source(%dma_start3A_293 : memref<10240x32xf32, #tpu.memory_space<hbm>>) target(%arg13 : memref<128x32xf32, #tpu.memory_space<vmem>>) offsets(%dma_start3A_290 : memref<128xi32, #tpu.memory_space<vmem>>) semaphore(%arg21 : memref<!tpu.dma_semaphore, #tpu.memory_space<semaphore_mem>>)
        } else {
        }
        %add3A_252 = arith.constant 1 : i32
        %add3A_253 = arith.addi %scan3A_78, %add3A_252 : i32
        %mul3A_254 = arith.constant 6 : i32
        %mul3A_255 = arith.muli %add3A_253, %mul3A_254 : i32
        %add3A_256 = arith.constant 4 : i32
        %add3A_257 = arith.addi %mul3A_255, %add3A_256 : i32
        %dma_wait3A_258 = arith.constant 0 : i32
        %dma_wait3A_259 = arith.constant 0 : i32
        %dma_wait3A_260 = tpu.memref_slice %arg7[%dma_wait3A_258, %dma_wait3A_259] : memref<90x128xi32, #tpu.memory_space<vmem>> -> memref<1x128xi32, #tpu.memory_space<vmem>>
        %dma_wait3A_261 = tpu.memref_squeeze %dma_wait3A_260 : memref<1x128xi32, #tpu.memory_space<vmem>> -> memref<128xi32, #tpu.memory_space<vmem>>
        %dma_wait3A_262 = arith.constant 0 : i32
        %dma_wait3A_263 = arith.constant 0 : i32
        %dma_wait3A_264 = tpu.memref_slice %arg16[%dma_wait3A_262, %dma_wait3A_263] : memref<10240x32xf32, #tpu.memory_space<vmem_shared>> -> memref<10240x32xf32, #tpu.memory_space<vmem_shared>>
        tpu.wait_indirect_dma semaphore(%arg28 : memref<!tpu.dma_semaphore, #tpu.memory_space<semaphore_mem>>) src(%arg14 : memref<128x32xf32, #tpu.memory_space<vmem>>) dst(%dma_wait3A_264 : memref<10240x32xf32, #tpu.memory_space<vmem_shared>>)
        %lt3A_265 = arith.constant 90 : i32
        %lt3A_266 = arith.cmpi slt, %add3A_257, %lt3A_265 : i32
        %convert_element_type3A_267 = arith.extui %lt3A_266 : i1 to i32
        %cond3A_268 = arith.constant 0 : i32
        %cond3A_269 = arith.cmpi ne, %convert_element_type3A_267, %cond3A_268 : i32
        scf.if %cond3A_269 {
          %dma_start3A_288 = arith.constant 0 : i32
          %dma_start3A_289 = tpu.memref_slice %arg6[%add3A_257, %dma_start3A_288] : memref<90x128xi32, #tpu.memory_space<vmem>> -> memref<1x128xi32, #tpu.memory_space<vmem>>
          %dma_start3A_290 = tpu.memref_squeeze %dma_start3A_289 : memref<1x128xi32, #tpu.memory_space<vmem>> -> memref<128xi32, #tpu.memory_space<vmem>>
          %dma_start3A_291 = arith.constant 0 : i32
          %dma_start3A_292 = arith.constant 0 : i32
          %dma_start3A_293 = tpu.memref_slice %arg3[%dma_start3A_291, %dma_start3A_292] : memref<10240x32xf32, #tpu.memory_space<hbm>> -> memref<10240x32xf32, #tpu.memory_space<hbm>>
          tpu.enqueue_indirect_dma source(%dma_start3A_293 : memref<10240x32xf32, #tpu.memory_space<hbm>>) target(%arg14 : memref<128x32xf32, #tpu.memory_space<vmem>>) offsets(%dma_start3A_290 : memref<128xi32, #tpu.memory_space<vmem>>) semaphore(%arg22 : memref<!tpu.dma_semaphore, #tpu.memory_space<semaphore_mem>>)
        } else {
        }
        %add3A_270 = arith.constant 1 : i32
        %add3A_271 = arith.addi %scan3A_78, %add3A_270 : i32
        %mul3A_272 = arith.constant 6 : i32
        %mul3A_273 = arith.muli %add3A_271, %mul3A_272 : i32
        %add3A_274 = arith.constant 5 : i32
        %add3A_275 = arith.addi %mul3A_273, %add3A_274 : i32
        %dma_wait3A_276 = arith.constant 0 : i32
        %dma_wait3A_277 = arith.constant 0 : i32
        %dma_wait3A_278 = tpu.memref_slice %arg7[%dma_wait3A_276, %dma_wait3A_277] : memref<90x128xi32, #tpu.memory_space<vmem>> -> memref<1x128xi32, #tpu.memory_space<vmem>>
        %dma_wait3A_279 = tpu.memref_squeeze %dma_wait3A_278 : memref<1x128xi32, #tpu.memory_space<vmem>> -> memref<128xi32, #tpu.memory_space<vmem>>
        %dma_wait3A_280 = arith.constant 0 : i32
        %dma_wait3A_281 = arith.constant 0 : i32
        %dma_wait3A_282 = tpu.memref_slice %arg16[%dma_wait3A_280, %dma_wait3A_281] : memref<10240x32xf32, #tpu.memory_space<vmem_shared>> -> memref<10240x32xf32, #tpu.memory_space<vmem_shared>>
        tpu.wait_indirect_dma semaphore(%arg29 : memref<!tpu.dma_semaphore, #tpu.memory_space<semaphore_mem>>) src(%arg15 : memref<128x32xf32, #tpu.memory_space<vmem>>) dst(%dma_wait3A_282 : memref<10240x32xf32, #tpu.memory_space<vmem_shared>>)
        %lt3A_283 = arith.constant 90 : i32
        %lt3A_284 = arith.cmpi slt, %add3A_275, %lt3A_283 : i32
        %convert_element_type3A_285 = arith.extui %lt3A_284 : i1 to i32
        %cond3A_286 = arith.constant 0 : i32
        %cond3A_287 = arith.cmpi ne, %convert_element_type3A_285, %cond3A_286 : i32
        scf.if %cond3A_287 {
          %dma_start3A_288 = arith.constant 0 : i32
          %dma_start3A_289 = tpu.memref_slice %arg6[%add3A_275, %dma_start3A_288] : memref<90x128xi32, #tpu.memory_space<vmem>> -> memref<1x128xi32, #tpu.memory_space<vmem>>
          %dma_start3A_290 = tpu.memref_squeeze %dma_start3A_289 : memref<1x128xi32, #tpu.memory_space<vmem>> -> memref<128xi32, #tpu.memory_space<vmem>>
          %dma_start3A_291 = arith.constant 0 : i32
          %dma_start3A_292 = arith.constant 0 : i32
          %dma_start3A_293 = tpu.memref_slice %arg3[%dma_start3A_291, %dma_start3A_292] : memref<10240x32xf32, #tpu.memory_space<hbm>> -> memref<10240x32xf32, #tpu.memory_space<hbm>>
          tpu.enqueue_indirect_dma source(%dma_start3A_293 : memref<10240x32xf32, #tpu.memory_space<hbm>>) target(%arg15 : memref<128x32xf32, #tpu.memory_space<vmem>>) offsets(%dma_start3A_290 : memref<128xi32, #tpu.memory_space<vmem>>) semaphore(%arg23 : memref<!tpu.dma_semaphore, #tpu.memory_space<semaphore_mem>>)
        } else {
        }
      }
      %scan3A_77 = arith.constant 15 : i32
    } else {
    }
    %ne3A = arith.constant 0 : i32
    %ne3A_11 = arith.cmpi ne, %arg0, %ne3A : i32
    %convert_element_type3A_12 = arith.extui %ne3A_11 : i1 to i32
    %cond3A_13 = arith.constant 0 : i32
    %cond3A_14 = arith.constant 1 : i32
    %cond3A_15 = arith.constant 0 : i32
    %cond3A_16 = arith.cmpi ne, %convert_element_type3A_12, %cond3A_15 : i32
    scf.if %cond3A_16 {
      %mul3A_30 = arith.constant 66 : i32
      %mul3A_31 = arith.muli %arg1, %mul3A_30 : i32
      %add3A_32 = arith.constant 1440 : i32
      %add3A_33 = arith.addi %add3A_32, %mul3A_31 : i32
      "tpu.region"() ({
        %run_scoped3A = tpu.sem_alloc : memref<!tpu.dma_semaphore, #tpu.memory_space<semaphore_mem>>
        %dma_start3A_80 = arith.constant 0 : i32
        %dma_start3A_81 = arith.constant 0 : i32
        %dma_start3A_82 = tpu.memref_slice %arg6[%dma_start3A_80, %dma_start3A_81] : memref<90x128xi32, #tpu.memory_space<vmem>> -> memref<66x128xi32, #tpu.memory_space<vmem>>
        %dma_start3A_83 = arith.constant 0 : i32
        %dma_start3A_84 = arith.constant 0 : i32
        %dma_start3A_85 = tpu.memref_slice %arg2[%cond3A_13, %dma_start3A_83, %dma_start3A_84] : memref<2x2500x128xi32, #tpu.memory_space<hbm>> -> memref<1x2500x128xi32, #tpu.memory_space<hbm>>
        %dma_start3A_86 = tpu.memref_squeeze %dma_start3A_85 : memref<1x2500x128xi32, #tpu.memory_space<hbm>> -> memref<2500x128xi32, #tpu.memory_space<hbm>>
        %dma_start3A_87 = arith.constant 0 : i32
        %dma_start3A_88 = tpu.memref_slice %dma_start3A_86[%add3A_33, %dma_start3A_87] : memref<2500x128xi32, #tpu.memory_space<hbm>> -> memref<66x128xi32, #tpu.memory_space<hbm>>
        %dma_start3A_89 = arith.constant 0 : i32
        %dma_start3A_90 = arith.constant 0 : i32
        %dma_start3A_91 = tpu.memref_slice %arg6[%dma_start3A_89, %dma_start3A_90] : memref<90x128xi32, #tpu.memory_space<vmem>> -> memref<66x128xi32, #tpu.memory_space<vmem>>
        %dma_start3A_92 = arith.constant 0 : i32
        %dma_start3A_93 = arith.constant 0 : i32
        %dma_start3A_94 = tpu.memref_slice %arg2[%cond3A_13, %dma_start3A_92, %dma_start3A_93] : memref<2x2500x128xi32, #tpu.memory_space<hbm>> -> memref<1x2500x128xi32, #tpu.memory_space<hbm>>
        %dma_start3A_95 = tpu.memref_squeeze %dma_start3A_94 : memref<1x2500x128xi32, #tpu.memory_space<hbm>> -> memref<2500x128xi32, #tpu.memory_space<hbm>>
        %dma_start3A_96 = arith.constant 0 : i32
        %dma_start3A_97 = tpu.memref_slice %dma_start3A_95[%add3A_33, %dma_start3A_96] : memref<2500x128xi32, #tpu.memory_space<hbm>> -> memref<66x128xi32, #tpu.memory_space<hbm>>
        tpu.enqueue_dma source(%dma_start3A_97 : memref<66x128xi32, #tpu.memory_space<hbm>>) target(%dma_start3A_91 : memref<66x128xi32, #tpu.memory_space<vmem>>) target_semaphore(%run_scoped3A : memref<!tpu.dma_semaphore, #tpu.memory_space<semaphore_mem>>)
        %dma_wait3A = arith.constant 0 : i32
        %dma_wait3A_98 = arith.constant 0 : i32
        %dma_wait3A_99 = tpu.memref_slice %arg6[%dma_wait3A, %dma_wait3A_98] : memref<90x128xi32, #tpu.memory_space<vmem>> -> memref<66x128xi32, #tpu.memory_space<vmem>>
        %dma_wait3A_100 = arith.constant 0 : i32
        %dma_wait3A_101 = arith.constant 0 : i32
        %dma_wait3A_102 = tpu.memref_slice %arg2[%cond3A_13, %dma_wait3A_100, %dma_wait3A_101] : memref<2x2500x128xi32, #tpu.memory_space<hbm>> -> memref<1x2500x128xi32, #tpu.memory_space<hbm>>
        %dma_wait3A_103 = tpu.memref_squeeze %dma_wait3A_102 : memref<1x2500x128xi32, #tpu.memory_space<hbm>> -> memref<2500x128xi32, #tpu.memory_space<hbm>>
        %dma_wait3A_104 = arith.constant 0 : i32
        %dma_wait3A_105 = tpu.memref_slice %dma_wait3A_103[%add3A_33, %dma_wait3A_104] : memref<2500x128xi32, #tpu.memory_space<hbm>> -> memref<66x128xi32, #tpu.memory_space<hbm>>
        %dma_wait3A_106 = arith.constant 0 : i32
        %dma_wait3A_107 = arith.constant 0 : i32
        %dma_wait3A_108 = tpu.memref_slice %arg6[%dma_wait3A_106, %dma_wait3A_107] : memref<90x128xi32, #tpu.memory_space<vmem>> -> memref<66x128xi32, #tpu.memory_space<vmem>>
        %dma_wait3A_109 = arith.constant 0 : i32
        %dma_wait3A_110 = arith.constant 0 : i32
        %dma_wait3A_111 = tpu.memref_slice %arg2[%cond3A_13, %dma_wait3A_109, %dma_wait3A_110] : memref<2x2500x128xi32, #tpu.memory_space<hbm>> -> memref<1x2500x128xi32, #tpu.memory_space<hbm>>
        %dma_wait3A_112 = tpu.memref_squeeze %dma_wait3A_111 : memref<1x2500x128xi32, #tpu.memory_space<hbm>> -> memref<2500x128xi32, #tpu.memory_space<hbm>>
        %dma_wait3A_113 = arith.constant 0 : i32
        %dma_wait3A_114 = tpu.memref_slice %dma_wait3A_112[%add3A_33, %dma_wait3A_113] : memref<2500x128xi32, #tpu.memory_space<hbm>> -> memref<66x128xi32, #tpu.memory_space<hbm>>
        tpu.wait_dma2 semaphore(%run_scoped3A : memref<!tpu.dma_semaphore, #tpu.memory_space<semaphore_mem>>) src(%dma_wait3A_114 : memref<66x128xi32, #tpu.memory_space<hbm>>) dst(%dma_wait3A_108 : memref<66x128xi32, #tpu.memory_space<vmem>>)
        tpu.yield
      }) : () -> ()
      "tpu.region"() ({
        %run_scoped3A = tpu.sem_alloc : memref<!tpu.dma_semaphore, #tpu.memory_space<semaphore_mem>>
        %dma_start3A_80 = arith.constant 0 : i32
        %dma_start3A_81 = arith.constant 0 : i32
        %dma_start3A_82 = tpu.memref_slice %arg7[%dma_start3A_80, %dma_start3A_81] : memref<90x128xi32, #tpu.memory_space<vmem>> -> memref<66x128xi32, #tpu.memory_space<vmem>>
        %dma_start3A_83 = arith.constant 0 : i32
        %dma_start3A_84 = arith.constant 0 : i32
        %dma_start3A_85 = tpu.memref_slice %arg2[%cond3A_14, %dma_start3A_83, %dma_start3A_84] : memref<2x2500x128xi32, #tpu.memory_space<hbm>> -> memref<1x2500x128xi32, #tpu.memory_space<hbm>>
        %dma_start3A_86 = tpu.memref_squeeze %dma_start3A_85 : memref<1x2500x128xi32, #tpu.memory_space<hbm>> -> memref<2500x128xi32, #tpu.memory_space<hbm>>
        %dma_start3A_87 = arith.constant 0 : i32
        %dma_start3A_88 = tpu.memref_slice %dma_start3A_86[%add3A_33, %dma_start3A_87] : memref<2500x128xi32, #tpu.memory_space<hbm>> -> memref<66x128xi32, #tpu.memory_space<hbm>>
        %dma_start3A_89 = arith.constant 0 : i32
        %dma_start3A_90 = arith.constant 0 : i32
        %dma_start3A_91 = tpu.memref_slice %arg7[%dma_start3A_89, %dma_start3A_90] : memref<90x128xi32, #tpu.memory_space<vmem>> -> memref<66x128xi32, #tpu.memory_space<vmem>>
        %dma_start3A_92 = arith.constant 0 : i32
        %dma_start3A_93 = arith.constant 0 : i32
        %dma_start3A_94 = tpu.memref_slice %arg2[%cond3A_14, %dma_start3A_92, %dma_start3A_93] : memref<2x2500x128xi32, #tpu.memory_space<hbm>> -> memref<1x2500x128xi32, #tpu.memory_space<hbm>>
        %dma_start3A_95 = tpu.memref_squeeze %dma_start3A_94 : memref<1x2500x128xi32, #tpu.memory_space<hbm>> -> memref<2500x128xi32, #tpu.memory_space<hbm>>
        %dma_start3A_96 = arith.constant 0 : i32
        %dma_start3A_97 = tpu.memref_slice %dma_start3A_95[%add3A_33, %dma_start3A_96] : memref<2500x128xi32, #tpu.memory_space<hbm>> -> memref<66x128xi32, #tpu.memory_space<hbm>>
        tpu.enqueue_dma source(%dma_start3A_97 : memref<66x128xi32, #tpu.memory_space<hbm>>) target(%dma_start3A_91 : memref<66x128xi32, #tpu.memory_space<vmem>>) target_semaphore(%run_scoped3A : memref<!tpu.dma_semaphore, #tpu.memory_space<semaphore_mem>>)
        %dma_wait3A = arith.constant 0 : i32
        %dma_wait3A_98 = arith.constant 0 : i32
        %dma_wait3A_99 = tpu.memref_slice %arg7[%dma_wait3A, %dma_wait3A_98] : memref<90x128xi32, #tpu.memory_space<vmem>> -> memref<66x128xi32, #tpu.memory_space<vmem>>
        %dma_wait3A_100 = arith.constant 0 : i32
        %dma_wait3A_101 = arith.constant 0 : i32
        %dma_wait3A_102 = tpu.memref_slice %arg2[%cond3A_14, %dma_wait3A_100, %dma_wait3A_101] : memref<2x2500x128xi32, #tpu.memory_space<hbm>> -> memref<1x2500x128xi32, #tpu.memory_space<hbm>>
        %dma_wait3A_103 = tpu.memref_squeeze %dma_wait3A_102 : memref<1x2500x128xi32, #tpu.memory_space<hbm>> -> memref<2500x128xi32, #tpu.memory_space<hbm>>
        %dma_wait3A_104 = arith.constant 0 : i32
        %dma_wait3A_105 = tpu.memref_slice %dma_wait3A_103[%add3A_33, %dma_wait3A_104] : memref<2500x128xi32, #tpu.memory_space<hbm>> -> memref<66x128xi32, #tpu.memory_space<hbm>>
        %dma_wait3A_106 = arith.constant 0 : i32
        %dma_wait3A_107 = arith.constant 0 : i32
        %dma_wait3A_108 = tpu.memref_slice %arg7[%dma_wait3A_106, %dma_wait3A_107] : memref<90x128xi32, #tpu.memory_space<vmem>> -> memref<66x128xi32, #tpu.memory_space<vmem>>
        %dma_wait3A_109 = arith.constant 0 : i32
        %dma_wait3A_110 = arith.constant 0 : i32
        %dma_wait3A_111 = tpu.memref_slice %arg2[%cond3A_14, %dma_wait3A_109, %dma_wait3A_110] : memref<2x2500x128xi32, #tpu.memory_space<hbm>> -> memref<1x2500x128xi32, #tpu.memory_space<hbm>>
        %dma_wait3A_112 = tpu.memref_squeeze %dma_wait3A_111 : memref<1x2500x128xi32, #tpu.memory_space<hbm>> -> memref<2500x128xi32, #tpu.memory_space<hbm>>
        %dma_wait3A_113 = arith.constant 0 : i32
        %dma_wait3A_114 = tpu.memref_slice %dma_wait3A_112[%add3A_33, %dma_wait3A_113] : memref<2500x128xi32, #tpu.memory_space<hbm>> -> memref<66x128xi32, #tpu.memory_space<hbm>>
        tpu.wait_dma2 semaphore(%run_scoped3A : memref<!tpu.dma_semaphore, #tpu.memory_space<semaphore_mem>>) src(%dma_wait3A_114 : memref<66x128xi32, #tpu.memory_space<hbm>>) dst(%dma_wait3A_108 : memref<66x128xi32, #tpu.memory_space<vmem>>)
        tpu.yield
      }) : () -> ()
      %dma_start3A = arith.constant 0 : i32
      %dma_start3A_34 = arith.constant 0 : i32
      %dma_start3A_35 = tpu.memref_slice %arg6[%dma_start3A, %dma_start3A_34] : memref<90x128xi32, #tpu.memory_space<vmem>> -> memref<1x128xi32, #tpu.memory_space<vmem>>
      %dma_start3A_36 = tpu.memref_squeeze %dma_start3A_35 : memref<1x128xi32, #tpu.memory_space<vmem>> -> memref<128xi32, #tpu.memory_space<vmem>>
      %dma_start3A_37 = arith.constant 0 : i32
      %dma_start3A_38 = arith.constant 0 : i32
      %dma_start3A_39 = tpu.memref_slice %arg17[%dma_start3A_37, %dma_start3A_38] : memref<10240x32xf32, #tpu.memory_space<vmem_shared>> -> memref<10240x32xf32, #tpu.memory_space<vmem_shared>>
      tpu.enqueue_indirect_dma source(%dma_start3A_39 : memref<10240x32xf32, #tpu.memory_space<vmem_shared>>) target(%arg10 : memref<128x32xf32, #tpu.memory_space<vmem>>) offsets(%dma_start3A_36 : memref<128xi32, #tpu.memory_space<vmem>>) semaphore(%arg18 : memref<!tpu.dma_semaphore, #tpu.memory_space<semaphore_mem>>)
      %dma_start3A_40 = arith.constant 1 : i32
      %dma_start3A_41 = arith.constant 0 : i32
      %dma_start3A_42 = tpu.memref_slice %arg6[%dma_start3A_40, %dma_start3A_41] : memref<90x128xi32, #tpu.memory_space<vmem>> -> memref<1x128xi32, #tpu.memory_space<vmem>>
      %dma_start3A_43 = tpu.memref_squeeze %dma_start3A_42 : memref<1x128xi32, #tpu.memory_space<vmem>> -> memref<128xi32, #tpu.memory_space<vmem>>
      %dma_start3A_44 = arith.constant 0 : i32
      %dma_start3A_45 = arith.constant 0 : i32
      %dma_start3A_46 = tpu.memref_slice %arg17[%dma_start3A_44, %dma_start3A_45] : memref<10240x32xf32, #tpu.memory_space<vmem_shared>> -> memref<10240x32xf32, #tpu.memory_space<vmem_shared>>
      tpu.enqueue_indirect_dma source(%dma_start3A_46 : memref<10240x32xf32, #tpu.memory_space<vmem_shared>>) target(%arg11 : memref<128x32xf32, #tpu.memory_space<vmem>>) offsets(%dma_start3A_43 : memref<128xi32, #tpu.memory_space<vmem>>) semaphore(%arg19 : memref<!tpu.dma_semaphore, #tpu.memory_space<semaphore_mem>>)
      %dma_start3A_47 = arith.constant 2 : i32
      %dma_start3A_48 = arith.constant 0 : i32
      %dma_start3A_49 = tpu.memref_slice %arg6[%dma_start3A_47, %dma_start3A_48] : memref<90x128xi32, #tpu.memory_space<vmem>> -> memref<1x128xi32, #tpu.memory_space<vmem>>
      %dma_start3A_50 = tpu.memref_squeeze %dma_start3A_49 : memref<1x128xi32, #tpu.memory_space<vmem>> -> memref<128xi32, #tpu.memory_space<vmem>>
      %dma_start3A_51 = arith.constant 0 : i32
      %dma_start3A_52 = arith.constant 0 : i32
      %dma_start3A_53 = tpu.memref_slice %arg17[%dma_start3A_51, %dma_start3A_52] : memref<10240x32xf32, #tpu.memory_space<vmem_shared>> -> memref<10240x32xf32, #tpu.memory_space<vmem_shared>>
      tpu.enqueue_indirect_dma source(%dma_start3A_53 : memref<10240x32xf32, #tpu.memory_space<vmem_shared>>) target(%arg12 : memref<128x32xf32, #tpu.memory_space<vmem>>) offsets(%dma_start3A_50 : memref<128xi32, #tpu.memory_space<vmem>>) semaphore(%arg20 : memref<!tpu.dma_semaphore, #tpu.memory_space<semaphore_mem>>)
      %dma_start3A_54 = arith.constant 3 : i32
      %dma_start3A_55 = arith.constant 0 : i32
      %dma_start3A_56 = tpu.memref_slice %arg6[%dma_start3A_54, %dma_start3A_55] : memref<90x128xi32, #tpu.memory_space<vmem>> -> memref<1x128xi32, #tpu.memory_space<vmem>>
      %dma_start3A_57 = tpu.memref_squeeze %dma_start3A_56 : memref<1x128xi32, #tpu.memory_space<vmem>> -> memref<128xi32, #tpu.memory_space<vmem>>
      %dma_start3A_58 = arith.constant 0 : i32
      %dma_start3A_59 = arith.constant 0 : i32
      %dma_start3A_60 = tpu.memref_slice %arg17[%dma_start3A_58, %dma_start3A_59] : memref<10240x32xf32, #tpu.memory_space<vmem_shared>> -> memref<10240x32xf32, #tpu.memory_space<vmem_shared>>
      tpu.enqueue_indirect_dma source(%dma_start3A_60 : memref<10240x32xf32, #tpu.memory_space<vmem_shared>>) target(%arg13 : memref<128x32xf32, #tpu.memory_space<vmem>>) offsets(%dma_start3A_57 : memref<128xi32, #tpu.memory_space<vmem>>) semaphore(%arg21 : memref<!tpu.dma_semaphore, #tpu.memory_space<semaphore_mem>>)
      %dma_start3A_61 = arith.constant 4 : i32
      %dma_start3A_62 = arith.constant 0 : i32
      %dma_start3A_63 = tpu.memref_slice %arg6[%dma_start3A_61, %dma_start3A_62] : memref<90x128xi32, #tpu.memory_space<vmem>> -> memref<1x128xi32, #tpu.memory_space<vmem>>
      %dma_start3A_64 = tpu.memref_squeeze %dma_start3A_63 : memref<1x128xi32, #tpu.memory_space<vmem>> -> memref<128xi32, #tpu.memory_space<vmem>>
      %dma_start3A_65 = arith.constant 0 : i32
      %dma_start3A_66 = arith.constant 0 : i32
      %dma_start3A_67 = tpu.memref_slice %arg17[%dma_start3A_65, %dma_start3A_66] : memref<10240x32xf32, #tpu.memory_space<vmem_shared>> -> memref<10240x32xf32, #tpu.memory_space<vmem_shared>>
      tpu.enqueue_indirect_dma source(%dma_start3A_67 : memref<10240x32xf32, #tpu.memory_space<vmem_shared>>) target(%arg14 : memref<128x32xf32, #tpu.memory_space<vmem>>) offsets(%dma_start3A_64 : memref<128xi32, #tpu.memory_space<vmem>>) semaphore(%arg22 : memref<!tpu.dma_semaphore, #tpu.memory_space<semaphore_mem>>)
      %dma_start3A_68 = arith.constant 5 : i32
      %dma_start3A_69 = arith.constant 0 : i32
      %dma_start3A_70 = tpu.memref_slice %arg6[%dma_start3A_68, %dma_start3A_69] : memref<90x128xi32, #tpu.memory_space<vmem>> -> memref<1x128xi32, #tpu.memory_space<vmem>>
      %dma_start3A_71 = tpu.memref_squeeze %dma_start3A_70 : memref<1x128xi32, #tpu.memory_space<vmem>> -> memref<128xi32, #tpu.memory_space<vmem>>
      %dma_start3A_72 = arith.constant 0 : i32
      %dma_start3A_73 = arith.constant 0 : i32
      %dma_start3A_74 = tpu.memref_slice %arg17[%dma_start3A_72, %dma_start3A_73] : memref<10240x32xf32, #tpu.memory_space<vmem_shared>> -> memref<10240x32xf32, #tpu.memory_space<vmem_shared>>
      tpu.enqueue_indirect_dma source(%dma_start3A_74 : memref<10240x32xf32, #tpu.memory_space<vmem_shared>>) target(%arg15 : memref<128x32xf32, #tpu.memory_space<vmem>>) offsets(%dma_start3A_71 : memref<128xi32, #tpu.memory_space<vmem>>) semaphore(%arg23 : memref<!tpu.dma_semaphore, #tpu.memory_space<semaphore_mem>>)
      %scan3A = arith.constant 0 : i32
      %scan3A_75 = arith.constant 0 : i32
      %scan3A_76 = arith.constant 11 : i32
      %scan3A_77 = arith.addi %scan3A_75, %scan3A_76 : i32
      %scan3A_78 = arith.constant 1 : i32
      scf.for %scan3A_80 = %scan3A_75 to %scan3A_77 step %scan3A_78  : i32 {
        %mul3A_81 = arith.constant 6 : i32
        %mul3A_82 = arith.muli %scan3A_80, %mul3A_81 : i32
        %add3A_83 = arith.constant 0 : i32
        %add3A_84 = arith.addi %mul3A_82, %add3A_83 : i32
        %dma_wait3A = arith.constant 0 : i32
        %dma_wait3A_85 = arith.constant 0 : i32
        %dma_wait3A_86 = tpu.memref_slice %arg6[%dma_wait3A, %dma_wait3A_85] : memref<90x128xi32, #tpu.memory_space<vmem>> -> memref<1x128xi32, #tpu.memory_space<vmem>>
        %dma_wait3A_87 = tpu.memref_squeeze %dma_wait3A_86 : memref<1x128xi32, #tpu.memory_space<vmem>> -> memref<128xi32, #tpu.memory_space<vmem>>
        %dma_wait3A_88 = arith.constant 0 : i32
        %dma_wait3A_89 = arith.constant 0 : i32
        %dma_wait3A_90 = tpu.memref_slice %arg3[%dma_wait3A_88, %dma_wait3A_89] : memref<10240x32xf32, #tpu.memory_space<hbm>> -> memref<10240x32xf32, #tpu.memory_space<hbm>>
        tpu.wait_indirect_dma semaphore(%arg18 : memref<!tpu.dma_semaphore, #tpu.memory_space<semaphore_mem>>) src(%dma_wait3A_90 : memref<10240x32xf32, #tpu.memory_space<hbm>>) dst(%arg10 : memref<128x32xf32, #tpu.memory_space<vmem>>)
        %dma_start3A_91 = arith.constant 0 : i32
        %dma_start3A_92 = tpu.memref_slice %arg7[%add3A_84, %dma_start3A_91] : memref<90x128xi32, #tpu.memory_space<vmem>> -> memref<1x128xi32, #tpu.memory_space<vmem>>
        %dma_start3A_93 = tpu.memref_squeeze %dma_start3A_92 : memref<1x128xi32, #tpu.memory_space<vmem>> -> memref<128xi32, #tpu.memory_space<vmem>>
        %dma_start3A_94 = arith.constant 0 : i32
        %dma_start3A_95 = arith.constant 0 : i32
        %dma_start3A_96 = tpu.memref_slice %arg16[%dma_start3A_94, %dma_start3A_95] : memref<10240x32xf32, #tpu.memory_space<vmem_shared>> -> memref<10240x32xf32, #tpu.memory_space<vmem_shared>>
        tpu.enqueue_indirect_dma source(%arg10 : memref<128x32xf32, #tpu.memory_space<vmem>>) target(%dma_start3A_96 : memref<10240x32xf32, #tpu.memory_space<vmem_shared>>) offsets(%dma_start3A_93 : memref<128xi32, #tpu.memory_space<vmem>>) semaphore(%arg24 : memref<!tpu.dma_semaphore, #tpu.memory_space<semaphore_mem>>) {add = true}
        %mul3A_97 = arith.constant 6 : i32
        %mul3A_98 = arith.muli %scan3A_80, %mul3A_97 : i32
        %add3A_99 = arith.constant 1 : i32
        %add3A_100 = arith.addi %mul3A_98, %add3A_99 : i32
        %dma_wait3A_101 = arith.constant 0 : i32
        %dma_wait3A_102 = arith.constant 0 : i32
        %dma_wait3A_103 = tpu.memref_slice %arg6[%dma_wait3A_101, %dma_wait3A_102] : memref<90x128xi32, #tpu.memory_space<vmem>> -> memref<1x128xi32, #tpu.memory_space<vmem>>
        %dma_wait3A_104 = tpu.memref_squeeze %dma_wait3A_103 : memref<1x128xi32, #tpu.memory_space<vmem>> -> memref<128xi32, #tpu.memory_space<vmem>>
        %dma_wait3A_105 = arith.constant 0 : i32
        %dma_wait3A_106 = arith.constant 0 : i32
        %dma_wait3A_107 = tpu.memref_slice %arg3[%dma_wait3A_105, %dma_wait3A_106] : memref<10240x32xf32, #tpu.memory_space<hbm>> -> memref<10240x32xf32, #tpu.memory_space<hbm>>
        tpu.wait_indirect_dma semaphore(%arg19 : memref<!tpu.dma_semaphore, #tpu.memory_space<semaphore_mem>>) src(%dma_wait3A_107 : memref<10240x32xf32, #tpu.memory_space<hbm>>) dst(%arg11 : memref<128x32xf32, #tpu.memory_space<vmem>>)
        %dma_start3A_108 = arith.constant 0 : i32
        %dma_start3A_109 = tpu.memref_slice %arg7[%add3A_100, %dma_start3A_108] : memref<90x128xi32, #tpu.memory_space<vmem>> -> memref<1x128xi32, #tpu.memory_space<vmem>>
        %dma_start3A_110 = tpu.memref_squeeze %dma_start3A_109 : memref<1x128xi32, #tpu.memory_space<vmem>> -> memref<128xi32, #tpu.memory_space<vmem>>
        %dma_start3A_111 = arith.constant 0 : i32
        %dma_start3A_112 = arith.constant 0 : i32
        %dma_start3A_113 = tpu.memref_slice %arg16[%dma_start3A_111, %dma_start3A_112] : memref<10240x32xf32, #tpu.memory_space<vmem_shared>> -> memref<10240x32xf32, #tpu.memory_space<vmem_shared>>
        tpu.enqueue_indirect_dma source(%arg11 : memref<128x32xf32, #tpu.memory_space<vmem>>) target(%dma_start3A_113 : memref<10240x32xf32, #tpu.memory_space<vmem_shared>>) offsets(%dma_start3A_110 : memref<128xi32, #tpu.memory_space<vmem>>) semaphore(%arg25 : memref<!tpu.dma_semaphore, #tpu.memory_space<semaphore_mem>>) {add = true}
        %mul3A_114 = arith.constant 6 : i32
        %mul3A_115 = arith.muli %scan3A_80, %mul3A_114 : i32
        %add3A_116 = arith.constant 2 : i32
        %add3A_117 = arith.addi %mul3A_115, %add3A_116 : i32
        %dma_wait3A_118 = arith.constant 0 : i32
        %dma_wait3A_119 = arith.constant 0 : i32
        %dma_wait3A_120 = tpu.memref_slice %arg6[%dma_wait3A_118, %dma_wait3A_119] : memref<90x128xi32, #tpu.memory_space<vmem>> -> memref<1x128xi32, #tpu.memory_space<vmem>>
        %dma_wait3A_121 = tpu.memref_squeeze %dma_wait3A_120 : memref<1x128xi32, #tpu.memory_space<vmem>> -> memref<128xi32, #tpu.memory_space<vmem>>
        %dma_wait3A_122 = arith.constant 0 : i32
        %dma_wait3A_123 = arith.constant 0 : i32
        %dma_wait3A_124 = tpu.memref_slice %arg3[%dma_wait3A_122, %dma_wait3A_123] : memref<10240x32xf32, #tpu.memory_space<hbm>> -> memref<10240x32xf32, #tpu.memory_space<hbm>>
        tpu.wait_indirect_dma semaphore(%arg20 : memref<!tpu.dma_semaphore, #tpu.memory_space<semaphore_mem>>) src(%dma_wait3A_124 : memref<10240x32xf32, #tpu.memory_space<hbm>>) dst(%arg12 : memref<128x32xf32, #tpu.memory_space<vmem>>)
        %dma_start3A_125 = arith.constant 0 : i32
        %dma_start3A_126 = tpu.memref_slice %arg7[%add3A_117, %dma_start3A_125] : memref<90x128xi32, #tpu.memory_space<vmem>> -> memref<1x128xi32, #tpu.memory_space<vmem>>
        %dma_start3A_127 = tpu.memref_squeeze %dma_start3A_126 : memref<1x128xi32, #tpu.memory_space<vmem>> -> memref<128xi32, #tpu.memory_space<vmem>>
        %dma_start3A_128 = arith.constant 0 : i32
        %dma_start3A_129 = arith.constant 0 : i32
        %dma_start3A_130 = tpu.memref_slice %arg16[%dma_start3A_128, %dma_start3A_129] : memref<10240x32xf32, #tpu.memory_space<vmem_shared>> -> memref<10240x32xf32, #tpu.memory_space<vmem_shared>>
        tpu.enqueue_indirect_dma source(%arg12 : memref<128x32xf32, #tpu.memory_space<vmem>>) target(%dma_start3A_130 : memref<10240x32xf32, #tpu.memory_space<vmem_shared>>) offsets(%dma_start3A_127 : memref<128xi32, #tpu.memory_space<vmem>>) semaphore(%arg26 : memref<!tpu.dma_semaphore, #tpu.memory_space<semaphore_mem>>) {add = true}
        %mul3A_131 = arith.constant 6 : i32
        %mul3A_132 = arith.muli %scan3A_80, %mul3A_131 : i32
        %add3A_133 = arith.constant 3 : i32
        %add3A_134 = arith.addi %mul3A_132, %add3A_133 : i32
        %dma_wait3A_135 = arith.constant 0 : i32
        %dma_wait3A_136 = arith.constant 0 : i32
        %dma_wait3A_137 = tpu.memref_slice %arg6[%dma_wait3A_135, %dma_wait3A_136] : memref<90x128xi32, #tpu.memory_space<vmem>> -> memref<1x128xi32, #tpu.memory_space<vmem>>
        %dma_wait3A_138 = tpu.memref_squeeze %dma_wait3A_137 : memref<1x128xi32, #tpu.memory_space<vmem>> -> memref<128xi32, #tpu.memory_space<vmem>>
        %dma_wait3A_139 = arith.constant 0 : i32
        %dma_wait3A_140 = arith.constant 0 : i32
        %dma_wait3A_141 = tpu.memref_slice %arg3[%dma_wait3A_139, %dma_wait3A_140] : memref<10240x32xf32, #tpu.memory_space<hbm>> -> memref<10240x32xf32, #tpu.memory_space<hbm>>
        tpu.wait_indirect_dma semaphore(%arg21 : memref<!tpu.dma_semaphore, #tpu.memory_space<semaphore_mem>>) src(%dma_wait3A_141 : memref<10240x32xf32, #tpu.memory_space<hbm>>) dst(%arg13 : memref<128x32xf32, #tpu.memory_space<vmem>>)
        %dma_start3A_142 = arith.constant 0 : i32
        %dma_start3A_143 = tpu.memref_slice %arg7[%add3A_134, %dma_start3A_142] : memref<90x128xi32, #tpu.memory_space<vmem>> -> memref<1x128xi32, #tpu.memory_space<vmem>>
        %dma_start3A_144 = tpu.memref_squeeze %dma_start3A_143 : memref<1x128xi32, #tpu.memory_space<vmem>> -> memref<128xi32, #tpu.memory_space<vmem>>
        %dma_start3A_145 = arith.constant 0 : i32
        %dma_start3A_146 = arith.constant 0 : i32
        %dma_start3A_147 = tpu.memref_slice %arg16[%dma_start3A_145, %dma_start3A_146] : memref<10240x32xf32, #tpu.memory_space<vmem_shared>> -> memref<10240x32xf32, #tpu.memory_space<vmem_shared>>
        tpu.enqueue_indirect_dma source(%arg13 : memref<128x32xf32, #tpu.memory_space<vmem>>) target(%dma_start3A_147 : memref<10240x32xf32, #tpu.memory_space<vmem_shared>>) offsets(%dma_start3A_144 : memref<128xi32, #tpu.memory_space<vmem>>) semaphore(%arg27 : memref<!tpu.dma_semaphore, #tpu.memory_space<semaphore_mem>>) {add = true}
        %mul3A_148 = arith.constant 6 : i32
        %mul3A_149 = arith.muli %scan3A_80, %mul3A_148 : i32
        %add3A_150 = arith.constant 4 : i32
        %add3A_151 = arith.addi %mul3A_149, %add3A_150 : i32
        %dma_wait3A_152 = arith.constant 0 : i32
        %dma_wait3A_153 = arith.constant 0 : i32
        %dma_wait3A_154 = tpu.memref_slice %arg6[%dma_wait3A_152, %dma_wait3A_153] : memref<90x128xi32, #tpu.memory_space<vmem>> -> memref<1x128xi32, #tpu.memory_space<vmem>>
        %dma_wait3A_155 = tpu.memref_squeeze %dma_wait3A_154 : memref<1x128xi32, #tpu.memory_space<vmem>> -> memref<128xi32, #tpu.memory_space<vmem>>
        %dma_wait3A_156 = arith.constant 0 : i32
        %dma_wait3A_157 = arith.constant 0 : i32
        %dma_wait3A_158 = tpu.memref_slice %arg3[%dma_wait3A_156, %dma_wait3A_157] : memref<10240x32xf32, #tpu.memory_space<hbm>> -> memref<10240x32xf32, #tpu.memory_space<hbm>>
        tpu.wait_indirect_dma semaphore(%arg22 : memref<!tpu.dma_semaphore, #tpu.memory_space<semaphore_mem>>) src(%dma_wait3A_158 : memref<10240x32xf32, #tpu.memory_space<hbm>>) dst(%arg14 : memref<128x32xf32, #tpu.memory_space<vmem>>)
        %dma_start3A_159 = arith.constant 0 : i32
        %dma_start3A_160 = tpu.memref_slice %arg7[%add3A_151, %dma_start3A_159] : memref<90x128xi32, #tpu.memory_space<vmem>> -> memref<1x128xi32, #tpu.memory_space<vmem>>
        %dma_start3A_161 = tpu.memref_squeeze %dma_start3A_160 : memref<1x128xi32, #tpu.memory_space<vmem>> -> memref<128xi32, #tpu.memory_space<vmem>>
        %dma_start3A_162 = arith.constant 0 : i32
        %dma_start3A_163 = arith.constant 0 : i32
        %dma_start3A_164 = tpu.memref_slice %arg16[%dma_start3A_162, %dma_start3A_163] : memref<10240x32xf32, #tpu.memory_space<vmem_shared>> -> memref<10240x32xf32, #tpu.memory_space<vmem_shared>>
        tpu.enqueue_indirect_dma source(%arg14 : memref<128x32xf32, #tpu.memory_space<vmem>>) target(%dma_start3A_164 : memref<10240x32xf32, #tpu.memory_space<vmem_shared>>) offsets(%dma_start3A_161 : memref<128xi32, #tpu.memory_space<vmem>>) semaphore(%arg28 : memref<!tpu.dma_semaphore, #tpu.memory_space<semaphore_mem>>) {add = true}
        %mul3A_165 = arith.constant 6 : i32
        %mul3A_166 = arith.muli %scan3A_80, %mul3A_165 : i32
        %add3A_167 = arith.constant 5 : i32
        %add3A_168 = arith.addi %mul3A_166, %add3A_167 : i32
        %dma_wait3A_169 = arith.constant 0 : i32
        %dma_wait3A_170 = arith.constant 0 : i32
        %dma_wait3A_171 = tpu.memref_slice %arg6[%dma_wait3A_169, %dma_wait3A_170] : memref<90x128xi32, #tpu.memory_space<vmem>> -> memref<1x128xi32, #tpu.memory_space<vmem>>
        %dma_wait3A_172 = tpu.memref_squeeze %dma_wait3A_171 : memref<1x128xi32, #tpu.memory_space<vmem>> -> memref<128xi32, #tpu.memory_space<vmem>>
        %dma_wait3A_173 = arith.constant 0 : i32
        %dma_wait3A_174 = arith.constant 0 : i32
        %dma_wait3A_175 = tpu.memref_slice %arg3[%dma_wait3A_173, %dma_wait3A_174] : memref<10240x32xf32, #tpu.memory_space<hbm>> -> memref<10240x32xf32, #tpu.memory_space<hbm>>
        tpu.wait_indirect_dma semaphore(%arg23 : memref<!tpu.dma_semaphore, #tpu.memory_space<semaphore_mem>>) src(%dma_wait3A_175 : memref<10240x32xf32, #tpu.memory_space<hbm>>) dst(%arg15 : memref<128x32xf32, #tpu.memory_space<vmem>>)
        %dma_start3A_176 = arith.constant 0 : i32
        %dma_start3A_177 = tpu.memref_slice %arg7[%add3A_168, %dma_start3A_176] : memref<90x128xi32, #tpu.memory_space<vmem>> -> memref<1x128xi32, #tpu.memory_space<vmem>>
        %dma_start3A_178 = tpu.memref_squeeze %dma_start3A_177 : memref<1x128xi32, #tpu.memory_space<vmem>> -> memref<128xi32, #tpu.memory_space<vmem>>
        %dma_start3A_179 = arith.constant 0 : i32
        %dma_start3A_180 = arith.constant 0 : i32
        %dma_start3A_181 = tpu.memref_slice %arg16[%dma_start3A_179, %dma_start3A_180] : memref<10240x32xf32, #tpu.memory_space<vmem_shared>> -> memref<10240x32xf32, #tpu.memory_space<vmem_shared>>
        tpu.enqueue_indirect_dma source(%arg15 : memref<128x32xf32, #tpu.memory_space<vmem>>) target(%dma_start3A_181 : memref<10240x32xf32, #tpu.memory_space<vmem_shared>>) offsets(%dma_start3A_178 : memref<128xi32, #tpu.memory_space<vmem>>) semaphore(%arg29 : memref<!tpu.dma_semaphore, #tpu.memory_space<semaphore_mem>>) {add = true}
        %add3A_182 = arith.constant 1 : i32
        %add3A_183 = arith.addi %scan3A_80, %add3A_182 : i32
        %mul3A_184 = arith.constant 6 : i32
        %mul3A_185 = arith.muli %add3A_183, %mul3A_184 : i32
        %add3A_186 = arith.constant 0 : i32
        %add3A_187 = arith.addi %mul3A_185, %add3A_186 : i32
        %dma_wait3A_188 = arith.constant 0 : i32
        %dma_wait3A_189 = arith.constant 0 : i32
        %dma_wait3A_190 = tpu.memref_slice %arg7[%dma_wait3A_188, %dma_wait3A_189] : memref<90x128xi32, #tpu.memory_space<vmem>> -> memref<1x128xi32, #tpu.memory_space<vmem>>
        %dma_wait3A_191 = tpu.memref_squeeze %dma_wait3A_190 : memref<1x128xi32, #tpu.memory_space<vmem>> -> memref<128xi32, #tpu.memory_space<vmem>>
        %dma_wait3A_192 = arith.constant 0 : i32
        %dma_wait3A_193 = arith.constant 0 : i32
        %dma_wait3A_194 = tpu.memref_slice %arg16[%dma_wait3A_192, %dma_wait3A_193] : memref<10240x32xf32, #tpu.memory_space<vmem_shared>> -> memref<10240x32xf32, #tpu.memory_space<vmem_shared>>
        tpu.wait_indirect_dma semaphore(%arg24 : memref<!tpu.dma_semaphore, #tpu.memory_space<semaphore_mem>>) src(%arg10 : memref<128x32xf32, #tpu.memory_space<vmem>>) dst(%dma_wait3A_194 : memref<10240x32xf32, #tpu.memory_space<vmem_shared>>)
        %lt3A_195 = arith.constant 66 : i32
        %lt3A_196 = arith.cmpi slt, %add3A_187, %lt3A_195 : i32
        %convert_element_type3A_197 = arith.extui %lt3A_196 : i1 to i32
        %cond3A_198 = arith.constant 0 : i32
        %cond3A_199 = arith.cmpi ne, %convert_element_type3A_197, %cond3A_198 : i32
        scf.if %cond3A_199 {
          %dma_start3A_290 = arith.constant 0 : i32
          %dma_start3A_291 = tpu.memref_slice %arg6[%add3A_187, %dma_start3A_290] : memref<90x128xi32, #tpu.memory_space<vmem>> -> memref<1x128xi32, #tpu.memory_space<vmem>>
          %dma_start3A_292 = tpu.memref_squeeze %dma_start3A_291 : memref<1x128xi32, #tpu.memory_space<vmem>> -> memref<128xi32, #tpu.memory_space<vmem>>
          %dma_start3A_293 = arith.constant 0 : i32
          %dma_start3A_294 = arith.constant 0 : i32
          %dma_start3A_295 = tpu.memref_slice %arg17[%dma_start3A_293, %dma_start3A_294] : memref<10240x32xf32, #tpu.memory_space<vmem_shared>> -> memref<10240x32xf32, #tpu.memory_space<vmem_shared>>
          tpu.enqueue_indirect_dma source(%dma_start3A_295 : memref<10240x32xf32, #tpu.memory_space<vmem_shared>>) target(%arg10 : memref<128x32xf32, #tpu.memory_space<vmem>>) offsets(%dma_start3A_292 : memref<128xi32, #tpu.memory_space<vmem>>) semaphore(%arg18 : memref<!tpu.dma_semaphore, #tpu.memory_space<semaphore_mem>>)
        } else {
        }
        %add3A_200 = arith.constant 1 : i32
        %add3A_201 = arith.addi %scan3A_80, %add3A_200 : i32
        %mul3A_202 = arith.constant 6 : i32
        %mul3A_203 = arith.muli %add3A_201, %mul3A_202 : i32
        %add3A_204 = arith.constant 1 : i32
        %add3A_205 = arith.addi %mul3A_203, %add3A_204 : i32
        %dma_wait3A_206 = arith.constant 0 : i32
        %dma_wait3A_207 = arith.constant 0 : i32
        %dma_wait3A_208 = tpu.memref_slice %arg7[%dma_wait3A_206, %dma_wait3A_207] : memref<90x128xi32, #tpu.memory_space<vmem>> -> memref<1x128xi32, #tpu.memory_space<vmem>>
        %dma_wait3A_209 = tpu.memref_squeeze %dma_wait3A_208 : memref<1x128xi32, #tpu.memory_space<vmem>> -> memref<128xi32, #tpu.memory_space<vmem>>
        %dma_wait3A_210 = arith.constant 0 : i32
        %dma_wait3A_211 = arith.constant 0 : i32
        %dma_wait3A_212 = tpu.memref_slice %arg16[%dma_wait3A_210, %dma_wait3A_211] : memref<10240x32xf32, #tpu.memory_space<vmem_shared>> -> memref<10240x32xf32, #tpu.memory_space<vmem_shared>>
        tpu.wait_indirect_dma semaphore(%arg25 : memref<!tpu.dma_semaphore, #tpu.memory_space<semaphore_mem>>) src(%arg11 : memref<128x32xf32, #tpu.memory_space<vmem>>) dst(%dma_wait3A_212 : memref<10240x32xf32, #tpu.memory_space<vmem_shared>>)
        %lt3A_213 = arith.constant 66 : i32
        %lt3A_214 = arith.cmpi slt, %add3A_205, %lt3A_213 : i32
        %convert_element_type3A_215 = arith.extui %lt3A_214 : i1 to i32
        %cond3A_216 = arith.constant 0 : i32
        %cond3A_217 = arith.cmpi ne, %convert_element_type3A_215, %cond3A_216 : i32
        scf.if %cond3A_217 {
          %dma_start3A_290 = arith.constant 0 : i32
          %dma_start3A_291 = tpu.memref_slice %arg6[%add3A_205, %dma_start3A_290] : memref<90x128xi32, #tpu.memory_space<vmem>> -> memref<1x128xi32, #tpu.memory_space<vmem>>
          %dma_start3A_292 = tpu.memref_squeeze %dma_start3A_291 : memref<1x128xi32, #tpu.memory_space<vmem>> -> memref<128xi32, #tpu.memory_space<vmem>>
          %dma_start3A_293 = arith.constant 0 : i32
          %dma_start3A_294 = arith.constant 0 : i32
          %dma_start3A_295 = tpu.memref_slice %arg17[%dma_start3A_293, %dma_start3A_294] : memref<10240x32xf32, #tpu.memory_space<vmem_shared>> -> memref<10240x32xf32, #tpu.memory_space<vmem_shared>>
          tpu.enqueue_indirect_dma source(%dma_start3A_295 : memref<10240x32xf32, #tpu.memory_space<vmem_shared>>) target(%arg11 : memref<128x32xf32, #tpu.memory_space<vmem>>) offsets(%dma_start3A_292 : memref<128xi32, #tpu.memory_space<vmem>>) semaphore(%arg19 : memref<!tpu.dma_semaphore, #tpu.memory_space<semaphore_mem>>)
        } else {
        }
        %add3A_218 = arith.constant 1 : i32
        %add3A_219 = arith.addi %scan3A_80, %add3A_218 : i32
        %mul3A_220 = arith.constant 6 : i32
        %mul3A_221 = arith.muli %add3A_219, %mul3A_220 : i32
        %add3A_222 = arith.constant 2 : i32
        %add3A_223 = arith.addi %mul3A_221, %add3A_222 : i32
        %dma_wait3A_224 = arith.constant 0 : i32
        %dma_wait3A_225 = arith.constant 0 : i32
        %dma_wait3A_226 = tpu.memref_slice %arg7[%dma_wait3A_224, %dma_wait3A_225] : memref<90x128xi32, #tpu.memory_space<vmem>> -> memref<1x128xi32, #tpu.memory_space<vmem>>
        %dma_wait3A_227 = tpu.memref_squeeze %dma_wait3A_226 : memref<1x128xi32, #tpu.memory_space<vmem>> -> memref<128xi32, #tpu.memory_space<vmem>>
        %dma_wait3A_228 = arith.constant 0 : i32
        %dma_wait3A_229 = arith.constant 0 : i32
        %dma_wait3A_230 = tpu.memref_slice %arg16[%dma_wait3A_228, %dma_wait3A_229] : memref<10240x32xf32, #tpu.memory_space<vmem_shared>> -> memref<10240x32xf32, #tpu.memory_space<vmem_shared>>
        tpu.wait_indirect_dma semaphore(%arg26 : memref<!tpu.dma_semaphore, #tpu.memory_space<semaphore_mem>>) src(%arg12 : memref<128x32xf32, #tpu.memory_space<vmem>>) dst(%dma_wait3A_230 : memref<10240x32xf32, #tpu.memory_space<vmem_shared>>)
        %lt3A_231 = arith.constant 66 : i32
        %lt3A_232 = arith.cmpi slt, %add3A_223, %lt3A_231 : i32
        %convert_element_type3A_233 = arith.extui %lt3A_232 : i1 to i32
        %cond3A_234 = arith.constant 0 : i32
        %cond3A_235 = arith.cmpi ne, %convert_element_type3A_233, %cond3A_234 : i32
        scf.if %cond3A_235 {
          %dma_start3A_290 = arith.constant 0 : i32
          %dma_start3A_291 = tpu.memref_slice %arg6[%add3A_223, %dma_start3A_290] : memref<90x128xi32, #tpu.memory_space<vmem>> -> memref<1x128xi32, #tpu.memory_space<vmem>>
          %dma_start3A_292 = tpu.memref_squeeze %dma_start3A_291 : memref<1x128xi32, #tpu.memory_space<vmem>> -> memref<128xi32, #tpu.memory_space<vmem>>
          %dma_start3A_293 = arith.constant 0 : i32
          %dma_start3A_294 = arith.constant 0 : i32
          %dma_start3A_295 = tpu.memref_slice %arg17[%dma_start3A_293, %dma_start3A_294] : memref<10240x32xf32, #tpu.memory_space<vmem_shared>> -> memref<10240x32xf32, #tpu.memory_space<vmem_shared>>
          tpu.enqueue_indirect_dma source(%dma_start3A_295 : memref<10240x32xf32, #tpu.memory_space<vmem_shared>>) target(%arg12 : memref<128x32xf32, #tpu.memory_space<vmem>>) offsets(%dma_start3A_292 : memref<128xi32, #tpu.memory_space<vmem>>) semaphore(%arg20 : memref<!tpu.dma_semaphore, #tpu.memory_space<semaphore_mem>>)
        } else {
        }
        %add3A_236 = arith.constant 1 : i32
        %add3A_237 = arith.addi %scan3A_80, %add3A_236 : i32
        %mul3A_238 = arith.constant 6 : i32
        %mul3A_239 = arith.muli %add3A_237, %mul3A_238 : i32
        %add3A_240 = arith.constant 3 : i32
        %add3A_241 = arith.addi %mul3A_239, %add3A_240 : i32
        %dma_wait3A_242 = arith.constant 0 : i32
        %dma_wait3A_243 = arith.constant 0 : i32
        %dma_wait3A_244 = tpu.memref_slice %arg7[%dma_wait3A_242, %dma_wait3A_243] : memref<90x128xi32, #tpu.memory_space<vmem>> -> memref<1x128xi32, #tpu.memory_space<vmem>>
        %dma_wait3A_245 = tpu.memref_squeeze %dma_wait3A_244 : memref<1x128xi32, #tpu.memory_space<vmem>> -> memref<128xi32, #tpu.memory_space<vmem>>
        %dma_wait3A_246 = arith.constant 0 : i32
        %dma_wait3A_247 = arith.constant 0 : i32
        %dma_wait3A_248 = tpu.memref_slice %arg16[%dma_wait3A_246, %dma_wait3A_247] : memref<10240x32xf32, #tpu.memory_space<vmem_shared>> -> memref<10240x32xf32, #tpu.memory_space<vmem_shared>>
        tpu.wait_indirect_dma semaphore(%arg27 : memref<!tpu.dma_semaphore, #tpu.memory_space<semaphore_mem>>) src(%arg13 : memref<128x32xf32, #tpu.memory_space<vmem>>) dst(%dma_wait3A_248 : memref<10240x32xf32, #tpu.memory_space<vmem_shared>>)
        %lt3A_249 = arith.constant 66 : i32
        %lt3A_250 = arith.cmpi slt, %add3A_241, %lt3A_249 : i32
        %convert_element_type3A_251 = arith.extui %lt3A_250 : i1 to i32
        %cond3A_252 = arith.constant 0 : i32
        %cond3A_253 = arith.cmpi ne, %convert_element_type3A_251, %cond3A_252 : i32
        scf.if %cond3A_253 {
          %dma_start3A_290 = arith.constant 0 : i32
          %dma_start3A_291 = tpu.memref_slice %arg6[%add3A_241, %dma_start3A_290] : memref<90x128xi32, #tpu.memory_space<vmem>> -> memref<1x128xi32, #tpu.memory_space<vmem>>
          %dma_start3A_292 = tpu.memref_squeeze %dma_start3A_291 : memref<1x128xi32, #tpu.memory_space<vmem>> -> memref<128xi32, #tpu.memory_space<vmem>>
          %dma_start3A_293 = arith.constant 0 : i32
          %dma_start3A_294 = arith.constant 0 : i32
          %dma_start3A_295 = tpu.memref_slice %arg17[%dma_start3A_293, %dma_start3A_294] : memref<10240x32xf32, #tpu.memory_space<vmem_shared>> -> memref<10240x32xf32, #tpu.memory_space<vmem_shared>>
          tpu.enqueue_indirect_dma source(%dma_start3A_295 : memref<10240x32xf32, #tpu.memory_space<vmem_shared>>) target(%arg13 : memref<128x32xf32, #tpu.memory_space<vmem>>) offsets(%dma_start3A_292 : memref<128xi32, #tpu.memory_space<vmem>>) semaphore(%arg21 : memref<!tpu.dma_semaphore, #tpu.memory_space<semaphore_mem>>)
        } else {
        }
        %add3A_254 = arith.constant 1 : i32
        %add3A_255 = arith.addi %scan3A_80, %add3A_254 : i32
        %mul3A_256 = arith.constant 6 : i32
        %mul3A_257 = arith.muli %add3A_255, %mul3A_256 : i32
        %add3A_258 = arith.constant 4 : i32
        %add3A_259 = arith.addi %mul3A_257, %add3A_258 : i32
        %dma_wait3A_260 = arith.constant 0 : i32
        %dma_wait3A_261 = arith.constant 0 : i32
        %dma_wait3A_262 = tpu.memref_slice %arg7[%dma_wait3A_260, %dma_wait3A_261] : memref<90x128xi32, #tpu.memory_space<vmem>> -> memref<1x128xi32, #tpu.memory_space<vmem>>
        %dma_wait3A_263 = tpu.memref_squeeze %dma_wait3A_262 : memref<1x128xi32, #tpu.memory_space<vmem>> -> memref<128xi32, #tpu.memory_space<vmem>>
        %dma_wait3A_264 = arith.constant 0 : i32
        %dma_wait3A_265 = arith.constant 0 : i32
        %dma_wait3A_266 = tpu.memref_slice %arg16[%dma_wait3A_264, %dma_wait3A_265] : memref<10240x32xf32, #tpu.memory_space<vmem_shared>> -> memref<10240x32xf32, #tpu.memory_space<vmem_shared>>
        tpu.wait_indirect_dma semaphore(%arg28 : memref<!tpu.dma_semaphore, #tpu.memory_space<semaphore_mem>>) src(%arg14 : memref<128x32xf32, #tpu.memory_space<vmem>>) dst(%dma_wait3A_266 : memref<10240x32xf32, #tpu.memory_space<vmem_shared>>)
        %lt3A_267 = arith.constant 66 : i32
        %lt3A_268 = arith.cmpi slt, %add3A_259, %lt3A_267 : i32
        %convert_element_type3A_269 = arith.extui %lt3A_268 : i1 to i32
        %cond3A_270 = arith.constant 0 : i32
        %cond3A_271 = arith.cmpi ne, %convert_element_type3A_269, %cond3A_270 : i32
        scf.if %cond3A_271 {
          %dma_start3A_290 = arith.constant 0 : i32
          %dma_start3A_291 = tpu.memref_slice %arg6[%add3A_259, %dma_start3A_290] : memref<90x128xi32, #tpu.memory_space<vmem>> -> memref<1x128xi32, #tpu.memory_space<vmem>>
          %dma_start3A_292 = tpu.memref_squeeze %dma_start3A_291 : memref<1x128xi32, #tpu.memory_space<vmem>> -> memref<128xi32, #tpu.memory_space<vmem>>
          %dma_start3A_293 = arith.constant 0 : i32
          %dma_start3A_294 = arith.constant 0 : i32
          %dma_start3A_295 = tpu.memref_slice %arg17[%dma_start3A_293, %dma_start3A_294] : memref<10240x32xf32, #tpu.memory_space<vmem_shared>> -> memref<10240x32xf32, #tpu.memory_space<vmem_shared>>
          tpu.enqueue_indirect_dma source(%dma_start3A_295 : memref<10240x32xf32, #tpu.memory_space<vmem_shared>>) target(%arg14 : memref<128x32xf32, #tpu.memory_space<vmem>>) offsets(%dma_start3A_292 : memref<128xi32, #tpu.memory_space<vmem>>) semaphore(%arg22 : memref<!tpu.dma_semaphore, #tpu.memory_space<semaphore_mem>>)
        } else {
        }
        %add3A_272 = arith.constant 1 : i32
        %add3A_273 = arith.addi %scan3A_80, %add3A_272 : i32
        %mul3A_274 = arith.constant 6 : i32
        %mul3A_275 = arith.muli %add3A_273, %mul3A_274 : i32
        %add3A_276 = arith.constant 5 : i32
        %add3A_277 = arith.addi %mul3A_275, %add3A_276 : i32
        %dma_wait3A_278 = arith.constant 0 : i32
        %dma_wait3A_279 = arith.constant 0 : i32
        %dma_wait3A_280 = tpu.memref_slice %arg7[%dma_wait3A_278, %dma_wait3A_279] : memref<90x128xi32, #tpu.memory_space<vmem>> -> memref<1x128xi32, #tpu.memory_space<vmem>>
        %dma_wait3A_281 = tpu.memref_squeeze %dma_wait3A_280 : memref<1x128xi32, #tpu.memory_space<vmem>> -> memref<128xi32, #tpu.memory_space<vmem>>
        %dma_wait3A_282 = arith.constant 0 : i32
        %dma_wait3A_283 = arith.constant 0 : i32
        %dma_wait3A_284 = tpu.memref_slice %arg16[%dma_wait3A_282, %dma_wait3A_283] : memref<10240x32xf32, #tpu.memory_space<vmem_shared>> -> memref<10240x32xf32, #tpu.memory_space<vmem_shared>>
        tpu.wait_indirect_dma semaphore(%arg29 : memref<!tpu.dma_semaphore, #tpu.memory_space<semaphore_mem>>) src(%arg15 : memref<128x32xf32, #tpu.memory_space<vmem>>) dst(%dma_wait3A_284 : memref<10240x32xf32, #tpu.memory_space<vmem_shared>>)
        %lt3A_285 = arith.constant 66 : i32
        %lt3A_286 = arith.cmpi slt, %add3A_277, %lt3A_285 : i32
        %convert_element_type3A_287 = arith.extui %lt3A_286 : i1 to i32
        %cond3A_288 = arith.constant 0 : i32
        %cond3A_289 = arith.cmpi ne, %convert_element_type3A_287, %cond3A_288 : i32
        scf.if %cond3A_289 {
          %dma_start3A_290 = arith.constant 0 : i32
          %dma_start3A_291 = tpu.memref_slice %arg6[%add3A_277, %dma_start3A_290] : memref<90x128xi32, #tpu.memory_space<vmem>> -> memref<1x128xi32, #tpu.memory_space<vmem>>
          %dma_start3A_292 = tpu.memref_squeeze %dma_start3A_291 : memref<1x128xi32, #tpu.memory_space<vmem>> -> memref<128xi32, #tpu.memory_space<vmem>>
          %dma_start3A_293 = arith.constant 0 : i32
          %dma_start3A_294 = arith.constant 0 : i32
          %dma_start3A_295 = tpu.memref_slice %arg17[%dma_start3A_293, %dma_start3A_294] : memref<10240x32xf32, #tpu.memory_space<vmem_shared>> -> memref<10240x32xf32, #tpu.memory_space<vmem_shared>>
          tpu.enqueue_indirect_dma source(%dma_start3A_295 : memref<10240x32xf32, #tpu.memory_space<vmem_shared>>) target(%arg15 : memref<128x32xf32, #tpu.memory_space<vmem>>) offsets(%dma_start3A_292 : memref<128xi32, #tpu.memory_space<vmem>>) semaphore(%arg23 : memref<!tpu.dma_semaphore, #tpu.memory_space<semaphore_mem>>)
        } else {
        }
      }
      %scan3A_79 = arith.constant 11 : i32
    } else {
    }
    %eq3A_17 = arith.constant 0 : i32
    %eq3A_18 = arith.cmpi eq, %arg0, %eq3A_17 : i32
    %lt3A = arith.constant 4 : i32
    %lt3A_19 = arith.cmpi slt, %arg1, %lt3A : i32
    %and3A = arith.andi %eq3A_18, %lt3A_19 : i1
    %convert_element_type3A_20 = arith.extui %and3A : i1 to i32
    %cond3A_21 = arith.constant 0 : i32
    %cond3A_22 = arith.constant 1 : i32
    %cond3A_23 = arith.constant 0 : i32
    %cond3A_24 = arith.cmpi ne, %convert_element_type3A_20, %cond3A_23 : i32
    scf.if %cond3A_24 {
      %add3A_30 = arith.constant 2496 : i32
      %add3A_31 = arith.addi %add3A_30, %arg1 : i32
      "tpu.region"() ({
        %run_scoped3A_46 = tpu.sem_alloc : memref<!tpu.dma_semaphore, #tpu.memory_space<semaphore_mem>>
        %dma_start3A_47 = arith.constant 0 : i32
        %dma_start3A_48 = arith.constant 0 : i32
        %dma_start3A_49 = tpu.memref_slice %arg2[%cond3A_21, %dma_start3A_47, %dma_start3A_48] : memref<2x2500x128xi32, #tpu.memory_space<hbm>> -> memref<1x2500x128xi32, #tpu.memory_space<hbm>>
        %dma_start3A_50 = tpu.memref_squeeze %dma_start3A_49 : memref<1x2500x128xi32, #tpu.memory_space<hbm>> -> memref<2500x128xi32, #tpu.memory_space<hbm>>
        %dma_start3A_51 = arith.constant 0 : i32
        %dma_start3A_52 = tpu.memref_slice %dma_start3A_50[%add3A_31, %dma_start3A_51] : memref<2500x128xi32, #tpu.memory_space<hbm>> -> memref<1x128xi32, #tpu.memory_space<hbm>>
        %dma_start3A_53 = arith.constant 0 : i32
        %dma_start3A_54 = arith.constant 0 : i32
        %dma_start3A_55 = tpu.memref_slice %arg2[%cond3A_21, %dma_start3A_53, %dma_start3A_54] : memref<2x2500x128xi32, #tpu.memory_space<hbm>> -> memref<1x2500x128xi32, #tpu.memory_space<hbm>>
        %dma_start3A_56 = tpu.memref_squeeze %dma_start3A_55 : memref<1x2500x128xi32, #tpu.memory_space<hbm>> -> memref<2500x128xi32, #tpu.memory_space<hbm>>
        %dma_start3A_57 = arith.constant 0 : i32
        %dma_start3A_58 = tpu.memref_slice %dma_start3A_56[%add3A_31, %dma_start3A_57] : memref<2500x128xi32, #tpu.memory_space<hbm>> -> memref<1x128xi32, #tpu.memory_space<hbm>>
        tpu.enqueue_dma source(%dma_start3A_58 : memref<1x128xi32, #tpu.memory_space<hbm>>) target(%arg8 : memref<1x128xi32, #tpu.memory_space<vmem>>) target_semaphore(%run_scoped3A_46 : memref<!tpu.dma_semaphore, #tpu.memory_space<semaphore_mem>>)
        %dma_wait3A_59 = arith.constant 0 : i32
        %dma_wait3A_60 = arith.constant 0 : i32
        %dma_wait3A_61 = tpu.memref_slice %arg2[%cond3A_21, %dma_wait3A_59, %dma_wait3A_60] : memref<2x2500x128xi32, #tpu.memory_space<hbm>> -> memref<1x2500x128xi32, #tpu.memory_space<hbm>>
        %dma_wait3A_62 = tpu.memref_squeeze %dma_wait3A_61 : memref<1x2500x128xi32, #tpu.memory_space<hbm>> -> memref<2500x128xi32, #tpu.memory_space<hbm>>
        %dma_wait3A_63 = arith.constant 0 : i32
        %dma_wait3A_64 = tpu.memref_slice %dma_wait3A_62[%add3A_31, %dma_wait3A_63] : memref<2500x128xi32, #tpu.memory_space<hbm>> -> memref<1x128xi32, #tpu.memory_space<hbm>>
        %dma_wait3A_65 = arith.constant 0 : i32
        %dma_wait3A_66 = arith.constant 0 : i32
        %dma_wait3A_67 = tpu.memref_slice %arg2[%cond3A_21, %dma_wait3A_65, %dma_wait3A_66] : memref<2x2500x128xi32, #tpu.memory_space<hbm>> -> memref<1x2500x128xi32, #tpu.memory_space<hbm>>
        %dma_wait3A_68 = tpu.memref_squeeze %dma_wait3A_67 : memref<1x2500x128xi32, #tpu.memory_space<hbm>> -> memref<2500x128xi32, #tpu.memory_space<hbm>>
        %dma_wait3A_69 = arith.constant 0 : i32
        %dma_wait3A_70 = tpu.memref_slice %dma_wait3A_68[%add3A_31, %dma_wait3A_69] : memref<2500x128xi32, #tpu.memory_space<hbm>> -> memref<1x128xi32, #tpu.memory_space<hbm>>
        tpu.wait_dma2 semaphore(%run_scoped3A_46 : memref<!tpu.dma_semaphore, #tpu.memory_space<semaphore_mem>>) src(%dma_wait3A_70 : memref<1x128xi32, #tpu.memory_space<hbm>>) dst(%arg8 : memref<1x128xi32, #tpu.memory_space<vmem>>)
        tpu.yield
      }) : () -> ()
      %add3A_32 = arith.constant 2496 : i32
      %add3A_33 = arith.addi %add3A_32, %arg1 : i32
      "tpu.region"() ({
        %run_scoped3A_46 = tpu.sem_alloc : memref<!tpu.dma_semaphore, #tpu.memory_space<semaphore_mem>>
        %dma_start3A_47 = arith.constant 0 : i32
        %dma_start3A_48 = arith.constant 0 : i32
        %dma_start3A_49 = tpu.memref_slice %arg2[%cond3A_22, %dma_start3A_47, %dma_start3A_48] : memref<2x2500x128xi32, #tpu.memory_space<hbm>> -> memref<1x2500x128xi32, #tpu.memory_space<hbm>>
        %dma_start3A_50 = tpu.memref_squeeze %dma_start3A_49 : memref<1x2500x128xi32, #tpu.memory_space<hbm>> -> memref<2500x128xi32, #tpu.memory_space<hbm>>
        %dma_start3A_51 = arith.constant 0 : i32
        %dma_start3A_52 = tpu.memref_slice %dma_start3A_50[%add3A_33, %dma_start3A_51] : memref<2500x128xi32, #tpu.memory_space<hbm>> -> memref<1x128xi32, #tpu.memory_space<hbm>>
        %dma_start3A_53 = arith.constant 0 : i32
        %dma_start3A_54 = arith.constant 0 : i32
        %dma_start3A_55 = tpu.memref_slice %arg2[%cond3A_22, %dma_start3A_53, %dma_start3A_54] : memref<2x2500x128xi32, #tpu.memory_space<hbm>> -> memref<1x2500x128xi32, #tpu.memory_space<hbm>>
        %dma_start3A_56 = tpu.memref_squeeze %dma_start3A_55 : memref<1x2500x128xi32, #tpu.memory_space<hbm>> -> memref<2500x128xi32, #tpu.memory_space<hbm>>
        %dma_start3A_57 = arith.constant 0 : i32
        %dma_start3A_58 = tpu.memref_slice %dma_start3A_56[%add3A_33, %dma_start3A_57] : memref<2500x128xi32, #tpu.memory_space<hbm>> -> memref<1x128xi32, #tpu.memory_space<hbm>>
        tpu.enqueue_dma source(%dma_start3A_58 : memref<1x128xi32, #tpu.memory_space<hbm>>) target(%arg9 : memref<1x128xi32, #tpu.memory_space<vmem>>) target_semaphore(%run_scoped3A_46 : memref<!tpu.dma_semaphore, #tpu.memory_space<semaphore_mem>>)
        %dma_wait3A_59 = arith.constant 0 : i32
        %dma_wait3A_60 = arith.constant 0 : i32
        %dma_wait3A_61 = tpu.memref_slice %arg2[%cond3A_22, %dma_wait3A_59, %dma_wait3A_60] : memref<2x2500x128xi32, #tpu.memory_space<hbm>> -> memref<1x2500x128xi32, #tpu.memory_space<hbm>>
        %dma_wait3A_62 = tpu.memref_squeeze %dma_wait3A_61 : memref<1x2500x128xi32, #tpu.memory_space<hbm>> -> memref<2500x128xi32, #tpu.memory_space<hbm>>
        %dma_wait3A_63 = arith.constant 0 : i32
        %dma_wait3A_64 = tpu.memref_slice %dma_wait3A_62[%add3A_33, %dma_wait3A_63] : memref<2500x128xi32, #tpu.memory_space<hbm>> -> memref<1x128xi32, #tpu.memory_space<hbm>>
        %dma_wait3A_65 = arith.constant 0 : i32
        %dma_wait3A_66 = arith.constant 0 : i32
        %dma_wait3A_67 = tpu.memref_slice %arg2[%cond3A_22, %dma_wait3A_65, %dma_wait3A_66] : memref<2x2500x128xi32, #tpu.memory_space<hbm>> -> memref<1x2500x128xi32, #tpu.memory_space<hbm>>
        %dma_wait3A_68 = tpu.memref_squeeze %dma_wait3A_67 : memref<1x2500x128xi32, #tpu.memory_space<hbm>> -> memref<2500x128xi32, #tpu.memory_space<hbm>>
        %dma_wait3A_69 = arith.constant 0 : i32
        %dma_wait3A_70 = tpu.memref_slice %dma_wait3A_68[%add3A_33, %dma_wait3A_69] : memref<2500x128xi32, #tpu.memory_space<hbm>> -> memref<1x128xi32, #tpu.memory_space<hbm>>
        tpu.wait_dma2 semaphore(%run_scoped3A_46 : memref<!tpu.dma_semaphore, #tpu.memory_space<semaphore_mem>>) src(%dma_wait3A_70 : memref<1x128xi32, #tpu.memory_space<hbm>>) dst(%arg9 : memref<1x128xi32, #tpu.memory_space<vmem>>)
        tpu.yield
      }) : () -> ()
      %dma_start3A = arith.constant 0 : i32
      %dma_start3A_34 = arith.constant 0 : i32
      %dma_start3A_35 = tpu.memref_slice %arg8[%dma_start3A, %dma_start3A_34] : memref<1x128xi32, #tpu.memory_space<vmem>> -> memref<1x128xi32, #tpu.memory_space<vmem>>
      %dma_start3A_36 = tpu.memref_squeeze %dma_start3A_35 : memref<1x128xi32, #tpu.memory_space<vmem>> -> memref<128xi32, #tpu.memory_space<vmem>>
      %dma_start3A_37 = arith.constant 0 : i32
      %dma_start3A_38 = arith.constant 0 : i32
      %dma_start3A_39 = tpu.memref_slice %arg3[%dma_start3A_37, %dma_start3A_38] : memref<10240x32xf32, #tpu.memory_space<hbm>> -> memref<10240x32xf32, #tpu.memory_space<hbm>>
      tpu.enqueue_indirect_dma source(%dma_start3A_39 : memref<10240x32xf32, #tpu.memory_space<hbm>>) target(%arg10 : memref<128x32xf32, #tpu.memory_space<vmem>>) offsets(%dma_start3A_36 : memref<128xi32, #tpu.memory_space<vmem>>) semaphore(%arg18 : memref<!tpu.dma_semaphore, #tpu.memory_space<semaphore_mem>>)
      %dma_wait3A = arith.constant 0 : i32
      %dma_wait3A_40 = arith.constant 0 : i32
      %dma_wait3A_41 = tpu.memref_slice %arg8[%dma_wait3A, %dma_wait3A_40] : memref<1x128xi32, #tpu.memory_space<vmem>> -> memref<1x128xi32, #tpu.memory_space<vmem>>
      %dma_wait3A_42 = tpu.memref_squeeze %dma_wait3A_41 : memref<1x128xi32, #tpu.memory_space<vmem>> -> memref<128xi32, #tpu.memory_space<vmem>>
      %dma_wait3A_43 = arith.constant 0 : i32
      %dma_wait3A_44 = arith.constant 0 : i32
      %dma_wait3A_45 = tpu.memref_slice %arg3[%dma_wait3A_43, %dma_wait3A_44] : memref<10240x32xf32, #tpu.memory_space<hbm>> -> memref<10240x32xf32, #tpu.memory_space<hbm>>
      tpu.wait_indirect_dma semaphore(%arg18 : memref<!tpu.dma_semaphore, #tpu.memory_space<semaphore_mem>>) src(%dma_wait3A_45 : memref<10240x32xf32, #tpu.memory_space<hbm>>) dst(%arg10 : memref<128x32xf32, #tpu.memory_space<vmem>>)
      %run_scoped3A = arith.constant 0 : i32
      "tpu.region"() ({
        %run_scoped3A_46 = tpu.sem_alloc : memref<!tpu.dma_semaphore, #tpu.memory_space<semaphore_mem>>
        %dma_start3A_47 = arith.constant 0 : i32
        %dma_start3A_48 = tpu.memref_slice %arg9[%run_scoped3A, %dma_start3A_47] : memref<1x128xi32, #tpu.memory_space<vmem>> -> memref<1x128xi32, #tpu.memory_space<vmem>>
        %dma_start3A_49 = tpu.memref_squeeze %dma_start3A_48 : memref<1x128xi32, #tpu.memory_space<vmem>> -> memref<128xi32, #tpu.memory_space<vmem>>
        %dma_start3A_50 = arith.constant 0 : i32
        %dma_start3A_51 = arith.constant 0 : i32
        %dma_start3A_52 = tpu.memref_slice %arg16[%dma_start3A_50, %dma_start3A_51] : memref<10240x32xf32, #tpu.memory_space<vmem_shared>> -> memref<10240x32xf32, #tpu.memory_space<vmem_shared>>
        tpu.enqueue_indirect_dma source(%arg10 : memref<128x32xf32, #tpu.memory_space<vmem>>) target(%dma_start3A_52 : memref<10240x32xf32, #tpu.memory_space<vmem_shared>>) offsets(%dma_start3A_49 : memref<128xi32, #tpu.memory_space<vmem>>) semaphore(%run_scoped3A_46 : memref<!tpu.dma_semaphore, #tpu.memory_space<semaphore_mem>>) {add = true}
        %dma_wait3A_53 = arith.constant 0 : i32
        %dma_wait3A_54 = tpu.memref_slice %arg9[%run_scoped3A, %dma_wait3A_53] : memref<1x128xi32, #tpu.memory_space<vmem>> -> memref<1x128xi32, #tpu.memory_space<vmem>>
        %dma_wait3A_55 = tpu.memref_squeeze %dma_wait3A_54 : memref<1x128xi32, #tpu.memory_space<vmem>> -> memref<128xi32, #tpu.memory_space<vmem>>
        %dma_wait3A_56 = arith.constant 0 : i32
        %dma_wait3A_57 = arith.constant 0 : i32
        %dma_wait3A_58 = tpu.memref_slice %arg16[%dma_wait3A_56, %dma_wait3A_57] : memref<10240x32xf32, #tpu.memory_space<vmem_shared>> -> memref<10240x32xf32, #tpu.memory_space<vmem_shared>>
        tpu.wait_indirect_dma semaphore(%run_scoped3A_46 : memref<!tpu.dma_semaphore, #tpu.memory_space<semaphore_mem>>) src(%arg10 : memref<128x32xf32, #tpu.memory_space<vmem>>) dst(%dma_wait3A_58 : memref<10240x32xf32, #tpu.memory_space<vmem_shared>>)
        tpu.yield
      }) : () -> ()
    } else {
    }
    %barrier3A_25 = arith.constant 0 : index
    tpu.barrier barrier_id(%barrier3A_25)
    %mul3A_26 = arith.constant 640 : i32
    %mul3A_27 = arith.muli %arg1, %mul3A_26 : i32
    %mul3A_28 = arith.constant 640 : i32
    %mul3A_29 = arith.muli %arg1, %mul3A_28 : i32
    "tpu.region"() ({
      %run_scoped3A = tpu.sem_alloc : memref<!tpu.dma_semaphore, #tpu.memory_space<semaphore_mem>>
      %dma_start3A = arith.constant 0 : i32
      %dma_start3A_30 = tpu.memref_slice %arg5[%arg0, %mul3A_29, %dma_start3A] : memref<2x10240x32xf32, #tpu.memory_space<hbm>> -> memref<1x640x32xf32, #tpu.memory_space<hbm>>
      %dma_start3A_31 = tpu.memref_squeeze %dma_start3A_30 : memref<1x640x32xf32, #tpu.memory_space<hbm>> -> memref<640x32xf32, #tpu.memory_space<hbm>>
      %dma_start3A_32 = arith.constant 0 : i32
      %dma_start3A_33 = tpu.memref_slice %arg16[%mul3A_27, %dma_start3A_32] : memref<10240x32xf32, #tpu.memory_space<vmem_shared>> -> memref<640x32xf32, #tpu.memory_space<vmem_shared>>
      tpu.enqueue_dma source(%dma_start3A_33 : memref<640x32xf32, #tpu.memory_space<vmem_shared>>) target(%dma_start3A_31 : memref<640x32xf32, #tpu.memory_space<hbm>>) target_semaphore(%run_scoped3A : memref<!tpu.dma_semaphore, #tpu.memory_space<semaphore_mem>>)
      %dma_wait3A = arith.constant 0 : i32
      %dma_wait3A_34 = tpu.memref_slice %arg5[%arg0, %mul3A_29, %dma_wait3A] : memref<2x10240x32xf32, #tpu.memory_space<hbm>> -> memref<1x640x32xf32, #tpu.memory_space<hbm>>
      %dma_wait3A_35 = tpu.memref_squeeze %dma_wait3A_34 : memref<1x640x32xf32, #tpu.memory_space<hbm>> -> memref<640x32xf32, #tpu.memory_space<hbm>>
      %dma_wait3A_36 = arith.constant 0 : i32
      %dma_wait3A_37 = tpu.memref_slice %arg16[%mul3A_27, %dma_wait3A_36] : memref<10240x32xf32, #tpu.memory_space<vmem_shared>> -> memref<640x32xf32, #tpu.memory_space<vmem_shared>>
      tpu.wait_dma2 semaphore(%run_scoped3A : memref<!tpu.dma_semaphore, #tpu.memory_space<semaphore_mem>>) src(%dma_wait3A_37 : memref<640x32xf32, #tpu.memory_space<vmem_shared>>) dst(%dma_wait3A_35 : memref<640x32xf32, #tpu.memory_space<hbm>>)
      tpu.yield
    }) : () -> ()
    return
  }
}

#map = affine_map<(d0, d1) -> (0, 0, 0)>
#map1 = affine_map<(d0, d1) -> (0)>
#map2 = affine_map<(d0, d1) -> (0, 0)>
module attributes {stable_mosaic.version = 14 : i64} {
  func.func @_deg_body(%arg0: i32, %arg1: i32, %arg2: memref<2x2500x128xi32, #tpu.memory_space<hbm>>, %arg3: memref<640xf32, #tpu.memory_space<hbm>>, %arg4: memref<2x10240xf32, #tpu.memory_space<hbm>>, %arg5: memref<78x128xi32, #tpu.memory_space<vmem>>, %arg6: memref<1x128xi32, #tpu.memory_space<vmem>>, %arg7: memref<128xf32, #tpu.memory_space<vmem>>, %arg8: memref<10240xf32, #tpu.memory_space<vmem_shared>>, %arg9: memref<!tpu.dma_semaphore, #tpu.memory_space<semaphore_mem>>) attributes {dimension_semantics = [#tpu.dimension_semantics<core_parallel>, #tpu.dimension_semantics<subcore_parallel>], iteration_bounds = array<i64: 2, 16>, scalar_prefetch = 0 : i64, scratch_operands = 5 : i64, tpu.core_type = #tpu.core_type<sc_vector_subcore>, window_params = [{transform_indices = #map}, {transform_indices = #map1}, {transform_indices = #map2}]} {
    %mul3A = arith.constant 2 : i32
    %mul3A_0 = arith.muli %arg1, %mul3A : i32
    %add3A = arith.addi %mul3A_0, %arg0 : i32
    %broadcast_in_dim3A = arith.constant 1.000000e+00 : f32
    %broadcast_in_dim3A_1 = vector.broadcast %broadcast_in_dim3A : f32 to vector<16xf32>
    %swap3A = arith.constant 0 : index
    %swap3A_2 = tpu.vector_load %arg7[%swap3A] {strides = array<i32>} : memref<128xf32, #tpu.memory_space<vmem>>, vector<16xf32>,
    %swap3A_3 = vector.shape_cast %swap3A_2 : vector<16xf32> to vector<16xf32>
    %swap3A_4 = vector.shape_cast %broadcast_in_dim3A_1 : vector<16xf32> to vector<16xf32>
    tpu.vector_store %arg7[%swap3A], %swap3A_4 {strides = array<i32>} : memref<128xf32, #tpu.memory_space<vmem>>, vector<16xf32>,
    %broadcast_in_dim3A_5 = arith.constant 1.000000e+00 : f32
    %broadcast_in_dim3A_6 = vector.broadcast %broadcast_in_dim3A_5 : f32 to vector<16xf32>
    %swap3A_7 = arith.constant 16 : index
    %swap3A_8 = tpu.vector_load %arg7[%swap3A_7] {strides = array<i32>} : memref<128xf32, #tpu.memory_space<vmem>>, vector<16xf32>,
    %swap3A_9 = vector.shape_cast %swap3A_8 : vector<16xf32> to vector<16xf32>
    %swap3A_10 = vector.shape_cast %broadcast_in_dim3A_6 : vector<16xf32> to vector<16xf32>
    tpu.vector_store %arg7[%swap3A_7], %swap3A_10 {strides = array<i32>} : memref<128xf32, #tpu.memory_space<vmem>>, vector<16xf32>,
    %broadcast_in_dim3A_11 = arith.constant 1.000000e+00 : f32
    %broadcast_in_dim3A_12 = vector.broadcast %broadcast_in_dim3A_11 : f32 to vector<16xf32>
    %swap3A_13 = arith.constant 32 : index
    %swap3A_14 = tpu.vector_load %arg7[%swap3A_13] {strides = array<i32>} : memref<128xf32, #tpu.memory_space<vmem>>, vector<16xf32>,
    %swap3A_15 = vector.shape_cast %swap3A_14 : vector<16xf32> to vector<16xf32>
    %swap3A_16 = vector.shape_cast %broadcast_in_dim3A_12 : vector<16xf32> to vector<16xf32>
    tpu.vector_store %arg7[%swap3A_13], %swap3A_16 {strides = array<i32>} : memref<128xf32, #tpu.memory_space<vmem>>, vector<16xf32>,
    %broadcast_in_dim3A_17 = arith.constant 1.000000e+00 : f32
    %broadcast_in_dim3A_18 = vector.broadcast %broadcast_in_dim3A_17 : f32 to vector<16xf32>
    %swap3A_19 = arith.constant 48 : index
    %swap3A_20 = tpu.vector_load %arg7[%swap3A_19] {strides = array<i32>} : memref<128xf32, #tpu.memory_space<vmem>>, vector<16xf32>,
    %swap3A_21 = vector.shape_cast %swap3A_20 : vector<16xf32> to vector<16xf32>
    %swap3A_22 = vector.shape_cast %broadcast_in_dim3A_18 : vector<16xf32> to vector<16xf32>
    tpu.vector_store %arg7[%swap3A_19], %swap3A_22 {strides = array<i32>} : memref<128xf32, #tpu.memory_space<vmem>>, vector<16xf32>,
    %broadcast_in_dim3A_23 = arith.constant 1.000000e+00 : f32
    %broadcast_in_dim3A_24 = vector.broadcast %broadcast_in_dim3A_23 : f32 to vector<16xf32>
    %swap3A_25 = arith.constant 64 : index
    %swap3A_26 = tpu.vector_load %arg7[%swap3A_25] {strides = array<i32>} : memref<128xf32, #tpu.memory_space<vmem>>, vector<16xf32>,
    %swap3A_27 = vector.shape_cast %swap3A_26 : vector<16xf32> to vector<16xf32>
    %swap3A_28 = vector.shape_cast %broadcast_in_dim3A_24 : vector<16xf32> to vector<16xf32>
    tpu.vector_store %arg7[%swap3A_25], %swap3A_28 {strides = array<i32>} : memref<128xf32, #tpu.memory_space<vmem>>, vector<16xf32>,
    %broadcast_in_dim3A_29 = arith.constant 1.000000e+00 : f32
    %broadcast_in_dim3A_30 = vector.broadcast %broadcast_in_dim3A_29 : f32 to vector<16xf32>
    %swap3A_31 = arith.constant 80 : index
    %swap3A_32 = tpu.vector_load %arg7[%swap3A_31] {strides = array<i32>} : memref<128xf32, #tpu.memory_space<vmem>>, vector<16xf32>,
    %swap3A_33 = vector.shape_cast %swap3A_32 : vector<16xf32> to vector<16xf32>
    %swap3A_34 = vector.shape_cast %broadcast_in_dim3A_30 : vector<16xf32> to vector<16xf32>
    tpu.vector_store %arg7[%swap3A_31], %swap3A_34 {strides = array<i32>} : memref<128xf32, #tpu.memory_space<vmem>>, vector<16xf32>,
    %broadcast_in_dim3A_35 = arith.constant 1.000000e+00 : f32
    %broadcast_in_dim3A_36 = vector.broadcast %broadcast_in_dim3A_35 : f32 to vector<16xf32>
    %swap3A_37 = arith.constant 96 : index
    %swap3A_38 = tpu.vector_load %arg7[%swap3A_37] {strides = array<i32>} : memref<128xf32, #tpu.memory_space<vmem>>, vector<16xf32>,
    %swap3A_39 = vector.shape_cast %swap3A_38 : vector<16xf32> to vector<16xf32>
    %swap3A_40 = vector.shape_cast %broadcast_in_dim3A_36 : vector<16xf32> to vector<16xf32>
    tpu.vector_store %arg7[%swap3A_37], %swap3A_40 {strides = array<i32>} : memref<128xf32, #tpu.memory_space<vmem>>, vector<16xf32>,
    %broadcast_in_dim3A_41 = arith.constant 1.000000e+00 : f32
    %broadcast_in_dim3A_42 = vector.broadcast %broadcast_in_dim3A_41 : f32 to vector<16xf32>
    %swap3A_43 = arith.constant 112 : index
    %swap3A_44 = tpu.vector_load %arg7[%swap3A_43] {strides = array<i32>} : memref<128xf32, #tpu.memory_space<vmem>>, vector<16xf32>,
    %swap3A_45 = vector.shape_cast %swap3A_44 : vector<16xf32> to vector<16xf32>
    %swap3A_46 = vector.shape_cast %broadcast_in_dim3A_42 : vector<16xf32> to vector<16xf32>
    tpu.vector_store %arg7[%swap3A_43], %swap3A_46 {strides = array<i32>} : memref<128xf32, #tpu.memory_space<vmem>>, vector<16xf32>,
    %mul3A_47 = arith.constant 640 : i32
    %mul3A_48 = arith.muli %arg1, %mul3A_47 : i32
    "tpu.region"() ({
      %run_scoped3A_75 = tpu.sem_alloc : memref<!tpu.dma_semaphore, #tpu.memory_space<semaphore_mem>>
      %dma_start3A = tpu.memref_slice %arg8[%mul3A_48] : memref<10240xf32, #tpu.memory_space<vmem_shared>> -> memref<640xf32, #tpu.memory_space<vmem_shared>>
      tpu.enqueue_dma source(%arg3 : memref<640xf32, #tpu.memory_space<hbm>>) target(%dma_start3A : memref<640xf32, #tpu.memory_space<vmem_shared>>) target_semaphore(%run_scoped3A_75 : memref<!tpu.dma_semaphore, #tpu.memory_space<semaphore_mem>>)
      %dma_wait3A = tpu.memref_slice %arg8[%mul3A_48] : memref<10240xf32, #tpu.memory_space<vmem_shared>> -> memref<640xf32, #tpu.memory_space<vmem_shared>>
      tpu.wait_dma2 semaphore(%run_scoped3A_75 : memref<!tpu.dma_semaphore, #tpu.memory_space<semaphore_mem>>) src(%arg3 : memref<640xf32, #tpu.memory_space<hbm>>) dst(%dma_wait3A : memref<640xf32, #tpu.memory_space<vmem_shared>>)
      tpu.yield
    }) : () -> ()
    %barrier3A = arith.constant 0 : index
    tpu.barrier barrier_id(%barrier3A)
    %mul3A_49 = arith.constant 78 : i32
    %mul3A_50 = arith.muli %add3A, %mul3A_49 : i32
    %run_scoped3A = arith.constant 1 : i32
    "tpu.region"() ({
      %run_scoped3A_75 = tpu.sem_alloc : memref<!tpu.dma_semaphore, #tpu.memory_space<semaphore_mem>>
      %dma_start3A = arith.constant 0 : i32
      %dma_start3A_76 = arith.constant 0 : i32
      %dma_start3A_77 = tpu.memref_slice %arg2[%run_scoped3A, %dma_start3A, %dma_start3A_76] : memref<2x2500x128xi32, #tpu.memory_space<hbm>> -> memref<1x2500x128xi32, #tpu.memory_space<hbm>>
      %dma_start3A_78 = tpu.memref_squeeze %dma_start3A_77 : memref<1x2500x128xi32, #tpu.memory_space<hbm>> -> memref<2500x128xi32, #tpu.memory_space<hbm>>
      %dma_start3A_79 = arith.constant 0 : i32
      %dma_start3A_80 = tpu.memref_slice %dma_start3A_78[%mul3A_50, %dma_start3A_79] : memref<2500x128xi32, #tpu.memory_space<hbm>> -> memref<78x128xi32, #tpu.memory_space<hbm>>
      %dma_start3A_81 = arith.constant 0 : i32
      %dma_start3A_82 = arith.constant 0 : i32
      %dma_start3A_83 = tpu.memref_slice %arg2[%run_scoped3A, %dma_start3A_81, %dma_start3A_82] : memref<2x2500x128xi32, #tpu.memory_space<hbm>> -> memref<1x2500x128xi32, #tpu.memory_space<hbm>>
      %dma_start3A_84 = tpu.memref_squeeze %dma_start3A_83 : memref<1x2500x128xi32, #tpu.memory_space<hbm>> -> memref<2500x128xi32, #tpu.memory_space<hbm>>
      %dma_start3A_85 = arith.constant 0 : i32
      %dma_start3A_86 = tpu.memref_slice %dma_start3A_84[%mul3A_50, %dma_start3A_85] : memref<2500x128xi32, #tpu.memory_space<hbm>> -> memref<78x128xi32, #tpu.memory_space<hbm>>
      tpu.enqueue_dma source(%dma_start3A_86 : memref<78x128xi32, #tpu.memory_space<hbm>>) target(%arg5 : memref<78x128xi32, #tpu.memory_space<vmem>>) target_semaphore(%run_scoped3A_75 : memref<!tpu.dma_semaphore, #tpu.memory_space<semaphore_mem>>)
      %dma_wait3A = arith.constant 0 : i32
      %dma_wait3A_87 = arith.constant 0 : i32
      %dma_wait3A_88 = tpu.memref_slice %arg2[%run_scoped3A, %dma_wait3A, %dma_wait3A_87] : memref<2x2500x128xi32, #tpu.memory_space<hbm>> -> memref<1x2500x128xi32, #tpu.memory_space<hbm>>
      %dma_wait3A_89 = tpu.memref_squeeze %dma_wait3A_88 : memref<1x2500x128xi32, #tpu.memory_space<hbm>> -> memref<2500x128xi32, #tpu.memory_space<hbm>>
      %dma_wait3A_90 = arith.constant 0 : i32
      %dma_wait3A_91 = tpu.memref_slice %dma_wait3A_89[%mul3A_50, %dma_wait3A_90] : memref<2500x128xi32, #tpu.memory_space<hbm>> -> memref<78x128xi32, #tpu.memory_space<hbm>>
      %dma_wait3A_92 = arith.constant 0 : i32
      %dma_wait3A_93 = arith.constant 0 : i32
      %dma_wait3A_94 = tpu.memref_slice %arg2[%run_scoped3A, %dma_wait3A_92, %dma_wait3A_93] : memref<2x2500x128xi32, #tpu.memory_space<hbm>> -> memref<1x2500x128xi32, #tpu.memory_space<hbm>>
      %dma_wait3A_95 = tpu.memref_squeeze %dma_wait3A_94 : memref<1x2500x128xi32, #tpu.memory_space<hbm>> -> memref<2500x128xi32, #tpu.memory_space<hbm>>
      %dma_wait3A_96 = arith.constant 0 : i32
      %dma_wait3A_97 = tpu.memref_slice %dma_wait3A_95[%mul3A_50, %dma_wait3A_96] : memref<2500x128xi32, #tpu.memory_space<hbm>> -> memref<78x128xi32, #tpu.memory_space<hbm>>
      tpu.wait_dma2 semaphore(%run_scoped3A_75 : memref<!tpu.dma_semaphore, #tpu.memory_space<semaphore_mem>>) src(%dma_wait3A_97 : memref<78x128xi32, #tpu.memory_space<hbm>>) dst(%arg5 : memref<78x128xi32, #tpu.memory_space<vmem>>)
      tpu.yield
    }) : () -> ()
    %scan3A = arith.constant 0 : i32
    %scan3A_51 = arith.constant 0 : i32
    %scan3A_52 = arith.constant 78 : i32
    %scan3A_53 = arith.addi %scan3A_51, %scan3A_52 : i32
    %scan3A_54 = arith.constant 1 : i32
    scf.for %scan3A_75 = %scan3A_51 to %scan3A_53 step %scan3A_54  : i32 {
      %dma_start3A = arith.constant 0 : i32
      %dma_start3A_76 = tpu.memref_slice %arg5[%scan3A_75, %dma_start3A] : memref<78x128xi32, #tpu.memory_space<vmem>> -> memref<1x128xi32, #tpu.memory_space<vmem>>
      %dma_start3A_77 = tpu.memref_squeeze %dma_start3A_76 : memref<1x128xi32, #tpu.memory_space<vmem>> -> memref<128xi32, #tpu.memory_space<vmem>>
      %dma_start3A_78 = arith.constant 0 : i32
      %dma_start3A_79 = tpu.memref_slice %arg8[%dma_start3A_78] : memref<10240xf32, #tpu.memory_space<vmem_shared>> -> memref<10240xf32, #tpu.memory_space<vmem_shared>>
      tpu.enqueue_indirect_dma source(%arg7 : memref<128xf32, #tpu.memory_space<vmem>>) target(%dma_start3A_79 : memref<10240xf32, #tpu.memory_space<vmem_shared>>) offsets(%dma_start3A_77 : memref<128xi32, #tpu.memory_space<vmem>>) semaphore(%arg9 : memref<!tpu.dma_semaphore, #tpu.memory_space<semaphore_mem>>) {add = true}
    }
    %scan3A_55 = arith.constant 78 : i32
    %lt3A = arith.constant 4 : i32
    %lt3A_56 = arith.cmpi slt, %add3A, %lt3A : i32
    %convert_element_type3A = arith.extui %lt3A_56 : i1 to i32
    %cond3A = arith.constant 1 : i32
    %cond3A_57 = arith.constant 0 : i32
    %cond3A_58 = arith.cmpi ne, %convert_element_type3A, %cond3A_57 : i32
    scf.if %cond3A_58 {
      %add3A_75 = arith.constant 2496 : i32
      %add3A_76 = arith.addi %add3A_75, %add3A : i32
      "tpu.region"() ({
        %run_scoped3A_82 = tpu.sem_alloc : memref<!tpu.dma_semaphore, #tpu.memory_space<semaphore_mem>>
        %dma_start3A_83 = arith.constant 0 : i32
        %dma_start3A_84 = arith.constant 0 : i32
        %dma_start3A_85 = tpu.memref_slice %arg2[%cond3A, %dma_start3A_83, %dma_start3A_84] : memref<2x2500x128xi32, #tpu.memory_space<hbm>> -> memref<1x2500x128xi32, #tpu.memory_space<hbm>>
        %dma_start3A_86 = tpu.memref_squeeze %dma_start3A_85 : memref<1x2500x128xi32, #tpu.memory_space<hbm>> -> memref<2500x128xi32, #tpu.memory_space<hbm>>
        %dma_start3A_87 = arith.constant 0 : i32
        %dma_start3A_88 = tpu.memref_slice %dma_start3A_86[%add3A_76, %dma_start3A_87] : memref<2500x128xi32, #tpu.memory_space<hbm>> -> memref<1x128xi32, #tpu.memory_space<hbm>>
        %dma_start3A_89 = arith.constant 0 : i32
        %dma_start3A_90 = arith.constant 0 : i32
        %dma_start3A_91 = tpu.memref_slice %arg2[%cond3A, %dma_start3A_89, %dma_start3A_90] : memref<2x2500x128xi32, #tpu.memory_space<hbm>> -> memref<1x2500x128xi32, #tpu.memory_space<hbm>>
        %dma_start3A_92 = tpu.memref_squeeze %dma_start3A_91 : memref<1x2500x128xi32, #tpu.memory_space<hbm>> -> memref<2500x128xi32, #tpu.memory_space<hbm>>
        %dma_start3A_93 = arith.constant 0 : i32
        %dma_start3A_94 = tpu.memref_slice %dma_start3A_92[%add3A_76, %dma_start3A_93] : memref<2500x128xi32, #tpu.memory_space<hbm>> -> memref<1x128xi32, #tpu.memory_space<hbm>>
        tpu.enqueue_dma source(%dma_start3A_94 : memref<1x128xi32, #tpu.memory_space<hbm>>) target(%arg6 : memref<1x128xi32, #tpu.memory_space<vmem>>) target_semaphore(%run_scoped3A_82 : memref<!tpu.dma_semaphore, #tpu.memory_space<semaphore_mem>>)
        %dma_wait3A = arith.constant 0 : i32
        %dma_wait3A_95 = arith.constant 0 : i32
        %dma_wait3A_96 = tpu.memref_slice %arg2[%cond3A, %dma_wait3A, %dma_wait3A_95] : memref<2x2500x128xi32, #tpu.memory_space<hbm>> -> memref<1x2500x128xi32, #tpu.memory_space<hbm>>
        %dma_wait3A_97 = tpu.memref_squeeze %dma_wait3A_96 : memref<1x2500x128xi32, #tpu.memory_space<hbm>> -> memref<2500x128xi32, #tpu.memory_space<hbm>>
        %dma_wait3A_98 = arith.constant 0 : i32
        %dma_wait3A_99 = tpu.memref_slice %dma_wait3A_97[%add3A_76, %dma_wait3A_98] : memref<2500x128xi32, #tpu.memory_space<hbm>> -> memref<1x128xi32, #tpu.memory_space<hbm>>
        %dma_wait3A_100 = arith.constant 0 : i32
        %dma_wait3A_101 = arith.constant 0 : i32
        %dma_wait3A_102 = tpu.memref_slice %arg2[%cond3A, %dma_wait3A_100, %dma_wait3A_101] : memref<2x2500x128xi32, #tpu.memory_space<hbm>> -> memref<1x2500x128xi32, #tpu.memory_space<hbm>>
        %dma_wait3A_103 = tpu.memref_squeeze %dma_wait3A_102 : memref<1x2500x128xi32, #tpu.memory_space<hbm>> -> memref<2500x128xi32, #tpu.memory_space<hbm>>
        %dma_wait3A_104 = arith.constant 0 : i32
        %dma_wait3A_105 = tpu.memref_slice %dma_wait3A_103[%add3A_76, %dma_wait3A_104] : memref<2500x128xi32, #tpu.memory_space<hbm>> -> memref<1x128xi32, #tpu.memory_space<hbm>>
        tpu.wait_dma2 semaphore(%run_scoped3A_82 : memref<!tpu.dma_semaphore, #tpu.memory_space<semaphore_mem>>) src(%dma_wait3A_105 : memref<1x128xi32, #tpu.memory_space<hbm>>) dst(%arg6 : memref<1x128xi32, #tpu.memory_space<vmem>>)
        tpu.yield
      }) : () -> ()
      %dma_start3A = arith.constant 0 : i32
      %dma_start3A_77 = arith.constant 0 : i32
      %dma_start3A_78 = tpu.memref_slice %arg6[%dma_start3A, %dma_start3A_77] : memref<1x128xi32, #tpu.memory_space<vmem>> -> memref<1x128xi32, #tpu.memory_space<vmem>>
      %dma_start3A_79 = tpu.memref_squeeze %dma_start3A_78 : memref<1x128xi32, #tpu.memory_space<vmem>> -> memref<128xi32, #tpu.memory_space<vmem>>
      %dma_start3A_80 = arith.constant 0 : i32
      %dma_start3A_81 = tpu.memref_slice %arg8[%dma_start3A_80] : memref<10240xf32, #tpu.memory_space<vmem_shared>> -> memref<10240xf32, #tpu.memory_space<vmem_shared>>
      tpu.enqueue_indirect_dma source(%arg7 : memref<128xf32, #tpu.memory_space<vmem>>) target(%dma_start3A_81 : memref<10240xf32, #tpu.memory_space<vmem_shared>>) offsets(%dma_start3A_79 : memref<128xi32, #tpu.memory_space<vmem>>) semaphore(%arg9 : memref<!tpu.dma_semaphore, #tpu.memory_space<semaphore_mem>>) {add = true}
    } else {
    }
    %scan3A_59 = arith.constant 0 : i32
    %scan3A_60 = arith.constant 0 : i32
    %scan3A_61 = arith.constant 78 : i32
    %scan3A_62 = arith.addi %scan3A_60, %scan3A_61 : i32
    %scan3A_63 = arith.constant 1 : i32
    scf.for %scan3A_75 = %scan3A_60 to %scan3A_62 step %scan3A_63  : i32 {
      %dma_wait3A = arith.constant 0 : i32
      %dma_wait3A_76 = arith.constant 0 : i32
      %dma_wait3A_77 = tpu.memref_slice %arg5[%dma_wait3A, %dma_wait3A_76] : memref<78x128xi32, #tpu.memory_space<vmem>> -> memref<1x128xi32, #tpu.memory_space<vmem>>
      %dma_wait3A_78 = tpu.memref_squeeze %dma_wait3A_77 : memref<1x128xi32, #tpu.memory_space<vmem>> -> memref<128xi32, #tpu.memory_space<vmem>>
      %dma_wait3A_79 = arith.constant 0 : i32
      %dma_wait3A_80 = tpu.memref_slice %arg8[%dma_wait3A_79] : memref<10240xf32, #tpu.memory_space<vmem_shared>> -> memref<10240xf32, #tpu.memory_space<vmem_shared>>
      tpu.wait_indirect_dma semaphore(%arg9 : memref<!tpu.dma_semaphore, #tpu.memory_space<semaphore_mem>>) src(%arg7 : memref<128xf32, #tpu.memory_space<vmem>>) dst(%dma_wait3A_80 : memref<10240xf32, #tpu.memory_space<vmem_shared>>)
    }
    %scan3A_64 = arith.constant 78 : i32
    %lt3A_65 = arith.constant 4 : i32
    %lt3A_66 = arith.cmpi slt, %add3A, %lt3A_65 : i32
    %convert_element_type3A_67 = arith.extui %lt3A_66 : i1 to i32
    %cond3A_68 = arith.constant 0 : i32
    %cond3A_69 = arith.cmpi ne, %convert_element_type3A_67, %cond3A_68 : i32
    scf.if %cond3A_69 {
      %dma_wait3A = arith.constant 0 : i32
      %dma_wait3A_75 = arith.constant 0 : i32
      %dma_wait3A_76 = tpu.memref_slice %arg5[%dma_wait3A, %dma_wait3A_75] : memref<78x128xi32, #tpu.memory_space<vmem>> -> memref<1x128xi32, #tpu.memory_space<vmem>>
      %dma_wait3A_77 = tpu.memref_squeeze %dma_wait3A_76 : memref<1x128xi32, #tpu.memory_space<vmem>> -> memref<128xi32, #tpu.memory_space<vmem>>
      %dma_wait3A_78 = arith.constant 0 : i32
      %dma_wait3A_79 = tpu.memref_slice %arg8[%dma_wait3A_78] : memref<10240xf32, #tpu.memory_space<vmem_shared>> -> memref<10240xf32, #tpu.memory_space<vmem_shared>>
      tpu.wait_indirect_dma semaphore(%arg9 : memref<!tpu.dma_semaphore, #tpu.memory_space<semaphore_mem>>) src(%arg7 : memref<128xf32, #tpu.memory_space<vmem>>) dst(%dma_wait3A_79 : memref<10240xf32, #tpu.memory_space<vmem_shared>>)
    } else {
    }
    %barrier3A_70 = arith.constant 0 : index
    tpu.barrier barrier_id(%barrier3A_70)
    %mul3A_71 = arith.constant 640 : i32
    %mul3A_72 = arith.muli %arg1, %mul3A_71 : i32
    %mul3A_73 = arith.constant 640 : i32
    %mul3A_74 = arith.muli %arg1, %mul3A_73 : i32
    "tpu.region"() ({
      %run_scoped3A_75 = tpu.sem_alloc : memref<!tpu.dma_semaphore, #tpu.memory_space<semaphore_mem>>
      %dma_start3A = tpu.memref_slice %arg4[%arg0, %mul3A_74] : memref<2x10240xf32, #tpu.memory_space<hbm>> -> memref<1x640xf32, #tpu.memory_space<hbm>>
      %dma_start3A_76 = tpu.memref_squeeze %dma_start3A : memref<1x640xf32, #tpu.memory_space<hbm>> -> memref<640xf32, #tpu.memory_space<hbm>>
      %dma_start3A_77 = tpu.memref_slice %arg8[%mul3A_72] : memref<10240xf32, #tpu.memory_space<vmem_shared>> -> memref<640xf32, #tpu.memory_space<vmem_shared>>
      tpu.enqueue_dma source(%dma_start3A_77 : memref<640xf32, #tpu.memory_space<vmem_shared>>) target(%dma_start3A_76 : memref<640xf32, #tpu.memory_space<hbm>>) target_semaphore(%run_scoped3A_75 : memref<!tpu.dma_semaphore, #tpu.memory_space<semaphore_mem>>)
      %dma_wait3A = tpu.memref_slice %arg4[%arg0, %mul3A_74] : memref<2x10240xf32, #tpu.memory_space<hbm>> -> memref<1x640xf32, #tpu.memory_space<hbm>>
      %dma_wait3A_78 = tpu.memref_squeeze %dma_wait3A : memref<1x640xf32, #tpu.memory_space<hbm>> -> memref<640xf32, #tpu.memory_space<hbm>>
      %dma_wait3A_79 = tpu.memref_slice %arg8[%mul3A_72] : memref<10240xf32, #tpu.memory_space<vmem_shared>> -> memref<640xf32, #tpu.memory_space<vmem_shared>>
      tpu.wait_dma2 semaphore(%run_scoped3A_75 : memref<!tpu.dma_semaphore, #tpu.memory_space<semaphore_mem>>) src(%dma_wait3A_79 : memref<640xf32, #tpu.memory_space<vmem_shared>>) dst(%dma_wait3A_78 : memref<640xf32, #tpu.memory_space<hbm>>)
      tpu.yield
    }) : () -> ()
    return
  }
}

#map = affine_map<(d0, d1) -> (0, 0, 0)>
#map1 = affine_map<(d0, d1) -> (0, 0)>
module attributes {stable_mosaic.version = 14 : i64} {
  func.func @_scat_body(%arg0: i32, %arg1: i32, %arg2: memref<2x2500x128xi32, #tpu.memory_space<hbm>>, %arg3: memref<10240x32xf32, #tpu.memory_space<hbm>>, %arg4: memref<640x32xf32, #tpu.memory_space<hbm>>, %arg5: memref<2x10240x32xf32, #tpu.memory_space<hbm>>, %arg6: memref<90x128xi32, #tpu.memory_space<vmem>>, %arg7: memref<90x128xi32, #tpu.memory_space<vmem>>, %arg8: memref<1x128xi32, #tpu.memory_space<vmem>>, %arg9: memref<1x128xi32, #tpu.memory_space<vmem>>, %arg10: memref<128x32xf32, #tpu.memory_space<vmem>>, %arg11: memref<128x32xf32, #tpu.memory_space<vmem>>, %arg12: memref<128x32xf32, #tpu.memory_space<vmem>>, %arg13: memref<128x32xf32, #tpu.memory_space<vmem>>, %arg14: memref<128x32xf32, #tpu.memory_space<vmem>>, %arg15: memref<128x32xf32, #tpu.memory_space<vmem>>, %arg16: memref<10240x32xf32, #tpu.memory_space<vmem_shared>>, %arg17: memref<10240x32xf32, #tpu.memory_space<vmem_shared>>, %arg18: memref<!tpu.dma_semaphore, #tpu.memory_space<semaphore_mem>>, %arg19: memref<!tpu.dma_semaphore, #tpu.memory_space<semaphore_mem>>, %arg20: memref<!tpu.dma_semaphore, #tpu.memory_space<semaphore_mem>>, %arg21: memref<!tpu.dma_semaphore, #tpu.memory_space<semaphore_mem>>, %arg22: memref<!tpu.dma_semaphore, #tpu.memory_space<semaphore_mem>>, %arg23: memref<!tpu.dma_semaphore, #tpu.memory_space<semaphore_mem>>, %arg24: memref<!tpu.dma_semaphore, #tpu.memory_space<semaphore_mem>>, %arg25: memref<!tpu.dma_semaphore, #tpu.memory_space<semaphore_mem>>, %arg26: memref<!tpu.dma_semaphore, #tpu.memory_space<semaphore_mem>>, %arg27: memref<!tpu.dma_semaphore, #tpu.memory_space<semaphore_mem>>, %arg28: memref<!tpu.dma_semaphore, #tpu.memory_space<semaphore_mem>>, %arg29: memref<!tpu.dma_semaphore, #tpu.memory_space<semaphore_mem>>) attributes {dimension_semantics = [#tpu.dimension_semantics<core_parallel>, #tpu.dimension_semantics<subcore_parallel>], iteration_bounds = array<i64: 2, 16>, scalar_prefetch = 0 : i64, scratch_operands = 24 : i64, tpu.core_type = #tpu.core_type<sc_vector_subcore>, window_params = [{transform_indices = #map}, {transform_indices = #map1}, {transform_indices = #map1}, {transform_indices = #map}]} {
    %mul3A = arith.constant 2 : i32
    %mul3A_0 = arith.muli %arg1, %mul3A : i32
    %add3A = arith.addi %mul3A_0, %arg0 : i32
    %mul3A_1 = arith.constant 640 : i32
    %mul3A_2 = arith.muli %arg1, %mul3A_1 : i32
    "tpu.region"() ({
      %run_scoped3A = tpu.sem_alloc : memref<!tpu.dma_semaphore, #tpu.memory_space<semaphore_mem>>
      %dma_start3A = arith.constant 0 : i32
      %dma_start3A_30 = tpu.memref_slice %arg16[%mul3A_2, %dma_start3A] : memref<10240x32xf32, #tpu.memory_space<vmem_shared>> -> memref<640x32xf32, #tpu.memory_space<vmem_shared>>
      tpu.enqueue_dma source(%arg4 : memref<640x32xf32, #tpu.memory_space<hbm>>) target(%dma_start3A_30 : memref<640x32xf32, #tpu.memory_space<vmem_shared>>) target_semaphore(%run_scoped3A : memref<!tpu.dma_semaphore, #tpu.memory_space<semaphore_mem>>)
      %dma_wait3A = arith.constant 0 : i32
      %dma_wait3A_31 = tpu.memref_slice %arg16[%mul3A_2, %dma_wait3A] : memref<10240x32xf32, #tpu.memory_space<vmem_shared>> -> memref<640x32xf32, #tpu.memory_space<vmem_shared>>
      tpu.wait_dma2 semaphore(%run_scoped3A : memref<!tpu.dma_semaphore, #tpu.memory_space<semaphore_mem>>) src(%arg4 : memref<640x32xf32, #tpu.memory_space<hbm>>) dst(%dma_wait3A_31 : memref<640x32xf32, #tpu.memory_space<vmem_shared>>)
      tpu.yield
    }) : () -> ()
    %mul3A_3 = arith.constant 640 : i32
    %mul3A_4 = arith.muli %arg1, %mul3A_3 : i32
    %mul3A_5 = arith.constant 640 : i32
    %mul3A_6 = arith.muli %arg1, %mul3A_5 : i32
    "tpu.region"() ({
      %run_scoped3A = tpu.sem_alloc : memref<!tpu.dma_semaphore, #tpu.memory_space<semaphore_mem>>
      %dma_start3A = arith.constant 0 : i32
      %dma_start3A_30 = tpu.memref_slice %arg17[%mul3A_6, %dma_start3A] : memref<10240x32xf32, #tpu.memory_space<vmem_shared>> -> memref<640x32xf32, #tpu.memory_space<vmem_shared>>
      %dma_start3A_31 = arith.constant 0 : i32
      %dma_start3A_32 = tpu.memref_slice %arg3[%mul3A_4, %dma_start3A_31] : memref<10240x32xf32, #tpu.memory_space<hbm>> -> memref<640x32xf32, #tpu.memory_space<hbm>>
      tpu.enqueue_dma source(%dma_start3A_32 : memref<640x32xf32, #tpu.memory_space<hbm>>) target(%dma_start3A_30 : memref<640x32xf32, #tpu.memory_space<vmem_shared>>) target_semaphore(%run_scoped3A : memref<!tpu.dma_semaphore, #tpu.memory_space<semaphore_mem>>)
      %dma_wait3A = arith.constant 0 : i32
      %dma_wait3A_33 = tpu.memref_slice %arg17[%mul3A_6, %dma_wait3A] : memref<10240x32xf32, #tpu.memory_space<vmem_shared>> -> memref<640x32xf32, #tpu.memory_space<vmem_shared>>
      %dma_wait3A_34 = arith.constant 0 : i32
      %dma_wait3A_35 = tpu.memref_slice %arg3[%mul3A_4, %dma_wait3A_34] : memref<10240x32xf32, #tpu.memory_space<hbm>> -> memref<640x32xf32, #tpu.memory_space<hbm>>
      tpu.wait_dma2 semaphore(%run_scoped3A : memref<!tpu.dma_semaphore, #tpu.memory_space<semaphore_mem>>) src(%dma_wait3A_35 : memref<640x32xf32, #tpu.memory_space<hbm>>) dst(%dma_wait3A_33 : memref<640x32xf32, #tpu.memory_space<vmem_shared>>)
      tpu.yield
    }) : () -> ()
    %barrier3A = arith.constant 0 : index
    tpu.barrier barrier_id(%barrier3A)
    %eq3A = arith.constant 0 : i32
    %eq3A_7 = arith.cmpi eq, %arg0, %eq3A : i32
    %convert_element_type3A = arith.extui %eq3A_7 : i1 to i32
    %cond3A = arith.constant 0 : i32
    %cond3A_8 = arith.constant 1 : i32
    %cond3A_9 = arith.constant 0 : i32
    %cond3A_10 = arith.cmpi ne, %convert_element_type3A, %cond3A_9 : i32
    scf.if %cond3A_10 {
      %mul3A_30 = arith.constant 90 : i32
      %mul3A_31 = arith.muli %arg1, %mul3A_30 : i32
      "tpu.region"() ({
        %run_scoped3A = tpu.sem_alloc : memref<!tpu.dma_semaphore, #tpu.memory_space<semaphore_mem>>
        %dma_start3A_78 = arith.constant 0 : i32
        %dma_start3A_79 = arith.constant 0 : i32
        %dma_start3A_80 = tpu.memref_slice %arg6[%dma_start3A_78, %dma_start3A_79] : memref<90x128xi32, #tpu.memory_space<vmem>> -> memref<90x128xi32, #tpu.memory_space<vmem>>
        %dma_start3A_81 = arith.constant 0 : i32
        %dma_start3A_82 = arith.constant 0 : i32
        %dma_start3A_83 = tpu.memref_slice %arg2[%cond3A, %dma_start3A_81, %dma_start3A_82] : memref<2x2500x128xi32, #tpu.memory_space<hbm>> -> memref<1x2500x128xi32, #tpu.memory_space<hbm>>
        %dma_start3A_84 = tpu.memref_squeeze %dma_start3A_83 : memref<1x2500x128xi32, #tpu.memory_space<hbm>> -> memref<2500x128xi32, #tpu.memory_space<hbm>>
        %dma_start3A_85 = arith.constant 0 : i32
        %dma_start3A_86 = tpu.memref_slice %dma_start3A_84[%mul3A_31, %dma_start3A_85] : memref<2500x128xi32, #tpu.memory_space<hbm>> -> memref<90x128xi32, #tpu.memory_space<hbm>>
        %dma_start3A_87 = arith.constant 0 : i32
        %dma_start3A_88 = arith.constant 0 : i32
        %dma_start3A_89 = tpu.memref_slice %arg6[%dma_start3A_87, %dma_start3A_88] : memref<90x128xi32, #tpu.memory_space<vmem>> -> memref<90x128xi32, #tpu.memory_space<vmem>>
        %dma_start3A_90 = arith.constant 0 : i32
        %dma_start3A_91 = arith.constant 0 : i32
        %dma_start3A_92 = tpu.memref_slice %arg2[%cond3A, %dma_start3A_90, %dma_start3A_91] : memref<2x2500x128xi32, #tpu.memory_space<hbm>> -> memref<1x2500x128xi32, #tpu.memory_space<hbm>>
        %dma_start3A_93 = tpu.memref_squeeze %dma_start3A_92 : memref<1x2500x128xi32, #tpu.memory_space<hbm>> -> memref<2500x128xi32, #tpu.memory_space<hbm>>
        %dma_start3A_94 = arith.constant 0 : i32
        %dma_start3A_95 = tpu.memref_slice %dma_start3A_93[%mul3A_31, %dma_start3A_94] : memref<2500x128xi32, #tpu.memory_space<hbm>> -> memref<90x128xi32, #tpu.memory_space<hbm>>
        tpu.enqueue_dma source(%dma_start3A_95 : memref<90x128xi32, #tpu.memory_space<hbm>>) target(%dma_start3A_89 : memref<90x128xi32, #tpu.memory_space<vmem>>) target_semaphore(%run_scoped3A : memref<!tpu.dma_semaphore, #tpu.memory_space<semaphore_mem>>)
        %dma_wait3A = arith.constant 0 : i32
        %dma_wait3A_96 = arith.constant 0 : i32
        %dma_wait3A_97 = tpu.memref_slice %arg6[%dma_wait3A, %dma_wait3A_96] : memref<90x128xi32, #tpu.memory_space<vmem>> -> memref<90x128xi32, #tpu.memory_space<vmem>>
        %dma_wait3A_98 = arith.constant 0 : i32
        %dma_wait3A_99 = arith.constant 0 : i32
        %dma_wait3A_100 = tpu.memref_slice %arg2[%cond3A, %dma_wait3A_98, %dma_wait3A_99] : memref<2x2500x128xi32, #tpu.memory_space<hbm>> -> memref<1x2500x128xi32, #tpu.memory_space<hbm>>
        %dma_wait3A_101 = tpu.memref_squeeze %dma_wait3A_100 : memref<1x2500x128xi32, #tpu.memory_space<hbm>> -> memref<2500x128xi32, #tpu.memory_space<hbm>>
        %dma_wait3A_102 = arith.constant 0 : i32
        %dma_wait3A_103 = tpu.memref_slice %dma_wait3A_101[%mul3A_31, %dma_wait3A_102] : memref<2500x128xi32, #tpu.memory_space<hbm>> -> memref<90x128xi32, #tpu.memory_space<hbm>>
        %dma_wait3A_104 = arith.constant 0 : i32
        %dma_wait3A_105 = arith.constant 0 : i32
        %dma_wait3A_106 = tpu.memref_slice %arg6[%dma_wait3A_104, %dma_wait3A_105] : memref<90x128xi32, #tpu.memory_space<vmem>> -> memref<90x128xi32, #tpu.memory_space<vmem>>
        %dma_wait3A_107 = arith.constant 0 : i32
        %dma_wait3A_108 = arith.constant 0 : i32
        %dma_wait3A_109 = tpu.memref_slice %arg2[%cond3A, %dma_wait3A_107, %dma_wait3A_108] : memref<2x2500x128xi32, #tpu.memory_space<hbm>> -> memref<1x2500x128xi32, #tpu.memory_space<hbm>>
        %dma_wait3A_110 = tpu.memref_squeeze %dma_wait3A_109 : memref<1x2500x128xi32, #tpu.memory_space<hbm>> -> memref<2500x128xi32, #tpu.memory_space<hbm>>
        %dma_wait3A_111 = arith.constant 0 : i32
        %dma_wait3A_112 = tpu.memref_slice %dma_wait3A_110[%mul3A_31, %dma_wait3A_111] : memref<2500x128xi32, #tpu.memory_space<hbm>> -> memref<90x128xi32, #tpu.memory_space<hbm>>
        tpu.wait_dma2 semaphore(%run_scoped3A : memref<!tpu.dma_semaphore, #tpu.memory_space<semaphore_mem>>) src(%dma_wait3A_112 : memref<90x128xi32, #tpu.memory_space<hbm>>) dst(%dma_wait3A_106 : memref<90x128xi32, #tpu.memory_space<vmem>>)
        tpu.yield
      }) : () -> ()
      "tpu.region"() ({
        %run_scoped3A = tpu.sem_alloc : memref<!tpu.dma_semaphore, #tpu.memory_space<semaphore_mem>>
        %dma_start3A_78 = arith.constant 0 : i32
        %dma_start3A_79 = arith.constant 0 : i32
        %dma_start3A_80 = tpu.memref_slice %arg7[%dma_start3A_78, %dma_start3A_79] : memref<90x128xi32, #tpu.memory_space<vmem>> -> memref<90x128xi32, #tpu.memory_space<vmem>>
        %dma_start3A_81 = arith.constant 0 : i32
        %dma_start3A_82 = arith.constant 0 : i32
        %dma_start3A_83 = tpu.memref_slice %arg2[%cond3A_8, %dma_start3A_81, %dma_start3A_82] : memref<2x2500x128xi32, #tpu.memory_space<hbm>> -> memref<1x2500x128xi32, #tpu.memory_space<hbm>>
        %dma_start3A_84 = tpu.memref_squeeze %dma_start3A_83 : memref<1x2500x128xi32, #tpu.memory_space<hbm>> -> memref<2500x128xi32, #tpu.memory_space<hbm>>
        %dma_start3A_85 = arith.constant 0 : i32
        %dma_start3A_86 = tpu.memref_slice %dma_start3A_84[%mul3A_31, %dma_start3A_85] : memref<2500x128xi32, #tpu.memory_space<hbm>> -> memref<90x128xi32, #tpu.memory_space<hbm>>
        %dma_start3A_87 = arith.constant 0 : i32
        %dma_start3A_88 = arith.constant 0 : i32
        %dma_start3A_89 = tpu.memref_slice %arg7[%dma_start3A_87, %dma_start3A_88] : memref<90x128xi32, #tpu.memory_space<vmem>> -> memref<90x128xi32, #tpu.memory_space<vmem>>
        %dma_start3A_90 = arith.constant 0 : i32
        %dma_start3A_91 = arith.constant 0 : i32
        %dma_start3A_92 = tpu.memref_slice %arg2[%cond3A_8, %dma_start3A_90, %dma_start3A_91] : memref<2x2500x128xi32, #tpu.memory_space<hbm>> -> memref<1x2500x128xi32, #tpu.memory_space<hbm>>
        %dma_start3A_93 = tpu.memref_squeeze %dma_start3A_92 : memref<1x2500x128xi32, #tpu.memory_space<hbm>> -> memref<2500x128xi32, #tpu.memory_space<hbm>>
        %dma_start3A_94 = arith.constant 0 : i32
        %dma_start3A_95 = tpu.memref_slice %dma_start3A_93[%mul3A_31, %dma_start3A_94] : memref<2500x128xi32, #tpu.memory_space<hbm>> -> memref<90x128xi32, #tpu.memory_space<hbm>>
        tpu.enqueue_dma source(%dma_start3A_95 : memref<90x128xi32, #tpu.memory_space<hbm>>) target(%dma_start3A_89 : memref<90x128xi32, #tpu.memory_space<vmem>>) target_semaphore(%run_scoped3A : memref<!tpu.dma_semaphore, #tpu.memory_space<semaphore_mem>>)
        %dma_wait3A = arith.constant 0 : i32
        %dma_wait3A_96 = arith.constant 0 : i32
        %dma_wait3A_97 = tpu.memref_slice %arg7[%dma_wait3A, %dma_wait3A_96] : memref<90x128xi32, #tpu.memory_space<vmem>> -> memref<90x128xi32, #tpu.memory_space<vmem>>
        %dma_wait3A_98 = arith.constant 0 : i32
        %dma_wait3A_99 = arith.constant 0 : i32
        %dma_wait3A_100 = tpu.memref_slice %arg2[%cond3A_8, %dma_wait3A_98, %dma_wait3A_99] : memref<2x2500x128xi32, #tpu.memory_space<hbm>> -> memref<1x2500x128xi32, #tpu.memory_space<hbm>>
        %dma_wait3A_101 = tpu.memref_squeeze %dma_wait3A_100 : memref<1x2500x128xi32, #tpu.memory_space<hbm>> -> memref<2500x128xi32, #tpu.memory_space<hbm>>
        %dma_wait3A_102 = arith.constant 0 : i32
        %dma_wait3A_103 = tpu.memref_slice %dma_wait3A_101[%mul3A_31, %dma_wait3A_102] : memref<2500x128xi32, #tpu.memory_space<hbm>> -> memref<90x128xi32, #tpu.memory_space<hbm>>
        %dma_wait3A_104 = arith.constant 0 : i32
        %dma_wait3A_105 = arith.constant 0 : i32
        %dma_wait3A_106 = tpu.memref_slice %arg7[%dma_wait3A_104, %dma_wait3A_105] : memref<90x128xi32, #tpu.memory_space<vmem>> -> memref<90x128xi32, #tpu.memory_space<vmem>>
        %dma_wait3A_107 = arith.constant 0 : i32
        %dma_wait3A_108 = arith.constant 0 : i32
        %dma_wait3A_109 = tpu.memref_slice %arg2[%cond3A_8, %dma_wait3A_107, %dma_wait3A_108] : memref<2x2500x128xi32, #tpu.memory_space<hbm>> -> memref<1x2500x128xi32, #tpu.memory_space<hbm>>
        %dma_wait3A_110 = tpu.memref_squeeze %dma_wait3A_109 : memref<1x2500x128xi32, #tpu.memory_space<hbm>> -> memref<2500x128xi32, #tpu.memory_space<hbm>>
        %dma_wait3A_111 = arith.constant 0 : i32
        %dma_wait3A_112 = tpu.memref_slice %dma_wait3A_110[%mul3A_31, %dma_wait3A_111] : memref<2500x128xi32, #tpu.memory_space<hbm>> -> memref<90x128xi32, #tpu.memory_space<hbm>>
        tpu.wait_dma2 semaphore(%run_scoped3A : memref<!tpu.dma_semaphore, #tpu.memory_space<semaphore_mem>>) src(%dma_wait3A_112 : memref<90x128xi32, #tpu.memory_space<hbm>>) dst(%dma_wait3A_106 : memref<90x128xi32, #tpu.memory_space<vmem>>)
        tpu.yield
      }) : () -> ()
      %dma_start3A = arith.constant 0 : i32
      %dma_start3A_32 = arith.constant 0 : i32
      %dma_start3A_33 = tpu.memref_slice %arg6[%dma_start3A, %dma_start3A_32] : memref<90x128xi32, #tpu.memory_space<vmem>> -> memref<1x128xi32, #tpu.memory_space<vmem>>
      %dma_start3A_34 = tpu.memref_squeeze %dma_start3A_33 : memref<1x128xi32, #tpu.memory_space<vmem>> -> memref<128xi32, #tpu.memory_space<vmem>>
      %dma_start3A_35 = arith.constant 0 : i32
      %dma_start3A_36 = arith.constant 0 : i32
      %dma_start3A_37 = tpu.memref_slice %arg3[%dma_start3A_35, %dma_start3A_36] : memref<10240x32xf32, #tpu.memory_space<hbm>> -> memref<10240x32xf32, #tpu.memory_space<hbm>>
      tpu.enqueue_indirect_dma source(%dma_start3A_37 : memref<10240x32xf32, #tpu.memory_space<hbm>>) target(%arg10 : memref<128x32xf32, #tpu.memory_space<vmem>>) offsets(%dma_start3A_34 : memref<128xi32, #tpu.memory_space<vmem>>) semaphore(%arg18 : memref<!tpu.dma_semaphore, #tpu.memory_space<semaphore_mem>>)
      %dma_start3A_38 = arith.constant 1 : i32
      %dma_start3A_39 = arith.constant 0 : i32
      %dma_start3A_40 = tpu.memref_slice %arg6[%dma_start3A_38, %dma_start3A_39] : memref<90x128xi32, #tpu.memory_space<vmem>> -> memref<1x128xi32, #tpu.memory_space<vmem>>
      %dma_start3A_41 = tpu.memref_squeeze %dma_start3A_40 : memref<1x128xi32, #tpu.memory_space<vmem>> -> memref<128xi32, #tpu.memory_space<vmem>>
      %dma_start3A_42 = arith.constant 0 : i32
      %dma_start3A_43 = arith.constant 0 : i32
      %dma_start3A_44 = tpu.memref_slice %arg3[%dma_start3A_42, %dma_start3A_43] : memref<10240x32xf32, #tpu.memory_space<hbm>> -> memref<10240x32xf32, #tpu.memory_space<hbm>>
      tpu.enqueue_indirect_dma source(%dma_start3A_44 : memref<10240x32xf32, #tpu.memory_space<hbm>>) target(%arg11 : memref<128x32xf32, #tpu.memory_space<vmem>>) offsets(%dma_start3A_41 : memref<128xi32, #tpu.memory_space<vmem>>) semaphore(%arg19 : memref<!tpu.dma_semaphore, #tpu.memory_space<semaphore_mem>>)
      %dma_start3A_45 = arith.constant 2 : i32
      %dma_start3A_46 = arith.constant 0 : i32
      %dma_start3A_47 = tpu.memref_slice %arg6[%dma_start3A_45, %dma_start3A_46] : memref<90x128xi32, #tpu.memory_space<vmem>> -> memref<1x128xi32, #tpu.memory_space<vmem>>
      %dma_start3A_48 = tpu.memref_squeeze %dma_start3A_47 : memref<1x128xi32, #tpu.memory_space<vmem>> -> memref<128xi32, #tpu.memory_space<vmem>>
      %dma_start3A_49 = arith.constant 0 : i32
      %dma_start3A_50 = arith.constant 0 : i32
      %dma_start3A_51 = tpu.memref_slice %arg3[%dma_start3A_49, %dma_start3A_50] : memref<10240x32xf32, #tpu.memory_space<hbm>> -> memref<10240x32xf32, #tpu.memory_space<hbm>>
      tpu.enqueue_indirect_dma source(%dma_start3A_51 : memref<10240x32xf32, #tpu.memory_space<hbm>>) target(%arg12 : memref<128x32xf32, #tpu.memory_space<vmem>>) offsets(%dma_start3A_48 : memref<128xi32, #tpu.memory_space<vmem>>) semaphore(%arg20 : memref<!tpu.dma_semaphore, #tpu.memory_space<semaphore_mem>>)
      %dma_start3A_52 = arith.constant 3 : i32
      %dma_start3A_53 = arith.constant 0 : i32
      %dma_start3A_54 = tpu.memref_slice %arg6[%dma_start3A_52, %dma_start3A_53] : memref<90x128xi32, #tpu.memory_space<vmem>> -> memref<1x128xi32, #tpu.memory_space<vmem>>
      %dma_start3A_55 = tpu.memref_squeeze %dma_start3A_54 : memref<1x128xi32, #tpu.memory_space<vmem>> -> memref<128xi32, #tpu.memory_space<vmem>>
      %dma_start3A_56 = arith.constant 0 : i32
      %dma_start3A_57 = arith.constant 0 : i32
      %dma_start3A_58 = tpu.memref_slice %arg3[%dma_start3A_56, %dma_start3A_57] : memref<10240x32xf32, #tpu.memory_space<hbm>> -> memref<10240x32xf32, #tpu.memory_space<hbm>>
      tpu.enqueue_indirect_dma source(%dma_start3A_58 : memref<10240x32xf32, #tpu.memory_space<hbm>>) target(%arg13 : memref<128x32xf32, #tpu.memory_space<vmem>>) offsets(%dma_start3A_55 : memref<128xi32, #tpu.memory_space<vmem>>) semaphore(%arg21 : memref<!tpu.dma_semaphore, #tpu.memory_space<semaphore_mem>>)
      %dma_start3A_59 = arith.constant 4 : i32
      %dma_start3A_60 = arith.constant 0 : i32
      %dma_start3A_61 = tpu.memref_slice %arg6[%dma_start3A_59, %dma_start3A_60] : memref<90x128xi32, #tpu.memory_space<vmem>> -> memref<1x128xi32, #tpu.memory_space<vmem>>
      %dma_start3A_62 = tpu.memref_squeeze %dma_start3A_61 : memref<1x128xi32, #tpu.memory_space<vmem>> -> memref<128xi32, #tpu.memory_space<vmem>>
      %dma_start3A_63 = arith.constant 0 : i32
      %dma_start3A_64 = arith.constant 0 : i32
      %dma_start3A_65 = tpu.memref_slice %arg3[%dma_start3A_63, %dma_start3A_64] : memref<10240x32xf32, #tpu.memory_space<hbm>> -> memref<10240x32xf32, #tpu.memory_space<hbm>>
      tpu.enqueue_indirect_dma source(%dma_start3A_65 : memref<10240x32xf32, #tpu.memory_space<hbm>>) target(%arg14 : memref<128x32xf32, #tpu.memory_space<vmem>>) offsets(%dma_start3A_62 : memref<128xi32, #tpu.memory_space<vmem>>) semaphore(%arg22 : memref<!tpu.dma_semaphore, #tpu.memory_space<semaphore_mem>>)
      %dma_start3A_66 = arith.constant 5 : i32
      %dma_start3A_67 = arith.constant 0 : i32
      %dma_start3A_68 = tpu.memref_slice %arg6[%dma_start3A_66, %dma_start3A_67] : memref<90x128xi32, #tpu.memory_space<vmem>> -> memref<1x128xi32, #tpu.memory_space<vmem>>
      %dma_start3A_69 = tpu.memref_squeeze %dma_start3A_68 : memref<1x128xi32, #tpu.memory_space<vmem>> -> memref<128xi32, #tpu.memory_space<vmem>>
      %dma_start3A_70 = arith.constant 0 : i32
      %dma_start3A_71 = arith.constant 0 : i32
      %dma_start3A_72 = tpu.memref_slice %arg3[%dma_start3A_70, %dma_start3A_71] : memref<10240x32xf32, #tpu.memory_space<hbm>> -> memref<10240x32xf32, #tpu.memory_space<hbm>>
      tpu.enqueue_indirect_dma source(%dma_start3A_72 : memref<10240x32xf32, #tpu.memory_space<hbm>>) target(%arg15 : memref<128x32xf32, #tpu.memory_space<vmem>>) offsets(%dma_start3A_69 : memref<128xi32, #tpu.memory_space<vmem>>) semaphore(%arg23 : memref<!tpu.dma_semaphore, #tpu.memory_space<semaphore_mem>>)
      %scan3A = arith.constant 0 : i32
      %scan3A_73 = arith.constant 0 : i32
      %scan3A_74 = arith.constant 15 : i32
      %scan3A_75 = arith.addi %scan3A_73, %scan3A_74 : i32
      %scan3A_76 = arith.constant 1 : i32
      scf.for %scan3A_78 = %scan3A_73 to %scan3A_75 step %scan3A_76  : i32 {
        %mul3A_79 = arith.constant 6 : i32
        %mul3A_80 = arith.muli %scan3A_78, %mul3A_79 : i32
        %add3A_81 = arith.constant 0 : i32
        %add3A_82 = arith.addi %mul3A_80, %add3A_81 : i32
        %dma_wait3A = arith.constant 0 : i32
        %dma_wait3A_83 = arith.constant 0 : i32
        %dma_wait3A_84 = tpu.memref_slice %arg6[%dma_wait3A, %dma_wait3A_83] : memref<90x128xi32, #tpu.memory_space<vmem>> -> memref<1x128xi32, #tpu.memory_space<vmem>>
        %dma_wait3A_85 = tpu.memref_squeeze %dma_wait3A_84 : memref<1x128xi32, #tpu.memory_space<vmem>> -> memref<128xi32, #tpu.memory_space<vmem>>
        %dma_wait3A_86 = arith.constant 0 : i32
        %dma_wait3A_87 = arith.constant 0 : i32
        %dma_wait3A_88 = tpu.memref_slice %arg3[%dma_wait3A_86, %dma_wait3A_87] : memref<10240x32xf32, #tpu.memory_space<hbm>> -> memref<10240x32xf32, #tpu.memory_space<hbm>>
        tpu.wait_indirect_dma semaphore(%arg18 : memref<!tpu.dma_semaphore, #tpu.memory_space<semaphore_mem>>) src(%dma_wait3A_88 : memref<10240x32xf32, #tpu.memory_space<hbm>>) dst(%arg10 : memref<128x32xf32, #tpu.memory_space<vmem>>)
        %dma_start3A_89 = arith.constant 0 : i32
        %dma_start3A_90 = tpu.memref_slice %arg7[%add3A_82, %dma_start3A_89] : memref<90x128xi32, #tpu.memory_space<vmem>> -> memref<1x128xi32, #tpu.memory_space<vmem>>
        %dma_start3A_91 = tpu.memref_squeeze %dma_start3A_90 : memref<1x128xi32, #tpu.memory_space<vmem>> -> memref<128xi32, #tpu.memory_space<vmem>>
        %dma_start3A_92 = arith.constant 0 : i32
        %dma_start3A_93 = arith.constant 0 : i32
        %dma_start3A_94 = tpu.memref_slice %arg16[%dma_start3A_92, %dma_start3A_93] : memref<10240x32xf32, #tpu.memory_space<vmem_shared>> -> memref<10240x32xf32, #tpu.memory_space<vmem_shared>>
        tpu.enqueue_indirect_dma source(%arg10 : memref<128x32xf32, #tpu.memory_space<vmem>>) target(%dma_start3A_94 : memref<10240x32xf32, #tpu.memory_space<vmem_shared>>) offsets(%dma_start3A_91 : memref<128xi32, #tpu.memory_space<vmem>>) semaphore(%arg24 : memref<!tpu.dma_semaphore, #tpu.memory_space<semaphore_mem>>) {add = true}
        %mul3A_95 = arith.constant 6 : i32
        %mul3A_96 = arith.muli %scan3A_78, %mul3A_95 : i32
        %add3A_97 = arith.constant 1 : i32
        %add3A_98 = arith.addi %mul3A_96, %add3A_97 : i32
        %dma_wait3A_99 = arith.constant 0 : i32
        %dma_wait3A_100 = arith.constant 0 : i32
        %dma_wait3A_101 = tpu.memref_slice %arg6[%dma_wait3A_99, %dma_wait3A_100] : memref<90x128xi32, #tpu.memory_space<vmem>> -> memref<1x128xi32, #tpu.memory_space<vmem>>
        %dma_wait3A_102 = tpu.memref_squeeze %dma_wait3A_101 : memref<1x128xi32, #tpu.memory_space<vmem>> -> memref<128xi32, #tpu.memory_space<vmem>>
        %dma_wait3A_103 = arith.constant 0 : i32
        %dma_wait3A_104 = arith.constant 0 : i32
        %dma_wait3A_105 = tpu.memref_slice %arg3[%dma_wait3A_103, %dma_wait3A_104] : memref<10240x32xf32, #tpu.memory_space<hbm>> -> memref<10240x32xf32, #tpu.memory_space<hbm>>
        tpu.wait_indirect_dma semaphore(%arg19 : memref<!tpu.dma_semaphore, #tpu.memory_space<semaphore_mem>>) src(%dma_wait3A_105 : memref<10240x32xf32, #tpu.memory_space<hbm>>) dst(%arg11 : memref<128x32xf32, #tpu.memory_space<vmem>>)
        %dma_start3A_106 = arith.constant 0 : i32
        %dma_start3A_107 = tpu.memref_slice %arg7[%add3A_98, %dma_start3A_106] : memref<90x128xi32, #tpu.memory_space<vmem>> -> memref<1x128xi32, #tpu.memory_space<vmem>>
        %dma_start3A_108 = tpu.memref_squeeze %dma_start3A_107 : memref<1x128xi32, #tpu.memory_space<vmem>> -> memref<128xi32, #tpu.memory_space<vmem>>
        %dma_start3A_109 = arith.constant 0 : i32
        %dma_start3A_110 = arith.constant 0 : i32
        %dma_start3A_111 = tpu.memref_slice %arg16[%dma_start3A_109, %dma_start3A_110] : memref<10240x32xf32, #tpu.memory_space<vmem_shared>> -> memref<10240x32xf32, #tpu.memory_space<vmem_shared>>
        tpu.enqueue_indirect_dma source(%arg11 : memref<128x32xf32, #tpu.memory_space<vmem>>) target(%dma_start3A_111 : memref<10240x32xf32, #tpu.memory_space<vmem_shared>>) offsets(%dma_start3A_108 : memref<128xi32, #tpu.memory_space<vmem>>) semaphore(%arg25 : memref<!tpu.dma_semaphore, #tpu.memory_space<semaphore_mem>>) {add = true}
        %mul3A_112 = arith.constant 6 : i32
        %mul3A_113 = arith.muli %scan3A_78, %mul3A_112 : i32
        %add3A_114 = arith.constant 2 : i32
        %add3A_115 = arith.addi %mul3A_113, %add3A_114 : i32
        %dma_wait3A_116 = arith.constant 0 : i32
        %dma_wait3A_117 = arith.constant 0 : i32
        %dma_wait3A_118 = tpu.memref_slice %arg6[%dma_wait3A_116, %dma_wait3A_117] : memref<90x128xi32, #tpu.memory_space<vmem>> -> memref<1x128xi32, #tpu.memory_space<vmem>>
        %dma_wait3A_119 = tpu.memref_squeeze %dma_wait3A_118 : memref<1x128xi32, #tpu.memory_space<vmem>> -> memref<128xi32, #tpu.memory_space<vmem>>
        %dma_wait3A_120 = arith.constant 0 : i32
        %dma_wait3A_121 = arith.constant 0 : i32
        %dma_wait3A_122 = tpu.memref_slice %arg3[%dma_wait3A_120, %dma_wait3A_121] : memref<10240x32xf32, #tpu.memory_space<hbm>> -> memref<10240x32xf32, #tpu.memory_space<hbm>>
        tpu.wait_indirect_dma semaphore(%arg20 : memref<!tpu.dma_semaphore, #tpu.memory_space<semaphore_mem>>) src(%dma_wait3A_122 : memref<10240x32xf32, #tpu.memory_space<hbm>>) dst(%arg12 : memref<128x32xf32, #tpu.memory_space<vmem>>)
        %dma_start3A_123 = arith.constant 0 : i32
        %dma_start3A_124 = tpu.memref_slice %arg7[%add3A_115, %dma_start3A_123] : memref<90x128xi32, #tpu.memory_space<vmem>> -> memref<1x128xi32, #tpu.memory_space<vmem>>
        %dma_start3A_125 = tpu.memref_squeeze %dma_start3A_124 : memref<1x128xi32, #tpu.memory_space<vmem>> -> memref<128xi32, #tpu.memory_space<vmem>>
        %dma_start3A_126 = arith.constant 0 : i32
        %dma_start3A_127 = arith.constant 0 : i32
        %dma_start3A_128 = tpu.memref_slice %arg16[%dma_start3A_126, %dma_start3A_127] : memref<10240x32xf32, #tpu.memory_space<vmem_shared>> -> memref<10240x32xf32, #tpu.memory_space<vmem_shared>>
        tpu.enqueue_indirect_dma source(%arg12 : memref<128x32xf32, #tpu.memory_space<vmem>>) target(%dma_start3A_128 : memref<10240x32xf32, #tpu.memory_space<vmem_shared>>) offsets(%dma_start3A_125 : memref<128xi32, #tpu.memory_space<vmem>>) semaphore(%arg26 : memref<!tpu.dma_semaphore, #tpu.memory_space<semaphore_mem>>) {add = true}
        %mul3A_129 = arith.constant 6 : i32
        %mul3A_130 = arith.muli %scan3A_78, %mul3A_129 : i32
        %add3A_131 = arith.constant 3 : i32
        %add3A_132 = arith.addi %mul3A_130, %add3A_131 : i32
        %dma_wait3A_133 = arith.constant 0 : i32
        %dma_wait3A_134 = arith.constant 0 : i32
        %dma_wait3A_135 = tpu.memref_slice %arg6[%dma_wait3A_133, %dma_wait3A_134] : memref<90x128xi32, #tpu.memory_space<vmem>> -> memref<1x128xi32, #tpu.memory_space<vmem>>
        %dma_wait3A_136 = tpu.memref_squeeze %dma_wait3A_135 : memref<1x128xi32, #tpu.memory_space<vmem>> -> memref<128xi32, #tpu.memory_space<vmem>>
        %dma_wait3A_137 = arith.constant 0 : i32
        %dma_wait3A_138 = arith.constant 0 : i32
        %dma_wait3A_139 = tpu.memref_slice %arg3[%dma_wait3A_137, %dma_wait3A_138] : memref<10240x32xf32, #tpu.memory_space<hbm>> -> memref<10240x32xf32, #tpu.memory_space<hbm>>
        tpu.wait_indirect_dma semaphore(%arg21 : memref<!tpu.dma_semaphore, #tpu.memory_space<semaphore_mem>>) src(%dma_wait3A_139 : memref<10240x32xf32, #tpu.memory_space<hbm>>) dst(%arg13 : memref<128x32xf32, #tpu.memory_space<vmem>>)
        %dma_start3A_140 = arith.constant 0 : i32
        %dma_start3A_141 = tpu.memref_slice %arg7[%add3A_132, %dma_start3A_140] : memref<90x128xi32, #tpu.memory_space<vmem>> -> memref<1x128xi32, #tpu.memory_space<vmem>>
        %dma_start3A_142 = tpu.memref_squeeze %dma_start3A_141 : memref<1x128xi32, #tpu.memory_space<vmem>> -> memref<128xi32, #tpu.memory_space<vmem>>
        %dma_start3A_143 = arith.constant 0 : i32
        %dma_start3A_144 = arith.constant 0 : i32
        %dma_start3A_145 = tpu.memref_slice %arg16[%dma_start3A_143, %dma_start3A_144] : memref<10240x32xf32, #tpu.memory_space<vmem_shared>> -> memref<10240x32xf32, #tpu.memory_space<vmem_shared>>
        tpu.enqueue_indirect_dma source(%arg13 : memref<128x32xf32, #tpu.memory_space<vmem>>) target(%dma_start3A_145 : memref<10240x32xf32, #tpu.memory_space<vmem_shared>>) offsets(%dma_start3A_142 : memref<128xi32, #tpu.memory_space<vmem>>) semaphore(%arg27 : memref<!tpu.dma_semaphore, #tpu.memory_space<semaphore_mem>>) {add = true}
        %mul3A_146 = arith.constant 6 : i32
        %mul3A_147 = arith.muli %scan3A_78, %mul3A_146 : i32
        %add3A_148 = arith.constant 4 : i32
        %add3A_149 = arith.addi %mul3A_147, %add3A_148 : i32
        %dma_wait3A_150 = arith.constant 0 : i32
        %dma_wait3A_151 = arith.constant 0 : i32
        %dma_wait3A_152 = tpu.memref_slice %arg6[%dma_wait3A_150, %dma_wait3A_151] : memref<90x128xi32, #tpu.memory_space<vmem>> -> memref<1x128xi32, #tpu.memory_space<vmem>>
        %dma_wait3A_153 = tpu.memref_squeeze %dma_wait3A_152 : memref<1x128xi32, #tpu.memory_space<vmem>> -> memref<128xi32, #tpu.memory_space<vmem>>
        %dma_wait3A_154 = arith.constant 0 : i32
        %dma_wait3A_155 = arith.constant 0 : i32
        %dma_wait3A_156 = tpu.memref_slice %arg3[%dma_wait3A_154, %dma_wait3A_155] : memref<10240x32xf32, #tpu.memory_space<hbm>> -> memref<10240x32xf32, #tpu.memory_space<hbm>>
        tpu.wait_indirect_dma semaphore(%arg22 : memref<!tpu.dma_semaphore, #tpu.memory_space<semaphore_mem>>) src(%dma_wait3A_156 : memref<10240x32xf32, #tpu.memory_space<hbm>>) dst(%arg14 : memref<128x32xf32, #tpu.memory_space<vmem>>)
        %dma_start3A_157 = arith.constant 0 : i32
        %dma_start3A_158 = tpu.memref_slice %arg7[%add3A_149, %dma_start3A_157] : memref<90x128xi32, #tpu.memory_space<vmem>> -> memref<1x128xi32, #tpu.memory_space<vmem>>
        %dma_start3A_159 = tpu.memref_squeeze %dma_start3A_158 : memref<1x128xi32, #tpu.memory_space<vmem>> -> memref<128xi32, #tpu.memory_space<vmem>>
        %dma_start3A_160 = arith.constant 0 : i32
        %dma_start3A_161 = arith.constant 0 : i32
        %dma_start3A_162 = tpu.memref_slice %arg16[%dma_start3A_160, %dma_start3A_161] : memref<10240x32xf32, #tpu.memory_space<vmem_shared>> -> memref<10240x32xf32, #tpu.memory_space<vmem_shared>>
        tpu.enqueue_indirect_dma source(%arg14 : memref<128x32xf32, #tpu.memory_space<vmem>>) target(%dma_start3A_162 : memref<10240x32xf32, #tpu.memory_space<vmem_shared>>) offsets(%dma_start3A_159 : memref<128xi32, #tpu.memory_space<vmem>>) semaphore(%arg28 : memref<!tpu.dma_semaphore, #tpu.memory_space<semaphore_mem>>) {add = true}
        %mul3A_163 = arith.constant 6 : i32
        %mul3A_164 = arith.muli %scan3A_78, %mul3A_163 : i32
        %add3A_165 = arith.constant 5 : i32
        %add3A_166 = arith.addi %mul3A_164, %add3A_165 : i32
        %dma_wait3A_167 = arith.constant 0 : i32
        %dma_wait3A_168 = arith.constant 0 : i32
        %dma_wait3A_169 = tpu.memref_slice %arg6[%dma_wait3A_167, %dma_wait3A_168] : memref<90x128xi32, #tpu.memory_space<vmem>> -> memref<1x128xi32, #tpu.memory_space<vmem>>
        %dma_wait3A_170 = tpu.memref_squeeze %dma_wait3A_169 : memref<1x128xi32, #tpu.memory_space<vmem>> -> memref<128xi32, #tpu.memory_space<vmem>>
        %dma_wait3A_171 = arith.constant 0 : i32
        %dma_wait3A_172 = arith.constant 0 : i32
        %dma_wait3A_173 = tpu.memref_slice %arg3[%dma_wait3A_171, %dma_wait3A_172] : memref<10240x32xf32, #tpu.memory_space<hbm>> -> memref<10240x32xf32, #tpu.memory_space<hbm>>
        tpu.wait_indirect_dma semaphore(%arg23 : memref<!tpu.dma_semaphore, #tpu.memory_space<semaphore_mem>>) src(%dma_wait3A_173 : memref<10240x32xf32, #tpu.memory_space<hbm>>) dst(%arg15 : memref<128x32xf32, #tpu.memory_space<vmem>>)
        %dma_start3A_174 = arith.constant 0 : i32
        %dma_start3A_175 = tpu.memref_slice %arg7[%add3A_166, %dma_start3A_174] : memref<90x128xi32, #tpu.memory_space<vmem>> -> memref<1x128xi32, #tpu.memory_space<vmem>>
        %dma_start3A_176 = tpu.memref_squeeze %dma_start3A_175 : memref<1x128xi32, #tpu.memory_space<vmem>> -> memref<128xi32, #tpu.memory_space<vmem>>
        %dma_start3A_177 = arith.constant 0 : i32
        %dma_start3A_178 = arith.constant 0 : i32
        %dma_start3A_179 = tpu.memref_slice %arg16[%dma_start3A_177, %dma_start3A_178] : memref<10240x32xf32, #tpu.memory_space<vmem_shared>> -> memref<10240x32xf32, #tpu.memory_space<vmem_shared>>
        tpu.enqueue_indirect_dma source(%arg15 : memref<128x32xf32, #tpu.memory_space<vmem>>) target(%dma_start3A_179 : memref<10240x32xf32, #tpu.memory_space<vmem_shared>>) offsets(%dma_start3A_176 : memref<128xi32, #tpu.memory_space<vmem>>) semaphore(%arg29 : memref<!tpu.dma_semaphore, #tpu.memory_space<semaphore_mem>>) {add = true}
        %add3A_180 = arith.constant 1 : i32
        %add3A_181 = arith.addi %scan3A_78, %add3A_180 : i32
        %mul3A_182 = arith.constant 6 : i32
        %mul3A_183 = arith.muli %add3A_181, %mul3A_182 : i32
        %add3A_184 = arith.constant 0 : i32
        %add3A_185 = arith.addi %mul3A_183, %add3A_184 : i32
        %dma_wait3A_186 = arith.constant 0 : i32
        %dma_wait3A_187 = arith.constant 0 : i32
        %dma_wait3A_188 = tpu.memref_slice %arg7[%dma_wait3A_186, %dma_wait3A_187] : memref<90x128xi32, #tpu.memory_space<vmem>> -> memref<1x128xi32, #tpu.memory_space<vmem>>
        %dma_wait3A_189 = tpu.memref_squeeze %dma_wait3A_188 : memref<1x128xi32, #tpu.memory_space<vmem>> -> memref<128xi32, #tpu.memory_space<vmem>>
        %dma_wait3A_190 = arith.constant 0 : i32
        %dma_wait3A_191 = arith.constant 0 : i32
        %dma_wait3A_192 = tpu.memref_slice %arg16[%dma_wait3A_190, %dma_wait3A_191] : memref<10240x32xf32, #tpu.memory_space<vmem_shared>> -> memref<10240x32xf32, #tpu.memory_space<vmem_shared>>
        tpu.wait_indirect_dma semaphore(%arg24 : memref<!tpu.dma_semaphore, #tpu.memory_space<semaphore_mem>>) src(%arg10 : memref<128x32xf32, #tpu.memory_space<vmem>>) dst(%dma_wait3A_192 : memref<10240x32xf32, #tpu.memory_space<vmem_shared>>)
        %lt3A_193 = arith.constant 90 : i32
        %lt3A_194 = arith.cmpi slt, %add3A_185, %lt3A_193 : i32
        %convert_element_type3A_195 = arith.extui %lt3A_194 : i1 to i32
        %cond3A_196 = arith.constant 0 : i32
        %cond3A_197 = arith.cmpi ne, %convert_element_type3A_195, %cond3A_196 : i32
        scf.if %cond3A_197 {
          %dma_start3A_288 = arith.constant 0 : i32
          %dma_start3A_289 = tpu.memref_slice %arg6[%add3A_185, %dma_start3A_288] : memref<90x128xi32, #tpu.memory_space<vmem>> -> memref<1x128xi32, #tpu.memory_space<vmem>>
          %dma_start3A_290 = tpu.memref_squeeze %dma_start3A_289 : memref<1x128xi32, #tpu.memory_space<vmem>> -> memref<128xi32, #tpu.memory_space<vmem>>
          %dma_start3A_291 = arith.constant 0 : i32
          %dma_start3A_292 = arith.constant 0 : i32
          %dma_start3A_293 = tpu.memref_slice %arg3[%dma_start3A_291, %dma_start3A_292] : memref<10240x32xf32, #tpu.memory_space<hbm>> -> memref<10240x32xf32, #tpu.memory_space<hbm>>
          tpu.enqueue_indirect_dma source(%dma_start3A_293 : memref<10240x32xf32, #tpu.memory_space<hbm>>) target(%arg10 : memref<128x32xf32, #tpu.memory_space<vmem>>) offsets(%dma_start3A_290 : memref<128xi32, #tpu.memory_space<vmem>>) semaphore(%arg18 : memref<!tpu.dma_semaphore, #tpu.memory_space<semaphore_mem>>)
        } else {
        }
        %add3A_198 = arith.constant 1 : i32
        %add3A_199 = arith.addi %scan3A_78, %add3A_198 : i32
        %mul3A_200 = arith.constant 6 : i32
        %mul3A_201 = arith.muli %add3A_199, %mul3A_200 : i32
        %add3A_202 = arith.constant 1 : i32
        %add3A_203 = arith.addi %mul3A_201, %add3A_202 : i32
        %dma_wait3A_204 = arith.constant 0 : i32
        %dma_wait3A_205 = arith.constant 0 : i32
        %dma_wait3A_206 = tpu.memref_slice %arg7[%dma_wait3A_204, %dma_wait3A_205] : memref<90x128xi32, #tpu.memory_space<vmem>> -> memref<1x128xi32, #tpu.memory_space<vmem>>
        %dma_wait3A_207 = tpu.memref_squeeze %dma_wait3A_206 : memref<1x128xi32, #tpu.memory_space<vmem>> -> memref<128xi32, #tpu.memory_space<vmem>>
        %dma_wait3A_208 = arith.constant 0 : i32
        %dma_wait3A_209 = arith.constant 0 : i32
        %dma_wait3A_210 = tpu.memref_slice %arg16[%dma_wait3A_208, %dma_wait3A_209] : memref<10240x32xf32, #tpu.memory_space<vmem_shared>> -> memref<10240x32xf32, #tpu.memory_space<vmem_shared>>
        tpu.wait_indirect_dma semaphore(%arg25 : memref<!tpu.dma_semaphore, #tpu.memory_space<semaphore_mem>>) src(%arg11 : memref<128x32xf32, #tpu.memory_space<vmem>>) dst(%dma_wait3A_210 : memref<10240x32xf32, #tpu.memory_space<vmem_shared>>)
        %lt3A_211 = arith.constant 90 : i32
        %lt3A_212 = arith.cmpi slt, %add3A_203, %lt3A_211 : i32
        %convert_element_type3A_213 = arith.extui %lt3A_212 : i1 to i32
        %cond3A_214 = arith.constant 0 : i32
        %cond3A_215 = arith.cmpi ne, %convert_element_type3A_213, %cond3A_214 : i32
        scf.if %cond3A_215 {
          %dma_start3A_288 = arith.constant 0 : i32
          %dma_start3A_289 = tpu.memref_slice %arg6[%add3A_203, %dma_start3A_288] : memref<90x128xi32, #tpu.memory_space<vmem>> -> memref<1x128xi32, #tpu.memory_space<vmem>>
          %dma_start3A_290 = tpu.memref_squeeze %dma_start3A_289 : memref<1x128xi32, #tpu.memory_space<vmem>> -> memref<128xi32, #tpu.memory_space<vmem>>
          %dma_start3A_291 = arith.constant 0 : i32
          %dma_start3A_292 = arith.constant 0 : i32
          %dma_start3A_293 = tpu.memref_slice %arg3[%dma_start3A_291, %dma_start3A_292] : memref<10240x32xf32, #tpu.memory_space<hbm>> -> memref<10240x32xf32, #tpu.memory_space<hbm>>
          tpu.enqueue_indirect_dma source(%dma_start3A_293 : memref<10240x32xf32, #tpu.memory_space<hbm>>) target(%arg11 : memref<128x32xf32, #tpu.memory_space<vmem>>) offsets(%dma_start3A_290 : memref<128xi32, #tpu.memory_space<vmem>>) semaphore(%arg19 : memref<!tpu.dma_semaphore, #tpu.memory_space<semaphore_mem>>)
        } else {
        }
        %add3A_216 = arith.constant 1 : i32
        %add3A_217 = arith.addi %scan3A_78, %add3A_216 : i32
        %mul3A_218 = arith.constant 6 : i32
        %mul3A_219 = arith.muli %add3A_217, %mul3A_218 : i32
        %add3A_220 = arith.constant 2 : i32
        %add3A_221 = arith.addi %mul3A_219, %add3A_220 : i32
        %dma_wait3A_222 = arith.constant 0 : i32
        %dma_wait3A_223 = arith.constant 0 : i32
        %dma_wait3A_224 = tpu.memref_slice %arg7[%dma_wait3A_222, %dma_wait3A_223] : memref<90x128xi32, #tpu.memory_space<vmem>> -> memref<1x128xi32, #tpu.memory_space<vmem>>
        %dma_wait3A_225 = tpu.memref_squeeze %dma_wait3A_224 : memref<1x128xi32, #tpu.memory_space<vmem>> -> memref<128xi32, #tpu.memory_space<vmem>>
        %dma_wait3A_226 = arith.constant 0 : i32
        %dma_wait3A_227 = arith.constant 0 : i32
        %dma_wait3A_228 = tpu.memref_slice %arg16[%dma_wait3A_226, %dma_wait3A_227] : memref<10240x32xf32, #tpu.memory_space<vmem_shared>> -> memref<10240x32xf32, #tpu.memory_space<vmem_shared>>
        tpu.wait_indirect_dma semaphore(%arg26 : memref<!tpu.dma_semaphore, #tpu.memory_space<semaphore_mem>>) src(%arg12 : memref<128x32xf32, #tpu.memory_space<vmem>>) dst(%dma_wait3A_228 : memref<10240x32xf32, #tpu.memory_space<vmem_shared>>)
        %lt3A_229 = arith.constant 90 : i32
        %lt3A_230 = arith.cmpi slt, %add3A_221, %lt3A_229 : i32
        %convert_element_type3A_231 = arith.extui %lt3A_230 : i1 to i32
        %cond3A_232 = arith.constant 0 : i32
        %cond3A_233 = arith.cmpi ne, %convert_element_type3A_231, %cond3A_232 : i32
        scf.if %cond3A_233 {
          %dma_start3A_288 = arith.constant 0 : i32
          %dma_start3A_289 = tpu.memref_slice %arg6[%add3A_221, %dma_start3A_288] : memref<90x128xi32, #tpu.memory_space<vmem>> -> memref<1x128xi32, #tpu.memory_space<vmem>>
          %dma_start3A_290 = tpu.memref_squeeze %dma_start3A_289 : memref<1x128xi32, #tpu.memory_space<vmem>> -> memref<128xi32, #tpu.memory_space<vmem>>
          %dma_start3A_291 = arith.constant 0 : i32
          %dma_start3A_292 = arith.constant 0 : i32
          %dma_start3A_293 = tpu.memref_slice %arg3[%dma_start3A_291, %dma_start3A_292] : memref<10240x32xf32, #tpu.memory_space<hbm>> -> memref<10240x32xf32, #tpu.memory_space<hbm>>
          tpu.enqueue_indirect_dma source(%dma_start3A_293 : memref<10240x32xf32, #tpu.memory_space<hbm>>) target(%arg12 : memref<128x32xf32, #tpu.memory_space<vmem>>) offsets(%dma_start3A_290 : memref<128xi32, #tpu.memory_space<vmem>>) semaphore(%arg20 : memref<!tpu.dma_semaphore, #tpu.memory_space<semaphore_mem>>)
        } else {
        }
        %add3A_234 = arith.constant 1 : i32
        %add3A_235 = arith.addi %scan3A_78, %add3A_234 : i32
        %mul3A_236 = arith.constant 6 : i32
        %mul3A_237 = arith.muli %add3A_235, %mul3A_236 : i32
        %add3A_238 = arith.constant 3 : i32
        %add3A_239 = arith.addi %mul3A_237, %add3A_238 : i32
        %dma_wait3A_240 = arith.constant 0 : i32
        %dma_wait3A_241 = arith.constant 0 : i32
        %dma_wait3A_242 = tpu.memref_slice %arg7[%dma_wait3A_240, %dma_wait3A_241] : memref<90x128xi32, #tpu.memory_space<vmem>> -> memref<1x128xi32, #tpu.memory_space<vmem>>
        %dma_wait3A_243 = tpu.memref_squeeze %dma_wait3A_242 : memref<1x128xi32, #tpu.memory_space<vmem>> -> memref<128xi32, #tpu.memory_space<vmem>>
        %dma_wait3A_244 = arith.constant 0 : i32
        %dma_wait3A_245 = arith.constant 0 : i32
        %dma_wait3A_246 = tpu.memref_slice %arg16[%dma_wait3A_244, %dma_wait3A_245] : memref<10240x32xf32, #tpu.memory_space<vmem_shared>> -> memref<10240x32xf32, #tpu.memory_space<vmem_shared>>
        tpu.wait_indirect_dma semaphore(%arg27 : memref<!tpu.dma_semaphore, #tpu.memory_space<semaphore_mem>>) src(%arg13 : memref<128x32xf32, #tpu.memory_space<vmem>>) dst(%dma_wait3A_246 : memref<10240x32xf32, #tpu.memory_space<vmem_shared>>)
        %lt3A_247 = arith.constant 90 : i32
        %lt3A_248 = arith.cmpi slt, %add3A_239, %lt3A_247 : i32
        %convert_element_type3A_249 = arith.extui %lt3A_248 : i1 to i32
        %cond3A_250 = arith.constant 0 : i32
        %cond3A_251 = arith.cmpi ne, %convert_element_type3A_249, %cond3A_250 : i32
        scf.if %cond3A_251 {
          %dma_start3A_288 = arith.constant 0 : i32
          %dma_start3A_289 = tpu.memref_slice %arg6[%add3A_239, %dma_start3A_288] : memref<90x128xi32, #tpu.memory_space<vmem>> -> memref<1x128xi32, #tpu.memory_space<vmem>>
          %dma_start3A_290 = tpu.memref_squeeze %dma_start3A_289 : memref<1x128xi32, #tpu.memory_space<vmem>> -> memref<128xi32, #tpu.memory_space<vmem>>
          %dma_start3A_291 = arith.constant 0 : i32
          %dma_start3A_292 = arith.constant 0 : i32
          %dma_start3A_293 = tpu.memref_slice %arg3[%dma_start3A_291, %dma_start3A_292] : memref<10240x32xf32, #tpu.memory_space<hbm>> -> memref<10240x32xf32, #tpu.memory_space<hbm>>
          tpu.enqueue_indirect_dma source(%dma_start3A_293 : memref<10240x32xf32, #tpu.memory_space<hbm>>) target(%arg13 : memref<128x32xf32, #tpu.memory_space<vmem>>) offsets(%dma_start3A_290 : memref<128xi32, #tpu.memory_space<vmem>>) semaphore(%arg21 : memref<!tpu.dma_semaphore, #tpu.memory_space<semaphore_mem>>)
        } else {
        }
        %add3A_252 = arith.constant 1 : i32
        %add3A_253 = arith.addi %scan3A_78, %add3A_252 : i32
        %mul3A_254 = arith.constant 6 : i32
        %mul3A_255 = arith.muli %add3A_253, %mul3A_254 : i32
        %add3A_256 = arith.constant 4 : i32
        %add3A_257 = arith.addi %mul3A_255, %add3A_256 : i32
        %dma_wait3A_258 = arith.constant 0 : i32
        %dma_wait3A_259 = arith.constant 0 : i32
        %dma_wait3A_260 = tpu.memref_slice %arg7[%dma_wait3A_258, %dma_wait3A_259] : memref<90x128xi32, #tpu.memory_space<vmem>> -> memref<1x128xi32, #tpu.memory_space<vmem>>
        %dma_wait3A_261 = tpu.memref_squeeze %dma_wait3A_260 : memref<1x128xi32, #tpu.memory_space<vmem>> -> memref<128xi32, #tpu.memory_space<vmem>>
        %dma_wait3A_262 = arith.constant 0 : i32
        %dma_wait3A_263 = arith.constant 0 : i32
        %dma_wait3A_264 = tpu.memref_slice %arg16[%dma_wait3A_262, %dma_wait3A_263] : memref<10240x32xf32, #tpu.memory_space<vmem_shared>> -> memref<10240x32xf32, #tpu.memory_space<vmem_shared>>
        tpu.wait_indirect_dma semaphore(%arg28 : memref<!tpu.dma_semaphore, #tpu.memory_space<semaphore_mem>>) src(%arg14 : memref<128x32xf32, #tpu.memory_space<vmem>>) dst(%dma_wait3A_264 : memref<10240x32xf32, #tpu.memory_space<vmem_shared>>)
        %lt3A_265 = arith.constant 90 : i32
        %lt3A_266 = arith.cmpi slt, %add3A_257, %lt3A_265 : i32
        %convert_element_type3A_267 = arith.extui %lt3A_266 : i1 to i32
        %cond3A_268 = arith.constant 0 : i32
        %cond3A_269 = arith.cmpi ne, %convert_element_type3A_267, %cond3A_268 : i32
        scf.if %cond3A_269 {
          %dma_start3A_288 = arith.constant 0 : i32
          %dma_start3A_289 = tpu.memref_slice %arg6[%add3A_257, %dma_start3A_288] : memref<90x128xi32, #tpu.memory_space<vmem>> -> memref<1x128xi32, #tpu.memory_space<vmem>>
          %dma_start3A_290 = tpu.memref_squeeze %dma_start3A_289 : memref<1x128xi32, #tpu.memory_space<vmem>> -> memref<128xi32, #tpu.memory_space<vmem>>
          %dma_start3A_291 = arith.constant 0 : i32
          %dma_start3A_292 = arith.constant 0 : i32
          %dma_start3A_293 = tpu.memref_slice %arg3[%dma_start3A_291, %dma_start3A_292] : memref<10240x32xf32, #tpu.memory_space<hbm>> -> memref<10240x32xf32, #tpu.memory_space<hbm>>
          tpu.enqueue_indirect_dma source(%dma_start3A_293 : memref<10240x32xf32, #tpu.memory_space<hbm>>) target(%arg14 : memref<128x32xf32, #tpu.memory_space<vmem>>) offsets(%dma_start3A_290 : memref<128xi32, #tpu.memory_space<vmem>>) semaphore(%arg22 : memref<!tpu.dma_semaphore, #tpu.memory_space<semaphore_mem>>)
        } else {
        }
        %add3A_270 = arith.constant 1 : i32
        %add3A_271 = arith.addi %scan3A_78, %add3A_270 : i32
        %mul3A_272 = arith.constant 6 : i32
        %mul3A_273 = arith.muli %add3A_271, %mul3A_272 : i32
        %add3A_274 = arith.constant 5 : i32
        %add3A_275 = arith.addi %mul3A_273, %add3A_274 : i32
        %dma_wait3A_276 = arith.constant 0 : i32
        %dma_wait3A_277 = arith.constant 0 : i32
        %dma_wait3A_278 = tpu.memref_slice %arg7[%dma_wait3A_276, %dma_wait3A_277] : memref<90x128xi32, #tpu.memory_space<vmem>> -> memref<1x128xi32, #tpu.memory_space<vmem>>
        %dma_wait3A_279 = tpu.memref_squeeze %dma_wait3A_278 : memref<1x128xi32, #tpu.memory_space<vmem>> -> memref<128xi32, #tpu.memory_space<vmem>>
        %dma_wait3A_280 = arith.constant 0 : i32
        %dma_wait3A_281 = arith.constant 0 : i32
        %dma_wait3A_282 = tpu.memref_slice %arg16[%dma_wait3A_280, %dma_wait3A_281] : memref<10240x32xf32, #tpu.memory_space<vmem_shared>> -> memref<10240x32xf32, #tpu.memory_space<vmem_shared>>
        tpu.wait_indirect_dma semaphore(%arg29 : memref<!tpu.dma_semaphore, #tpu.memory_space<semaphore_mem>>) src(%arg15 : memref<128x32xf32, #tpu.memory_space<vmem>>) dst(%dma_wait3A_282 : memref<10240x32xf32, #tpu.memory_space<vmem_shared>>)
        %lt3A_283 = arith.constant 90 : i32
        %lt3A_284 = arith.cmpi slt, %add3A_275, %lt3A_283 : i32
        %convert_element_type3A_285 = arith.extui %lt3A_284 : i1 to i32
        %cond3A_286 = arith.constant 0 : i32
        %cond3A_287 = arith.cmpi ne, %convert_element_type3A_285, %cond3A_286 : i32
        scf.if %cond3A_287 {
          %dma_start3A_288 = arith.constant 0 : i32
          %dma_start3A_289 = tpu.memref_slice %arg6[%add3A_275, %dma_start3A_288] : memref<90x128xi32, #tpu.memory_space<vmem>> -> memref<1x128xi32, #tpu.memory_space<vmem>>
          %dma_start3A_290 = tpu.memref_squeeze %dma_start3A_289 : memref<1x128xi32, #tpu.memory_space<vmem>> -> memref<128xi32, #tpu.memory_space<vmem>>
          %dma_start3A_291 = arith.constant 0 : i32
          %dma_start3A_292 = arith.constant 0 : i32
          %dma_start3A_293 = tpu.memref_slice %arg3[%dma_start3A_291, %dma_start3A_292] : memref<10240x32xf32, #tpu.memory_space<hbm>> -> memref<10240x32xf32, #tpu.memory_space<hbm>>
          tpu.enqueue_indirect_dma source(%dma_start3A_293 : memref<10240x32xf32, #tpu.memory_space<hbm>>) target(%arg15 : memref<128x32xf32, #tpu.memory_space<vmem>>) offsets(%dma_start3A_290 : memref<128xi32, #tpu.memory_space<vmem>>) semaphore(%arg23 : memref<!tpu.dma_semaphore, #tpu.memory_space<semaphore_mem>>)
        } else {
        }
      }
      %scan3A_77 = arith.constant 15 : i32
    } else {
    }
    %ne3A = arith.constant 0 : i32
    %ne3A_11 = arith.cmpi ne, %arg0, %ne3A : i32
    %convert_element_type3A_12 = arith.extui %ne3A_11 : i1 to i32
    %cond3A_13 = arith.constant 0 : i32
    %cond3A_14 = arith.constant 1 : i32
    %cond3A_15 = arith.constant 0 : i32
    %cond3A_16 = arith.cmpi ne, %convert_element_type3A_12, %cond3A_15 : i32
    scf.if %cond3A_16 {
      %mul3A_30 = arith.constant 66 : i32
      %mul3A_31 = arith.muli %arg1, %mul3A_30 : i32
      %add3A_32 = arith.constant 1440 : i32
      %add3A_33 = arith.addi %add3A_32, %mul3A_31 : i32
      "tpu.region"() ({
        %run_scoped3A = tpu.sem_alloc : memref<!tpu.dma_semaphore, #tpu.memory_space<semaphore_mem>>
        %dma_start3A_80 = arith.constant 0 : i32
        %dma_start3A_81 = arith.constant 0 : i32
        %dma_start3A_82 = tpu.memref_slice %arg6[%dma_start3A_80, %dma_start3A_81] : memref<90x128xi32, #tpu.memory_space<vmem>> -> memref<66x128xi32, #tpu.memory_space<vmem>>
        %dma_start3A_83 = arith.constant 0 : i32
        %dma_start3A_84 = arith.constant 0 : i32
        %dma_start3A_85 = tpu.memref_slice %arg2[%cond3A_13, %dma_start3A_83, %dma_start3A_84] : memref<2x2500x128xi32, #tpu.memory_space<hbm>> -> memref<1x2500x128xi32, #tpu.memory_space<hbm>>
        %dma_start3A_86 = tpu.memref_squeeze %dma_start3A_85 : memref<1x2500x128xi32, #tpu.memory_space<hbm>> -> memref<2500x128xi32, #tpu.memory_space<hbm>>
        %dma_start3A_87 = arith.constant 0 : i32
        %dma_start3A_88 = tpu.memref_slice %dma_start3A_86[%add3A_33, %dma_start3A_87] : memref<2500x128xi32, #tpu.memory_space<hbm>> -> memref<66x128xi32, #tpu.memory_space<hbm>>
        %dma_start3A_89 = arith.constant 0 : i32
        %dma_start3A_90 = arith.constant 0 : i32
        %dma_start3A_91 = tpu.memref_slice %arg6[%dma_start3A_89, %dma_start3A_90] : memref<90x128xi32, #tpu.memory_space<vmem>> -> memref<66x128xi32, #tpu.memory_space<vmem>>
        %dma_start3A_92 = arith.constant 0 : i32
        %dma_start3A_93 = arith.constant 0 : i32
        %dma_start3A_94 = tpu.memref_slice %arg2[%cond3A_13, %dma_start3A_92, %dma_start3A_93] : memref<2x2500x128xi32, #tpu.memory_space<hbm>> -> memref<1x2500x128xi32, #tpu.memory_space<hbm>>
        %dma_start3A_95 = tpu.memref_squeeze %dma_start3A_94 : memref<1x2500x128xi32, #tpu.memory_space<hbm>> -> memref<2500x128xi32, #tpu.memory_space<hbm>>
        %dma_start3A_96 = arith.constant 0 : i32
        %dma_start3A_97 = tpu.memref_slice %dma_start3A_95[%add3A_33, %dma_start3A_96] : memref<2500x128xi32, #tpu.memory_space<hbm>> -> memref<66x128xi32, #tpu.memory_space<hbm>>
        tpu.enqueue_dma source(%dma_start3A_97 : memref<66x128xi32, #tpu.memory_space<hbm>>) target(%dma_start3A_91 : memref<66x128xi32, #tpu.memory_space<vmem>>) target_semaphore(%run_scoped3A : memref<!tpu.dma_semaphore, #tpu.memory_space<semaphore_mem>>)
        %dma_wait3A = arith.constant 0 : i32
        %dma_wait3A_98 = arith.constant 0 : i32
        %dma_wait3A_99 = tpu.memref_slice %arg6[%dma_wait3A, %dma_wait3A_98] : memref<90x128xi32, #tpu.memory_space<vmem>> -> memref<66x128xi32, #tpu.memory_space<vmem>>
        %dma_wait3A_100 = arith.constant 0 : i32
        %dma_wait3A_101 = arith.constant 0 : i32
        %dma_wait3A_102 = tpu.memref_slice %arg2[%cond3A_13, %dma_wait3A_100, %dma_wait3A_101] : memref<2x2500x128xi32, #tpu.memory_space<hbm>> -> memref<1x2500x128xi32, #tpu.memory_space<hbm>>
        %dma_wait3A_103 = tpu.memref_squeeze %dma_wait3A_102 : memref<1x2500x128xi32, #tpu.memory_space<hbm>> -> memref<2500x128xi32, #tpu.memory_space<hbm>>
        %dma_wait3A_104 = arith.constant 0 : i32
        %dma_wait3A_105 = tpu.memref_slice %dma_wait3A_103[%add3A_33, %dma_wait3A_104] : memref<2500x128xi32, #tpu.memory_space<hbm>> -> memref<66x128xi32, #tpu.memory_space<hbm>>
        %dma_wait3A_106 = arith.constant 0 : i32
        %dma_wait3A_107 = arith.constant 0 : i32
        %dma_wait3A_108 = tpu.memref_slice %arg6[%dma_wait3A_106, %dma_wait3A_107] : memref<90x128xi32, #tpu.memory_space<vmem>> -> memref<66x128xi32, #tpu.memory_space<vmem>>
        %dma_wait3A_109 = arith.constant 0 : i32
        %dma_wait3A_110 = arith.constant 0 : i32
        %dma_wait3A_111 = tpu.memref_slice %arg2[%cond3A_13, %dma_wait3A_109, %dma_wait3A_110] : memref<2x2500x128xi32, #tpu.memory_space<hbm>> -> memref<1x2500x128xi32, #tpu.memory_space<hbm>>
        %dma_wait3A_112 = tpu.memref_squeeze %dma_wait3A_111 : memref<1x2500x128xi32, #tpu.memory_space<hbm>> -> memref<2500x128xi32, #tpu.memory_space<hbm>>
        %dma_wait3A_113 = arith.constant 0 : i32
        %dma_wait3A_114 = tpu.memref_slice %dma_wait3A_112[%add3A_33, %dma_wait3A_113] : memref<2500x128xi32, #tpu.memory_space<hbm>> -> memref<66x128xi32, #tpu.memory_space<hbm>>
        tpu.wait_dma2 semaphore(%run_scoped3A : memref<!tpu.dma_semaphore, #tpu.memory_space<semaphore_mem>>) src(%dma_wait3A_114 : memref<66x128xi32, #tpu.memory_space<hbm>>) dst(%dma_wait3A_108 : memref<66x128xi32, #tpu.memory_space<vmem>>)
        tpu.yield
      }) : () -> ()
      "tpu.region"() ({
        %run_scoped3A = tpu.sem_alloc : memref<!tpu.dma_semaphore, #tpu.memory_space<semaphore_mem>>
        %dma_start3A_80 = arith.constant 0 : i32
        %dma_start3A_81 = arith.constant 0 : i32
        %dma_start3A_82 = tpu.memref_slice %arg7[%dma_start3A_80, %dma_start3A_81] : memref<90x128xi32, #tpu.memory_space<vmem>> -> memref<66x128xi32, #tpu.memory_space<vmem>>
        %dma_start3A_83 = arith.constant 0 : i32
        %dma_start3A_84 = arith.constant 0 : i32
        %dma_start3A_85 = tpu.memref_slice %arg2[%cond3A_14, %dma_start3A_83, %dma_start3A_84] : memref<2x2500x128xi32, #tpu.memory_space<hbm>> -> memref<1x2500x128xi32, #tpu.memory_space<hbm>>
        %dma_start3A_86 = tpu.memref_squeeze %dma_start3A_85 : memref<1x2500x128xi32, #tpu.memory_space<hbm>> -> memref<2500x128xi32, #tpu.memory_space<hbm>>
        %dma_start3A_87 = arith.constant 0 : i32
        %dma_start3A_88 = tpu.memref_slice %dma_start3A_86[%add3A_33, %dma_start3A_87] : memref<2500x128xi32, #tpu.memory_space<hbm>> -> memref<66x128xi32, #tpu.memory_space<hbm>>
        %dma_start3A_89 = arith.constant 0 : i32
        %dma_start3A_90 = arith.constant 0 : i32
        %dma_start3A_91 = tpu.memref_slice %arg7[%dma_start3A_89, %dma_start3A_90] : memref<90x128xi32, #tpu.memory_space<vmem>> -> memref<66x128xi32, #tpu.memory_space<vmem>>
        %dma_start3A_92 = arith.constant 0 : i32
        %dma_start3A_93 = arith.constant 0 : i32
        %dma_start3A_94 = tpu.memref_slice %arg2[%cond3A_14, %dma_start3A_92, %dma_start3A_93] : memref<2x2500x128xi32, #tpu.memory_space<hbm>> -> memref<1x2500x128xi32, #tpu.memory_space<hbm>>
        %dma_start3A_95 = tpu.memref_squeeze %dma_start3A_94 : memref<1x2500x128xi32, #tpu.memory_space<hbm>> -> memref<2500x128xi32, #tpu.memory_space<hbm>>
        %dma_start3A_96 = arith.constant 0 : i32
        %dma_start3A_97 = tpu.memref_slice %dma_start3A_95[%add3A_33, %dma_start3A_96] : memref<2500x128xi32, #tpu.memory_space<hbm>> -> memref<66x128xi32, #tpu.memory_space<hbm>>
        tpu.enqueue_dma source(%dma_start3A_97 : memref<66x128xi32, #tpu.memory_space<hbm>>) target(%dma_start3A_91 : memref<66x128xi32, #tpu.memory_space<vmem>>) target_semaphore(%run_scoped3A : memref<!tpu.dma_semaphore, #tpu.memory_space<semaphore_mem>>)
        %dma_wait3A = arith.constant 0 : i32
        %dma_wait3A_98 = arith.constant 0 : i32
        %dma_wait3A_99 = tpu.memref_slice %arg7[%dma_wait3A, %dma_wait3A_98] : memref<90x128xi32, #tpu.memory_space<vmem>> -> memref<66x128xi32, #tpu.memory_space<vmem>>
        %dma_wait3A_100 = arith.constant 0 : i32
        %dma_wait3A_101 = arith.constant 0 : i32
        %dma_wait3A_102 = tpu.memref_slice %arg2[%cond3A_14, %dma_wait3A_100, %dma_wait3A_101] : memref<2x2500x128xi32, #tpu.memory_space<hbm>> -> memref<1x2500x128xi32, #tpu.memory_space<hbm>>
        %dma_wait3A_103 = tpu.memref_squeeze %dma_wait3A_102 : memref<1x2500x128xi32, #tpu.memory_space<hbm>> -> memref<2500x128xi32, #tpu.memory_space<hbm>>
        %dma_wait3A_104 = arith.constant 0 : i32
        %dma_wait3A_105 = tpu.memref_slice %dma_wait3A_103[%add3A_33, %dma_wait3A_104] : memref<2500x128xi32, #tpu.memory_space<hbm>> -> memref<66x128xi32, #tpu.memory_space<hbm>>
        %dma_wait3A_106 = arith.constant 0 : i32
        %dma_wait3A_107 = arith.constant 0 : i32
        %dma_wait3A_108 = tpu.memref_slice %arg7[%dma_wait3A_106, %dma_wait3A_107] : memref<90x128xi32, #tpu.memory_space<vmem>> -> memref<66x128xi32, #tpu.memory_space<vmem>>
        %dma_wait3A_109 = arith.constant 0 : i32
        %dma_wait3A_110 = arith.constant 0 : i32
        %dma_wait3A_111 = tpu.memref_slice %arg2[%cond3A_14, %dma_wait3A_109, %dma_wait3A_110] : memref<2x2500x128xi32, #tpu.memory_space<hbm>> -> memref<1x2500x128xi32, #tpu.memory_space<hbm>>
        %dma_wait3A_112 = tpu.memref_squeeze %dma_wait3A_111 : memref<1x2500x128xi32, #tpu.memory_space<hbm>> -> memref<2500x128xi32, #tpu.memory_space<hbm>>
        %dma_wait3A_113 = arith.constant 0 : i32
        %dma_wait3A_114 = tpu.memref_slice %dma_wait3A_112[%add3A_33, %dma_wait3A_113] : memref<2500x128xi32, #tpu.memory_space<hbm>> -> memref<66x128xi32, #tpu.memory_space<hbm>>
        tpu.wait_dma2 semaphore(%run_scoped3A : memref<!tpu.dma_semaphore, #tpu.memory_space<semaphore_mem>>) src(%dma_wait3A_114 : memref<66x128xi32, #tpu.memory_space<hbm>>) dst(%dma_wait3A_108 : memref<66x128xi32, #tpu.memory_space<vmem>>)
        tpu.yield
      }) : () -> ()
      %dma_start3A = arith.constant 0 : i32
      %dma_start3A_34 = arith.constant 0 : i32
      %dma_start3A_35 = tpu.memref_slice %arg6[%dma_start3A, %dma_start3A_34] : memref<90x128xi32, #tpu.memory_space<vmem>> -> memref<1x128xi32, #tpu.memory_space<vmem>>
      %dma_start3A_36 = tpu.memref_squeeze %dma_start3A_35 : memref<1x128xi32, #tpu.memory_space<vmem>> -> memref<128xi32, #tpu.memory_space<vmem>>
      %dma_start3A_37 = arith.constant 0 : i32
      %dma_start3A_38 = arith.constant 0 : i32
      %dma_start3A_39 = tpu.memref_slice %arg17[%dma_start3A_37, %dma_start3A_38] : memref<10240x32xf32, #tpu.memory_space<vmem_shared>> -> memref<10240x32xf32, #tpu.memory_space<vmem_shared>>
      tpu.enqueue_indirect_dma source(%dma_start3A_39 : memref<10240x32xf32, #tpu.memory_space<vmem_shared>>) target(%arg10 : memref<128x32xf32, #tpu.memory_space<vmem>>) offsets(%dma_start3A_36 : memref<128xi32, #tpu.memory_space<vmem>>) semaphore(%arg18 : memref<!tpu.dma_semaphore, #tpu.memory_space<semaphore_mem>>)
      %dma_start3A_40 = arith.constant 1 : i32
      %dma_start3A_41 = arith.constant 0 : i32
      %dma_start3A_42 = tpu.memref_slice %arg6[%dma_start3A_40, %dma_start3A_41] : memref<90x128xi32, #tpu.memory_space<vmem>> -> memref<1x128xi32, #tpu.memory_space<vmem>>
      %dma_start3A_43 = tpu.memref_squeeze %dma_start3A_42 : memref<1x128xi32, #tpu.memory_space<vmem>> -> memref<128xi32, #tpu.memory_space<vmem>>
      %dma_start3A_44 = arith.constant 0 : i32
      %dma_start3A_45 = arith.constant 0 : i32
      %dma_start3A_46 = tpu.memref_slice %arg17[%dma_start3A_44, %dma_start3A_45] : memref<10240x32xf32, #tpu.memory_space<vmem_shared>> -> memref<10240x32xf32, #tpu.memory_space<vmem_shared>>
      tpu.enqueue_indirect_dma source(%dma_start3A_46 : memref<10240x32xf32, #tpu.memory_space<vmem_shared>>) target(%arg11 : memref<128x32xf32, #tpu.memory_space<vmem>>) offsets(%dma_start3A_43 : memref<128xi32, #tpu.memory_space<vmem>>) semaphore(%arg19 : memref<!tpu.dma_semaphore, #tpu.memory_space<semaphore_mem>>)
      %dma_start3A_47 = arith.constant 2 : i32
      %dma_start3A_48 = arith.constant 0 : i32
      %dma_start3A_49 = tpu.memref_slice %arg6[%dma_start3A_47, %dma_start3A_48] : memref<90x128xi32, #tpu.memory_space<vmem>> -> memref<1x128xi32, #tpu.memory_space<vmem>>
      %dma_start3A_50 = tpu.memref_squeeze %dma_start3A_49 : memref<1x128xi32, #tpu.memory_space<vmem>> -> memref<128xi32, #tpu.memory_space<vmem>>
      %dma_start3A_51 = arith.constant 0 : i32
      %dma_start3A_52 = arith.constant 0 : i32
      %dma_start3A_53 = tpu.memref_slice %arg17[%dma_start3A_51, %dma_start3A_52] : memref<10240x32xf32, #tpu.memory_space<vmem_shared>> -> memref<10240x32xf32, #tpu.memory_space<vmem_shared>>
      tpu.enqueue_indirect_dma source(%dma_start3A_53 : memref<10240x32xf32, #tpu.memory_space<vmem_shared>>) target(%arg12 : memref<128x32xf32, #tpu.memory_space<vmem>>) offsets(%dma_start3A_50 : memref<128xi32, #tpu.memory_space<vmem>>) semaphore(%arg20 : memref<!tpu.dma_semaphore, #tpu.memory_space<semaphore_mem>>)
      %dma_start3A_54 = arith.constant 3 : i32
      %dma_start3A_55 = arith.constant 0 : i32
      %dma_start3A_56 = tpu.memref_slice %arg6[%dma_start3A_54, %dma_start3A_55] : memref<90x128xi32, #tpu.memory_space<vmem>> -> memref<1x128xi32, #tpu.memory_space<vmem>>
      %dma_start3A_57 = tpu.memref_squeeze %dma_start3A_56 : memref<1x128xi32, #tpu.memory_space<vmem>> -> memref<128xi32, #tpu.memory_space<vmem>>
      %dma_start3A_58 = arith.constant 0 : i32
      %dma_start3A_59 = arith.constant 0 : i32
      %dma_start3A_60 = tpu.memref_slice %arg17[%dma_start3A_58, %dma_start3A_59] : memref<10240x32xf32, #tpu.memory_space<vmem_shared>> -> memref<10240x32xf32, #tpu.memory_space<vmem_shared>>
      tpu.enqueue_indirect_dma source(%dma_start3A_60 : memref<10240x32xf32, #tpu.memory_space<vmem_shared>>) target(%arg13 : memref<128x32xf32, #tpu.memory_space<vmem>>) offsets(%dma_start3A_57 : memref<128xi32, #tpu.memory_space<vmem>>) semaphore(%arg21 : memref<!tpu.dma_semaphore, #tpu.memory_space<semaphore_mem>>)
      %dma_start3A_61 = arith.constant 4 : i32
      %dma_start3A_62 = arith.constant 0 : i32
      %dma_start3A_63 = tpu.memref_slice %arg6[%dma_start3A_61, %dma_start3A_62] : memref<90x128xi32, #tpu.memory_space<vmem>> -> memref<1x128xi32, #tpu.memory_space<vmem>>
      %dma_start3A_64 = tpu.memref_squeeze %dma_start3A_63 : memref<1x128xi32, #tpu.memory_space<vmem>> -> memref<128xi32, #tpu.memory_space<vmem>>
      %dma_start3A_65 = arith.constant 0 : i32
      %dma_start3A_66 = arith.constant 0 : i32
      %dma_start3A_67 = tpu.memref_slice %arg17[%dma_start3A_65, %dma_start3A_66] : memref<10240x32xf32, #tpu.memory_space<vmem_shared>> -> memref<10240x32xf32, #tpu.memory_space<vmem_shared>>
      tpu.enqueue_indirect_dma source(%dma_start3A_67 : memref<10240x32xf32, #tpu.memory_space<vmem_shared>>) target(%arg14 : memref<128x32xf32, #tpu.memory_space<vmem>>) offsets(%dma_start3A_64 : memref<128xi32, #tpu.memory_space<vmem>>) semaphore(%arg22 : memref<!tpu.dma_semaphore, #tpu.memory_space<semaphore_mem>>)
      %dma_start3A_68 = arith.constant 5 : i32
      %dma_start3A_69 = arith.constant 0 : i32
      %dma_start3A_70 = tpu.memref_slice %arg6[%dma_start3A_68, %dma_start3A_69] : memref<90x128xi32, #tpu.memory_space<vmem>> -> memref<1x128xi32, #tpu.memory_space<vmem>>
      %dma_start3A_71 = tpu.memref_squeeze %dma_start3A_70 : memref<1x128xi32, #tpu.memory_space<vmem>> -> memref<128xi32, #tpu.memory_space<vmem>>
      %dma_start3A_72 = arith.constant 0 : i32
      %dma_start3A_73 = arith.constant 0 : i32
      %dma_start3A_74 = tpu.memref_slice %arg17[%dma_start3A_72, %dma_start3A_73] : memref<10240x32xf32, #tpu.memory_space<vmem_shared>> -> memref<10240x32xf32, #tpu.memory_space<vmem_shared>>
      tpu.enqueue_indirect_dma source(%dma_start3A_74 : memref<10240x32xf32, #tpu.memory_space<vmem_shared>>) target(%arg15 : memref<128x32xf32, #tpu.memory_space<vmem>>) offsets(%dma_start3A_71 : memref<128xi32, #tpu.memory_space<vmem>>) semaphore(%arg23 : memref<!tpu.dma_semaphore, #tpu.memory_space<semaphore_mem>>)
      %scan3A = arith.constant 0 : i32
      %scan3A_75 = arith.constant 0 : i32
      %scan3A_76 = arith.constant 11 : i32
      %scan3A_77 = arith.addi %scan3A_75, %scan3A_76 : i32
      %scan3A_78 = arith.constant 1 : i32
      scf.for %scan3A_80 = %scan3A_75 to %scan3A_77 step %scan3A_78  : i32 {
        %mul3A_81 = arith.constant 6 : i32
        %mul3A_82 = arith.muli %scan3A_80, %mul3A_81 : i32
        %add3A_83 = arith.constant 0 : i32
        %add3A_84 = arith.addi %mul3A_82, %add3A_83 : i32
        %dma_wait3A = arith.constant 0 : i32
        %dma_wait3A_85 = arith.constant 0 : i32
        %dma_wait3A_86 = tpu.memref_slice %arg6[%dma_wait3A, %dma_wait3A_85] : memref<90x128xi32, #tpu.memory_space<vmem>> -> memref<1x128xi32, #tpu.memory_space<vmem>>
        %dma_wait3A_87 = tpu.memref_squeeze %dma_wait3A_86 : memref<1x128xi32, #tpu.memory_space<vmem>> -> memref<128xi32, #tpu.memory_space<vmem>>
        %dma_wait3A_88 = arith.constant 0 : i32
        %dma_wait3A_89 = arith.constant 0 : i32
        %dma_wait3A_90 = tpu.memref_slice %arg3[%dma_wait3A_88, %dma_wait3A_89] : memref<10240x32xf32, #tpu.memory_space<hbm>> -> memref<10240x32xf32, #tpu.memory_space<hbm>>
        tpu.wait_indirect_dma semaphore(%arg18 : memref<!tpu.dma_semaphore, #tpu.memory_space<semaphore_mem>>) src(%dma_wait3A_90 : memref<10240x32xf32, #tpu.memory_space<hbm>>) dst(%arg10 : memref<128x32xf32, #tpu.memory_space<vmem>>)
        %dma_start3A_91 = arith.constant 0 : i32
        %dma_start3A_92 = tpu.memref_slice %arg7[%add3A_84, %dma_start3A_91] : memref<90x128xi32, #tpu.memory_space<vmem>> -> memref<1x128xi32, #tpu.memory_space<vmem>>
        %dma_start3A_93 = tpu.memref_squeeze %dma_start3A_92 : memref<1x128xi32, #tpu.memory_space<vmem>> -> memref<128xi32, #tpu.memory_space<vmem>>
        %dma_start3A_94 = arith.constant 0 : i32
        %dma_start3A_95 = arith.constant 0 : i32
        %dma_start3A_96 = tpu.memref_slice %arg16[%dma_start3A_94, %dma_start3A_95] : memref<10240x32xf32, #tpu.memory_space<vmem_shared>> -> memref<10240x32xf32, #tpu.memory_space<vmem_shared>>
        tpu.enqueue_indirect_dma source(%arg10 : memref<128x32xf32, #tpu.memory_space<vmem>>) target(%dma_start3A_96 : memref<10240x32xf32, #tpu.memory_space<vmem_shared>>) offsets(%dma_start3A_93 : memref<128xi32, #tpu.memory_space<vmem>>) semaphore(%arg24 : memref<!tpu.dma_semaphore, #tpu.memory_space<semaphore_mem>>) {add = true}
        %mul3A_97 = arith.constant 6 : i32
        %mul3A_98 = arith.muli %scan3A_80, %mul3A_97 : i32
        %add3A_99 = arith.constant 1 : i32
        %add3A_100 = arith.addi %mul3A_98, %add3A_99 : i32
        %dma_wait3A_101 = arith.constant 0 : i32
        %dma_wait3A_102 = arith.constant 0 : i32
        %dma_wait3A_103 = tpu.memref_slice %arg6[%dma_wait3A_101, %dma_wait3A_102] : memref<90x128xi32, #tpu.memory_space<vmem>> -> memref<1x128xi32, #tpu.memory_space<vmem>>
        %dma_wait3A_104 = tpu.memref_squeeze %dma_wait3A_103 : memref<1x128xi32, #tpu.memory_space<vmem>> -> memref<128xi32, #tpu.memory_space<vmem>>
        %dma_wait3A_105 = arith.constant 0 : i32
        %dma_wait3A_106 = arith.constant 0 : i32
        %dma_wait3A_107 = tpu.memref_slice %arg3[%dma_wait3A_105, %dma_wait3A_106] : memref<10240x32xf32, #tpu.memory_space<hbm>> -> memref<10240x32xf32, #tpu.memory_space<hbm>>
        tpu.wait_indirect_dma semaphore(%arg19 : memref<!tpu.dma_semaphore, #tpu.memory_space<semaphore_mem>>) src(%dma_wait3A_107 : memref<10240x32xf32, #tpu.memory_space<hbm>>) dst(%arg11 : memref<128x32xf32, #tpu.memory_space<vmem>>)
        %dma_start3A_108 = arith.constant 0 : i32
        %dma_start3A_109 = tpu.memref_slice %arg7[%add3A_100, %dma_start3A_108] : memref<90x128xi32, #tpu.memory_space<vmem>> -> memref<1x128xi32, #tpu.memory_space<vmem>>
        %dma_start3A_110 = tpu.memref_squeeze %dma_start3A_109 : memref<1x128xi32, #tpu.memory_space<vmem>> -> memref<128xi32, #tpu.memory_space<vmem>>
        %dma_start3A_111 = arith.constant 0 : i32
        %dma_start3A_112 = arith.constant 0 : i32
        %dma_start3A_113 = tpu.memref_slice %arg16[%dma_start3A_111, %dma_start3A_112] : memref<10240x32xf32, #tpu.memory_space<vmem_shared>> -> memref<10240x32xf32, #tpu.memory_space<vmem_shared>>
        tpu.enqueue_indirect_dma source(%arg11 : memref<128x32xf32, #tpu.memory_space<vmem>>) target(%dma_start3A_113 : memref<10240x32xf32, #tpu.memory_space<vmem_shared>>) offsets(%dma_start3A_110 : memref<128xi32, #tpu.memory_space<vmem>>) semaphore(%arg25 : memref<!tpu.dma_semaphore, #tpu.memory_space<semaphore_mem>>) {add = true}
        %mul3A_114 = arith.constant 6 : i32
        %mul3A_115 = arith.muli %scan3A_80, %mul3A_114 : i32
        %add3A_116 = arith.constant 2 : i32
        %add3A_117 = arith.addi %mul3A_115, %add3A_116 : i32
        %dma_wait3A_118 = arith.constant 0 : i32
        %dma_wait3A_119 = arith.constant 0 : i32
        %dma_wait3A_120 = tpu.memref_slice %arg6[%dma_wait3A_118, %dma_wait3A_119] : memref<90x128xi32, #tpu.memory_space<vmem>> -> memref<1x128xi32, #tpu.memory_space<vmem>>
        %dma_wait3A_121 = tpu.memref_squeeze %dma_wait3A_120 : memref<1x128xi32, #tpu.memory_space<vmem>> -> memref<128xi32, #tpu.memory_space<vmem>>
        %dma_wait3A_122 = arith.constant 0 : i32
        %dma_wait3A_123 = arith.constant 0 : i32
        %dma_wait3A_124 = tpu.memref_slice %arg3[%dma_wait3A_122, %dma_wait3A_123] : memref<10240x32xf32, #tpu.memory_space<hbm>> -> memref<10240x32xf32, #tpu.memory_space<hbm>>
        tpu.wait_indirect_dma semaphore(%arg20 : memref<!tpu.dma_semaphore, #tpu.memory_space<semaphore_mem>>) src(%dma_wait3A_124 : memref<10240x32xf32, #tpu.memory_space<hbm>>) dst(%arg12 : memref<128x32xf32, #tpu.memory_space<vmem>>)
        %dma_start3A_125 = arith.constant 0 : i32
        %dma_start3A_126 = tpu.memref_slice %arg7[%add3A_117, %dma_start3A_125] : memref<90x128xi32, #tpu.memory_space<vmem>> -> memref<1x128xi32, #tpu.memory_space<vmem>>
        %dma_start3A_127 = tpu.memref_squeeze %dma_start3A_126 : memref<1x128xi32, #tpu.memory_space<vmem>> -> memref<128xi32, #tpu.memory_space<vmem>>
        %dma_start3A_128 = arith.constant 0 : i32
        %dma_start3A_129 = arith.constant 0 : i32
        %dma_start3A_130 = tpu.memref_slice %arg16[%dma_start3A_128, %dma_start3A_129] : memref<10240x32xf32, #tpu.memory_space<vmem_shared>> -> memref<10240x32xf32, #tpu.memory_space<vmem_shared>>
        tpu.enqueue_indirect_dma source(%arg12 : memref<128x32xf32, #tpu.memory_space<vmem>>) target(%dma_start3A_130 : memref<10240x32xf32, #tpu.memory_space<vmem_shared>>) offsets(%dma_start3A_127 : memref<128xi32, #tpu.memory_space<vmem>>) semaphore(%arg26 : memref<!tpu.dma_semaphore, #tpu.memory_space<semaphore_mem>>) {add = true}
        %mul3A_131 = arith.constant 6 : i32
        %mul3A_132 = arith.muli %scan3A_80, %mul3A_131 : i32
        %add3A_133 = arith.constant 3 : i32
        %add3A_134 = arith.addi %mul3A_132, %add3A_133 : i32
        %dma_wait3A_135 = arith.constant 0 : i32
        %dma_wait3A_136 = arith.constant 0 : i32
        %dma_wait3A_137 = tpu.memref_slice %arg6[%dma_wait3A_135, %dma_wait3A_136] : memref<90x128xi32, #tpu.memory_space<vmem>> -> memref<1x128xi32, #tpu.memory_space<vmem>>
        %dma_wait3A_138 = tpu.memref_squeeze %dma_wait3A_137 : memref<1x128xi32, #tpu.memory_space<vmem>> -> memref<128xi32, #tpu.memory_space<vmem>>
        %dma_wait3A_139 = arith.constant 0 : i32
        %dma_wait3A_140 = arith.constant 0 : i32
        %dma_wait3A_141 = tpu.memref_slice %arg3[%dma_wait3A_139, %dma_wait3A_140] : memref<10240x32xf32, #tpu.memory_space<hbm>> -> memref<10240x32xf32, #tpu.memory_space<hbm>>
        tpu.wait_indirect_dma semaphore(%arg21 : memref<!tpu.dma_semaphore, #tpu.memory_space<semaphore_mem>>) src(%dma_wait3A_141 : memref<10240x32xf32, #tpu.memory_space<hbm>>) dst(%arg13 : memref<128x32xf32, #tpu.memory_space<vmem>>)
        %dma_start3A_142 = arith.constant 0 : i32
        %dma_start3A_143 = tpu.memref_slice %arg7[%add3A_134, %dma_start3A_142] : memref<90x128xi32, #tpu.memory_space<vmem>> -> memref<1x128xi32, #tpu.memory_space<vmem>>
        %dma_start3A_144 = tpu.memref_squeeze %dma_start3A_143 : memref<1x128xi32, #tpu.memory_space<vmem>> -> memref<128xi32, #tpu.memory_space<vmem>>
        %dma_start3A_145 = arith.constant 0 : i32
        %dma_start3A_146 = arith.constant 0 : i32
        %dma_start3A_147 = tpu.memref_slice %arg16[%dma_start3A_145, %dma_start3A_146] : memref<10240x32xf32, #tpu.memory_space<vmem_shared>> -> memref<10240x32xf32, #tpu.memory_space<vmem_shared>>
        tpu.enqueue_indirect_dma source(%arg13 : memref<128x32xf32, #tpu.memory_space<vmem>>) target(%dma_start3A_147 : memref<10240x32xf32, #tpu.memory_space<vmem_shared>>) offsets(%dma_start3A_144 : memref<128xi32, #tpu.memory_space<vmem>>) semaphore(%arg27 : memref<!tpu.dma_semaphore, #tpu.memory_space<semaphore_mem>>) {add = true}
        %mul3A_148 = arith.constant 6 : i32
        %mul3A_149 = arith.muli %scan3A_80, %mul3A_148 : i32
        %add3A_150 = arith.constant 4 : i32
        %add3A_151 = arith.addi %mul3A_149, %add3A_150 : i32
        %dma_wait3A_152 = arith.constant 0 : i32
        %dma_wait3A_153 = arith.constant 0 : i32
        %dma_wait3A_154 = tpu.memref_slice %arg6[%dma_wait3A_152, %dma_wait3A_153] : memref<90x128xi32, #tpu.memory_space<vmem>> -> memref<1x128xi32, #tpu.memory_space<vmem>>
        %dma_wait3A_155 = tpu.memref_squeeze %dma_wait3A_154 : memref<1x128xi32, #tpu.memory_space<vmem>> -> memref<128xi32, #tpu.memory_space<vmem>>
        %dma_wait3A_156 = arith.constant 0 : i32
        %dma_wait3A_157 = arith.constant 0 : i32
        %dma_wait3A_158 = tpu.memref_slice %arg3[%dma_wait3A_156, %dma_wait3A_157] : memref<10240x32xf32, #tpu.memory_space<hbm>> -> memref<10240x32xf32, #tpu.memory_space<hbm>>
        tpu.wait_indirect_dma semaphore(%arg22 : memref<!tpu.dma_semaphore, #tpu.memory_space<semaphore_mem>>) src(%dma_wait3A_158 : memref<10240x32xf32, #tpu.memory_space<hbm>>) dst(%arg14 : memref<128x32xf32, #tpu.memory_space<vmem>>)
        %dma_start3A_159 = arith.constant 0 : i32
        %dma_start3A_160 = tpu.memref_slice %arg7[%add3A_151, %dma_start3A_159] : memref<90x128xi32, #tpu.memory_space<vmem>> -> memref<1x128xi32, #tpu.memory_space<vmem>>
        %dma_start3A_161 = tpu.memref_squeeze %dma_start3A_160 : memref<1x128xi32, #tpu.memory_space<vmem>> -> memref<128xi32, #tpu.memory_space<vmem>>
        %dma_start3A_162 = arith.constant 0 : i32
        %dma_start3A_163 = arith.constant 0 : i32
        %dma_start3A_164 = tpu.memref_slice %arg16[%dma_start3A_162, %dma_start3A_163] : memref<10240x32xf32, #tpu.memory_space<vmem_shared>> -> memref<10240x32xf32, #tpu.memory_space<vmem_shared>>
        tpu.enqueue_indirect_dma source(%arg14 : memref<128x32xf32, #tpu.memory_space<vmem>>) target(%dma_start3A_164 : memref<10240x32xf32, #tpu.memory_space<vmem_shared>>) offsets(%dma_start3A_161 : memref<128xi32, #tpu.memory_space<vmem>>) semaphore(%arg28 : memref<!tpu.dma_semaphore, #tpu.memory_space<semaphore_mem>>) {add = true}
        %mul3A_165 = arith.constant 6 : i32
        %mul3A_166 = arith.muli %scan3A_80, %mul3A_165 : i32
        %add3A_167 = arith.constant 5 : i32
        %add3A_168 = arith.addi %mul3A_166, %add3A_167 : i32
        %dma_wait3A_169 = arith.constant 0 : i32
        %dma_wait3A_170 = arith.constant 0 : i32
        %dma_wait3A_171 = tpu.memref_slice %arg6[%dma_wait3A_169, %dma_wait3A_170] : memref<90x128xi32, #tpu.memory_space<vmem>> -> memref<1x128xi32, #tpu.memory_space<vmem>>
        %dma_wait3A_172 = tpu.memref_squeeze %dma_wait3A_171 : memref<1x128xi32, #tpu.memory_space<vmem>> -> memref<128xi32, #tpu.memory_space<vmem>>
        %dma_wait3A_173 = arith.constant 0 : i32
        %dma_wait3A_174 = arith.constant 0 : i32
        %dma_wait3A_175 = tpu.memref_slice %arg3[%dma_wait3A_173, %dma_wait3A_174] : memref<10240x32xf32, #tpu.memory_space<hbm>> -> memref<10240x32xf32, #tpu.memory_space<hbm>>
        tpu.wait_indirect_dma semaphore(%arg23 : memref<!tpu.dma_semaphore, #tpu.memory_space<semaphore_mem>>) src(%dma_wait3A_175 : memref<10240x32xf32, #tpu.memory_space<hbm>>) dst(%arg15 : memref<128x32xf32, #tpu.memory_space<vmem>>)
        %dma_start3A_176 = arith.constant 0 : i32
        %dma_start3A_177 = tpu.memref_slice %arg7[%add3A_168, %dma_start3A_176] : memref<90x128xi32, #tpu.memory_space<vmem>> -> memref<1x128xi32, #tpu.memory_space<vmem>>
        %dma_start3A_178 = tpu.memref_squeeze %dma_start3A_177 : memref<1x128xi32, #tpu.memory_space<vmem>> -> memref<128xi32, #tpu.memory_space<vmem>>
        %dma_start3A_179 = arith.constant 0 : i32
        %dma_start3A_180 = arith.constant 0 : i32
        %dma_start3A_181 = tpu.memref_slice %arg16[%dma_start3A_179, %dma_start3A_180] : memref<10240x32xf32, #tpu.memory_space<vmem_shared>> -> memref<10240x32xf32, #tpu.memory_space<vmem_shared>>
        tpu.enqueue_indirect_dma source(%arg15 : memref<128x32xf32, #tpu.memory_space<vmem>>) target(%dma_start3A_181 : memref<10240x32xf32, #tpu.memory_space<vmem_shared>>) offsets(%dma_start3A_178 : memref<128xi32, #tpu.memory_space<vmem>>) semaphore(%arg29 : memref<!tpu.dma_semaphore, #tpu.memory_space<semaphore_mem>>) {add = true}
        %add3A_182 = arith.constant 1 : i32
        %add3A_183 = arith.addi %scan3A_80, %add3A_182 : i32
        %mul3A_184 = arith.constant 6 : i32
        %mul3A_185 = arith.muli %add3A_183, %mul3A_184 : i32
        %add3A_186 = arith.constant 0 : i32
        %add3A_187 = arith.addi %mul3A_185, %add3A_186 : i32
        %dma_wait3A_188 = arith.constant 0 : i32
        %dma_wait3A_189 = arith.constant 0 : i32
        %dma_wait3A_190 = tpu.memref_slice %arg7[%dma_wait3A_188, %dma_wait3A_189] : memref<90x128xi32, #tpu.memory_space<vmem>> -> memref<1x128xi32, #tpu.memory_space<vmem>>
        %dma_wait3A_191 = tpu.memref_squeeze %dma_wait3A_190 : memref<1x128xi32, #tpu.memory_space<vmem>> -> memref<128xi32, #tpu.memory_space<vmem>>
        %dma_wait3A_192 = arith.constant 0 : i32
        %dma_wait3A_193 = arith.constant 0 : i32
        %dma_wait3A_194 = tpu.memref_slice %arg16[%dma_wait3A_192, %dma_wait3A_193] : memref<10240x32xf32, #tpu.memory_space<vmem_shared>> -> memref<10240x32xf32, #tpu.memory_space<vmem_shared>>
        tpu.wait_indirect_dma semaphore(%arg24 : memref<!tpu.dma_semaphore, #tpu.memory_space<semaphore_mem>>) src(%arg10 : memref<128x32xf32, #tpu.memory_space<vmem>>) dst(%dma_wait3A_194 : memref<10240x32xf32, #tpu.memory_space<vmem_shared>>)
        %lt3A_195 = arith.constant 66 : i32
        %lt3A_196 = arith.cmpi slt, %add3A_187, %lt3A_195 : i32
        %convert_element_type3A_197 = arith.extui %lt3A_196 : i1 to i32
        %cond3A_198 = arith.constant 0 : i32
        %cond3A_199 = arith.cmpi ne, %convert_element_type3A_197, %cond3A_198 : i32
        scf.if %cond3A_199 {
          %dma_start3A_290 = arith.constant 0 : i32
          %dma_start3A_291 = tpu.memref_slice %arg6[%add3A_187, %dma_start3A_290] : memref<90x128xi32, #tpu.memory_space<vmem>> -> memref<1x128xi32, #tpu.memory_space<vmem>>
          %dma_start3A_292 = tpu.memref_squeeze %dma_start3A_291 : memref<1x128xi32, #tpu.memory_space<vmem>> -> memref<128xi32, #tpu.memory_space<vmem>>
          %dma_start3A_293 = arith.constant 0 : i32
          %dma_start3A_294 = arith.constant 0 : i32
          %dma_start3A_295 = tpu.memref_slice %arg17[%dma_start3A_293, %dma_start3A_294] : memref<10240x32xf32, #tpu.memory_space<vmem_shared>> -> memref<10240x32xf32, #tpu.memory_space<vmem_shared>>
          tpu.enqueue_indirect_dma source(%dma_start3A_295 : memref<10240x32xf32, #tpu.memory_space<vmem_shared>>) target(%arg10 : memref<128x32xf32, #tpu.memory_space<vmem>>) offsets(%dma_start3A_292 : memref<128xi32, #tpu.memory_space<vmem>>) semaphore(%arg18 : memref<!tpu.dma_semaphore, #tpu.memory_space<semaphore_mem>>)
        } else {
        }
        %add3A_200 = arith.constant 1 : i32
        %add3A_201 = arith.addi %scan3A_80, %add3A_200 : i32
        %mul3A_202 = arith.constant 6 : i32
        %mul3A_203 = arith.muli %add3A_201, %mul3A_202 : i32
        %add3A_204 = arith.constant 1 : i32
        %add3A_205 = arith.addi %mul3A_203, %add3A_204 : i32
        %dma_wait3A_206 = arith.constant 0 : i32
        %dma_wait3A_207 = arith.constant 0 : i32
        %dma_wait3A_208 = tpu.memref_slice %arg7[%dma_wait3A_206, %dma_wait3A_207] : memref<90x128xi32, #tpu.memory_space<vmem>> -> memref<1x128xi32, #tpu.memory_space<vmem>>
        %dma_wait3A_209 = tpu.memref_squeeze %dma_wait3A_208 : memref<1x128xi32, #tpu.memory_space<vmem>> -> memref<128xi32, #tpu.memory_space<vmem>>
        %dma_wait3A_210 = arith.constant 0 : i32
        %dma_wait3A_211 = arith.constant 0 : i32
        %dma_wait3A_212 = tpu.memref_slice %arg16[%dma_wait3A_210, %dma_wait3A_211] : memref<10240x32xf32, #tpu.memory_space<vmem_shared>> -> memref<10240x32xf32, #tpu.memory_space<vmem_shared>>
        tpu.wait_indirect_dma semaphore(%arg25 : memref<!tpu.dma_semaphore, #tpu.memory_space<semaphore_mem>>) src(%arg11 : memref<128x32xf32, #tpu.memory_space<vmem>>) dst(%dma_wait3A_212 : memref<10240x32xf32, #tpu.memory_space<vmem_shared>>)
        %lt3A_213 = arith.constant 66 : i32
        %lt3A_214 = arith.cmpi slt, %add3A_205, %lt3A_213 : i32
        %convert_element_type3A_215 = arith.extui %lt3A_214 : i1 to i32
        %cond3A_216 = arith.constant 0 : i32
        %cond3A_217 = arith.cmpi ne, %convert_element_type3A_215, %cond3A_216 : i32
        scf.if %cond3A_217 {
          %dma_start3A_290 = arith.constant 0 : i32
          %dma_start3A_291 = tpu.memref_slice %arg6[%add3A_205, %dma_start3A_290] : memref<90x128xi32, #tpu.memory_space<vmem>> -> memref<1x128xi32, #tpu.memory_space<vmem>>
          %dma_start3A_292 = tpu.memref_squeeze %dma_start3A_291 : memref<1x128xi32, #tpu.memory_space<vmem>> -> memref<128xi32, #tpu.memory_space<vmem>>
          %dma_start3A_293 = arith.constant 0 : i32
          %dma_start3A_294 = arith.constant 0 : i32
          %dma_start3A_295 = tpu.memref_slice %arg17[%dma_start3A_293, %dma_start3A_294] : memref<10240x32xf32, #tpu.memory_space<vmem_shared>> -> memref<10240x32xf32, #tpu.memory_space<vmem_shared>>
          tpu.enqueue_indirect_dma source(%dma_start3A_295 : memref<10240x32xf32, #tpu.memory_space<vmem_shared>>) target(%arg11 : memref<128x32xf32, #tpu.memory_space<vmem>>) offsets(%dma_start3A_292 : memref<128xi32, #tpu.memory_space<vmem>>) semaphore(%arg19 : memref<!tpu.dma_semaphore, #tpu.memory_space<semaphore_mem>>)
        } else {
        }
        %add3A_218 = arith.constant 1 : i32
        %add3A_219 = arith.addi %scan3A_80, %add3A_218 : i32
        %mul3A_220 = arith.constant 6 : i32
        %mul3A_221 = arith.muli %add3A_219, %mul3A_220 : i32
        %add3A_222 = arith.constant 2 : i32
        %add3A_223 = arith.addi %mul3A_221, %add3A_222 : i32
        %dma_wait3A_224 = arith.constant 0 : i32
        %dma_wait3A_225 = arith.constant 0 : i32
        %dma_wait3A_226 = tpu.memref_slice %arg7[%dma_wait3A_224, %dma_wait3A_225] : memref<90x128xi32, #tpu.memory_space<vmem>> -> memref<1x128xi32, #tpu.memory_space<vmem>>
        %dma_wait3A_227 = tpu.memref_squeeze %dma_wait3A_226 : memref<1x128xi32, #tpu.memory_space<vmem>> -> memref<128xi32, #tpu.memory_space<vmem>>
        %dma_wait3A_228 = arith.constant 0 : i32
        %dma_wait3A_229 = arith.constant 0 : i32
        %dma_wait3A_230 = tpu.memref_slice %arg16[%dma_wait3A_228, %dma_wait3A_229] : memref<10240x32xf32, #tpu.memory_space<vmem_shared>> -> memref<10240x32xf32, #tpu.memory_space<vmem_shared>>
        tpu.wait_indirect_dma semaphore(%arg26 : memref<!tpu.dma_semaphore, #tpu.memory_space<semaphore_mem>>) src(%arg12 : memref<128x32xf32, #tpu.memory_space<vmem>>) dst(%dma_wait3A_230 : memref<10240x32xf32, #tpu.memory_space<vmem_shared>>)
        %lt3A_231 = arith.constant 66 : i32
        %lt3A_232 = arith.cmpi slt, %add3A_223, %lt3A_231 : i32
        %convert_element_type3A_233 = arith.extui %lt3A_232 : i1 to i32
        %cond3A_234 = arith.constant 0 : i32
        %cond3A_235 = arith.cmpi ne, %convert_element_type3A_233, %cond3A_234 : i32
        scf.if %cond3A_235 {
          %dma_start3A_290 = arith.constant 0 : i32
          %dma_start3A_291 = tpu.memref_slice %arg6[%add3A_223, %dma_start3A_290] : memref<90x128xi32, #tpu.memory_space<vmem>> -> memref<1x128xi32, #tpu.memory_space<vmem>>
          %dma_start3A_292 = tpu.memref_squeeze %dma_start3A_291 : memref<1x128xi32, #tpu.memory_space<vmem>> -> memref<128xi32, #tpu.memory_space<vmem>>
          %dma_start3A_293 = arith.constant 0 : i32
          %dma_start3A_294 = arith.constant 0 : i32
          %dma_start3A_295 = tpu.memref_slice %arg17[%dma_start3A_293, %dma_start3A_294] : memref<10240x32xf32, #tpu.memory_space<vmem_shared>> -> memref<10240x32xf32, #tpu.memory_space<vmem_shared>>
          tpu.enqueue_indirect_dma source(%dma_start3A_295 : memref<10240x32xf32, #tpu.memory_space<vmem_shared>>) target(%arg12 : memref<128x32xf32, #tpu.memory_space<vmem>>) offsets(%dma_start3A_292 : memref<128xi32, #tpu.memory_space<vmem>>) semaphore(%arg20 : memref<!tpu.dma_semaphore, #tpu.memory_space<semaphore_mem>>)
        } else {
        }
        %add3A_236 = arith.constant 1 : i32
        %add3A_237 = arith.addi %scan3A_80, %add3A_236 : i32
        %mul3A_238 = arith.constant 6 : i32
        %mul3A_239 = arith.muli %add3A_237, %mul3A_238 : i32
        %add3A_240 = arith.constant 3 : i32
        %add3A_241 = arith.addi %mul3A_239, %add3A_240 : i32
        %dma_wait3A_242 = arith.constant 0 : i32
        %dma_wait3A_243 = arith.constant 0 : i32
        %dma_wait3A_244 = tpu.memref_slice %arg7[%dma_wait3A_242, %dma_wait3A_243] : memref<90x128xi32, #tpu.memory_space<vmem>> -> memref<1x128xi32, #tpu.memory_space<vmem>>
        %dma_wait3A_245 = tpu.memref_squeeze %dma_wait3A_244 : memref<1x128xi32, #tpu.memory_space<vmem>> -> memref<128xi32, #tpu.memory_space<vmem>>
        %dma_wait3A_246 = arith.constant 0 : i32
        %dma_wait3A_247 = arith.constant 0 : i32
        %dma_wait3A_248 = tpu.memref_slice %arg16[%dma_wait3A_246, %dma_wait3A_247] : memref<10240x32xf32, #tpu.memory_space<vmem_shared>> -> memref<10240x32xf32, #tpu.memory_space<vmem_shared>>
        tpu.wait_indirect_dma semaphore(%arg27 : memref<!tpu.dma_semaphore, #tpu.memory_space<semaphore_mem>>) src(%arg13 : memref<128x32xf32, #tpu.memory_space<vmem>>) dst(%dma_wait3A_248 : memref<10240x32xf32, #tpu.memory_space<vmem_shared>>)
        %lt3A_249 = arith.constant 66 : i32
        %lt3A_250 = arith.cmpi slt, %add3A_241, %lt3A_249 : i32
        %convert_element_type3A_251 = arith.extui %lt3A_250 : i1 to i32
        %cond3A_252 = arith.constant 0 : i32
        %cond3A_253 = arith.cmpi ne, %convert_element_type3A_251, %cond3A_252 : i32
        scf.if %cond3A_253 {
          %dma_start3A_290 = arith.constant 0 : i32
          %dma_start3A_291 = tpu.memref_slice %arg6[%add3A_241, %dma_start3A_290] : memref<90x128xi32, #tpu.memory_space<vmem>> -> memref<1x128xi32, #tpu.memory_space<vmem>>
          %dma_start3A_292 = tpu.memref_squeeze %dma_start3A_291 : memref<1x128xi32, #tpu.memory_space<vmem>> -> memref<128xi32, #tpu.memory_space<vmem>>
          %dma_start3A_293 = arith.constant 0 : i32
          %dma_start3A_294 = arith.constant 0 : i32
          %dma_start3A_295 = tpu.memref_slice %arg17[%dma_start3A_293, %dma_start3A_294] : memref<10240x32xf32, #tpu.memory_space<vmem_shared>> -> memref<10240x32xf32, #tpu.memory_space<vmem_shared>>
          tpu.enqueue_indirect_dma source(%dma_start3A_295 : memref<10240x32xf32, #tpu.memory_space<vmem_shared>>) target(%arg13 : memref<128x32xf32, #tpu.memory_space<vmem>>) offsets(%dma_start3A_292 : memref<128xi32, #tpu.memory_space<vmem>>) semaphore(%arg21 : memref<!tpu.dma_semaphore, #tpu.memory_space<semaphore_mem>>)
        } else {
        }
        %add3A_254 = arith.constant 1 : i32
        %add3A_255 = arith.addi %scan3A_80, %add3A_254 : i32
        %mul3A_256 = arith.constant 6 : i32
        %mul3A_257 = arith.muli %add3A_255, %mul3A_256 : i32
        %add3A_258 = arith.constant 4 : i32
        %add3A_259 = arith.addi %mul3A_257, %add3A_258 : i32
        %dma_wait3A_260 = arith.constant 0 : i32
        %dma_wait3A_261 = arith.constant 0 : i32
        %dma_wait3A_262 = tpu.memref_slice %arg7[%dma_wait3A_260, %dma_wait3A_261] : memref<90x128xi32, #tpu.memory_space<vmem>> -> memref<1x128xi32, #tpu.memory_space<vmem>>
        %dma_wait3A_263 = tpu.memref_squeeze %dma_wait3A_262 : memref<1x128xi32, #tpu.memory_space<vmem>> -> memref<128xi32, #tpu.memory_space<vmem>>
        %dma_wait3A_264 = arith.constant 0 : i32
        %dma_wait3A_265 = arith.constant 0 : i32
        %dma_wait3A_266 = tpu.memref_slice %arg16[%dma_wait3A_264, %dma_wait3A_265] : memref<10240x32xf32, #tpu.memory_space<vmem_shared>> -> memref<10240x32xf32, #tpu.memory_space<vmem_shared>>
        tpu.wait_indirect_dma semaphore(%arg28 : memref<!tpu.dma_semaphore, #tpu.memory_space<semaphore_mem>>) src(%arg14 : memref<128x32xf32, #tpu.memory_space<vmem>>) dst(%dma_wait3A_266 : memref<10240x32xf32, #tpu.memory_space<vmem_shared>>)
        %lt3A_267 = arith.constant 66 : i32
        %lt3A_268 = arith.cmpi slt, %add3A_259, %lt3A_267 : i32
        %convert_element_type3A_269 = arith.extui %lt3A_268 : i1 to i32
        %cond3A_270 = arith.constant 0 : i32
        %cond3A_271 = arith.cmpi ne, %convert_element_type3A_269, %cond3A_270 : i32
        scf.if %cond3A_271 {
          %dma_start3A_290 = arith.constant 0 : i32
          %dma_start3A_291 = tpu.memref_slice %arg6[%add3A_259, %dma_start3A_290] : memref<90x128xi32, #tpu.memory_space<vmem>> -> memref<1x128xi32, #tpu.memory_space<vmem>>
          %dma_start3A_292 = tpu.memref_squeeze %dma_start3A_291 : memref<1x128xi32, #tpu.memory_space<vmem>> -> memref<128xi32, #tpu.memory_space<vmem>>
          %dma_start3A_293 = arith.constant 0 : i32
          %dma_start3A_294 = arith.constant 0 : i32
          %dma_start3A_295 = tpu.memref_slice %arg17[%dma_start3A_293, %dma_start3A_294] : memref<10240x32xf32, #tpu.memory_space<vmem_shared>> -> memref<10240x32xf32, #tpu.memory_space<vmem_shared>>
          tpu.enqueue_indirect_dma source(%dma_start3A_295 : memref<10240x32xf32, #tpu.memory_space<vmem_shared>>) target(%arg14 : memref<128x32xf32, #tpu.memory_space<vmem>>) offsets(%dma_start3A_292 : memref<128xi32, #tpu.memory_space<vmem>>) semaphore(%arg22 : memref<!tpu.dma_semaphore, #tpu.memory_space<semaphore_mem>>)
        } else {
        }
        %add3A_272 = arith.constant 1 : i32
        %add3A_273 = arith.addi %scan3A_80, %add3A_272 : i32
        %mul3A_274 = arith.constant 6 : i32
        %mul3A_275 = arith.muli %add3A_273, %mul3A_274 : i32
        %add3A_276 = arith.constant 5 : i32
        %add3A_277 = arith.addi %mul3A_275, %add3A_276 : i32
        %dma_wait3A_278 = arith.constant 0 : i32
        %dma_wait3A_279 = arith.constant 0 : i32
        %dma_wait3A_280 = tpu.memref_slice %arg7[%dma_wait3A_278, %dma_wait3A_279] : memref<90x128xi32, #tpu.memory_space<vmem>> -> memref<1x128xi32, #tpu.memory_space<vmem>>
        %dma_wait3A_281 = tpu.memref_squeeze %dma_wait3A_280 : memref<1x128xi32, #tpu.memory_space<vmem>> -> memref<128xi32, #tpu.memory_space<vmem>>
        %dma_wait3A_282 = arith.constant 0 : i32
        %dma_wait3A_283 = arith.constant 0 : i32
        %dma_wait3A_284 = tpu.memref_slice %arg16[%dma_wait3A_282, %dma_wait3A_283] : memref<10240x32xf32, #tpu.memory_space<vmem_shared>> -> memref<10240x32xf32, #tpu.memory_space<vmem_shared>>
        tpu.wait_indirect_dma semaphore(%arg29 : memref<!tpu.dma_semaphore, #tpu.memory_space<semaphore_mem>>) src(%arg15 : memref<128x32xf32, #tpu.memory_space<vmem>>) dst(%dma_wait3A_284 : memref<10240x32xf32, #tpu.memory_space<vmem_shared>>)
        %lt3A_285 = arith.constant 66 : i32
        %lt3A_286 = arith.cmpi slt, %add3A_277, %lt3A_285 : i32
        %convert_element_type3A_287 = arith.extui %lt3A_286 : i1 to i32
        %cond3A_288 = arith.constant 0 : i32
        %cond3A_289 = arith.cmpi ne, %convert_element_type3A_287, %cond3A_288 : i32
        scf.if %cond3A_289 {
          %dma_start3A_290 = arith.constant 0 : i32
          %dma_start3A_291 = tpu.memref_slice %arg6[%add3A_277, %dma_start3A_290] : memref<90x128xi32, #tpu.memory_space<vmem>> -> memref<1x128xi32, #tpu.memory_space<vmem>>
          %dma_start3A_292 = tpu.memref_squeeze %dma_start3A_291 : memref<1x128xi32, #tpu.memory_space<vmem>> -> memref<128xi32, #tpu.memory_space<vmem>>
          %dma_start3A_293 = arith.constant 0 : i32
          %dma_start3A_294 = arith.constant 0 : i32
          %dma_start3A_295 = tpu.memref_slice %arg17[%dma_start3A_293, %dma_start3A_294] : memref<10240x32xf32, #tpu.memory_space<vmem_shared>> -> memref<10240x32xf32, #tpu.memory_space<vmem_shared>>
          tpu.enqueue_indirect_dma source(%dma_start3A_295 : memref<10240x32xf32, #tpu.memory_space<vmem_shared>>) target(%arg15 : memref<128x32xf32, #tpu.memory_space<vmem>>) offsets(%dma_start3A_292 : memref<128xi32, #tpu.memory_space<vmem>>) semaphore(%arg23 : memref<!tpu.dma_semaphore, #tpu.memory_space<semaphore_mem>>)
        } else {
        }
      }
      %scan3A_79 = arith.constant 11 : i32
    } else {
    }
    %eq3A_17 = arith.constant 0 : i32
    %eq3A_18 = arith.cmpi eq, %arg0, %eq3A_17 : i32
    %lt3A = arith.constant 4 : i32
    %lt3A_19 = arith.cmpi slt, %arg1, %lt3A : i32
    %and3A = arith.andi %eq3A_18, %lt3A_19 : i1
    %convert_element_type3A_20 = arith.extui %and3A : i1 to i32
    %cond3A_21 = arith.constant 0 : i32
    %cond3A_22 = arith.constant 1 : i32
    %cond3A_23 = arith.constant 0 : i32
    %cond3A_24 = arith.cmpi ne, %convert_element_type3A_20, %cond3A_23 : i32
    scf.if %cond3A_24 {
      %add3A_30 = arith.constant 2496 : i32
      %add3A_31 = arith.addi %add3A_30, %arg1 : i32
      "tpu.region"() ({
        %run_scoped3A_46 = tpu.sem_alloc : memref<!tpu.dma_semaphore, #tpu.memory_space<semaphore_mem>>
        %dma_start3A_47 = arith.constant 0 : i32
        %dma_start3A_48 = arith.constant 0 : i32
        %dma_start3A_49 = tpu.memref_slice %arg2[%cond3A_21, %dma_start3A_47, %dma_start3A_48] : memref<2x2500x128xi32, #tpu.memory_space<hbm>> -> memref<1x2500x128xi32, #tpu.memory_space<hbm>>
        %dma_start3A_50 = tpu.memref_squeeze %dma_start3A_49 : memref<1x2500x128xi32, #tpu.memory_space<hbm>> -> memref<2500x128xi32, #tpu.memory_space<hbm>>
        %dma_start3A_51 = arith.constant 0 : i32
        %dma_start3A_52 = tpu.memref_slice %dma_start3A_50[%add3A_31, %dma_start3A_51] : memref<2500x128xi32, #tpu.memory_space<hbm>> -> memref<1x128xi32, #tpu.memory_space<hbm>>
        %dma_start3A_53 = arith.constant 0 : i32
        %dma_start3A_54 = arith.constant 0 : i32
        %dma_start3A_55 = tpu.memref_slice %arg2[%cond3A_21, %dma_start3A_53, %dma_start3A_54] : memref<2x2500x128xi32, #tpu.memory_space<hbm>> -> memref<1x2500x128xi32, #tpu.memory_space<hbm>>
        %dma_start3A_56 = tpu.memref_squeeze %dma_start3A_55 : memref<1x2500x128xi32, #tpu.memory_space<hbm>> -> memref<2500x128xi32, #tpu.memory_space<hbm>>
        %dma_start3A_57 = arith.constant 0 : i32
        %dma_start3A_58 = tpu.memref_slice %dma_start3A_56[%add3A_31, %dma_start3A_57] : memref<2500x128xi32, #tpu.memory_space<hbm>> -> memref<1x128xi32, #tpu.memory_space<hbm>>
        tpu.enqueue_dma source(%dma_start3A_58 : memref<1x128xi32, #tpu.memory_space<hbm>>) target(%arg8 : memref<1x128xi32, #tpu.memory_space<vmem>>) target_semaphore(%run_scoped3A_46 : memref<!tpu.dma_semaphore, #tpu.memory_space<semaphore_mem>>)
        %dma_wait3A_59 = arith.constant 0 : i32
        %dma_wait3A_60 = arith.constant 0 : i32
        %dma_wait3A_61 = tpu.memref_slice %arg2[%cond3A_21, %dma_wait3A_59, %dma_wait3A_60] : memref<2x2500x128xi32, #tpu.memory_space<hbm>> -> memref<1x2500x128xi32, #tpu.memory_space<hbm>>
        %dma_wait3A_62 = tpu.memref_squeeze %dma_wait3A_61 : memref<1x2500x128xi32, #tpu.memory_space<hbm>> -> memref<2500x128xi32, #tpu.memory_space<hbm>>
        %dma_wait3A_63 = arith.constant 0 : i32
        %dma_wait3A_64 = tpu.memref_slice %dma_wait3A_62[%add3A_31, %dma_wait3A_63] : memref<2500x128xi32, #tpu.memory_space<hbm>> -> memref<1x128xi32, #tpu.memory_space<hbm>>
        %dma_wait3A_65 = arith.constant 0 : i32
        %dma_wait3A_66 = arith.constant 0 : i32
        %dma_wait3A_67 = tpu.memref_slice %arg2[%cond3A_21, %dma_wait3A_65, %dma_wait3A_66] : memref<2x2500x128xi32, #tpu.memory_space<hbm>> -> memref<1x2500x128xi32, #tpu.memory_space<hbm>>
        %dma_wait3A_68 = tpu.memref_squeeze %dma_wait3A_67 : memref<1x2500x128xi32, #tpu.memory_space<hbm>> -> memref<2500x128xi32, #tpu.memory_space<hbm>>
        %dma_wait3A_69 = arith.constant 0 : i32
        %dma_wait3A_70 = tpu.memref_slice %dma_wait3A_68[%add3A_31, %dma_wait3A_69] : memref<2500x128xi32, #tpu.memory_space<hbm>> -> memref<1x128xi32, #tpu.memory_space<hbm>>
        tpu.wait_dma2 semaphore(%run_scoped3A_46 : memref<!tpu.dma_semaphore, #tpu.memory_space<semaphore_mem>>) src(%dma_wait3A_70 : memref<1x128xi32, #tpu.memory_space<hbm>>) dst(%arg8 : memref<1x128xi32, #tpu.memory_space<vmem>>)
        tpu.yield
      }) : () -> ()
      %add3A_32 = arith.constant 2496 : i32
      %add3A_33 = arith.addi %add3A_32, %arg1 : i32
      "tpu.region"() ({
        %run_scoped3A_46 = tpu.sem_alloc : memref<!tpu.dma_semaphore, #tpu.memory_space<semaphore_mem>>
        %dma_start3A_47 = arith.constant 0 : i32
        %dma_start3A_48 = arith.constant 0 : i32
        %dma_start3A_49 = tpu.memref_slice %arg2[%cond3A_22, %dma_start3A_47, %dma_start3A_48] : memref<2x2500x128xi32, #tpu.memory_space<hbm>> -> memref<1x2500x128xi32, #tpu.memory_space<hbm>>
        %dma_start3A_50 = tpu.memref_squeeze %dma_start3A_49 : memref<1x2500x128xi32, #tpu.memory_space<hbm>> -> memref<2500x128xi32, #tpu.memory_space<hbm>>
        %dma_start3A_51 = arith.constant 0 : i32
        %dma_start3A_52 = tpu.memref_slice %dma_start3A_50[%add3A_33, %dma_start3A_51] : memref<2500x128xi32, #tpu.memory_space<hbm>> -> memref<1x128xi32, #tpu.memory_space<hbm>>
        %dma_start3A_53 = arith.constant 0 : i32
        %dma_start3A_54 = arith.constant 0 : i32
        %dma_start3A_55 = tpu.memref_slice %arg2[%cond3A_22, %dma_start3A_53, %dma_start3A_54] : memref<2x2500x128xi32, #tpu.memory_space<hbm>> -> memref<1x2500x128xi32, #tpu.memory_space<hbm>>
        %dma_start3A_56 = tpu.memref_squeeze %dma_start3A_55 : memref<1x2500x128xi32, #tpu.memory_space<hbm>> -> memref<2500x128xi32, #tpu.memory_space<hbm>>
        %dma_start3A_57 = arith.constant 0 : i32
        %dma_start3A_58 = tpu.memref_slice %dma_start3A_56[%add3A_33, %dma_start3A_57] : memref<2500x128xi32, #tpu.memory_space<hbm>> -> memref<1x128xi32, #tpu.memory_space<hbm>>
        tpu.enqueue_dma source(%dma_start3A_58 : memref<1x128xi32, #tpu.memory_space<hbm>>) target(%arg9 : memref<1x128xi32, #tpu.memory_space<vmem>>) target_semaphore(%run_scoped3A_46 : memref<!tpu.dma_semaphore, #tpu.memory_space<semaphore_mem>>)
        %dma_wait3A_59 = arith.constant 0 : i32
        %dma_wait3A_60 = arith.constant 0 : i32
        %dma_wait3A_61 = tpu.memref_slice %arg2[%cond3A_22, %dma_wait3A_59, %dma_wait3A_60] : memref<2x2500x128xi32, #tpu.memory_space<hbm>> -> memref<1x2500x128xi32, #tpu.memory_space<hbm>>
        %dma_wait3A_62 = tpu.memref_squeeze %dma_wait3A_61 : memref<1x2500x128xi32, #tpu.memory_space<hbm>> -> memref<2500x128xi32, #tpu.memory_space<hbm>>
        %dma_wait3A_63 = arith.constant 0 : i32
        %dma_wait3A_64 = tpu.memref_slice %dma_wait3A_62[%add3A_33, %dma_wait3A_63] : memref<2500x128xi32, #tpu.memory_space<hbm>> -> memref<1x128xi32, #tpu.memory_space<hbm>>
        %dma_wait3A_65 = arith.constant 0 : i32
        %dma_wait3A_66 = arith.constant 0 : i32
        %dma_wait3A_67 = tpu.memref_slice %arg2[%cond3A_22, %dma_wait3A_65, %dma_wait3A_66] : memref<2x2500x128xi32, #tpu.memory_space<hbm>> -> memref<1x2500x128xi32, #tpu.memory_space<hbm>>
        %dma_wait3A_68 = tpu.memref_squeeze %dma_wait3A_67 : memref<1x2500x128xi32, #tpu.memory_space<hbm>> -> memref<2500x128xi32, #tpu.memory_space<hbm>>
        %dma_wait3A_69 = arith.constant 0 : i32
        %dma_wait3A_70 = tpu.memref_slice %dma_wait3A_68[%add3A_33, %dma_wait3A_69] : memref<2500x128xi32, #tpu.memory_space<hbm>> -> memref<1x128xi32, #tpu.memory_space<hbm>>
        tpu.wait_dma2 semaphore(%run_scoped3A_46 : memref<!tpu.dma_semaphore, #tpu.memory_space<semaphore_mem>>) src(%dma_wait3A_70 : memref<1x128xi32, #tpu.memory_space<hbm>>) dst(%arg9 : memref<1x128xi32, #tpu.memory_space<vmem>>)
        tpu.yield
      }) : () -> ()
      %dma_start3A = arith.constant 0 : i32
      %dma_start3A_34 = arith.constant 0 : i32
      %dma_start3A_35 = tpu.memref_slice %arg8[%dma_start3A, %dma_start3A_34] : memref<1x128xi32, #tpu.memory_space<vmem>> -> memref<1x128xi32, #tpu.memory_space<vmem>>
      %dma_start3A_36 = tpu.memref_squeeze %dma_start3A_35 : memref<1x128xi32, #tpu.memory_space<vmem>> -> memref<128xi32, #tpu.memory_space<vmem>>
      %dma_start3A_37 = arith.constant 0 : i32
      %dma_start3A_38 = arith.constant 0 : i32
      %dma_start3A_39 = tpu.memref_slice %arg3[%dma_start3A_37, %dma_start3A_38] : memref<10240x32xf32, #tpu.memory_space<hbm>> -> memref<10240x32xf32, #tpu.memory_space<hbm>>
      tpu.enqueue_indirect_dma source(%dma_start3A_39 : memref<10240x32xf32, #tpu.memory_space<hbm>>) target(%arg10 : memref<128x32xf32, #tpu.memory_space<vmem>>) offsets(%dma_start3A_36 : memref<128xi32, #tpu.memory_space<vmem>>) semaphore(%arg18 : memref<!tpu.dma_semaphore, #tpu.memory_space<semaphore_mem>>)
      %dma_wait3A = arith.constant 0 : i32
      %dma_wait3A_40 = arith.constant 0 : i32
      %dma_wait3A_41 = tpu.memref_slice %arg8[%dma_wait3A, %dma_wait3A_40] : memref<1x128xi32, #tpu.memory_space<vmem>> -> memref<1x128xi32, #tpu.memory_space<vmem>>
      %dma_wait3A_42 = tpu.memref_squeeze %dma_wait3A_41 : memref<1x128xi32, #tpu.memory_space<vmem>> -> memref<128xi32, #tpu.memory_space<vmem>>
      %dma_wait3A_43 = arith.constant 0 : i32
      %dma_wait3A_44 = arith.constant 0 : i32
      %dma_wait3A_45 = tpu.memref_slice %arg3[%dma_wait3A_43, %dma_wait3A_44] : memref<10240x32xf32, #tpu.memory_space<hbm>> -> memref<10240x32xf32, #tpu.memory_space<hbm>>
      tpu.wait_indirect_dma semaphore(%arg18 : memref<!tpu.dma_semaphore, #tpu.memory_space<semaphore_mem>>) src(%dma_wait3A_45 : memref<10240x32xf32, #tpu.memory_space<hbm>>) dst(%arg10 : memref<128x32xf32, #tpu.memory_space<vmem>>)
      %run_scoped3A = arith.constant 0 : i32
      "tpu.region"() ({
        %run_scoped3A_46 = tpu.sem_alloc : memref<!tpu.dma_semaphore, #tpu.memory_space<semaphore_mem>>
        %dma_start3A_47 = arith.constant 0 : i32
        %dma_start3A_48 = tpu.memref_slice %arg9[%run_scoped3A, %dma_start3A_47] : memref<1x128xi32, #tpu.memory_space<vmem>> -> memref<1x128xi32, #tpu.memory_space<vmem>>
        %dma_start3A_49 = tpu.memref_squeeze %dma_start3A_48 : memref<1x128xi32, #tpu.memory_space<vmem>> -> memref<128xi32, #tpu.memory_space<vmem>>
        %dma_start3A_50 = arith.constant 0 : i32
        %dma_start3A_51 = arith.constant 0 : i32
        %dma_start3A_52 = tpu.memref_slice %arg16[%dma_start3A_50, %dma_start3A_51] : memref<10240x32xf32, #tpu.memory_space<vmem_shared>> -> memref<10240x32xf32, #tpu.memory_space<vmem_shared>>
        tpu.enqueue_indirect_dma source(%arg10 : memref<128x32xf32, #tpu.memory_space<vmem>>) target(%dma_start3A_52 : memref<10240x32xf32, #tpu.memory_space<vmem_shared>>) offsets(%dma_start3A_49 : memref<128xi32, #tpu.memory_space<vmem>>) semaphore(%run_scoped3A_46 : memref<!tpu.dma_semaphore, #tpu.memory_space<semaphore_mem>>) {add = true}
        %dma_wait3A_53 = arith.constant 0 : i32
        %dma_wait3A_54 = tpu.memref_slice %arg9[%run_scoped3A, %dma_wait3A_53] : memref<1x128xi32, #tpu.memory_space<vmem>> -> memref<1x128xi32, #tpu.memory_space<vmem>>
        %dma_wait3A_55 = tpu.memref_squeeze %dma_wait3A_54 : memref<1x128xi32, #tpu.memory_space<vmem>> -> memref<128xi32, #tpu.memory_space<vmem>>
        %dma_wait3A_56 = arith.constant 0 : i32
        %dma_wait3A_57 = arith.constant 0 : i32
        %dma_wait3A_58 = tpu.memref_slice %arg16[%dma_wait3A_56, %dma_wait3A_57] : memref<10240x32xf32, #tpu.memory_space<vmem_shared>> -> memref<10240x32xf32, #tpu.memory_space<vmem_shared>>
        tpu.wait_indirect_dma semaphore(%run_scoped3A_46 : memref<!tpu.dma_semaphore, #tpu.memory_space<semaphore_mem>>) src(%arg10 : memref<128x32xf32, #tpu.memory_space<vmem>>) dst(%dma_wait3A_58 : memref<10240x32xf32, #tpu.memory_space<vmem_shared>>)
        tpu.yield
      }) : () -> ()
    } else {
    }
    %barrier3A_25 = arith.constant 0 : index
    tpu.barrier barrier_id(%barrier3A_25)
    %mul3A_26 = arith.constant 640 : i32
    %mul3A_27 = arith.muli %arg1, %mul3A_26 : i32
    %mul3A_28 = arith.constant 640 : i32
    %mul3A_29 = arith.muli %arg1, %mul3A_28 : i32
    "tpu.region"() ({
      %run_scoped3A = tpu.sem_alloc : memref<!tpu.dma_semaphore, #tpu.memory_space<semaphore_mem>>
      %dma_start3A = arith.constant 0 : i32
      %dma_start3A_30 = tpu.memref_slice %arg5[%arg0, %mul3A_29, %dma_start3A] : memref<2x10240x32xf32, #tpu.memory_space<hbm>> -> memref<1x640x32xf32, #tpu.memory_space<hbm>>
      %dma_start3A_31 = tpu.memref_squeeze %dma_start3A_30 : memref<1x640x32xf32, #tpu.memory_space<hbm>> -> memref<640x32xf32, #tpu.memory_space<hbm>>
      %dma_start3A_32 = arith.constant 0 : i32
      %dma_start3A_33 = tpu.memref_slice %arg16[%mul3A_27, %dma_start3A_32] : memref<10240x32xf32, #tpu.memory_space<vmem_shared>> -> memref<640x32xf32, #tpu.memory_space<vmem_shared>>
      tpu.enqueue_dma source(%dma_start3A_33 : memref<640x32xf32, #tpu.memory_space<vmem_shared>>) target(%dma_start3A_31 : memref<640x32xf32, #tpu.memory_space<hbm>>) target_semaphore(%run_scoped3A : memref<!tpu.dma_semaphore, #tpu.memory_space<semaphore_mem>>)
      %dma_wait3A = arith.constant 0 : i32
      %dma_wait3A_34 = tpu.memref_slice %arg5[%arg0, %mul3A_29, %dma_wait3A] : memref<2x10240x32xf32, #tpu.memory_space<hbm>> -> memref<1x640x32xf32, #tpu.memory_space<hbm>>
      %dma_wait3A_35 = tpu.memref_squeeze %dma_wait3A_34 : memref<1x640x32xf32, #tpu.memory_space<hbm>> -> memref<640x32xf32, #tpu.memory_space<hbm>>
      %dma_wait3A_36 = arith.constant 0 : i32
      %dma_wait3A_37 = tpu.memref_slice %arg16[%mul3A_27, %dma_wait3A_36] : memref<10240x32xf32, #tpu.memory_space<vmem_shared>> -> memref<640x32xf32, #tpu.memory_space<vmem_shared>>
      tpu.wait_dma2 semaphore(%run_scoped3A : memref<!tpu.dma_semaphore, #tpu.memory_space<semaphore_mem>>) src(%dma_wait3A_37 : memref<640x32xf32, #tpu.memory_space<vmem_shared>>) dst(%dma_wait3A_35 : memref<640x32xf32, #tpu.memory_space<hbm>>)
      tpu.yield
    }) : () -> ()
    return
  }
}

#map = affine_map<(d0, d1) -> (0, 0, 0)>
#map1 = affine_map<(d0, d1) -> (0, 0)>
module attributes {stable_mosaic.version = 14 : i64} {
  func.func @_scat_body(%arg0: i32, %arg1: i32, %arg2: memref<2x2500x128xi32, #tpu.memory_space<hbm>>, %arg3: memref<10240x32xf32, #tpu.memory_space<hbm>>, %arg4: memref<640x32xf32, #tpu.memory_space<hbm>>, %arg5: memref<2x10240x32xf32, #tpu.memory_space<hbm>>, %arg6: memref<90x128xi32, #tpu.memory_space<vmem>>, %arg7: memref<90x128xi32, #tpu.memory_space<vmem>>, %arg8: memref<1x128xi32, #tpu.memory_space<vmem>>, %arg9: memref<1x128xi32, #tpu.memory_space<vmem>>, %arg10: memref<128x32xf32, #tpu.memory_space<vmem>>, %arg11: memref<128x32xf32, #tpu.memory_space<vmem>>, %arg12: memref<128x32xf32, #tpu.memory_space<vmem>>, %arg13: memref<128x32xf32, #tpu.memory_space<vmem>>, %arg14: memref<128x32xf32, #tpu.memory_space<vmem>>, %arg15: memref<128x32xf32, #tpu.memory_space<vmem>>, %arg16: memref<10240x32xf32, #tpu.memory_space<vmem_shared>>, %arg17: memref<10240x32xf32, #tpu.memory_space<vmem_shared>>, %arg18: memref<!tpu.dma_semaphore, #tpu.memory_space<semaphore_mem>>, %arg19: memref<!tpu.dma_semaphore, #tpu.memory_space<semaphore_mem>>, %arg20: memref<!tpu.dma_semaphore, #tpu.memory_space<semaphore_mem>>, %arg21: memref<!tpu.dma_semaphore, #tpu.memory_space<semaphore_mem>>, %arg22: memref<!tpu.dma_semaphore, #tpu.memory_space<semaphore_mem>>, %arg23: memref<!tpu.dma_semaphore, #tpu.memory_space<semaphore_mem>>, %arg24: memref<!tpu.dma_semaphore, #tpu.memory_space<semaphore_mem>>, %arg25: memref<!tpu.dma_semaphore, #tpu.memory_space<semaphore_mem>>, %arg26: memref<!tpu.dma_semaphore, #tpu.memory_space<semaphore_mem>>, %arg27: memref<!tpu.dma_semaphore, #tpu.memory_space<semaphore_mem>>, %arg28: memref<!tpu.dma_semaphore, #tpu.memory_space<semaphore_mem>>, %arg29: memref<!tpu.dma_semaphore, #tpu.memory_space<semaphore_mem>>) attributes {dimension_semantics = [#tpu.dimension_semantics<core_parallel>, #tpu.dimension_semantics<subcore_parallel>], iteration_bounds = array<i64: 2, 16>, scalar_prefetch = 0 : i64, scratch_operands = 24 : i64, tpu.core_type = #tpu.core_type<sc_vector_subcore>, window_params = [{transform_indices = #map}, {transform_indices = #map1}, {transform_indices = #map1}, {transform_indices = #map}]} {
    %mul3A = arith.constant 2 : i32
    %mul3A_0 = arith.muli %arg1, %mul3A : i32
    %add3A = arith.addi %mul3A_0, %arg0 : i32
    %mul3A_1 = arith.constant 640 : i32
    %mul3A_2 = arith.muli %arg1, %mul3A_1 : i32
    "tpu.region"() ({
      %run_scoped3A = tpu.sem_alloc : memref<!tpu.dma_semaphore, #tpu.memory_space<semaphore_mem>>
      %dma_start3A = arith.constant 0 : i32
      %dma_start3A_30 = tpu.memref_slice %arg16[%mul3A_2, %dma_start3A] : memref<10240x32xf32, #tpu.memory_space<vmem_shared>> -> memref<640x32xf32, #tpu.memory_space<vmem_shared>>
      tpu.enqueue_dma source(%arg4 : memref<640x32xf32, #tpu.memory_space<hbm>>) target(%dma_start3A_30 : memref<640x32xf32, #tpu.memory_space<vmem_shared>>) target_semaphore(%run_scoped3A : memref<!tpu.dma_semaphore, #tpu.memory_space<semaphore_mem>>)
      %dma_wait3A = arith.constant 0 : i32
      %dma_wait3A_31 = tpu.memref_slice %arg16[%mul3A_2, %dma_wait3A] : memref<10240x32xf32, #tpu.memory_space<vmem_shared>> -> memref<640x32xf32, #tpu.memory_space<vmem_shared>>
      tpu.wait_dma2 semaphore(%run_scoped3A : memref<!tpu.dma_semaphore, #tpu.memory_space<semaphore_mem>>) src(%arg4 : memref<640x32xf32, #tpu.memory_space<hbm>>) dst(%dma_wait3A_31 : memref<640x32xf32, #tpu.memory_space<vmem_shared>>)
      tpu.yield
    }) : () -> ()
    %mul3A_3 = arith.constant 640 : i32
    %mul3A_4 = arith.muli %arg1, %mul3A_3 : i32
    %mul3A_5 = arith.constant 640 : i32
    %mul3A_6 = arith.muli %arg1, %mul3A_5 : i32
    "tpu.region"() ({
      %run_scoped3A = tpu.sem_alloc : memref<!tpu.dma_semaphore, #tpu.memory_space<semaphore_mem>>
      %dma_start3A = arith.constant 0 : i32
      %dma_start3A_30 = tpu.memref_slice %arg17[%mul3A_6, %dma_start3A] : memref<10240x32xf32, #tpu.memory_space<vmem_shared>> -> memref<640x32xf32, #tpu.memory_space<vmem_shared>>
      %dma_start3A_31 = arith.constant 0 : i32
      %dma_start3A_32 = tpu.memref_slice %arg3[%mul3A_4, %dma_start3A_31] : memref<10240x32xf32, #tpu.memory_space<hbm>> -> memref<640x32xf32, #tpu.memory_space<hbm>>
      tpu.enqueue_dma source(%dma_start3A_32 : memref<640x32xf32, #tpu.memory_space<hbm>>) target(%dma_start3A_30 : memref<640x32xf32, #tpu.memory_space<vmem_shared>>) target_semaphore(%run_scoped3A : memref<!tpu.dma_semaphore, #tpu.memory_space<semaphore_mem>>)
      %dma_wait3A = arith.constant 0 : i32
      %dma_wait3A_33 = tpu.memref_slice %arg17[%mul3A_6, %dma_wait3A] : memref<10240x32xf32, #tpu.memory_space<vmem_shared>> -> memref<640x32xf32, #tpu.memory_space<vmem_shared>>
      %dma_wait3A_34 = arith.constant 0 : i32
      %dma_wait3A_35 = tpu.memref_slice %arg3[%mul3A_4, %dma_wait3A_34] : memref<10240x32xf32, #tpu.memory_space<hbm>> -> memref<640x32xf32, #tpu.memory_space<hbm>>
      tpu.wait_dma2 semaphore(%run_scoped3A : memref<!tpu.dma_semaphore, #tpu.memory_space<semaphore_mem>>) src(%dma_wait3A_35 : memref<640x32xf32, #tpu.memory_space<hbm>>) dst(%dma_wait3A_33 : memref<640x32xf32, #tpu.memory_space<vmem_shared>>)
      tpu.yield
    }) : () -> ()
    %barrier3A = arith.constant 0 : index
    tpu.barrier barrier_id(%barrier3A)
    %eq3A = arith.constant 0 : i32
    %eq3A_7 = arith.cmpi eq, %arg0, %eq3A : i32
    %convert_element_type3A = arith.extui %eq3A_7 : i1 to i32
    %cond3A = arith.constant 0 : i32
    %cond3A_8 = arith.constant 1 : i32
    %cond3A_9 = arith.constant 0 : i32
    %cond3A_10 = arith.cmpi ne, %convert_element_type3A, %cond3A_9 : i32
    scf.if %cond3A_10 {
      %mul3A_30 = arith.constant 90 : i32
      %mul3A_31 = arith.muli %arg1, %mul3A_30 : i32
      "tpu.region"() ({
        %run_scoped3A = tpu.sem_alloc : memref<!tpu.dma_semaphore, #tpu.memory_space<semaphore_mem>>
        %dma_start3A_78 = arith.constant 0 : i32
        %dma_start3A_79 = arith.constant 0 : i32
        %dma_start3A_80 = tpu.memref_slice %arg6[%dma_start3A_78, %dma_start3A_79] : memref<90x128xi32, #tpu.memory_space<vmem>> -> memref<90x128xi32, #tpu.memory_space<vmem>>
        %dma_start3A_81 = arith.constant 0 : i32
        %dma_start3A_82 = arith.constant 0 : i32
        %dma_start3A_83 = tpu.memref_slice %arg2[%cond3A, %dma_start3A_81, %dma_start3A_82] : memref<2x2500x128xi32, #tpu.memory_space<hbm>> -> memref<1x2500x128xi32, #tpu.memory_space<hbm>>
        %dma_start3A_84 = tpu.memref_squeeze %dma_start3A_83 : memref<1x2500x128xi32, #tpu.memory_space<hbm>> -> memref<2500x128xi32, #tpu.memory_space<hbm>>
        %dma_start3A_85 = arith.constant 0 : i32
        %dma_start3A_86 = tpu.memref_slice %dma_start3A_84[%mul3A_31, %dma_start3A_85] : memref<2500x128xi32, #tpu.memory_space<hbm>> -> memref<90x128xi32, #tpu.memory_space<hbm>>
        %dma_start3A_87 = arith.constant 0 : i32
        %dma_start3A_88 = arith.constant 0 : i32
        %dma_start3A_89 = tpu.memref_slice %arg6[%dma_start3A_87, %dma_start3A_88] : memref<90x128xi32, #tpu.memory_space<vmem>> -> memref<90x128xi32, #tpu.memory_space<vmem>>
        %dma_start3A_90 = arith.constant 0 : i32
        %dma_start3A_91 = arith.constant 0 : i32
        %dma_start3A_92 = tpu.memref_slice %arg2[%cond3A, %dma_start3A_90, %dma_start3A_91] : memref<2x2500x128xi32, #tpu.memory_space<hbm>> -> memref<1x2500x128xi32, #tpu.memory_space<hbm>>
        %dma_start3A_93 = tpu.memref_squeeze %dma_start3A_92 : memref<1x2500x128xi32, #tpu.memory_space<hbm>> -> memref<2500x128xi32, #tpu.memory_space<hbm>>
        %dma_start3A_94 = arith.constant 0 : i32
        %dma_start3A_95 = tpu.memref_slice %dma_start3A_93[%mul3A_31, %dma_start3A_94] : memref<2500x128xi32, #tpu.memory_space<hbm>> -> memref<90x128xi32, #tpu.memory_space<hbm>>
        tpu.enqueue_dma source(%dma_start3A_95 : memref<90x128xi32, #tpu.memory_space<hbm>>) target(%dma_start3A_89 : memref<90x128xi32, #tpu.memory_space<vmem>>) target_semaphore(%run_scoped3A : memref<!tpu.dma_semaphore, #tpu.memory_space<semaphore_mem>>)
        %dma_wait3A = arith.constant 0 : i32
        %dma_wait3A_96 = arith.constant 0 : i32
        %dma_wait3A_97 = tpu.memref_slice %arg6[%dma_wait3A, %dma_wait3A_96] : memref<90x128xi32, #tpu.memory_space<vmem>> -> memref<90x128xi32, #tpu.memory_space<vmem>>
        %dma_wait3A_98 = arith.constant 0 : i32
        %dma_wait3A_99 = arith.constant 0 : i32
        %dma_wait3A_100 = tpu.memref_slice %arg2[%cond3A, %dma_wait3A_98, %dma_wait3A_99] : memref<2x2500x128xi32, #tpu.memory_space<hbm>> -> memref<1x2500x128xi32, #tpu.memory_space<hbm>>
        %dma_wait3A_101 = tpu.memref_squeeze %dma_wait3A_100 : memref<1x2500x128xi32, #tpu.memory_space<hbm>> -> memref<2500x128xi32, #tpu.memory_space<hbm>>
        %dma_wait3A_102 = arith.constant 0 : i32
        %dma_wait3A_103 = tpu.memref_slice %dma_wait3A_101[%mul3A_31, %dma_wait3A_102] : memref<2500x128xi32, #tpu.memory_space<hbm>> -> memref<90x128xi32, #tpu.memory_space<hbm>>
        %dma_wait3A_104 = arith.constant 0 : i32
        %dma_wait3A_105 = arith.constant 0 : i32
        %dma_wait3A_106 = tpu.memref_slice %arg6[%dma_wait3A_104, %dma_wait3A_105] : memref<90x128xi32, #tpu.memory_space<vmem>> -> memref<90x128xi32, #tpu.memory_space<vmem>>
        %dma_wait3A_107 = arith.constant 0 : i32
        %dma_wait3A_108 = arith.constant 0 : i32
        %dma_wait3A_109 = tpu.memref_slice %arg2[%cond3A, %dma_wait3A_107, %dma_wait3A_108] : memref<2x2500x128xi32, #tpu.memory_space<hbm>> -> memref<1x2500x128xi32, #tpu.memory_space<hbm>>
        %dma_wait3A_110 = tpu.memref_squeeze %dma_wait3A_109 : memref<1x2500x128xi32, #tpu.memory_space<hbm>> -> memref<2500x128xi32, #tpu.memory_space<hbm>>
        %dma_wait3A_111 = arith.constant 0 : i32
        %dma_wait3A_112 = tpu.memref_slice %dma_wait3A_110[%mul3A_31, %dma_wait3A_111] : memref<2500x128xi32, #tpu.memory_space<hbm>> -> memref<90x128xi32, #tpu.memory_space<hbm>>
        tpu.wait_dma2 semaphore(%run_scoped3A : memref<!tpu.dma_semaphore, #tpu.memory_space<semaphore_mem>>) src(%dma_wait3A_112 : memref<90x128xi32, #tpu.memory_space<hbm>>) dst(%dma_wait3A_106 : memref<90x128xi32, #tpu.memory_space<vmem>>)
        tpu.yield
      }) : () -> ()
      "tpu.region"() ({
        %run_scoped3A = tpu.sem_alloc : memref<!tpu.dma_semaphore, #tpu.memory_space<semaphore_mem>>
        %dma_start3A_78 = arith.constant 0 : i32
        %dma_start3A_79 = arith.constant 0 : i32
        %dma_start3A_80 = tpu.memref_slice %arg7[%dma_start3A_78, %dma_start3A_79] : memref<90x128xi32, #tpu.memory_space<vmem>> -> memref<90x128xi32, #tpu.memory_space<vmem>>
        %dma_start3A_81 = arith.constant 0 : i32
        %dma_start3A_82 = arith.constant 0 : i32
        %dma_start3A_83 = tpu.memref_slice %arg2[%cond3A_8, %dma_start3A_81, %dma_start3A_82] : memref<2x2500x128xi32, #tpu.memory_space<hbm>> -> memref<1x2500x128xi32, #tpu.memory_space<hbm>>
        %dma_start3A_84 = tpu.memref_squeeze %dma_start3A_83 : memref<1x2500x128xi32, #tpu.memory_space<hbm>> -> memref<2500x128xi32, #tpu.memory_space<hbm>>
        %dma_start3A_85 = arith.constant 0 : i32
        %dma_start3A_86 = tpu.memref_slice %dma_start3A_84[%mul3A_31, %dma_start3A_85] : memref<2500x128xi32, #tpu.memory_space<hbm>> -> memref<90x128xi32, #tpu.memory_space<hbm>>
        %dma_start3A_87 = arith.constant 0 : i32
        %dma_start3A_88 = arith.constant 0 : i32
        %dma_start3A_89 = tpu.memref_slice %arg7[%dma_start3A_87, %dma_start3A_88] : memref<90x128xi32, #tpu.memory_space<vmem>> -> memref<90x128xi32, #tpu.memory_space<vmem>>
        %dma_start3A_90 = arith.constant 0 : i32
        %dma_start3A_91 = arith.constant 0 : i32
        %dma_start3A_92 = tpu.memref_slice %arg2[%cond3A_8, %dma_start3A_90, %dma_start3A_91] : memref<2x2500x128xi32, #tpu.memory_space<hbm>> -> memref<1x2500x128xi32, #tpu.memory_space<hbm>>
        %dma_start3A_93 = tpu.memref_squeeze %dma_start3A_92 : memref<1x2500x128xi32, #tpu.memory_space<hbm>> -> memref<2500x128xi32, #tpu.memory_space<hbm>>
        %dma_start3A_94 = arith.constant 0 : i32
        %dma_start3A_95 = tpu.memref_slice %dma_start3A_93[%mul3A_31, %dma_start3A_94] : memref<2500x128xi32, #tpu.memory_space<hbm>> -> memref<90x128xi32, #tpu.memory_space<hbm>>
        tpu.enqueue_dma source(%dma_start3A_95 : memref<90x128xi32, #tpu.memory_space<hbm>>) target(%dma_start3A_89 : memref<90x128xi32, #tpu.memory_space<vmem>>) target_semaphore(%run_scoped3A : memref<!tpu.dma_semaphore, #tpu.memory_space<semaphore_mem>>)
        %dma_wait3A = arith.constant 0 : i32
        %dma_wait3A_96 = arith.constant 0 : i32
        %dma_wait3A_97 = tpu.memref_slice %arg7[%dma_wait3A, %dma_wait3A_96] : memref<90x128xi32, #tpu.memory_space<vmem>> -> memref<90x128xi32, #tpu.memory_space<vmem>>
        %dma_wait3A_98 = arith.constant 0 : i32
        %dma_wait3A_99 = arith.constant 0 : i32
        %dma_wait3A_100 = tpu.memref_slice %arg2[%cond3A_8, %dma_wait3A_98, %dma_wait3A_99] : memref<2x2500x128xi32, #tpu.memory_space<hbm>> -> memref<1x2500x128xi32, #tpu.memory_space<hbm>>
        %dma_wait3A_101 = tpu.memref_squeeze %dma_wait3A_100 : memref<1x2500x128xi32, #tpu.memory_space<hbm>> -> memref<2500x128xi32, #tpu.memory_space<hbm>>
        %dma_wait3A_102 = arith.constant 0 : i32
        %dma_wait3A_103 = tpu.memref_slice %dma_wait3A_101[%mul3A_31, %dma_wait3A_102] : memref<2500x128xi32, #tpu.memory_space<hbm>> -> memref<90x128xi32, #tpu.memory_space<hbm>>
        %dma_wait3A_104 = arith.constant 0 : i32
        %dma_wait3A_105 = arith.constant 0 : i32
        %dma_wait3A_106 = tpu.memref_slice %arg7[%dma_wait3A_104, %dma_wait3A_105] : memref<90x128xi32, #tpu.memory_space<vmem>> -> memref<90x128xi32, #tpu.memory_space<vmem>>
        %dma_wait3A_107 = arith.constant 0 : i32
        %dma_wait3A_108 = arith.constant 0 : i32
        %dma_wait3A_109 = tpu.memref_slice %arg2[%cond3A_8, %dma_wait3A_107, %dma_wait3A_108] : memref<2x2500x128xi32, #tpu.memory_space<hbm>> -> memref<1x2500x128xi32, #tpu.memory_space<hbm>>
        %dma_wait3A_110 = tpu.memref_squeeze %dma_wait3A_109 : memref<1x2500x128xi32, #tpu.memory_space<hbm>> -> memref<2500x128xi32, #tpu.memory_space<hbm>>
        %dma_wait3A_111 = arith.constant 0 : i32
        %dma_wait3A_112 = tpu.memref_slice %dma_wait3A_110[%mul3A_31, %dma_wait3A_111] : memref<2500x128xi32, #tpu.memory_space<hbm>> -> memref<90x128xi32, #tpu.memory_space<hbm>>
        tpu.wait_dma2 semaphore(%run_scoped3A : memref<!tpu.dma_semaphore, #tpu.memory_space<semaphore_mem>>) src(%dma_wait3A_112 : memref<90x128xi32, #tpu.memory_space<hbm>>) dst(%dma_wait3A_106 : memref<90x128xi32, #tpu.memory_space<vmem>>)
        tpu.yield
      }) : () -> ()
      %dma_start3A = arith.constant 0 : i32
      %dma_start3A_32 = arith.constant 0 : i32
      %dma_start3A_33 = tpu.memref_slice %arg6[%dma_start3A, %dma_start3A_32] : memref<90x128xi32, #tpu.memory_space<vmem>> -> memref<1x128xi32, #tpu.memory_space<vmem>>
      %dma_start3A_34 = tpu.memref_squeeze %dma_start3A_33 : memref<1x128xi32, #tpu.memory_space<vmem>> -> memref<128xi32, #tpu.memory_space<vmem>>
      %dma_start3A_35 = arith.constant 0 : i32
      %dma_start3A_36 = arith.constant 0 : i32
      %dma_start3A_37 = tpu.memref_slice %arg3[%dma_start3A_35, %dma_start3A_36] : memref<10240x32xf32, #tpu.memory_space<hbm>> -> memref<10240x32xf32, #tpu.memory_space<hbm>>
      tpu.enqueue_indirect_dma source(%dma_start3A_37 : memref<10240x32xf32, #tpu.memory_space<hbm>>) target(%arg10 : memref<128x32xf32, #tpu.memory_space<vmem>>) offsets(%dma_start3A_34 : memref<128xi32, #tpu.memory_space<vmem>>) semaphore(%arg18 : memref<!tpu.dma_semaphore, #tpu.memory_space<semaphore_mem>>)
      %dma_start3A_38 = arith.constant 1 : i32
      %dma_start3A_39 = arith.constant 0 : i32
      %dma_start3A_40 = tpu.memref_slice %arg6[%dma_start3A_38, %dma_start3A_39] : memref<90x128xi32, #tpu.memory_space<vmem>> -> memref<1x128xi32, #tpu.memory_space<vmem>>
      %dma_start3A_41 = tpu.memref_squeeze %dma_start3A_40 : memref<1x128xi32, #tpu.memory_space<vmem>> -> memref<128xi32, #tpu.memory_space<vmem>>
      %dma_start3A_42 = arith.constant 0 : i32
      %dma_start3A_43 = arith.constant 0 : i32
      %dma_start3A_44 = tpu.memref_slice %arg3[%dma_start3A_42, %dma_start3A_43] : memref<10240x32xf32, #tpu.memory_space<hbm>> -> memref<10240x32xf32, #tpu.memory_space<hbm>>
      tpu.enqueue_indirect_dma source(%dma_start3A_44 : memref<10240x32xf32, #tpu.memory_space<hbm>>) target(%arg11 : memref<128x32xf32, #tpu.memory_space<vmem>>) offsets(%dma_start3A_41 : memref<128xi32, #tpu.memory_space<vmem>>) semaphore(%arg19 : memref<!tpu.dma_semaphore, #tpu.memory_space<semaphore_mem>>)
      %dma_start3A_45 = arith.constant 2 : i32
      %dma_start3A_46 = arith.constant 0 : i32
      %dma_start3A_47 = tpu.memref_slice %arg6[%dma_start3A_45, %dma_start3A_46] : memref<90x128xi32, #tpu.memory_space<vmem>> -> memref<1x128xi32, #tpu.memory_space<vmem>>
      %dma_start3A_48 = tpu.memref_squeeze %dma_start3A_47 : memref<1x128xi32, #tpu.memory_space<vmem>> -> memref<128xi32, #tpu.memory_space<vmem>>
      %dma_start3A_49 = arith.constant 0 : i32
      %dma_start3A_50 = arith.constant 0 : i32
      %dma_start3A_51 = tpu.memref_slice %arg3[%dma_start3A_49, %dma_start3A_50] : memref<10240x32xf32, #tpu.memory_space<hbm>> -> memref<10240x32xf32, #tpu.memory_space<hbm>>
      tpu.enqueue_indirect_dma source(%dma_start3A_51 : memref<10240x32xf32, #tpu.memory_space<hbm>>) target(%arg12 : memref<128x32xf32, #tpu.memory_space<vmem>>) offsets(%dma_start3A_48 : memref<128xi32, #tpu.memory_space<vmem>>) semaphore(%arg20 : memref<!tpu.dma_semaphore, #tpu.memory_space<semaphore_mem>>)
      %dma_start3A_52 = arith.constant 3 : i32
      %dma_start3A_53 = arith.constant 0 : i32
      %dma_start3A_54 = tpu.memref_slice %arg6[%dma_start3A_52, %dma_start3A_53] : memref<90x128xi32, #tpu.memory_space<vmem>> -> memref<1x128xi32, #tpu.memory_space<vmem>>
      %dma_start3A_55 = tpu.memref_squeeze %dma_start3A_54 : memref<1x128xi32, #tpu.memory_space<vmem>> -> memref<128xi32, #tpu.memory_space<vmem>>
      %dma_start3A_56 = arith.constant 0 : i32
      %dma_start3A_57 = arith.constant 0 : i32
      %dma_start3A_58 = tpu.memref_slice %arg3[%dma_start3A_56, %dma_start3A_57] : memref<10240x32xf32, #tpu.memory_space<hbm>> -> memref<10240x32xf32, #tpu.memory_space<hbm>>
      tpu.enqueue_indirect_dma source(%dma_start3A_58 : memref<10240x32xf32, #tpu.memory_space<hbm>>) target(%arg13 : memref<128x32xf32, #tpu.memory_space<vmem>>) offsets(%dma_start3A_55 : memref<128xi32, #tpu.memory_space<vmem>>) semaphore(%arg21 : memref<!tpu.dma_semaphore, #tpu.memory_space<semaphore_mem>>)
      %dma_start3A_59 = arith.constant 4 : i32
      %dma_start3A_60 = arith.constant 0 : i32
      %dma_start3A_61 = tpu.memref_slice %arg6[%dma_start3A_59, %dma_start3A_60] : memref<90x128xi32, #tpu.memory_space<vmem>> -> memref<1x128xi32, #tpu.memory_space<vmem>>
      %dma_start3A_62 = tpu.memref_squeeze %dma_start3A_61 : memref<1x128xi32, #tpu.memory_space<vmem>> -> memref<128xi32, #tpu.memory_space<vmem>>
      %dma_start3A_63 = arith.constant 0 : i32
      %dma_start3A_64 = arith.constant 0 : i32
      %dma_start3A_65 = tpu.memref_slice %arg3[%dma_start3A_63, %dma_start3A_64] : memref<10240x32xf32, #tpu.memory_space<hbm>> -> memref<10240x32xf32, #tpu.memory_space<hbm>>
      tpu.enqueue_indirect_dma source(%dma_start3A_65 : memref<10240x32xf32, #tpu.memory_space<hbm>>) target(%arg14 : memref<128x32xf32, #tpu.memory_space<vmem>>) offsets(%dma_start3A_62 : memref<128xi32, #tpu.memory_space<vmem>>) semaphore(%arg22 : memref<!tpu.dma_semaphore, #tpu.memory_space<semaphore_mem>>)
      %dma_start3A_66 = arith.constant 5 : i32
      %dma_start3A_67 = arith.constant 0 : i32
      %dma_start3A_68 = tpu.memref_slice %arg6[%dma_start3A_66, %dma_start3A_67] : memref<90x128xi32, #tpu.memory_space<vmem>> -> memref<1x128xi32, #tpu.memory_space<vmem>>
      %dma_start3A_69 = tpu.memref_squeeze %dma_start3A_68 : memref<1x128xi32, #tpu.memory_space<vmem>> -> memref<128xi32, #tpu.memory_space<vmem>>
      %dma_start3A_70 = arith.constant 0 : i32
      %dma_start3A_71 = arith.constant 0 : i32
      %dma_start3A_72 = tpu.memref_slice %arg3[%dma_start3A_70, %dma_start3A_71] : memref<10240x32xf32, #tpu.memory_space<hbm>> -> memref<10240x32xf32, #tpu.memory_space<hbm>>
      tpu.enqueue_indirect_dma source(%dma_start3A_72 : memref<10240x32xf32, #tpu.memory_space<hbm>>) target(%arg15 : memref<128x32xf32, #tpu.memory_space<vmem>>) offsets(%dma_start3A_69 : memref<128xi32, #tpu.memory_space<vmem>>) semaphore(%arg23 : memref<!tpu.dma_semaphore, #tpu.memory_space<semaphore_mem>>)
      %scan3A = arith.constant 0 : i32
      %scan3A_73 = arith.constant 0 : i32
      %scan3A_74 = arith.constant 15 : i32
      %scan3A_75 = arith.addi %scan3A_73, %scan3A_74 : i32
      %scan3A_76 = arith.constant 1 : i32
      scf.for %scan3A_78 = %scan3A_73 to %scan3A_75 step %scan3A_76  : i32 {
        %mul3A_79 = arith.constant 6 : i32
        %mul3A_80 = arith.muli %scan3A_78, %mul3A_79 : i32
        %add3A_81 = arith.constant 0 : i32
        %add3A_82 = arith.addi %mul3A_80, %add3A_81 : i32
        %dma_wait3A = arith.constant 0 : i32
        %dma_wait3A_83 = arith.constant 0 : i32
        %dma_wait3A_84 = tpu.memref_slice %arg6[%dma_wait3A, %dma_wait3A_83] : memref<90x128xi32, #tpu.memory_space<vmem>> -> memref<1x128xi32, #tpu.memory_space<vmem>>
        %dma_wait3A_85 = tpu.memref_squeeze %dma_wait3A_84 : memref<1x128xi32, #tpu.memory_space<vmem>> -> memref<128xi32, #tpu.memory_space<vmem>>
        %dma_wait3A_86 = arith.constant 0 : i32
        %dma_wait3A_87 = arith.constant 0 : i32
        %dma_wait3A_88 = tpu.memref_slice %arg3[%dma_wait3A_86, %dma_wait3A_87] : memref<10240x32xf32, #tpu.memory_space<hbm>> -> memref<10240x32xf32, #tpu.memory_space<hbm>>
        tpu.wait_indirect_dma semaphore(%arg18 : memref<!tpu.dma_semaphore, #tpu.memory_space<semaphore_mem>>) src(%dma_wait3A_88 : memref<10240x32xf32, #tpu.memory_space<hbm>>) dst(%arg10 : memref<128x32xf32, #tpu.memory_space<vmem>>)
        %dma_start3A_89 = arith.constant 0 : i32
        %dma_start3A_90 = tpu.memref_slice %arg7[%add3A_82, %dma_start3A_89] : memref<90x128xi32, #tpu.memory_space<vmem>> -> memref<1x128xi32, #tpu.memory_space<vmem>>
        %dma_start3A_91 = tpu.memref_squeeze %dma_start3A_90 : memref<1x128xi32, #tpu.memory_space<vmem>> -> memref<128xi32, #tpu.memory_space<vmem>>
        %dma_start3A_92 = arith.constant 0 : i32
        %dma_start3A_93 = arith.constant 0 : i32
        %dma_start3A_94 = tpu.memref_slice %arg16[%dma_start3A_92, %dma_start3A_93] : memref<10240x32xf32, #tpu.memory_space<vmem_shared>> -> memref<10240x32xf32, #tpu.memory_space<vmem_shared>>
        tpu.enqueue_indirect_dma source(%arg10 : memref<128x32xf32, #tpu.memory_space<vmem>>) target(%dma_start3A_94 : memref<10240x32xf32, #tpu.memory_space<vmem_shared>>) offsets(%dma_start3A_91 : memref<128xi32, #tpu.memory_space<vmem>>) semaphore(%arg24 : memref<!tpu.dma_semaphore, #tpu.memory_space<semaphore_mem>>) {add = true}
        %mul3A_95 = arith.constant 6 : i32
        %mul3A_96 = arith.muli %scan3A_78, %mul3A_95 : i32
        %add3A_97 = arith.constant 1 : i32
        %add3A_98 = arith.addi %mul3A_96, %add3A_97 : i32
        %dma_wait3A_99 = arith.constant 0 : i32
        %dma_wait3A_100 = arith.constant 0 : i32
        %dma_wait3A_101 = tpu.memref_slice %arg6[%dma_wait3A_99, %dma_wait3A_100] : memref<90x128xi32, #tpu.memory_space<vmem>> -> memref<1x128xi32, #tpu.memory_space<vmem>>
        %dma_wait3A_102 = tpu.memref_squeeze %dma_wait3A_101 : memref<1x128xi32, #tpu.memory_space<vmem>> -> memref<128xi32, #tpu.memory_space<vmem>>
        %dma_wait3A_103 = arith.constant 0 : i32
        %dma_wait3A_104 = arith.constant 0 : i32
        %dma_wait3A_105 = tpu.memref_slice %arg3[%dma_wait3A_103, %dma_wait3A_104] : memref<10240x32xf32, #tpu.memory_space<hbm>> -> memref<10240x32xf32, #tpu.memory_space<hbm>>
        tpu.wait_indirect_dma semaphore(%arg19 : memref<!tpu.dma_semaphore, #tpu.memory_space<semaphore_mem>>) src(%dma_wait3A_105 : memref<10240x32xf32, #tpu.memory_space<hbm>>) dst(%arg11 : memref<128x32xf32, #tpu.memory_space<vmem>>)
        %dma_start3A_106 = arith.constant 0 : i32
        %dma_start3A_107 = tpu.memref_slice %arg7[%add3A_98, %dma_start3A_106] : memref<90x128xi32, #tpu.memory_space<vmem>> -> memref<1x128xi32, #tpu.memory_space<vmem>>
        %dma_start3A_108 = tpu.memref_squeeze %dma_start3A_107 : memref<1x128xi32, #tpu.memory_space<vmem>> -> memref<128xi32, #tpu.memory_space<vmem>>
        %dma_start3A_109 = arith.constant 0 : i32
        %dma_start3A_110 = arith.constant 0 : i32
        %dma_start3A_111 = tpu.memref_slice %arg16[%dma_start3A_109, %dma_start3A_110] : memref<10240x32xf32, #tpu.memory_space<vmem_shared>> -> memref<10240x32xf32, #tpu.memory_space<vmem_shared>>
        tpu.enqueue_indirect_dma source(%arg11 : memref<128x32xf32, #tpu.memory_space<vmem>>) target(%dma_start3A_111 : memref<10240x32xf32, #tpu.memory_space<vmem_shared>>) offsets(%dma_start3A_108 : memref<128xi32, #tpu.memory_space<vmem>>) semaphore(%arg25 : memref<!tpu.dma_semaphore, #tpu.memory_space<semaphore_mem>>) {add = true}
        %mul3A_112 = arith.constant 6 : i32
        %mul3A_113 = arith.muli %scan3A_78, %mul3A_112 : i32
        %add3A_114 = arith.constant 2 : i32
        %add3A_115 = arith.addi %mul3A_113, %add3A_114 : i32
        %dma_wait3A_116 = arith.constant 0 : i32
        %dma_wait3A_117 = arith.constant 0 : i32
        %dma_wait3A_118 = tpu.memref_slice %arg6[%dma_wait3A_116, %dma_wait3A_117] : memref<90x128xi32, #tpu.memory_space<vmem>> -> memref<1x128xi32, #tpu.memory_space<vmem>>
        %dma_wait3A_119 = tpu.memref_squeeze %dma_wait3A_118 : memref<1x128xi32, #tpu.memory_space<vmem>> -> memref<128xi32, #tpu.memory_space<vmem>>
        %dma_wait3A_120 = arith.constant 0 : i32
        %dma_wait3A_121 = arith.constant 0 : i32
        %dma_wait3A_122 = tpu.memref_slice %arg3[%dma_wait3A_120, %dma_wait3A_121] : memref<10240x32xf32, #tpu.memory_space<hbm>> -> memref<10240x32xf32, #tpu.memory_space<hbm>>
        tpu.wait_indirect_dma semaphore(%arg20 : memref<!tpu.dma_semaphore, #tpu.memory_space<semaphore_mem>>) src(%dma_wait3A_122 : memref<10240x32xf32, #tpu.memory_space<hbm>>) dst(%arg12 : memref<128x32xf32, #tpu.memory_space<vmem>>)
        %dma_start3A_123 = arith.constant 0 : i32
        %dma_start3A_124 = tpu.memref_slice %arg7[%add3A_115, %dma_start3A_123] : memref<90x128xi32, #tpu.memory_space<vmem>> -> memref<1x128xi32, #tpu.memory_space<vmem>>
        %dma_start3A_125 = tpu.memref_squeeze %dma_start3A_124 : memref<1x128xi32, #tpu.memory_space<vmem>> -> memref<128xi32, #tpu.memory_space<vmem>>
        %dma_start3A_126 = arith.constant 0 : i32
        %dma_start3A_127 = arith.constant 0 : i32
        %dma_start3A_128 = tpu.memref_slice %arg16[%dma_start3A_126, %dma_start3A_127] : memref<10240x32xf32, #tpu.memory_space<vmem_shared>> -> memref<10240x32xf32, #tpu.memory_space<vmem_shared>>
        tpu.enqueue_indirect_dma source(%arg12 : memref<128x32xf32, #tpu.memory_space<vmem>>) target(%dma_start3A_128 : memref<10240x32xf32, #tpu.memory_space<vmem_shared>>) offsets(%dma_start3A_125 : memref<128xi32, #tpu.memory_space<vmem>>) semaphore(%arg26 : memref<!tpu.dma_semaphore, #tpu.memory_space<semaphore_mem>>) {add = true}
        %mul3A_129 = arith.constant 6 : i32
        %mul3A_130 = arith.muli %scan3A_78, %mul3A_129 : i32
        %add3A_131 = arith.constant 3 : i32
        %add3A_132 = arith.addi %mul3A_130, %add3A_131 : i32
        %dma_wait3A_133 = arith.constant 0 : i32
        %dma_wait3A_134 = arith.constant 0 : i32
        %dma_wait3A_135 = tpu.memref_slice %arg6[%dma_wait3A_133, %dma_wait3A_134] : memref<90x128xi32, #tpu.memory_space<vmem>> -> memref<1x128xi32, #tpu.memory_space<vmem>>
        %dma_wait3A_136 = tpu.memref_squeeze %dma_wait3A_135 : memref<1x128xi32, #tpu.memory_space<vmem>> -> memref<128xi32, #tpu.memory_space<vmem>>
        %dma_wait3A_137 = arith.constant 0 : i32
        %dma_wait3A_138 = arith.constant 0 : i32
        %dma_wait3A_139 = tpu.memref_slice %arg3[%dma_wait3A_137, %dma_wait3A_138] : memref<10240x32xf32, #tpu.memory_space<hbm>> -> memref<10240x32xf32, #tpu.memory_space<hbm>>
        tpu.wait_indirect_dma semaphore(%arg21 : memref<!tpu.dma_semaphore, #tpu.memory_space<semaphore_mem>>) src(%dma_wait3A_139 : memref<10240x32xf32, #tpu.memory_space<hbm>>) dst(%arg13 : memref<128x32xf32, #tpu.memory_space<vmem>>)
        %dma_start3A_140 = arith.constant 0 : i32
        %dma_start3A_141 = tpu.memref_slice %arg7[%add3A_132, %dma_start3A_140] : memref<90x128xi32, #tpu.memory_space<vmem>> -> memref<1x128xi32, #tpu.memory_space<vmem>>
        %dma_start3A_142 = tpu.memref_squeeze %dma_start3A_141 : memref<1x128xi32, #tpu.memory_space<vmem>> -> memref<128xi32, #tpu.memory_space<vmem>>
        %dma_start3A_143 = arith.constant 0 : i32
        %dma_start3A_144 = arith.constant 0 : i32
        %dma_start3A_145 = tpu.memref_slice %arg16[%dma_start3A_143, %dma_start3A_144] : memref<10240x32xf32, #tpu.memory_space<vmem_shared>> -> memref<10240x32xf32, #tpu.memory_space<vmem_shared>>
        tpu.enqueue_indirect_dma source(%arg13 : memref<128x32xf32, #tpu.memory_space<vmem>>) target(%dma_start3A_145 : memref<10240x32xf32, #tpu.memory_space<vmem_shared>>) offsets(%dma_start3A_142 : memref<128xi32, #tpu.memory_space<vmem>>) semaphore(%arg27 : memref<!tpu.dma_semaphore, #tpu.memory_space<semaphore_mem>>) {add = true}
        %mul3A_146 = arith.constant 6 : i32
        %mul3A_147 = arith.muli %scan3A_78, %mul3A_146 : i32
        %add3A_148 = arith.constant 4 : i32
        %add3A_149 = arith.addi %mul3A_147, %add3A_148 : i32
        %dma_wait3A_150 = arith.constant 0 : i32
        %dma_wait3A_151 = arith.constant 0 : i32
        %dma_wait3A_152 = tpu.memref_slice %arg6[%dma_wait3A_150, %dma_wait3A_151] : memref<90x128xi32, #tpu.memory_space<vmem>> -> memref<1x128xi32, #tpu.memory_space<vmem>>
        %dma_wait3A_153 = tpu.memref_squeeze %dma_wait3A_152 : memref<1x128xi32, #tpu.memory_space<vmem>> -> memref<128xi32, #tpu.memory_space<vmem>>
        %dma_wait3A_154 = arith.constant 0 : i32
        %dma_wait3A_155 = arith.constant 0 : i32
        %dma_wait3A_156 = tpu.memref_slice %arg3[%dma_wait3A_154, %dma_wait3A_155] : memref<10240x32xf32, #tpu.memory_space<hbm>> -> memref<10240x32xf32, #tpu.memory_space<hbm>>
        tpu.wait_indirect_dma semaphore(%arg22 : memref<!tpu.dma_semaphore, #tpu.memory_space<semaphore_mem>>) src(%dma_wait3A_156 : memref<10240x32xf32, #tpu.memory_space<hbm>>) dst(%arg14 : memref<128x32xf32, #tpu.memory_space<vmem>>)
        %dma_start3A_157 = arith.constant 0 : i32
        %dma_start3A_158 = tpu.memref_slice %arg7[%add3A_149, %dma_start3A_157] : memref<90x128xi32, #tpu.memory_space<vmem>> -> memref<1x128xi32, #tpu.memory_space<vmem>>
        %dma_start3A_159 = tpu.memref_squeeze %dma_start3A_158 : memref<1x128xi32, #tpu.memory_space<vmem>> -> memref<128xi32, #tpu.memory_space<vmem>>
        %dma_start3A_160 = arith.constant 0 : i32
        %dma_start3A_161 = arith.constant 0 : i32
        %dma_start3A_162 = tpu.memref_slice %arg16[%dma_start3A_160, %dma_start3A_161] : memref<10240x32xf32, #tpu.memory_space<vmem_shared>> -> memref<10240x32xf32, #tpu.memory_space<vmem_shared>>
        tpu.enqueue_indirect_dma source(%arg14 : memref<128x32xf32, #tpu.memory_space<vmem>>) target(%dma_start3A_162 : memref<10240x32xf32, #tpu.memory_space<vmem_shared>>) offsets(%dma_start3A_159 : memref<128xi32, #tpu.memory_space<vmem>>) semaphore(%arg28 : memref<!tpu.dma_semaphore, #tpu.memory_space<semaphore_mem>>) {add = true}
        %mul3A_163 = arith.constant 6 : i32
        %mul3A_164 = arith.muli %scan3A_78, %mul3A_163 : i32
        %add3A_165 = arith.constant 5 : i32
        %add3A_166 = arith.addi %mul3A_164, %add3A_165 : i32
        %dma_wait3A_167 = arith.constant 0 : i32
        %dma_wait3A_168 = arith.constant 0 : i32
        %dma_wait3A_169 = tpu.memref_slice %arg6[%dma_wait3A_167, %dma_wait3A_168] : memref<90x128xi32, #tpu.memory_space<vmem>> -> memref<1x128xi32, #tpu.memory_space<vmem>>
        %dma_wait3A_170 = tpu.memref_squeeze %dma_wait3A_169 : memref<1x128xi32, #tpu.memory_space<vmem>> -> memref<128xi32, #tpu.memory_space<vmem>>
        %dma_wait3A_171 = arith.constant 0 : i32
        %dma_wait3A_172 = arith.constant 0 : i32
        %dma_wait3A_173 = tpu.memref_slice %arg3[%dma_wait3A_171, %dma_wait3A_172] : memref<10240x32xf32, #tpu.memory_space<hbm>> -> memref<10240x32xf32, #tpu.memory_space<hbm>>
        tpu.wait_indirect_dma semaphore(%arg23 : memref<!tpu.dma_semaphore, #tpu.memory_space<semaphore_mem>>) src(%dma_wait3A_173 : memref<10240x32xf32, #tpu.memory_space<hbm>>) dst(%arg15 : memref<128x32xf32, #tpu.memory_space<vmem>>)
        %dma_start3A_174 = arith.constant 0 : i32
        %dma_start3A_175 = tpu.memref_slice %arg7[%add3A_166, %dma_start3A_174] : memref<90x128xi32, #tpu.memory_space<vmem>> -> memref<1x128xi32, #tpu.memory_space<vmem>>
        %dma_start3A_176 = tpu.memref_squeeze %dma_start3A_175 : memref<1x128xi32, #tpu.memory_space<vmem>> -> memref<128xi32, #tpu.memory_space<vmem>>
        %dma_start3A_177 = arith.constant 0 : i32
        %dma_start3A_178 = arith.constant 0 : i32
        %dma_start3A_179 = tpu.memref_slice %arg16[%dma_start3A_177, %dma_start3A_178] : memref<10240x32xf32, #tpu.memory_space<vmem_shared>> -> memref<10240x32xf32, #tpu.memory_space<vmem_shared>>
        tpu.enqueue_indirect_dma source(%arg15 : memref<128x32xf32, #tpu.memory_space<vmem>>) target(%dma_start3A_179 : memref<10240x32xf32, #tpu.memory_space<vmem_shared>>) offsets(%dma_start3A_176 : memref<128xi32, #tpu.memory_space<vmem>>) semaphore(%arg29 : memref<!tpu.dma_semaphore, #tpu.memory_space<semaphore_mem>>) {add = true}
        %add3A_180 = arith.constant 1 : i32
        %add3A_181 = arith.addi %scan3A_78, %add3A_180 : i32
        %mul3A_182 = arith.constant 6 : i32
        %mul3A_183 = arith.muli %add3A_181, %mul3A_182 : i32
        %add3A_184 = arith.constant 0 : i32
        %add3A_185 = arith.addi %mul3A_183, %add3A_184 : i32
        %dma_wait3A_186 = arith.constant 0 : i32
        %dma_wait3A_187 = arith.constant 0 : i32
        %dma_wait3A_188 = tpu.memref_slice %arg7[%dma_wait3A_186, %dma_wait3A_187] : memref<90x128xi32, #tpu.memory_space<vmem>> -> memref<1x128xi32, #tpu.memory_space<vmem>>
        %dma_wait3A_189 = tpu.memref_squeeze %dma_wait3A_188 : memref<1x128xi32, #tpu.memory_space<vmem>> -> memref<128xi32, #tpu.memory_space<vmem>>
        %dma_wait3A_190 = arith.constant 0 : i32
        %dma_wait3A_191 = arith.constant 0 : i32
        %dma_wait3A_192 = tpu.memref_slice %arg16[%dma_wait3A_190, %dma_wait3A_191] : memref<10240x32xf32, #tpu.memory_space<vmem_shared>> -> memref<10240x32xf32, #tpu.memory_space<vmem_shared>>
        tpu.wait_indirect_dma semaphore(%arg24 : memref<!tpu.dma_semaphore, #tpu.memory_space<semaphore_mem>>) src(%arg10 : memref<128x32xf32, #tpu.memory_space<vmem>>) dst(%dma_wait3A_192 : memref<10240x32xf32, #tpu.memory_space<vmem_shared>>)
        %lt3A_193 = arith.constant 90 : i32
        %lt3A_194 = arith.cmpi slt, %add3A_185, %lt3A_193 : i32
        %convert_element_type3A_195 = arith.extui %lt3A_194 : i1 to i32
        %cond3A_196 = arith.constant 0 : i32
        %cond3A_197 = arith.cmpi ne, %convert_element_type3A_195, %cond3A_196 : i32
        scf.if %cond3A_197 {
          %dma_start3A_288 = arith.constant 0 : i32
          %dma_start3A_289 = tpu.memref_slice %arg6[%add3A_185, %dma_start3A_288] : memref<90x128xi32, #tpu.memory_space<vmem>> -> memref<1x128xi32, #tpu.memory_space<vmem>>
          %dma_start3A_290 = tpu.memref_squeeze %dma_start3A_289 : memref<1x128xi32, #tpu.memory_space<vmem>> -> memref<128xi32, #tpu.memory_space<vmem>>
          %dma_start3A_291 = arith.constant 0 : i32
          %dma_start3A_292 = arith.constant 0 : i32
          %dma_start3A_293 = tpu.memref_slice %arg3[%dma_start3A_291, %dma_start3A_292] : memref<10240x32xf32, #tpu.memory_space<hbm>> -> memref<10240x32xf32, #tpu.memory_space<hbm>>
          tpu.enqueue_indirect_dma source(%dma_start3A_293 : memref<10240x32xf32, #tpu.memory_space<hbm>>) target(%arg10 : memref<128x32xf32, #tpu.memory_space<vmem>>) offsets(%dma_start3A_290 : memref<128xi32, #tpu.memory_space<vmem>>) semaphore(%arg18 : memref<!tpu.dma_semaphore, #tpu.memory_space<semaphore_mem>>)
        } else {
        }
        %add3A_198 = arith.constant 1 : i32
        %add3A_199 = arith.addi %scan3A_78, %add3A_198 : i32
        %mul3A_200 = arith.constant 6 : i32
        %mul3A_201 = arith.muli %add3A_199, %mul3A_200 : i32
        %add3A_202 = arith.constant 1 : i32
        %add3A_203 = arith.addi %mul3A_201, %add3A_202 : i32
        %dma_wait3A_204 = arith.constant 0 : i32
        %dma_wait3A_205 = arith.constant 0 : i32
        %dma_wait3A_206 = tpu.memref_slice %arg7[%dma_wait3A_204, %dma_wait3A_205] : memref<90x128xi32, #tpu.memory_space<vmem>> -> memref<1x128xi32, #tpu.memory_space<vmem>>
        %dma_wait3A_207 = tpu.memref_squeeze %dma_wait3A_206 : memref<1x128xi32, #tpu.memory_space<vmem>> -> memref<128xi32, #tpu.memory_space<vmem>>
        %dma_wait3A_208 = arith.constant 0 : i32
        %dma_wait3A_209 = arith.constant 0 : i32
        %dma_wait3A_210 = tpu.memref_slice %arg16[%dma_wait3A_208, %dma_wait3A_209] : memref<10240x32xf32, #tpu.memory_space<vmem_shared>> -> memref<10240x32xf32, #tpu.memory_space<vmem_shared>>
        tpu.wait_indirect_dma semaphore(%arg25 : memref<!tpu.dma_semaphore, #tpu.memory_space<semaphore_mem>>) src(%arg11 : memref<128x32xf32, #tpu.memory_space<vmem>>) dst(%dma_wait3A_210 : memref<10240x32xf32, #tpu.memory_space<vmem_shared>>)
        %lt3A_211 = arith.constant 90 : i32
        %lt3A_212 = arith.cmpi slt, %add3A_203, %lt3A_211 : i32
        %convert_element_type3A_213 = arith.extui %lt3A_212 : i1 to i32
        %cond3A_214 = arith.constant 0 : i32
        %cond3A_215 = arith.cmpi ne, %convert_element_type3A_213, %cond3A_214 : i32
        scf.if %cond3A_215 {
          %dma_start3A_288 = arith.constant 0 : i32
          %dma_start3A_289 = tpu.memref_slice %arg6[%add3A_203, %dma_start3A_288] : memref<90x128xi32, #tpu.memory_space<vmem>> -> memref<1x128xi32, #tpu.memory_space<vmem>>
          %dma_start3A_290 = tpu.memref_squeeze %dma_start3A_289 : memref<1x128xi32, #tpu.memory_space<vmem>> -> memref<128xi32, #tpu.memory_space<vmem>>
          %dma_start3A_291 = arith.constant 0 : i32
          %dma_start3A_292 = arith.constant 0 : i32
          %dma_start3A_293 = tpu.memref_slice %arg3[%dma_start3A_291, %dma_start3A_292] : memref<10240x32xf32, #tpu.memory_space<hbm>> -> memref<10240x32xf32, #tpu.memory_space<hbm>>
          tpu.enqueue_indirect_dma source(%dma_start3A_293 : memref<10240x32xf32, #tpu.memory_space<hbm>>) target(%arg11 : memref<128x32xf32, #tpu.memory_space<vmem>>) offsets(%dma_start3A_290 : memref<128xi32, #tpu.memory_space<vmem>>) semaphore(%arg19 : memref<!tpu.dma_semaphore, #tpu.memory_space<semaphore_mem>>)
        } else {
        }
        %add3A_216 = arith.constant 1 : i32
        %add3A_217 = arith.addi %scan3A_78, %add3A_216 : i32
        %mul3A_218 = arith.constant 6 : i32
        %mul3A_219 = arith.muli %add3A_217, %mul3A_218 : i32
        %add3A_220 = arith.constant 2 : i32
        %add3A_221 = arith.addi %mul3A_219, %add3A_220 : i32
        %dma_wait3A_222 = arith.constant 0 : i32
        %dma_wait3A_223 = arith.constant 0 : i32
        %dma_wait3A_224 = tpu.memref_slice %arg7[%dma_wait3A_222, %dma_wait3A_223] : memref<90x128xi32, #tpu.memory_space<vmem>> -> memref<1x128xi32, #tpu.memory_space<vmem>>
        %dma_wait3A_225 = tpu.memref_squeeze %dma_wait3A_224 : memref<1x128xi32, #tpu.memory_space<vmem>> -> memref<128xi32, #tpu.memory_space<vmem>>
        %dma_wait3A_226 = arith.constant 0 : i32
        %dma_wait3A_227 = arith.constant 0 : i32
        %dma_wait3A_228 = tpu.memref_slice %arg16[%dma_wait3A_226, %dma_wait3A_227] : memref<10240x32xf32, #tpu.memory_space<vmem_shared>> -> memref<10240x32xf32, #tpu.memory_space<vmem_shared>>
        tpu.wait_indirect_dma semaphore(%arg26 : memref<!tpu.dma_semaphore, #tpu.memory_space<semaphore_mem>>) src(%arg12 : memref<128x32xf32, #tpu.memory_space<vmem>>) dst(%dma_wait3A_228 : memref<10240x32xf32, #tpu.memory_space<vmem_shared>>)
        %lt3A_229 = arith.constant 90 : i32
        %lt3A_230 = arith.cmpi slt, %add3A_221, %lt3A_229 : i32
        %convert_element_type3A_231 = arith.extui %lt3A_230 : i1 to i32
        %cond3A_232 = arith.constant 0 : i32
        %cond3A_233 = arith.cmpi ne, %convert_element_type3A_231, %cond3A_232 : i32
        scf.if %cond3A_233 {
          %dma_start3A_288 = arith.constant 0 : i32
          %dma_start3A_289 = tpu.memref_slice %arg6[%add3A_221, %dma_start3A_288] : memref<90x128xi32, #tpu.memory_space<vmem>> -> memref<1x128xi32, #tpu.memory_space<vmem>>
          %dma_start3A_290 = tpu.memref_squeeze %dma_start3A_289 : memref<1x128xi32, #tpu.memory_space<vmem>> -> memref<128xi32, #tpu.memory_space<vmem>>
          %dma_start3A_291 = arith.constant 0 : i32
          %dma_start3A_292 = arith.constant 0 : i32
          %dma_start3A_293 = tpu.memref_slice %arg3[%dma_start3A_291, %dma_start3A_292] : memref<10240x32xf32, #tpu.memory_space<hbm>> -> memref<10240x32xf32, #tpu.memory_space<hbm>>
          tpu.enqueue_indirect_dma source(%dma_start3A_293 : memref<10240x32xf32, #tpu.memory_space<hbm>>) target(%arg12 : memref<128x32xf32, #tpu.memory_space<vmem>>) offsets(%dma_start3A_290 : memref<128xi32, #tpu.memory_space<vmem>>) semaphore(%arg20 : memref<!tpu.dma_semaphore, #tpu.memory_space<semaphore_mem>>)
        } else {
        }
        %add3A_234 = arith.constant 1 : i32
        %add3A_235 = arith.addi %scan3A_78, %add3A_234 : i32
        %mul3A_236 = arith.constant 6 : i32
        %mul3A_237 = arith.muli %add3A_235, %mul3A_236 : i32
        %add3A_238 = arith.constant 3 : i32
        %add3A_239 = arith.addi %mul3A_237, %add3A_238 : i32
        %dma_wait3A_240 = arith.constant 0 : i32
        %dma_wait3A_241 = arith.constant 0 : i32
        %dma_wait3A_242 = tpu.memref_slice %arg7[%dma_wait3A_240, %dma_wait3A_241] : memref<90x128xi32, #tpu.memory_space<vmem>> -> memref<1x128xi32, #tpu.memory_space<vmem>>
        %dma_wait3A_243 = tpu.memref_squeeze %dma_wait3A_242 : memref<1x128xi32, #tpu.memory_space<vmem>> -> memref<128xi32, #tpu.memory_space<vmem>>
        %dma_wait3A_244 = arith.constant 0 : i32
        %dma_wait3A_245 = arith.constant 0 : i32
        %dma_wait3A_246 = tpu.memref_slice %arg16[%dma_wait3A_244, %dma_wait3A_245] : memref<10240x32xf32, #tpu.memory_space<vmem_shared>> -> memref<10240x32xf32, #tpu.memory_space<vmem_shared>>
        tpu.wait_indirect_dma semaphore(%arg27 : memref<!tpu.dma_semaphore, #tpu.memory_space<semaphore_mem>>) src(%arg13 : memref<128x32xf32, #tpu.memory_space<vmem>>) dst(%dma_wait3A_246 : memref<10240x32xf32, #tpu.memory_space<vmem_shared>>)
        %lt3A_247 = arith.constant 90 : i32
        %lt3A_248 = arith.cmpi slt, %add3A_239, %lt3A_247 : i32
        %convert_element_type3A_249 = arith.extui %lt3A_248 : i1 to i32
        %cond3A_250 = arith.constant 0 : i32
        %cond3A_251 = arith.cmpi ne, %convert_element_type3A_249, %cond3A_250 : i32
        scf.if %cond3A_251 {
          %dma_start3A_288 = arith.constant 0 : i32
          %dma_start3A_289 = tpu.memref_slice %arg6[%add3A_239, %dma_start3A_288] : memref<90x128xi32, #tpu.memory_space<vmem>> -> memref<1x128xi32, #tpu.memory_space<vmem>>
          %dma_start3A_290 = tpu.memref_squeeze %dma_start3A_289 : memref<1x128xi32, #tpu.memory_space<vmem>> -> memref<128xi32, #tpu.memory_space<vmem>>
          %dma_start3A_291 = arith.constant 0 : i32
          %dma_start3A_292 = arith.constant 0 : i32
          %dma_start3A_293 = tpu.memref_slice %arg3[%dma_start3A_291, %dma_start3A_292] : memref<10240x32xf32, #tpu.memory_space<hbm>> -> memref<10240x32xf32, #tpu.memory_space<hbm>>
          tpu.enqueue_indirect_dma source(%dma_start3A_293 : memref<10240x32xf32, #tpu.memory_space<hbm>>) target(%arg13 : memref<128x32xf32, #tpu.memory_space<vmem>>) offsets(%dma_start3A_290 : memref<128xi32, #tpu.memory_space<vmem>>) semaphore(%arg21 : memref<!tpu.dma_semaphore, #tpu.memory_space<semaphore_mem>>)
        } else {
        }
        %add3A_252 = arith.constant 1 : i32
        %add3A_253 = arith.addi %scan3A_78, %add3A_252 : i32
        %mul3A_254 = arith.constant 6 : i32
        %mul3A_255 = arith.muli %add3A_253, %mul3A_254 : i32
        %add3A_256 = arith.constant 4 : i32
        %add3A_257 = arith.addi %mul3A_255, %add3A_256 : i32
        %dma_wait3A_258 = arith.constant 0 : i32
        %dma_wait3A_259 = arith.constant 0 : i32
        %dma_wait3A_260 = tpu.memref_slice %arg7[%dma_wait3A_258, %dma_wait3A_259] : memref<90x128xi32, #tpu.memory_space<vmem>> -> memref<1x128xi32, #tpu.memory_space<vmem>>
        %dma_wait3A_261 = tpu.memref_squeeze %dma_wait3A_260 : memref<1x128xi32, #tpu.memory_space<vmem>> -> memref<128xi32, #tpu.memory_space<vmem>>
        %dma_wait3A_262 = arith.constant 0 : i32
        %dma_wait3A_263 = arith.constant 0 : i32
        %dma_wait3A_264 = tpu.memref_slice %arg16[%dma_wait3A_262, %dma_wait3A_263] : memref<10240x32xf32, #tpu.memory_space<vmem_shared>> -> memref<10240x32xf32, #tpu.memory_space<vmem_shared>>
        tpu.wait_indirect_dma semaphore(%arg28 : memref<!tpu.dma_semaphore, #tpu.memory_space<semaphore_mem>>) src(%arg14 : memref<128x32xf32, #tpu.memory_space<vmem>>) dst(%dma_wait3A_264 : memref<10240x32xf32, #tpu.memory_space<vmem_shared>>)
        %lt3A_265 = arith.constant 90 : i32
        %lt3A_266 = arith.cmpi slt, %add3A_257, %lt3A_265 : i32
        %convert_element_type3A_267 = arith.extui %lt3A_266 : i1 to i32
        %cond3A_268 = arith.constant 0 : i32
        %cond3A_269 = arith.cmpi ne, %convert_element_type3A_267, %cond3A_268 : i32
        scf.if %cond3A_269 {
          %dma_start3A_288 = arith.constant 0 : i32
          %dma_start3A_289 = tpu.memref_slice %arg6[%add3A_257, %dma_start3A_288] : memref<90x128xi32, #tpu.memory_space<vmem>> -> memref<1x128xi32, #tpu.memory_space<vmem>>
          %dma_start3A_290 = tpu.memref_squeeze %dma_start3A_289 : memref<1x128xi32, #tpu.memory_space<vmem>> -> memref<128xi32, #tpu.memory_space<vmem>>
          %dma_start3A_291 = arith.constant 0 : i32
          %dma_start3A_292 = arith.constant 0 : i32
          %dma_start3A_293 = tpu.memref_slice %arg3[%dma_start3A_291, %dma_start3A_292] : memref<10240x32xf32, #tpu.memory_space<hbm>> -> memref<10240x32xf32, #tpu.memory_space<hbm>>
          tpu.enqueue_indirect_dma source(%dma_start3A_293 : memref<10240x32xf32, #tpu.memory_space<hbm>>) target(%arg14 : memref<128x32xf32, #tpu.memory_space<vmem>>) offsets(%dma_start3A_290 : memref<128xi32, #tpu.memory_space<vmem>>) semaphore(%arg22 : memref<!tpu.dma_semaphore, #tpu.memory_space<semaphore_mem>>)
        } else {
        }
        %add3A_270 = arith.constant 1 : i32
        %add3A_271 = arith.addi %scan3A_78, %add3A_270 : i32
        %mul3A_272 = arith.constant 6 : i32
        %mul3A_273 = arith.muli %add3A_271, %mul3A_272 : i32
        %add3A_274 = arith.constant 5 : i32
        %add3A_275 = arith.addi %mul3A_273, %add3A_274 : i32
        %dma_wait3A_276 = arith.constant 0 : i32
        %dma_wait3A_277 = arith.constant 0 : i32
        %dma_wait3A_278 = tpu.memref_slice %arg7[%dma_wait3A_276, %dma_wait3A_277] : memref<90x128xi32, #tpu.memory_space<vmem>> -> memref<1x128xi32, #tpu.memory_space<vmem>>
        %dma_wait3A_279 = tpu.memref_squeeze %dma_wait3A_278 : memref<1x128xi32, #tpu.memory_space<vmem>> -> memref<128xi32, #tpu.memory_space<vmem>>
        %dma_wait3A_280 = arith.constant 0 : i32
        %dma_wait3A_281 = arith.constant 0 : i32
        %dma_wait3A_282 = tpu.memref_slice %arg16[%dma_wait3A_280, %dma_wait3A_281] : memref<10240x32xf32, #tpu.memory_space<vmem_shared>> -> memref<10240x32xf32, #tpu.memory_space<vmem_shared>>
        tpu.wait_indirect_dma semaphore(%arg29 : memref<!tpu.dma_semaphore, #tpu.memory_space<semaphore_mem>>) src(%arg15 : memref<128x32xf32, #tpu.memory_space<vmem>>) dst(%dma_wait3A_282 : memref<10240x32xf32, #tpu.memory_space<vmem_shared>>)
        %lt3A_283 = arith.constant 90 : i32
        %lt3A_284 = arith.cmpi slt, %add3A_275, %lt3A_283 : i32
        %convert_element_type3A_285 = arith.extui %lt3A_284 : i1 to i32
        %cond3A_286 = arith.constant 0 : i32
        %cond3A_287 = arith.cmpi ne, %convert_element_type3A_285, %cond3A_286 : i32
        scf.if %cond3A_287 {
          %dma_start3A_288 = arith.constant 0 : i32
          %dma_start3A_289 = tpu.memref_slice %arg6[%add3A_275, %dma_start3A_288] : memref<90x128xi32, #tpu.memory_space<vmem>> -> memref<1x128xi32, #tpu.memory_space<vmem>>
          %dma_start3A_290 = tpu.memref_squeeze %dma_start3A_289 : memref<1x128xi32, #tpu.memory_space<vmem>> -> memref<128xi32, #tpu.memory_space<vmem>>
          %dma_start3A_291 = arith.constant 0 : i32
          %dma_start3A_292 = arith.constant 0 : i32
          %dma_start3A_293 = tpu.memref_slice %arg3[%dma_start3A_291, %dma_start3A_292] : memref<10240x32xf32, #tpu.memory_space<hbm>> -> memref<10240x32xf32, #tpu.memory_space<hbm>>
          tpu.enqueue_indirect_dma source(%dma_start3A_293 : memref<10240x32xf32, #tpu.memory_space<hbm>>) target(%arg15 : memref<128x32xf32, #tpu.memory_space<vmem>>) offsets(%dma_start3A_290 : memref<128xi32, #tpu.memory_space<vmem>>) semaphore(%arg23 : memref<!tpu.dma_semaphore, #tpu.memory_space<semaphore_mem>>)
        } else {
        }
      }
      %scan3A_77 = arith.constant 15 : i32
    } else {
    }
    %ne3A = arith.constant 0 : i32
    %ne3A_11 = arith.cmpi ne, %arg0, %ne3A : i32
    %convert_element_type3A_12 = arith.extui %ne3A_11 : i1 to i32
    %cond3A_13 = arith.constant 0 : i32
    %cond3A_14 = arith.constant 1 : i32
    %cond3A_15 = arith.constant 0 : i32
    %cond3A_16 = arith.cmpi ne, %convert_element_type3A_12, %cond3A_15 : i32
    scf.if %cond3A_16 {
      %mul3A_30 = arith.constant 66 : i32
      %mul3A_31 = arith.muli %arg1, %mul3A_30 : i32
      %add3A_32 = arith.constant 1440 : i32
      %add3A_33 = arith.addi %add3A_32, %mul3A_31 : i32
      "tpu.region"() ({
        %run_scoped3A = tpu.sem_alloc : memref<!tpu.dma_semaphore, #tpu.memory_space<semaphore_mem>>
        %dma_start3A_80 = arith.constant 0 : i32
        %dma_start3A_81 = arith.constant 0 : i32
        %dma_start3A_82 = tpu.memref_slice %arg6[%dma_start3A_80, %dma_start3A_81] : memref<90x128xi32, #tpu.memory_space<vmem>> -> memref<66x128xi32, #tpu.memory_space<vmem>>
        %dma_start3A_83 = arith.constant 0 : i32
        %dma_start3A_84 = arith.constant 0 : i32
        %dma_start3A_85 = tpu.memref_slice %arg2[%cond3A_13, %dma_start3A_83, %dma_start3A_84] : memref<2x2500x128xi32, #tpu.memory_space<hbm>> -> memref<1x2500x128xi32, #tpu.memory_space<hbm>>
        %dma_start3A_86 = tpu.memref_squeeze %dma_start3A_85 : memref<1x2500x128xi32, #tpu.memory_space<hbm>> -> memref<2500x128xi32, #tpu.memory_space<hbm>>
        %dma_start3A_87 = arith.constant 0 : i32
        %dma_start3A_88 = tpu.memref_slice %dma_start3A_86[%add3A_33, %dma_start3A_87] : memref<2500x128xi32, #tpu.memory_space<hbm>> -> memref<66x128xi32, #tpu.memory_space<hbm>>
        %dma_start3A_89 = arith.constant 0 : i32
        %dma_start3A_90 = arith.constant 0 : i32
        %dma_start3A_91 = tpu.memref_slice %arg6[%dma_start3A_89, %dma_start3A_90] : memref<90x128xi32, #tpu.memory_space<vmem>> -> memref<66x128xi32, #tpu.memory_space<vmem>>
        %dma_start3A_92 = arith.constant 0 : i32
        %dma_start3A_93 = arith.constant 0 : i32
        %dma_start3A_94 = tpu.memref_slice %arg2[%cond3A_13, %dma_start3A_92, %dma_start3A_93] : memref<2x2500x128xi32, #tpu.memory_space<hbm>> -> memref<1x2500x128xi32, #tpu.memory_space<hbm>>
        %dma_start3A_95 = tpu.memref_squeeze %dma_start3A_94 : memref<1x2500x128xi32, #tpu.memory_space<hbm>> -> memref<2500x128xi32, #tpu.memory_space<hbm>>
        %dma_start3A_96 = arith.constant 0 : i32
        %dma_start3A_97 = tpu.memref_slice %dma_start3A_95[%add3A_33, %dma_start3A_96] : memref<2500x128xi32, #tpu.memory_space<hbm>> -> memref<66x128xi32, #tpu.memory_space<hbm>>
        tpu.enqueue_dma source(%dma_start3A_97 : memref<66x128xi32, #tpu.memory_space<hbm>>) target(%dma_start3A_91 : memref<66x128xi32, #tpu.memory_space<vmem>>) target_semaphore(%run_scoped3A : memref<!tpu.dma_semaphore, #tpu.memory_space<semaphore_mem>>)
        %dma_wait3A = arith.constant 0 : i32
        %dma_wait3A_98 = arith.constant 0 : i32
        %dma_wait3A_99 = tpu.memref_slice %arg6[%dma_wait3A, %dma_wait3A_98] : memref<90x128xi32, #tpu.memory_space<vmem>> -> memref<66x128xi32, #tpu.memory_space<vmem>>
        %dma_wait3A_100 = arith.constant 0 : i32
        %dma_wait3A_101 = arith.constant 0 : i32
        %dma_wait3A_102 = tpu.memref_slice %arg2[%cond3A_13, %dma_wait3A_100, %dma_wait3A_101] : memref<2x2500x128xi32, #tpu.memory_space<hbm>> -> memref<1x2500x128xi32, #tpu.memory_space<hbm>>
        %dma_wait3A_103 = tpu.memref_squeeze %dma_wait3A_102 : memref<1x2500x128xi32, #tpu.memory_space<hbm>> -> memref<2500x128xi32, #tpu.memory_space<hbm>>
        %dma_wait3A_104 = arith.constant 0 : i32
        %dma_wait3A_105 = tpu.memref_slice %dma_wait3A_103[%add3A_33, %dma_wait3A_104] : memref<2500x128xi32, #tpu.memory_space<hbm>> -> memref<66x128xi32, #tpu.memory_space<hbm>>
        %dma_wait3A_106 = arith.constant 0 : i32
        %dma_wait3A_107 = arith.constant 0 : i32
        %dma_wait3A_108 = tpu.memref_slice %arg6[%dma_wait3A_106, %dma_wait3A_107] : memref<90x128xi32, #tpu.memory_space<vmem>> -> memref<66x128xi32, #tpu.memory_space<vmem>>
        %dma_wait3A_109 = arith.constant 0 : i32
        %dma_wait3A_110 = arith.constant 0 : i32
        %dma_wait3A_111 = tpu.memref_slice %arg2[%cond3A_13, %dma_wait3A_109, %dma_wait3A_110] : memref<2x2500x128xi32, #tpu.memory_space<hbm>> -> memref<1x2500x128xi32, #tpu.memory_space<hbm>>
        %dma_wait3A_112 = tpu.memref_squeeze %dma_wait3A_111 : memref<1x2500x128xi32, #tpu.memory_space<hbm>> -> memref<2500x128xi32, #tpu.memory_space<hbm>>
        %dma_wait3A_113 = arith.constant 0 : i32
        %dma_wait3A_114 = tpu.memref_slice %dma_wait3A_112[%add3A_33, %dma_wait3A_113] : memref<2500x128xi32, #tpu.memory_space<hbm>> -> memref<66x128xi32, #tpu.memory_space<hbm>>
        tpu.wait_dma2 semaphore(%run_scoped3A : memref<!tpu.dma_semaphore, #tpu.memory_space<semaphore_mem>>) src(%dma_wait3A_114 : memref<66x128xi32, #tpu.memory_space<hbm>>) dst(%dma_wait3A_108 : memref<66x128xi32, #tpu.memory_space<vmem>>)
        tpu.yield
      }) : () -> ()
      "tpu.region"() ({
        %run_scoped3A = tpu.sem_alloc : memref<!tpu.dma_semaphore, #tpu.memory_space<semaphore_mem>>
        %dma_start3A_80 = arith.constant 0 : i32
        %dma_start3A_81 = arith.constant 0 : i32
        %dma_start3A_82 = tpu.memref_slice %arg7[%dma_start3A_80, %dma_start3A_81] : memref<90x128xi32, #tpu.memory_space<vmem>> -> memref<66x128xi32, #tpu.memory_space<vmem>>
        %dma_start3A_83 = arith.constant 0 : i32
        %dma_start3A_84 = arith.constant 0 : i32
        %dma_start3A_85 = tpu.memref_slice %arg2[%cond3A_14, %dma_start3A_83, %dma_start3A_84] : memref<2x2500x128xi32, #tpu.memory_space<hbm>> -> memref<1x2500x128xi32, #tpu.memory_space<hbm>>
        %dma_start3A_86 = tpu.memref_squeeze %dma_start3A_85 : memref<1x2500x128xi32, #tpu.memory_space<hbm>> -> memref<2500x128xi32, #tpu.memory_space<hbm>>
        %dma_start3A_87 = arith.constant 0 : i32
        %dma_start3A_88 = tpu.memref_slice %dma_start3A_86[%add3A_33, %dma_start3A_87] : memref<2500x128xi32, #tpu.memory_space<hbm>> -> memref<66x128xi32, #tpu.memory_space<hbm>>
        %dma_start3A_89 = arith.constant 0 : i32
        %dma_start3A_90 = arith.constant 0 : i32
        %dma_start3A_91 = tpu.memref_slice %arg7[%dma_start3A_89, %dma_start3A_90] : memref<90x128xi32, #tpu.memory_space<vmem>> -> memref<66x128xi32, #tpu.memory_space<vmem>>
        %dma_start3A_92 = arith.constant 0 : i32
        %dma_start3A_93 = arith.constant 0 : i32
        %dma_start3A_94 = tpu.memref_slice %arg2[%cond3A_14, %dma_start3A_92, %dma_start3A_93] : memref<2x2500x128xi32, #tpu.memory_space<hbm>> -> memref<1x2500x128xi32, #tpu.memory_space<hbm>>
        %dma_start3A_95 = tpu.memref_squeeze %dma_start3A_94 : memref<1x2500x128xi32, #tpu.memory_space<hbm>> -> memref<2500x128xi32, #tpu.memory_space<hbm>>
        %dma_start3A_96 = arith.constant 0 : i32
        %dma_start3A_97 = tpu.memref_slice %dma_start3A_95[%add3A_33, %dma_start3A_96] : memref<2500x128xi32, #tpu.memory_space<hbm>> -> memref<66x128xi32, #tpu.memory_space<hbm>>
        tpu.enqueue_dma source(%dma_start3A_97 : memref<66x128xi32, #tpu.memory_space<hbm>>) target(%dma_start3A_91 : memref<66x128xi32, #tpu.memory_space<vmem>>) target_semaphore(%run_scoped3A : memref<!tpu.dma_semaphore, #tpu.memory_space<semaphore_mem>>)
        %dma_wait3A = arith.constant 0 : i32
        %dma_wait3A_98 = arith.constant 0 : i32
        %dma_wait3A_99 = tpu.memref_slice %arg7[%dma_wait3A, %dma_wait3A_98] : memref<90x128xi32, #tpu.memory_space<vmem>> -> memref<66x128xi32, #tpu.memory_space<vmem>>
        %dma_wait3A_100 = arith.constant 0 : i32
        %dma_wait3A_101 = arith.constant 0 : i32
        %dma_wait3A_102 = tpu.memref_slice %arg2[%cond3A_14, %dma_wait3A_100, %dma_wait3A_101] : memref<2x2500x128xi32, #tpu.memory_space<hbm>> -> memref<1x2500x128xi32, #tpu.memory_space<hbm>>
        %dma_wait3A_103 = tpu.memref_squeeze %dma_wait3A_102 : memref<1x2500x128xi32, #tpu.memory_space<hbm>> -> memref<2500x128xi32, #tpu.memory_space<hbm>>
        %dma_wait3A_104 = arith.constant 0 : i32
        %dma_wait3A_105 = tpu.memref_slice %dma_wait3A_103[%add3A_33, %dma_wait3A_104] : memref<2500x128xi32, #tpu.memory_space<hbm>> -> memref<66x128xi32, #tpu.memory_space<hbm>>
        %dma_wait3A_106 = arith.constant 0 : i32
        %dma_wait3A_107 = arith.constant 0 : i32
        %dma_wait3A_108 = tpu.memref_slice %arg7[%dma_wait3A_106, %dma_wait3A_107] : memref<90x128xi32, #tpu.memory_space<vmem>> -> memref<66x128xi32, #tpu.memory_space<vmem>>
        %dma_wait3A_109 = arith.constant 0 : i32
        %dma_wait3A_110 = arith.constant 0 : i32
        %dma_wait3A_111 = tpu.memref_slice %arg2[%cond3A_14, %dma_wait3A_109, %dma_wait3A_110] : memref<2x2500x128xi32, #tpu.memory_space<hbm>> -> memref<1x2500x128xi32, #tpu.memory_space<hbm>>
        %dma_wait3A_112 = tpu.memref_squeeze %dma_wait3A_111 : memref<1x2500x128xi32, #tpu.memory_space<hbm>> -> memref<2500x128xi32, #tpu.memory_space<hbm>>
        %dma_wait3A_113 = arith.constant 0 : i32
        %dma_wait3A_114 = tpu.memref_slice %dma_wait3A_112[%add3A_33, %dma_wait3A_113] : memref<2500x128xi32, #tpu.memory_space<hbm>> -> memref<66x128xi32, #tpu.memory_space<hbm>>
        tpu.wait_dma2 semaphore(%run_scoped3A : memref<!tpu.dma_semaphore, #tpu.memory_space<semaphore_mem>>) src(%dma_wait3A_114 : memref<66x128xi32, #tpu.memory_space<hbm>>) dst(%dma_wait3A_108 : memref<66x128xi32, #tpu.memory_space<vmem>>)
        tpu.yield
      }) : () -> ()
      %dma_start3A = arith.constant 0 : i32
      %dma_start3A_34 = arith.constant 0 : i32
      %dma_start3A_35 = tpu.memref_slice %arg6[%dma_start3A, %dma_start3A_34] : memref<90x128xi32, #tpu.memory_space<vmem>> -> memref<1x128xi32, #tpu.memory_space<vmem>>
      %dma_start3A_36 = tpu.memref_squeeze %dma_start3A_35 : memref<1x128xi32, #tpu.memory_space<vmem>> -> memref<128xi32, #tpu.memory_space<vmem>>
      %dma_start3A_37 = arith.constant 0 : i32
      %dma_start3A_38 = arith.constant 0 : i32
      %dma_start3A_39 = tpu.memref_slice %arg17[%dma_start3A_37, %dma_start3A_38] : memref<10240x32xf32, #tpu.memory_space<vmem_shared>> -> memref<10240x32xf32, #tpu.memory_space<vmem_shared>>
      tpu.enqueue_indirect_dma source(%dma_start3A_39 : memref<10240x32xf32, #tpu.memory_space<vmem_shared>>) target(%arg10 : memref<128x32xf32, #tpu.memory_space<vmem>>) offsets(%dma_start3A_36 : memref<128xi32, #tpu.memory_space<vmem>>) semaphore(%arg18 : memref<!tpu.dma_semaphore, #tpu.memory_space<semaphore_mem>>)
      %dma_start3A_40 = arith.constant 1 : i32
      %dma_start3A_41 = arith.constant 0 : i32
      %dma_start3A_42 = tpu.memref_slice %arg6[%dma_start3A_40, %dma_start3A_41] : memref<90x128xi32, #tpu.memory_space<vmem>> -> memref<1x128xi32, #tpu.memory_space<vmem>>
      %dma_start3A_43 = tpu.memref_squeeze %dma_start3A_42 : memref<1x128xi32, #tpu.memory_space<vmem>> -> memref<128xi32, #tpu.memory_space<vmem>>
      %dma_start3A_44 = arith.constant 0 : i32
      %dma_start3A_45 = arith.constant 0 : i32
      %dma_start3A_46 = tpu.memref_slice %arg17[%dma_start3A_44, %dma_start3A_45] : memref<10240x32xf32, #tpu.memory_space<vmem_shared>> -> memref<10240x32xf32, #tpu.memory_space<vmem_shared>>
      tpu.enqueue_indirect_dma source(%dma_start3A_46 : memref<10240x32xf32, #tpu.memory_space<vmem_shared>>) target(%arg11 : memref<128x32xf32, #tpu.memory_space<vmem>>) offsets(%dma_start3A_43 : memref<128xi32, #tpu.memory_space<vmem>>) semaphore(%arg19 : memref<!tpu.dma_semaphore, #tpu.memory_space<semaphore_mem>>)
      %dma_start3A_47 = arith.constant 2 : i32
      %dma_start3A_48 = arith.constant 0 : i32
      %dma_start3A_49 = tpu.memref_slice %arg6[%dma_start3A_47, %dma_start3A_48] : memref<90x128xi32, #tpu.memory_space<vmem>> -> memref<1x128xi32, #tpu.memory_space<vmem>>
      %dma_start3A_50 = tpu.memref_squeeze %dma_start3A_49 : memref<1x128xi32, #tpu.memory_space<vmem>> -> memref<128xi32, #tpu.memory_space<vmem>>
      %dma_start3A_51 = arith.constant 0 : i32
      %dma_start3A_52 = arith.constant 0 : i32
      %dma_start3A_53 = tpu.memref_slice %arg17[%dma_start3A_51, %dma_start3A_52] : memref<10240x32xf32, #tpu.memory_space<vmem_shared>> -> memref<10240x32xf32, #tpu.memory_space<vmem_shared>>
      tpu.enqueue_indirect_dma source(%dma_start3A_53 : memref<10240x32xf32, #tpu.memory_space<vmem_shared>>) target(%arg12 : memref<128x32xf32, #tpu.memory_space<vmem>>) offsets(%dma_start3A_50 : memref<128xi32, #tpu.memory_space<vmem>>) semaphore(%arg20 : memref<!tpu.dma_semaphore, #tpu.memory_space<semaphore_mem>>)
      %dma_start3A_54 = arith.constant 3 : i32
      %dma_start3A_55 = arith.constant 0 : i32
      %dma_start3A_56 = tpu.memref_slice %arg6[%dma_start3A_54, %dma_start3A_55] : memref<90x128xi32, #tpu.memory_space<vmem>> -> memref<1x128xi32, #tpu.memory_space<vmem>>
      %dma_start3A_57 = tpu.memref_squeeze %dma_start3A_56 : memref<1x128xi32, #tpu.memory_space<vmem>> -> memref<128xi32, #tpu.memory_space<vmem>>
      %dma_start3A_58 = arith.constant 0 : i32
      %dma_start3A_59 = arith.constant 0 : i32
      %dma_start3A_60 = tpu.memref_slice %arg17[%dma_start3A_58, %dma_start3A_59] : memref<10240x32xf32, #tpu.memory_space<vmem_shared>> -> memref<10240x32xf32, #tpu.memory_space<vmem_shared>>
      tpu.enqueue_indirect_dma source(%dma_start3A_60 : memref<10240x32xf32, #tpu.memory_space<vmem_shared>>) target(%arg13 : memref<128x32xf32, #tpu.memory_space<vmem>>) offsets(%dma_start3A_57 : memref<128xi32, #tpu.memory_space<vmem>>) semaphore(%arg21 : memref<!tpu.dma_semaphore, #tpu.memory_space<semaphore_mem>>)
      %dma_start3A_61 = arith.constant 4 : i32
      %dma_start3A_62 = arith.constant 0 : i32
      %dma_start3A_63 = tpu.memref_slice %arg6[%dma_start3A_61, %dma_start3A_62] : memref<90x128xi32, #tpu.memory_space<vmem>> -> memref<1x128xi32, #tpu.memory_space<vmem>>
      %dma_start3A_64 = tpu.memref_squeeze %dma_start3A_63 : memref<1x128xi32, #tpu.memory_space<vmem>> -> memref<128xi32, #tpu.memory_space<vmem>>
      %dma_start3A_65 = arith.constant 0 : i32
      %dma_start3A_66 = arith.constant 0 : i32
      %dma_start3A_67 = tpu.memref_slice %arg17[%dma_start3A_65, %dma_start3A_66] : memref<10240x32xf32, #tpu.memory_space<vmem_shared>> -> memref<10240x32xf32, #tpu.memory_space<vmem_shared>>
      tpu.enqueue_indirect_dma source(%dma_start3A_67 : memref<10240x32xf32, #tpu.memory_space<vmem_shared>>) target(%arg14 : memref<128x32xf32, #tpu.memory_space<vmem>>) offsets(%dma_start3A_64 : memref<128xi32, #tpu.memory_space<vmem>>) semaphore(%arg22 : memref<!tpu.dma_semaphore, #tpu.memory_space<semaphore_mem>>)
      %dma_start3A_68 = arith.constant 5 : i32
      %dma_start3A_69 = arith.constant 0 : i32
      %dma_start3A_70 = tpu.memref_slice %arg6[%dma_start3A_68, %dma_start3A_69] : memref<90x128xi32, #tpu.memory_space<vmem>> -> memref<1x128xi32, #tpu.memory_space<vmem>>
      %dma_start3A_71 = tpu.memref_squeeze %dma_start3A_70 : memref<1x128xi32, #tpu.memory_space<vmem>> -> memref<128xi32, #tpu.memory_space<vmem>>
      %dma_start3A_72 = arith.constant 0 : i32
      %dma_start3A_73 = arith.constant 0 : i32
      %dma_start3A_74 = tpu.memref_slice %arg17[%dma_start3A_72, %dma_start3A_73] : memref<10240x32xf32, #tpu.memory_space<vmem_shared>> -> memref<10240x32xf32, #tpu.memory_space<vmem_shared>>
      tpu.enqueue_indirect_dma source(%dma_start3A_74 : memref<10240x32xf32, #tpu.memory_space<vmem_shared>>) target(%arg15 : memref<128x32xf32, #tpu.memory_space<vmem>>) offsets(%dma_start3A_71 : memref<128xi32, #tpu.memory_space<vmem>>) semaphore(%arg23 : memref<!tpu.dma_semaphore, #tpu.memory_space<semaphore_mem>>)
      %scan3A = arith.constant 0 : i32
      %scan3A_75 = arith.constant 0 : i32
      %scan3A_76 = arith.constant 11 : i32
      %scan3A_77 = arith.addi %scan3A_75, %scan3A_76 : i32
      %scan3A_78 = arith.constant 1 : i32
      scf.for %scan3A_80 = %scan3A_75 to %scan3A_77 step %scan3A_78  : i32 {
        %mul3A_81 = arith.constant 6 : i32
        %mul3A_82 = arith.muli %scan3A_80, %mul3A_81 : i32
        %add3A_83 = arith.constant 0 : i32
        %add3A_84 = arith.addi %mul3A_82, %add3A_83 : i32
        %dma_wait3A = arith.constant 0 : i32
        %dma_wait3A_85 = arith.constant 0 : i32
        %dma_wait3A_86 = tpu.memref_slice %arg6[%dma_wait3A, %dma_wait3A_85] : memref<90x128xi32, #tpu.memory_space<vmem>> -> memref<1x128xi32, #tpu.memory_space<vmem>>
        %dma_wait3A_87 = tpu.memref_squeeze %dma_wait3A_86 : memref<1x128xi32, #tpu.memory_space<vmem>> -> memref<128xi32, #tpu.memory_space<vmem>>
        %dma_wait3A_88 = arith.constant 0 : i32
        %dma_wait3A_89 = arith.constant 0 : i32
        %dma_wait3A_90 = tpu.memref_slice %arg3[%dma_wait3A_88, %dma_wait3A_89] : memref<10240x32xf32, #tpu.memory_space<hbm>> -> memref<10240x32xf32, #tpu.memory_space<hbm>>
        tpu.wait_indirect_dma semaphore(%arg18 : memref<!tpu.dma_semaphore, #tpu.memory_space<semaphore_mem>>) src(%dma_wait3A_90 : memref<10240x32xf32, #tpu.memory_space<hbm>>) dst(%arg10 : memref<128x32xf32, #tpu.memory_space<vmem>>)
        %dma_start3A_91 = arith.constant 0 : i32
        %dma_start3A_92 = tpu.memref_slice %arg7[%add3A_84, %dma_start3A_91] : memref<90x128xi32, #tpu.memory_space<vmem>> -> memref<1x128xi32, #tpu.memory_space<vmem>>
        %dma_start3A_93 = tpu.memref_squeeze %dma_start3A_92 : memref<1x128xi32, #tpu.memory_space<vmem>> -> memref<128xi32, #tpu.memory_space<vmem>>
        %dma_start3A_94 = arith.constant 0 : i32
        %dma_start3A_95 = arith.constant 0 : i32
        %dma_start3A_96 = tpu.memref_slice %arg16[%dma_start3A_94, %dma_start3A_95] : memref<10240x32xf32, #tpu.memory_space<vmem_shared>> -> memref<10240x32xf32, #tpu.memory_space<vmem_shared>>
        tpu.enqueue_indirect_dma source(%arg10 : memref<128x32xf32, #tpu.memory_space<vmem>>) target(%dma_start3A_96 : memref<10240x32xf32, #tpu.memory_space<vmem_shared>>) offsets(%dma_start3A_93 : memref<128xi32, #tpu.memory_space<vmem>>) semaphore(%arg24 : memref<!tpu.dma_semaphore, #tpu.memory_space<semaphore_mem>>) {add = true}
        %mul3A_97 = arith.constant 6 : i32
        %mul3A_98 = arith.muli %scan3A_80, %mul3A_97 : i32
        %add3A_99 = arith.constant 1 : i32
        %add3A_100 = arith.addi %mul3A_98, %add3A_99 : i32
        %dma_wait3A_101 = arith.constant 0 : i32
        %dma_wait3A_102 = arith.constant 0 : i32
        %dma_wait3A_103 = tpu.memref_slice %arg6[%dma_wait3A_101, %dma_wait3A_102] : memref<90x128xi32, #tpu.memory_space<vmem>> -> memref<1x128xi32, #tpu.memory_space<vmem>>
        %dma_wait3A_104 = tpu.memref_squeeze %dma_wait3A_103 : memref<1x128xi32, #tpu.memory_space<vmem>> -> memref<128xi32, #tpu.memory_space<vmem>>
        %dma_wait3A_105 = arith.constant 0 : i32
        %dma_wait3A_106 = arith.constant 0 : i32
        %dma_wait3A_107 = tpu.memref_slice %arg3[%dma_wait3A_105, %dma_wait3A_106] : memref<10240x32xf32, #tpu.memory_space<hbm>> -> memref<10240x32xf32, #tpu.memory_space<hbm>>
        tpu.wait_indirect_dma semaphore(%arg19 : memref<!tpu.dma_semaphore, #tpu.memory_space<semaphore_mem>>) src(%dma_wait3A_107 : memref<10240x32xf32, #tpu.memory_space<hbm>>) dst(%arg11 : memref<128x32xf32, #tpu.memory_space<vmem>>)
        %dma_start3A_108 = arith.constant 0 : i32
        %dma_start3A_109 = tpu.memref_slice %arg7[%add3A_100, %dma_start3A_108] : memref<90x128xi32, #tpu.memory_space<vmem>> -> memref<1x128xi32, #tpu.memory_space<vmem>>
        %dma_start3A_110 = tpu.memref_squeeze %dma_start3A_109 : memref<1x128xi32, #tpu.memory_space<vmem>> -> memref<128xi32, #tpu.memory_space<vmem>>
        %dma_start3A_111 = arith.constant 0 : i32
        %dma_start3A_112 = arith.constant 0 : i32
        %dma_start3A_113 = tpu.memref_slice %arg16[%dma_start3A_111, %dma_start3A_112] : memref<10240x32xf32, #tpu.memory_space<vmem_shared>> -> memref<10240x32xf32, #tpu.memory_space<vmem_shared>>
        tpu.enqueue_indirect_dma source(%arg11 : memref<128x32xf32, #tpu.memory_space<vmem>>) target(%dma_start3A_113 : memref<10240x32xf32, #tpu.memory_space<vmem_shared>>) offsets(%dma_start3A_110 : memref<128xi32, #tpu.memory_space<vmem>>) semaphore(%arg25 : memref<!tpu.dma_semaphore, #tpu.memory_space<semaphore_mem>>) {add = true}
        %mul3A_114 = arith.constant 6 : i32
        %mul3A_115 = arith.muli %scan3A_80, %mul3A_114 : i32
        %add3A_116 = arith.constant 2 : i32
        %add3A_117 = arith.addi %mul3A_115, %add3A_116 : i32
        %dma_wait3A_118 = arith.constant 0 : i32
        %dma_wait3A_119 = arith.constant 0 : i32
        %dma_wait3A_120 = tpu.memref_slice %arg6[%dma_wait3A_118, %dma_wait3A_119] : memref<90x128xi32, #tpu.memory_space<vmem>> -> memref<1x128xi32, #tpu.memory_space<vmem>>
        %dma_wait3A_121 = tpu.memref_squeeze %dma_wait3A_120 : memref<1x128xi32, #tpu.memory_space<vmem>> -> memref<128xi32, #tpu.memory_space<vmem>>
        %dma_wait3A_122 = arith.constant 0 : i32
        %dma_wait3A_123 = arith.constant 0 : i32
        %dma_wait3A_124 = tpu.memref_slice %arg3[%dma_wait3A_122, %dma_wait3A_123] : memref<10240x32xf32, #tpu.memory_space<hbm>> -> memref<10240x32xf32, #tpu.memory_space<hbm>>
        tpu.wait_indirect_dma semaphore(%arg20 : memref<!tpu.dma_semaphore, #tpu.memory_space<semaphore_mem>>) src(%dma_wait3A_124 : memref<10240x32xf32, #tpu.memory_space<hbm>>) dst(%arg12 : memref<128x32xf32, #tpu.memory_space<vmem>>)
        %dma_start3A_125 = arith.constant 0 : i32
        %dma_start3A_126 = tpu.memref_slice %arg7[%add3A_117, %dma_start3A_125] : memref<90x128xi32, #tpu.memory_space<vmem>> -> memref<1x128xi32, #tpu.memory_space<vmem>>
        %dma_start3A_127 = tpu.memref_squeeze %dma_start3A_126 : memref<1x128xi32, #tpu.memory_space<vmem>> -> memref<128xi32, #tpu.memory_space<vmem>>
        %dma_start3A_128 = arith.constant 0 : i32
        %dma_start3A_129 = arith.constant 0 : i32
        %dma_start3A_130 = tpu.memref_slice %arg16[%dma_start3A_128, %dma_start3A_129] : memref<10240x32xf32, #tpu.memory_space<vmem_shared>> -> memref<10240x32xf32, #tpu.memory_space<vmem_shared>>
        tpu.enqueue_indirect_dma source(%arg12 : memref<128x32xf32, #tpu.memory_space<vmem>>) target(%dma_start3A_130 : memref<10240x32xf32, #tpu.memory_space<vmem_shared>>) offsets(%dma_start3A_127 : memref<128xi32, #tpu.memory_space<vmem>>) semaphore(%arg26 : memref<!tpu.dma_semaphore, #tpu.memory_space<semaphore_mem>>) {add = true}
        %mul3A_131 = arith.constant 6 : i32
        %mul3A_132 = arith.muli %scan3A_80, %mul3A_131 : i32
        %add3A_133 = arith.constant 3 : i32
        %add3A_134 = arith.addi %mul3A_132, %add3A_133 : i32
        %dma_wait3A_135 = arith.constant 0 : i32
        %dma_wait3A_136 = arith.constant 0 : i32
        %dma_wait3A_137 = tpu.memref_slice %arg6[%dma_wait3A_135, %dma_wait3A_136] : memref<90x128xi32, #tpu.memory_space<vmem>> -> memref<1x128xi32, #tpu.memory_space<vmem>>
        %dma_wait3A_138 = tpu.memref_squeeze %dma_wait3A_137 : memref<1x128xi32, #tpu.memory_space<vmem>> -> memref<128xi32, #tpu.memory_space<vmem>>
        %dma_wait3A_139 = arith.constant 0 : i32
        %dma_wait3A_140 = arith.constant 0 : i32
        %dma_wait3A_141 = tpu.memref_slice %arg3[%dma_wait3A_139, %dma_wait3A_140] : memref<10240x32xf32, #tpu.memory_space<hbm>> -> memref<10240x32xf32, #tpu.memory_space<hbm>>
        tpu.wait_indirect_dma semaphore(%arg21 : memref<!tpu.dma_semaphore, #tpu.memory_space<semaphore_mem>>) src(%dma_wait3A_141 : memref<10240x32xf32, #tpu.memory_space<hbm>>) dst(%arg13 : memref<128x32xf32, #tpu.memory_space<vmem>>)
        %dma_start3A_142 = arith.constant 0 : i32
        %dma_start3A_143 = tpu.memref_slice %arg7[%add3A_134, %dma_start3A_142] : memref<90x128xi32, #tpu.memory_space<vmem>> -> memref<1x128xi32, #tpu.memory_space<vmem>>
        %dma_start3A_144 = tpu.memref_squeeze %dma_start3A_143 : memref<1x128xi32, #tpu.memory_space<vmem>> -> memref<128xi32, #tpu.memory_space<vmem>>
        %dma_start3A_145 = arith.constant 0 : i32
        %dma_start3A_146 = arith.constant 0 : i32
        %dma_start3A_147 = tpu.memref_slice %arg16[%dma_start3A_145, %dma_start3A_146] : memref<10240x32xf32, #tpu.memory_space<vmem_shared>> -> memref<10240x32xf32, #tpu.memory_space<vmem_shared>>
        tpu.enqueue_indirect_dma source(%arg13 : memref<128x32xf32, #tpu.memory_space<vmem>>) target(%dma_start3A_147 : memref<10240x32xf32, #tpu.memory_space<vmem_shared>>) offsets(%dma_start3A_144 : memref<128xi32, #tpu.memory_space<vmem>>) semaphore(%arg27 : memref<!tpu.dma_semaphore, #tpu.memory_space<semaphore_mem>>) {add = true}
        %mul3A_148 = arith.constant 6 : i32
        %mul3A_149 = arith.muli %scan3A_80, %mul3A_148 : i32
        %add3A_150 = arith.constant 4 : i32
        %add3A_151 = arith.addi %mul3A_149, %add3A_150 : i32
        %dma_wait3A_152 = arith.constant 0 : i32
        %dma_wait3A_153 = arith.constant 0 : i32
        %dma_wait3A_154 = tpu.memref_slice %arg6[%dma_wait3A_152, %dma_wait3A_153] : memref<90x128xi32, #tpu.memory_space<vmem>> -> memref<1x128xi32, #tpu.memory_space<vmem>>
        %dma_wait3A_155 = tpu.memref_squeeze %dma_wait3A_154 : memref<1x128xi32, #tpu.memory_space<vmem>> -> memref<128xi32, #tpu.memory_space<vmem>>
        %dma_wait3A_156 = arith.constant 0 : i32
        %dma_wait3A_157 = arith.constant 0 : i32
        %dma_wait3A_158 = tpu.memref_slice %arg3[%dma_wait3A_156, %dma_wait3A_157] : memref<10240x32xf32, #tpu.memory_space<hbm>> -> memref<10240x32xf32, #tpu.memory_space<hbm>>
        tpu.wait_indirect_dma semaphore(%arg22 : memref<!tpu.dma_semaphore, #tpu.memory_space<semaphore_mem>>) src(%dma_wait3A_158 : memref<10240x32xf32, #tpu.memory_space<hbm>>) dst(%arg14 : memref<128x32xf32, #tpu.memory_space<vmem>>)
        %dma_start3A_159 = arith.constant 0 : i32
        %dma_start3A_160 = tpu.memref_slice %arg7[%add3A_151, %dma_start3A_159] : memref<90x128xi32, #tpu.memory_space<vmem>> -> memref<1x128xi32, #tpu.memory_space<vmem>>
        %dma_start3A_161 = tpu.memref_squeeze %dma_start3A_160 : memref<1x128xi32, #tpu.memory_space<vmem>> -> memref<128xi32, #tpu.memory_space<vmem>>
        %dma_start3A_162 = arith.constant 0 : i32
        %dma_start3A_163 = arith.constant 0 : i32
        %dma_start3A_164 = tpu.memref_slice %arg16[%dma_start3A_162, %dma_start3A_163] : memref<10240x32xf32, #tpu.memory_space<vmem_shared>> -> memref<10240x32xf32, #tpu.memory_space<vmem_shared>>
        tpu.enqueue_indirect_dma source(%arg14 : memref<128x32xf32, #tpu.memory_space<vmem>>) target(%dma_start3A_164 : memref<10240x32xf32, #tpu.memory_space<vmem_shared>>) offsets(%dma_start3A_161 : memref<128xi32, #tpu.memory_space<vmem>>) semaphore(%arg28 : memref<!tpu.dma_semaphore, #tpu.memory_space<semaphore_mem>>) {add = true}
        %mul3A_165 = arith.constant 6 : i32
        %mul3A_166 = arith.muli %scan3A_80, %mul3A_165 : i32
        %add3A_167 = arith.constant 5 : i32
        %add3A_168 = arith.addi %mul3A_166, %add3A_167 : i32
        %dma_wait3A_169 = arith.constant 0 : i32
        %dma_wait3A_170 = arith.constant 0 : i32
        %dma_wait3A_171 = tpu.memref_slice %arg6[%dma_wait3A_169, %dma_wait3A_170] : memref<90x128xi32, #tpu.memory_space<vmem>> -> memref<1x128xi32, #tpu.memory_space<vmem>>
        %dma_wait3A_172 = tpu.memref_squeeze %dma_wait3A_171 : memref<1x128xi32, #tpu.memory_space<vmem>> -> memref<128xi32, #tpu.memory_space<vmem>>
        %dma_wait3A_173 = arith.constant 0 : i32
        %dma_wait3A_174 = arith.constant 0 : i32
        %dma_wait3A_175 = tpu.memref_slice %arg3[%dma_wait3A_173, %dma_wait3A_174] : memref<10240x32xf32, #tpu.memory_space<hbm>> -> memref<10240x32xf32, #tpu.memory_space<hbm>>
        tpu.wait_indirect_dma semaphore(%arg23 : memref<!tpu.dma_semaphore, #tpu.memory_space<semaphore_mem>>) src(%dma_wait3A_175 : memref<10240x32xf32, #tpu.memory_space<hbm>>) dst(%arg15 : memref<128x32xf32, #tpu.memory_space<vmem>>)
        %dma_start3A_176 = arith.constant 0 : i32
        %dma_start3A_177 = tpu.memref_slice %arg7[%add3A_168, %dma_start3A_176] : memref<90x128xi32, #tpu.memory_space<vmem>> -> memref<1x128xi32, #tpu.memory_space<vmem>>
        %dma_start3A_178 = tpu.memref_squeeze %dma_start3A_177 : memref<1x128xi32, #tpu.memory_space<vmem>> -> memref<128xi32, #tpu.memory_space<vmem>>
        %dma_start3A_179 = arith.constant 0 : i32
        %dma_start3A_180 = arith.constant 0 : i32
        %dma_start3A_181 = tpu.memref_slice %arg16[%dma_start3A_179, %dma_start3A_180] : memref<10240x32xf32, #tpu.memory_space<vmem_shared>> -> memref<10240x32xf32, #tpu.memory_space<vmem_shared>>
        tpu.enqueue_indirect_dma source(%arg15 : memref<128x32xf32, #tpu.memory_space<vmem>>) target(%dma_start3A_181 : memref<10240x32xf32, #tpu.memory_space<vmem_shared>>) offsets(%dma_start3A_178 : memref<128xi32, #tpu.memory_space<vmem>>) semaphore(%arg29 : memref<!tpu.dma_semaphore, #tpu.memory_space<semaphore_mem>>) {add = true}
        %add3A_182 = arith.constant 1 : i32
        %add3A_183 = arith.addi %scan3A_80, %add3A_182 : i32
        %mul3A_184 = arith.constant 6 : i32
        %mul3A_185 = arith.muli %add3A_183, %mul3A_184 : i32
        %add3A_186 = arith.constant 0 : i32
        %add3A_187 = arith.addi %mul3A_185, %add3A_186 : i32
        %dma_wait3A_188 = arith.constant 0 : i32
        %dma_wait3A_189 = arith.constant 0 : i32
        %dma_wait3A_190 = tpu.memref_slice %arg7[%dma_wait3A_188, %dma_wait3A_189] : memref<90x128xi32, #tpu.memory_space<vmem>> -> memref<1x128xi32, #tpu.memory_space<vmem>>
        %dma_wait3A_191 = tpu.memref_squeeze %dma_wait3A_190 : memref<1x128xi32, #tpu.memory_space<vmem>> -> memref<128xi32, #tpu.memory_space<vmem>>
        %dma_wait3A_192 = arith.constant 0 : i32
        %dma_wait3A_193 = arith.constant 0 : i32
        %dma_wait3A_194 = tpu.memref_slice %arg16[%dma_wait3A_192, %dma_wait3A_193] : memref<10240x32xf32, #tpu.memory_space<vmem_shared>> -> memref<10240x32xf32, #tpu.memory_space<vmem_shared>>
        tpu.wait_indirect_dma semaphore(%arg24 : memref<!tpu.dma_semaphore, #tpu.memory_space<semaphore_mem>>) src(%arg10 : memref<128x32xf32, #tpu.memory_space<vmem>>) dst(%dma_wait3A_194 : memref<10240x32xf32, #tpu.memory_space<vmem_shared>>)
        %lt3A_195 = arith.constant 66 : i32
        %lt3A_196 = arith.cmpi slt, %add3A_187, %lt3A_195 : i32
        %convert_element_type3A_197 = arith.extui %lt3A_196 : i1 to i32
        %cond3A_198 = arith.constant 0 : i32
        %cond3A_199 = arith.cmpi ne, %convert_element_type3A_197, %cond3A_198 : i32
        scf.if %cond3A_199 {
          %dma_start3A_290 = arith.constant 0 : i32
          %dma_start3A_291 = tpu.memref_slice %arg6[%add3A_187, %dma_start3A_290] : memref<90x128xi32, #tpu.memory_space<vmem>> -> memref<1x128xi32, #tpu.memory_space<vmem>>
          %dma_start3A_292 = tpu.memref_squeeze %dma_start3A_291 : memref<1x128xi32, #tpu.memory_space<vmem>> -> memref<128xi32, #tpu.memory_space<vmem>>
          %dma_start3A_293 = arith.constant 0 : i32
          %dma_start3A_294 = arith.constant 0 : i32
          %dma_start3A_295 = tpu.memref_slice %arg17[%dma_start3A_293, %dma_start3A_294] : memref<10240x32xf32, #tpu.memory_space<vmem_shared>> -> memref<10240x32xf32, #tpu.memory_space<vmem_shared>>
          tpu.enqueue_indirect_dma source(%dma_start3A_295 : memref<10240x32xf32, #tpu.memory_space<vmem_shared>>) target(%arg10 : memref<128x32xf32, #tpu.memory_space<vmem>>) offsets(%dma_start3A_292 : memref<128xi32, #tpu.memory_space<vmem>>) semaphore(%arg18 : memref<!tpu.dma_semaphore, #tpu.memory_space<semaphore_mem>>)
        } else {
        }
        %add3A_200 = arith.constant 1 : i32
        %add3A_201 = arith.addi %scan3A_80, %add3A_200 : i32
        %mul3A_202 = arith.constant 6 : i32
        %mul3A_203 = arith.muli %add3A_201, %mul3A_202 : i32
        %add3A_204 = arith.constant 1 : i32
        %add3A_205 = arith.addi %mul3A_203, %add3A_204 : i32
        %dma_wait3A_206 = arith.constant 0 : i32
        %dma_wait3A_207 = arith.constant 0 : i32
        %dma_wait3A_208 = tpu.memref_slice %arg7[%dma_wait3A_206, %dma_wait3A_207] : memref<90x128xi32, #tpu.memory_space<vmem>> -> memref<1x128xi32, #tpu.memory_space<vmem>>
        %dma_wait3A_209 = tpu.memref_squeeze %dma_wait3A_208 : memref<1x128xi32, #tpu.memory_space<vmem>> -> memref<128xi32, #tpu.memory_space<vmem>>
        %dma_wait3A_210 = arith.constant 0 : i32
        %dma_wait3A_211 = arith.constant 0 : i32
        %dma_wait3A_212 = tpu.memref_slice %arg16[%dma_wait3A_210, %dma_wait3A_211] : memref<10240x32xf32, #tpu.memory_space<vmem_shared>> -> memref<10240x32xf32, #tpu.memory_space<vmem_shared>>
        tpu.wait_indirect_dma semaphore(%arg25 : memref<!tpu.dma_semaphore, #tpu.memory_space<semaphore_mem>>) src(%arg11 : memref<128x32xf32, #tpu.memory_space<vmem>>) dst(%dma_wait3A_212 : memref<10240x32xf32, #tpu.memory_space<vmem_shared>>)
        %lt3A_213 = arith.constant 66 : i32
        %lt3A_214 = arith.cmpi slt, %add3A_205, %lt3A_213 : i32
        %convert_element_type3A_215 = arith.extui %lt3A_214 : i1 to i32
        %cond3A_216 = arith.constant 0 : i32
        %cond3A_217 = arith.cmpi ne, %convert_element_type3A_215, %cond3A_216 : i32
        scf.if %cond3A_217 {
          %dma_start3A_290 = arith.constant 0 : i32
          %dma_start3A_291 = tpu.memref_slice %arg6[%add3A_205, %dma_start3A_290] : memref<90x128xi32, #tpu.memory_space<vmem>> -> memref<1x128xi32, #tpu.memory_space<vmem>>
          %dma_start3A_292 = tpu.memref_squeeze %dma_start3A_291 : memref<1x128xi32, #tpu.memory_space<vmem>> -> memref<128xi32, #tpu.memory_space<vmem>>
          %dma_start3A_293 = arith.constant 0 : i32
          %dma_start3A_294 = arith.constant 0 : i32
          %dma_start3A_295 = tpu.memref_slice %arg17[%dma_start3A_293, %dma_start3A_294] : memref<10240x32xf32, #tpu.memory_space<vmem_shared>> -> memref<10240x32xf32, #tpu.memory_space<vmem_shared>>
          tpu.enqueue_indirect_dma source(%dma_start3A_295 : memref<10240x32xf32, #tpu.memory_space<vmem_shared>>) target(%arg11 : memref<128x32xf32, #tpu.memory_space<vmem>>) offsets(%dma_start3A_292 : memref<128xi32, #tpu.memory_space<vmem>>) semaphore(%arg19 : memref<!tpu.dma_semaphore, #tpu.memory_space<semaphore_mem>>)
        } else {
        }
        %add3A_218 = arith.constant 1 : i32
        %add3A_219 = arith.addi %scan3A_80, %add3A_218 : i32
        %mul3A_220 = arith.constant 6 : i32
        %mul3A_221 = arith.muli %add3A_219, %mul3A_220 : i32
        %add3A_222 = arith.constant 2 : i32
        %add3A_223 = arith.addi %mul3A_221, %add3A_222 : i32
        %dma_wait3A_224 = arith.constant 0 : i32
        %dma_wait3A_225 = arith.constant 0 : i32
        %dma_wait3A_226 = tpu.memref_slice %arg7[%dma_wait3A_224, %dma_wait3A_225] : memref<90x128xi32, #tpu.memory_space<vmem>> -> memref<1x128xi32, #tpu.memory_space<vmem>>
        %dma_wait3A_227 = tpu.memref_squeeze %dma_wait3A_226 : memref<1x128xi32, #tpu.memory_space<vmem>> -> memref<128xi32, #tpu.memory_space<vmem>>
        %dma_wait3A_228 = arith.constant 0 : i32
        %dma_wait3A_229 = arith.constant 0 : i32
        %dma_wait3A_230 = tpu.memref_slice %arg16[%dma_wait3A_228, %dma_wait3A_229] : memref<10240x32xf32, #tpu.memory_space<vmem_shared>> -> memref<10240x32xf32, #tpu.memory_space<vmem_shared>>
        tpu.wait_indirect_dma semaphore(%arg26 : memref<!tpu.dma_semaphore, #tpu.memory_space<semaphore_mem>>) src(%arg12 : memref<128x32xf32, #tpu.memory_space<vmem>>) dst(%dma_wait3A_230 : memref<10240x32xf32, #tpu.memory_space<vmem_shared>>)
        %lt3A_231 = arith.constant 66 : i32
        %lt3A_232 = arith.cmpi slt, %add3A_223, %lt3A_231 : i32
        %convert_element_type3A_233 = arith.extui %lt3A_232 : i1 to i32
        %cond3A_234 = arith.constant 0 : i32
        %cond3A_235 = arith.cmpi ne, %convert_element_type3A_233, %cond3A_234 : i32
        scf.if %cond3A_235 {
          %dma_start3A_290 = arith.constant 0 : i32
          %dma_start3A_291 = tpu.memref_slice %arg6[%add3A_223, %dma_start3A_290] : memref<90x128xi32, #tpu.memory_space<vmem>> -> memref<1x128xi32, #tpu.memory_space<vmem>>
          %dma_start3A_292 = tpu.memref_squeeze %dma_start3A_291 : memref<1x128xi32, #tpu.memory_space<vmem>> -> memref<128xi32, #tpu.memory_space<vmem>>
          %dma_start3A_293 = arith.constant 0 : i32
          %dma_start3A_294 = arith.constant 0 : i32
          %dma_start3A_295 = tpu.memref_slice %arg17[%dma_start3A_293, %dma_start3A_294] : memref<10240x32xf32, #tpu.memory_space<vmem_shared>> -> memref<10240x32xf32, #tpu.memory_space<vmem_shared>>
          tpu.enqueue_indirect_dma source(%dma_start3A_295 : memref<10240x32xf32, #tpu.memory_space<vmem_shared>>) target(%arg12 : memref<128x32xf32, #tpu.memory_space<vmem>>) offsets(%dma_start3A_292 : memref<128xi32, #tpu.memory_space<vmem>>) semaphore(%arg20 : memref<!tpu.dma_semaphore, #tpu.memory_space<semaphore_mem>>)
        } else {
        }
        %add3A_236 = arith.constant 1 : i32
        %add3A_237 = arith.addi %scan3A_80, %add3A_236 : i32
        %mul3A_238 = arith.constant 6 : i32
        %mul3A_239 = arith.muli %add3A_237, %mul3A_238 : i32
        %add3A_240 = arith.constant 3 : i32
        %add3A_241 = arith.addi %mul3A_239, %add3A_240 : i32
        %dma_wait3A_242 = arith.constant 0 : i32
        %dma_wait3A_243 = arith.constant 0 : i32
        %dma_wait3A_244 = tpu.memref_slice %arg7[%dma_wait3A_242, %dma_wait3A_243] : memref<90x128xi32, #tpu.memory_space<vmem>> -> memref<1x128xi32, #tpu.memory_space<vmem>>
        %dma_wait3A_245 = tpu.memref_squeeze %dma_wait3A_244 : memref<1x128xi32, #tpu.memory_space<vmem>> -> memref<128xi32, #tpu.memory_space<vmem>>
        %dma_wait3A_246 = arith.constant 0 : i32
        %dma_wait3A_247 = arith.constant 0 : i32
        %dma_wait3A_248 = tpu.memref_slice %arg16[%dma_wait3A_246, %dma_wait3A_247] : memref<10240x32xf32, #tpu.memory_space<vmem_shared>> -> memref<10240x32xf32, #tpu.memory_space<vmem_shared>>
        tpu.wait_indirect_dma semaphore(%arg27 : memref<!tpu.dma_semaphore, #tpu.memory_space<semaphore_mem>>) src(%arg13 : memref<128x32xf32, #tpu.memory_space<vmem>>) dst(%dma_wait3A_248 : memref<10240x32xf32, #tpu.memory_space<vmem_shared>>)
        %lt3A_249 = arith.constant 66 : i32
        %lt3A_250 = arith.cmpi slt, %add3A_241, %lt3A_249 : i32
        %convert_element_type3A_251 = arith.extui %lt3A_250 : i1 to i32
        %cond3A_252 = arith.constant 0 : i32
        %cond3A_253 = arith.cmpi ne, %convert_element_type3A_251, %cond3A_252 : i32
        scf.if %cond3A_253 {
          %dma_start3A_290 = arith.constant 0 : i32
          %dma_start3A_291 = tpu.memref_slice %arg6[%add3A_241, %dma_start3A_290] : memref<90x128xi32, #tpu.memory_space<vmem>> -> memref<1x128xi32, #tpu.memory_space<vmem>>
          %dma_start3A_292 = tpu.memref_squeeze %dma_start3A_291 : memref<1x128xi32, #tpu.memory_space<vmem>> -> memref<128xi32, #tpu.memory_space<vmem>>
          %dma_start3A_293 = arith.constant 0 : i32
          %dma_start3A_294 = arith.constant 0 : i32
          %dma_start3A_295 = tpu.memref_slice %arg17[%dma_start3A_293, %dma_start3A_294] : memref<10240x32xf32, #tpu.memory_space<vmem_shared>> -> memref<10240x32xf32, #tpu.memory_space<vmem_shared>>
          tpu.enqueue_indirect_dma source(%dma_start3A_295 : memref<10240x32xf32, #tpu.memory_space<vmem_shared>>) target(%arg13 : memref<128x32xf32, #tpu.memory_space<vmem>>) offsets(%dma_start3A_292 : memref<128xi32, #tpu.memory_space<vmem>>) semaphore(%arg21 : memref<!tpu.dma_semaphore, #tpu.memory_space<semaphore_mem>>)
        } else {
        }
        %add3A_254 = arith.constant 1 : i32
        %add3A_255 = arith.addi %scan3A_80, %add3A_254 : i32
        %mul3A_256 = arith.constant 6 : i32
        %mul3A_257 = arith.muli %add3A_255, %mul3A_256 : i32
        %add3A_258 = arith.constant 4 : i32
        %add3A_259 = arith.addi %mul3A_257, %add3A_258 : i32
        %dma_wait3A_260 = arith.constant 0 : i32
        %dma_wait3A_261 = arith.constant 0 : i32
        %dma_wait3A_262 = tpu.memref_slice %arg7[%dma_wait3A_260, %dma_wait3A_261] : memref<90x128xi32, #tpu.memory_space<vmem>> -> memref<1x128xi32, #tpu.memory_space<vmem>>
        %dma_wait3A_263 = tpu.memref_squeeze %dma_wait3A_262 : memref<1x128xi32, #tpu.memory_space<vmem>> -> memref<128xi32, #tpu.memory_space<vmem>>
        %dma_wait3A_264 = arith.constant 0 : i32
        %dma_wait3A_265 = arith.constant 0 : i32
        %dma_wait3A_266 = tpu.memref_slice %arg16[%dma_wait3A_264, %dma_wait3A_265] : memref<10240x32xf32, #tpu.memory_space<vmem_shared>> -> memref<10240x32xf32, #tpu.memory_space<vmem_shared>>
        tpu.wait_indirect_dma semaphore(%arg28 : memref<!tpu.dma_semaphore, #tpu.memory_space<semaphore_mem>>) src(%arg14 : memref<128x32xf32, #tpu.memory_space<vmem>>) dst(%dma_wait3A_266 : memref<10240x32xf32, #tpu.memory_space<vmem_shared>>)
        %lt3A_267 = arith.constant 66 : i32
        %lt3A_268 = arith.cmpi slt, %add3A_259, %lt3A_267 : i32
        %convert_element_type3A_269 = arith.extui %lt3A_268 : i1 to i32
        %cond3A_270 = arith.constant 0 : i32
        %cond3A_271 = arith.cmpi ne, %convert_element_type3A_269, %cond3A_270 : i32
        scf.if %cond3A_271 {
          %dma_start3A_290 = arith.constant 0 : i32
          %dma_start3A_291 = tpu.memref_slice %arg6[%add3A_259, %dma_start3A_290] : memref<90x128xi32, #tpu.memory_space<vmem>> -> memref<1x128xi32, #tpu.memory_space<vmem>>
          %dma_start3A_292 = tpu.memref_squeeze %dma_start3A_291 : memref<1x128xi32, #tpu.memory_space<vmem>> -> memref<128xi32, #tpu.memory_space<vmem>>
          %dma_start3A_293 = arith.constant 0 : i32
          %dma_start3A_294 = arith.constant 0 : i32
          %dma_start3A_295 = tpu.memref_slice %arg17[%dma_start3A_293, %dma_start3A_294] : memref<10240x32xf32, #tpu.memory_space<vmem_shared>> -> memref<10240x32xf32, #tpu.memory_space<vmem_shared>>
          tpu.enqueue_indirect_dma source(%dma_start3A_295 : memref<10240x32xf32, #tpu.memory_space<vmem_shared>>) target(%arg14 : memref<128x32xf32, #tpu.memory_space<vmem>>) offsets(%dma_start3A_292 : memref<128xi32, #tpu.memory_space<vmem>>) semaphore(%arg22 : memref<!tpu.dma_semaphore, #tpu.memory_space<semaphore_mem>>)
        } else {
        }
        %add3A_272 = arith.constant 1 : i32
        %add3A_273 = arith.addi %scan3A_80, %add3A_272 : i32
        %mul3A_274 = arith.constant 6 : i32
        %mul3A_275 = arith.muli %add3A_273, %mul3A_274 : i32
        %add3A_276 = arith.constant 5 : i32
        %add3A_277 = arith.addi %mul3A_275, %add3A_276 : i32
        %dma_wait3A_278 = arith.constant 0 : i32
        %dma_wait3A_279 = arith.constant 0 : i32
        %dma_wait3A_280 = tpu.memref_slice %arg7[%dma_wait3A_278, %dma_wait3A_279] : memref<90x128xi32, #tpu.memory_space<vmem>> -> memref<1x128xi32, #tpu.memory_space<vmem>>
        %dma_wait3A_281 = tpu.memref_squeeze %dma_wait3A_280 : memref<1x128xi32, #tpu.memory_space<vmem>> -> memref<128xi32, #tpu.memory_space<vmem>>
        %dma_wait3A_282 = arith.constant 0 : i32
        %dma_wait3A_283 = arith.constant 0 : i32
        %dma_wait3A_284 = tpu.memref_slice %arg16[%dma_wait3A_282, %dma_wait3A_283] : memref<10240x32xf32, #tpu.memory_space<vmem_shared>> -> memref<10240x32xf32, #tpu.memory_space<vmem_shared>>
        tpu.wait_indirect_dma semaphore(%arg29 : memref<!tpu.dma_semaphore, #tpu.memory_space<semaphore_mem>>) src(%arg15 : memref<128x32xf32, #tpu.memory_space<vmem>>) dst(%dma_wait3A_284 : memref<10240x32xf32, #tpu.memory_space<vmem_shared>>)
        %lt3A_285 = arith.constant 66 : i32
        %lt3A_286 = arith.cmpi slt, %add3A_277, %lt3A_285 : i32
        %convert_element_type3A_287 = arith.extui %lt3A_286 : i1 to i32
        %cond3A_288 = arith.constant 0 : i32
        %cond3A_289 = arith.cmpi ne, %convert_element_type3A_287, %cond3A_288 : i32
        scf.if %cond3A_289 {
          %dma_start3A_290 = arith.constant 0 : i32
          %dma_start3A_291 = tpu.memref_slice %arg6[%add3A_277, %dma_start3A_290] : memref<90x128xi32, #tpu.memory_space<vmem>> -> memref<1x128xi32, #tpu.memory_space<vmem>>
          %dma_start3A_292 = tpu.memref_squeeze %dma_start3A_291 : memref<1x128xi32, #tpu.memory_space<vmem>> -> memref<128xi32, #tpu.memory_space<vmem>>
          %dma_start3A_293 = arith.constant 0 : i32
          %dma_start3A_294 = arith.constant 0 : i32
          %dma_start3A_295 = tpu.memref_slice %arg17[%dma_start3A_293, %dma_start3A_294] : memref<10240x32xf32, #tpu.memory_space<vmem_shared>> -> memref<10240x32xf32, #tpu.memory_space<vmem_shared>>
          tpu.enqueue_indirect_dma source(%dma_start3A_295 : memref<10240x32xf32, #tpu.memory_space<vmem_shared>>) target(%arg15 : memref<128x32xf32, #tpu.memory_space<vmem>>) offsets(%dma_start3A_292 : memref<128xi32, #tpu.memory_space<vmem>>) semaphore(%arg23 : memref<!tpu.dma_semaphore, #tpu.memory_space<semaphore_mem>>)
        } else {
        }
      }
      %scan3A_79 = arith.constant 11 : i32
    } else {
    }
    %eq3A_17 = arith.constant 0 : i32
    %eq3A_18 = arith.cmpi eq, %arg0, %eq3A_17 : i32
    %lt3A = arith.constant 4 : i32
    %lt3A_19 = arith.cmpi slt, %arg1, %lt3A : i32
    %and3A = arith.andi %eq3A_18, %lt3A_19 : i1
    %convert_element_type3A_20 = arith.extui %and3A : i1 to i32
    %cond3A_21 = arith.constant 0 : i32
    %cond3A_22 = arith.constant 1 : i32
    %cond3A_23 = arith.constant 0 : i32
    %cond3A_24 = arith.cmpi ne, %convert_element_type3A_20, %cond3A_23 : i32
    scf.if %cond3A_24 {
      %add3A_30 = arith.constant 2496 : i32
      %add3A_31 = arith.addi %add3A_30, %arg1 : i32
      "tpu.region"() ({
        %run_scoped3A_46 = tpu.sem_alloc : memref<!tpu.dma_semaphore, #tpu.memory_space<semaphore_mem>>
        %dma_start3A_47 = arith.constant 0 : i32
        %dma_start3A_48 = arith.constant 0 : i32
        %dma_start3A_49 = tpu.memref_slice %arg2[%cond3A_21, %dma_start3A_47, %dma_start3A_48] : memref<2x2500x128xi32, #tpu.memory_space<hbm>> -> memref<1x2500x128xi32, #tpu.memory_space<hbm>>
        %dma_start3A_50 = tpu.memref_squeeze %dma_start3A_49 : memref<1x2500x128xi32, #tpu.memory_space<hbm>> -> memref<2500x128xi32, #tpu.memory_space<hbm>>
        %dma_start3A_51 = arith.constant 0 : i32
        %dma_start3A_52 = tpu.memref_slice %dma_start3A_50[%add3A_31, %dma_start3A_51] : memref<2500x128xi32, #tpu.memory_space<hbm>> -> memref<1x128xi32, #tpu.memory_space<hbm>>
        %dma_start3A_53 = arith.constant 0 : i32
        %dma_start3A_54 = arith.constant 0 : i32
        %dma_start3A_55 = tpu.memref_slice %arg2[%cond3A_21, %dma_start3A_53, %dma_start3A_54] : memref<2x2500x128xi32, #tpu.memory_space<hbm>> -> memref<1x2500x128xi32, #tpu.memory_space<hbm>>
        %dma_start3A_56 = tpu.memref_squeeze %dma_start3A_55 : memref<1x2500x128xi32, #tpu.memory_space<hbm>> -> memref<2500x128xi32, #tpu.memory_space<hbm>>
        %dma_start3A_57 = arith.constant 0 : i32
        %dma_start3A_58 = tpu.memref_slice %dma_start3A_56[%add3A_31, %dma_start3A_57] : memref<2500x128xi32, #tpu.memory_space<hbm>> -> memref<1x128xi32, #tpu.memory_space<hbm>>
        tpu.enqueue_dma source(%dma_start3A_58 : memref<1x128xi32, #tpu.memory_space<hbm>>) target(%arg8 : memref<1x128xi32, #tpu.memory_space<vmem>>) target_semaphore(%run_scoped3A_46 : memref<!tpu.dma_semaphore, #tpu.memory_space<semaphore_mem>>)
        %dma_wait3A_59 = arith.constant 0 : i32
        %dma_wait3A_60 = arith.constant 0 : i32
        %dma_wait3A_61 = tpu.memref_slice %arg2[%cond3A_21, %dma_wait3A_59, %dma_wait3A_60] : memref<2x2500x128xi32, #tpu.memory_space<hbm>> -> memref<1x2500x128xi32, #tpu.memory_space<hbm>>
        %dma_wait3A_62 = tpu.memref_squeeze %dma_wait3A_61 : memref<1x2500x128xi32, #tpu.memory_space<hbm>> -> memref<2500x128xi32, #tpu.memory_space<hbm>>
        %dma_wait3A_63 = arith.constant 0 : i32
        %dma_wait3A_64 = tpu.memref_slice %dma_wait3A_62[%add3A_31, %dma_wait3A_63] : memref<2500x128xi32, #tpu.memory_space<hbm>> -> memref<1x128xi32, #tpu.memory_space<hbm>>
        %dma_wait3A_65 = arith.constant 0 : i32
        %dma_wait3A_66 = arith.constant 0 : i32
        %dma_wait3A_67 = tpu.memref_slice %arg2[%cond3A_21, %dma_wait3A_65, %dma_wait3A_66] : memref<2x2500x128xi32, #tpu.memory_space<hbm>> -> memref<1x2500x128xi32, #tpu.memory_space<hbm>>
        %dma_wait3A_68 = tpu.memref_squeeze %dma_wait3A_67 : memref<1x2500x128xi32, #tpu.memory_space<hbm>> -> memref<2500x128xi32, #tpu.memory_space<hbm>>
        %dma_wait3A_69 = arith.constant 0 : i32
        %dma_wait3A_70 = tpu.memref_slice %dma_wait3A_68[%add3A_31, %dma_wait3A_69] : memref<2500x128xi32, #tpu.memory_space<hbm>> -> memref<1x128xi32, #tpu.memory_space<hbm>>
        tpu.wait_dma2 semaphore(%run_scoped3A_46 : memref<!tpu.dma_semaphore, #tpu.memory_space<semaphore_mem>>) src(%dma_wait3A_70 : memref<1x128xi32, #tpu.memory_space<hbm>>) dst(%arg8 : memref<1x128xi32, #tpu.memory_space<vmem>>)
        tpu.yield
      }) : () -> ()
      %add3A_32 = arith.constant 2496 : i32
      %add3A_33 = arith.addi %add3A_32, %arg1 : i32
      "tpu.region"() ({
        %run_scoped3A_46 = tpu.sem_alloc : memref<!tpu.dma_semaphore, #tpu.memory_space<semaphore_mem>>
        %dma_start3A_47 = arith.constant 0 : i32
        %dma_start3A_48 = arith.constant 0 : i32
        %dma_start3A_49 = tpu.memref_slice %arg2[%cond3A_22, %dma_start3A_47, %dma_start3A_48] : memref<2x2500x128xi32, #tpu.memory_space<hbm>> -> memref<1x2500x128xi32, #tpu.memory_space<hbm>>
        %dma_start3A_50 = tpu.memref_squeeze %dma_start3A_49 : memref<1x2500x128xi32, #tpu.memory_space<hbm>> -> memref<2500x128xi32, #tpu.memory_space<hbm>>
        %dma_start3A_51 = arith.constant 0 : i32
        %dma_start3A_52 = tpu.memref_slice %dma_start3A_50[%add3A_33, %dma_start3A_51] : memref<2500x128xi32, #tpu.memory_space<hbm>> -> memref<1x128xi32, #tpu.memory_space<hbm>>
        %dma_start3A_53 = arith.constant 0 : i32
        %dma_start3A_54 = arith.constant 0 : i32
        %dma_start3A_55 = tpu.memref_slice %arg2[%cond3A_22, %dma_start3A_53, %dma_start3A_54] : memref<2x2500x128xi32, #tpu.memory_space<hbm>> -> memref<1x2500x128xi32, #tpu.memory_space<hbm>>
        %dma_start3A_56 = tpu.memref_squeeze %dma_start3A_55 : memref<1x2500x128xi32, #tpu.memory_space<hbm>> -> memref<2500x128xi32, #tpu.memory_space<hbm>>
        %dma_start3A_57 = arith.constant 0 : i32
        %dma_start3A_58 = tpu.memref_slice %dma_start3A_56[%add3A_33, %dma_start3A_57] : memref<2500x128xi32, #tpu.memory_space<hbm>> -> memref<1x128xi32, #tpu.memory_space<hbm>>
        tpu.enqueue_dma source(%dma_start3A_58 : memref<1x128xi32, #tpu.memory_space<hbm>>) target(%arg9 : memref<1x128xi32, #tpu.memory_space<vmem>>) target_semaphore(%run_scoped3A_46 : memref<!tpu.dma_semaphore, #tpu.memory_space<semaphore_mem>>)
        %dma_wait3A_59 = arith.constant 0 : i32
        %dma_wait3A_60 = arith.constant 0 : i32
        %dma_wait3A_61 = tpu.memref_slice %arg2[%cond3A_22, %dma_wait3A_59, %dma_wait3A_60] : memref<2x2500x128xi32, #tpu.memory_space<hbm>> -> memref<1x2500x128xi32, #tpu.memory_space<hbm>>
        %dma_wait3A_62 = tpu.memref_squeeze %dma_wait3A_61 : memref<1x2500x128xi32, #tpu.memory_space<hbm>> -> memref<2500x128xi32, #tpu.memory_space<hbm>>
        %dma_wait3A_63 = arith.constant 0 : i32
        %dma_wait3A_64 = tpu.memref_slice %dma_wait3A_62[%add3A_33, %dma_wait3A_63] : memref<2500x128xi32, #tpu.memory_space<hbm>> -> memref<1x128xi32, #tpu.memory_space<hbm>>
        %dma_wait3A_65 = arith.constant 0 : i32
        %dma_wait3A_66 = arith.constant 0 : i32
        %dma_wait3A_67 = tpu.memref_slice %arg2[%cond3A_22, %dma_wait3A_65, %dma_wait3A_66] : memref<2x2500x128xi32, #tpu.memory_space<hbm>> -> memref<1x2500x128xi32, #tpu.memory_space<hbm>>
        %dma_wait3A_68 = tpu.memref_squeeze %dma_wait3A_67 : memref<1x2500x128xi32, #tpu.memory_space<hbm>> -> memref<2500x128xi32, #tpu.memory_space<hbm>>
        %dma_wait3A_69 = arith.constant 0 : i32
        %dma_wait3A_70 = tpu.memref_slice %dma_wait3A_68[%add3A_33, %dma_wait3A_69] : memref<2500x128xi32, #tpu.memory_space<hbm>> -> memref<1x128xi32, #tpu.memory_space<hbm>>
        tpu.wait_dma2 semaphore(%run_scoped3A_46 : memref<!tpu.dma_semaphore, #tpu.memory_space<semaphore_mem>>) src(%dma_wait3A_70 : memref<1x128xi32, #tpu.memory_space<hbm>>) dst(%arg9 : memref<1x128xi32, #tpu.memory_space<vmem>>)
        tpu.yield
      }) : () -> ()
      %dma_start3A = arith.constant 0 : i32
      %dma_start3A_34 = arith.constant 0 : i32
      %dma_start3A_35 = tpu.memref_slice %arg8[%dma_start3A, %dma_start3A_34] : memref<1x128xi32, #tpu.memory_space<vmem>> -> memref<1x128xi32, #tpu.memory_space<vmem>>
      %dma_start3A_36 = tpu.memref_squeeze %dma_start3A_35 : memref<1x128xi32, #tpu.memory_space<vmem>> -> memref<128xi32, #tpu.memory_space<vmem>>
      %dma_start3A_37 = arith.constant 0 : i32
      %dma_start3A_38 = arith.constant 0 : i32
      %dma_start3A_39 = tpu.memref_slice %arg3[%dma_start3A_37, %dma_start3A_38] : memref<10240x32xf32, #tpu.memory_space<hbm>> -> memref<10240x32xf32, #tpu.memory_space<hbm>>
      tpu.enqueue_indirect_dma source(%dma_start3A_39 : memref<10240x32xf32, #tpu.memory_space<hbm>>) target(%arg10 : memref<128x32xf32, #tpu.memory_space<vmem>>) offsets(%dma_start3A_36 : memref<128xi32, #tpu.memory_space<vmem>>) semaphore(%arg18 : memref<!tpu.dma_semaphore, #tpu.memory_space<semaphore_mem>>)
      %dma_wait3A = arith.constant 0 : i32
      %dma_wait3A_40 = arith.constant 0 : i32
      %dma_wait3A_41 = tpu.memref_slice %arg8[%dma_wait3A, %dma_wait3A_40] : memref<1x128xi32, #tpu.memory_space<vmem>> -> memref<1x128xi32, #tpu.memory_space<vmem>>
      %dma_wait3A_42 = tpu.memref_squeeze %dma_wait3A_41 : memref<1x128xi32, #tpu.memory_space<vmem>> -> memref<128xi32, #tpu.memory_space<vmem>>
      %dma_wait3A_43 = arith.constant 0 : i32
      %dma_wait3A_44 = arith.constant 0 : i32
      %dma_wait3A_45 = tpu.memref_slice %arg3[%dma_wait3A_43, %dma_wait3A_44] : memref<10240x32xf32, #tpu.memory_space<hbm>> -> memref<10240x32xf32, #tpu.memory_space<hbm>>
      tpu.wait_indirect_dma semaphore(%arg18 : memref<!tpu.dma_semaphore, #tpu.memory_space<semaphore_mem>>) src(%dma_wait3A_45 : memref<10240x32xf32, #tpu.memory_space<hbm>>) dst(%arg10 : memref<128x32xf32, #tpu.memory_space<vmem>>)
      %run_scoped3A = arith.constant 0 : i32
      "tpu.region"() ({
        %run_scoped3A_46 = tpu.sem_alloc : memref<!tpu.dma_semaphore, #tpu.memory_space<semaphore_mem>>
        %dma_start3A_47 = arith.constant 0 : i32
        %dma_start3A_48 = tpu.memref_slice %arg9[%run_scoped3A, %dma_start3A_47] : memref<1x128xi32, #tpu.memory_space<vmem>> -> memref<1x128xi32, #tpu.memory_space<vmem>>
        %dma_start3A_49 = tpu.memref_squeeze %dma_start3A_48 : memref<1x128xi32, #tpu.memory_space<vmem>> -> memref<128xi32, #tpu.memory_space<vmem>>
        %dma_start3A_50 = arith.constant 0 : i32
        %dma_start3A_51 = arith.constant 0 : i32
        %dma_start3A_52 = tpu.memref_slice %arg16[%dma_start3A_50, %dma_start3A_51] : memref<10240x32xf32, #tpu.memory_space<vmem_shared>> -> memref<10240x32xf32, #tpu.memory_space<vmem_shared>>
        tpu.enqueue_indirect_dma source(%arg10 : memref<128x32xf32, #tpu.memory_space<vmem>>) target(%dma_start3A_52 : memref<10240x32xf32, #tpu.memory_space<vmem_shared>>) offsets(%dma_start3A_49 : memref<128xi32, #tpu.memory_space<vmem>>) semaphore(%run_scoped3A_46 : memref<!tpu.dma_semaphore, #tpu.memory_space<semaphore_mem>>) {add = true}
        %dma_wait3A_53 = arith.constant 0 : i32
        %dma_wait3A_54 = tpu.memref_slice %arg9[%run_scoped3A, %dma_wait3A_53] : memref<1x128xi32, #tpu.memory_space<vmem>> -> memref<1x128xi32, #tpu.memory_space<vmem>>
        %dma_wait3A_55 = tpu.memref_squeeze %dma_wait3A_54 : memref<1x128xi32, #tpu.memory_space<vmem>> -> memref<128xi32, #tpu.memory_space<vmem>>
        %dma_wait3A_56 = arith.constant 0 : i32
        %dma_wait3A_57 = arith.constant 0 : i32
        %dma_wait3A_58 = tpu.memref_slice %arg16[%dma_wait3A_56, %dma_wait3A_57] : memref<10240x32xf32, #tpu.memory_space<vmem_shared>> -> memref<10240x32xf32, #tpu.memory_space<vmem_shared>>
        tpu.wait_indirect_dma semaphore(%run_scoped3A_46 : memref<!tpu.dma_semaphore, #tpu.memory_space<semaphore_mem>>) src(%arg10 : memref<128x32xf32, #tpu.memory_space<vmem>>) dst(%dma_wait3A_58 : memref<10240x32xf32, #tpu.memory_space<vmem_shared>>)
        tpu.yield
      }) : () -> ()
    } else {
    }
    %barrier3A_25 = arith.constant 0 : index
    tpu.barrier barrier_id(%barrier3A_25)
    %mul3A_26 = arith.constant 640 : i32
    %mul3A_27 = arith.muli %arg1, %mul3A_26 : i32
    %mul3A_28 = arith.constant 640 : i32
    %mul3A_29 = arith.muli %arg1, %mul3A_28 : i32
    "tpu.region"() ({
      %run_scoped3A = tpu.sem_alloc : memref<!tpu.dma_semaphore, #tpu.memory_space<semaphore_mem>>
      %dma_start3A = arith.constant 0 : i32
      %dma_start3A_30 = tpu.memref_slice %arg5[%arg0, %mul3A_29, %dma_start3A] : memref<2x10240x32xf32, #tpu.memory_space<hbm>> -> memref<1x640x32xf32, #tpu.memory_space<hbm>>
      %dma_start3A_31 = tpu.memref_squeeze %dma_start3A_30 : memref<1x640x32xf32, #tpu.memory_space<hbm>> -> memref<640x32xf32, #tpu.memory_space<hbm>>
      %dma_start3A_32 = arith.constant 0 : i32
      %dma_start3A_33 = tpu.memref_slice %arg16[%mul3A_27, %dma_start3A_32] : memref<10240x32xf32, #tpu.memory_space<vmem_shared>> -> memref<640x32xf32, #tpu.memory_space<vmem_shared>>
      tpu.enqueue_dma source(%dma_start3A_33 : memref<640x32xf32, #tpu.memory_space<vmem_shared>>) target(%dma_start3A_31 : memref<640x32xf32, #tpu.memory_space<hbm>>) target_semaphore(%run_scoped3A : memref<!tpu.dma_semaphore, #tpu.memory_space<semaphore_mem>>)
      %dma_wait3A = arith.constant 0 : i32
      %dma_wait3A_34 = tpu.memref_slice %arg5[%arg0, %mul3A_29, %dma_wait3A] : memref<2x10240x32xf32, #tpu.memory_space<hbm>> -> memref<1x640x32xf32, #tpu.memory_space<hbm>>
      %dma_wait3A_35 = tpu.memref_squeeze %dma_wait3A_34 : memref<1x640x32xf32, #tpu.memory_space<hbm>> -> memref<640x32xf32, #tpu.memory_space<hbm>>
      %dma_wait3A_36 = arith.constant 0 : i32
      %dma_wait3A_37 = tpu.memref_slice %arg16[%mul3A_27, %dma_wait3A_36] : memref<10240x32xf32, #tpu.memory_space<vmem_shared>> -> memref<640x32xf32, #tpu.memory_space<vmem_shared>>
      tpu.wait_dma2 semaphore(%run_scoped3A : memref<!tpu.dma_semaphore, #tpu.memory_space<semaphore_mem>>) src(%dma_wait3A_37 : memref<640x32xf32, #tpu.memory_space<vmem_shared>>) dst(%dma_wait3A_35 : memref<640x32xf32, #tpu.memory_space<hbm>>)
      tpu.yield
    }) : () -> ()
    return
  }
}

module attributes {stable_mosaic.version = 14 : i64} {
  func.func @_tc1a_body(%arg0: i32, %arg1: memref<2048x128xf32, #tpu.memory_space<vmem>>, %arg2: memref<128x32xf32, #tpu.memory_space<vmem>>, %arg3: memref<2048x32xf32, #tpu.memory_space<vmem>>) attributes {dimension_semantics = [#tpu.dimension_semantics<arbitrary>], iteration_bounds = array<i64: 5>, scalar_prefetch = 0 : i64, scratch_operands = 0 : i64, tpu.core_type = #tpu.core_type<tc>, window_params = [{transform_indices = @transform_0, window_bounds = array<i64: 2048, 128>}, {pipeline_mode = #tpu.pipeline_mode<synchronous>, transform_indices = @transform_1, window_bounds = array<i64: 128, 32>}, {transform_indices = @transform_2, window_bounds = array<i64: 2048, 32>}]} {
    %get3A = arith.constant 0 : index
    %get3A_0 = arith.constant 0 : index
    %get3A_1 = vector.load %arg1[%get3A, %get3A_0] : memref<2048x128xf32, #tpu.memory_space<vmem>>, vector<2048x128xf32>
    %get3A_2 = arith.constant 0 : index
    %get3A_3 = arith.constant 0 : index
    %get3A_4 = vector.load %arg2[%get3A_2, %get3A_3] : memref<128x32xf32, #tpu.memory_space<vmem>>, vector<128x32xf32>
    %dot_general3A = arith.constant dense<0.000000e+00> : vector<2048x32xf32>
    %dot_general3A_5 = tpu.matmul %get3A_1, %get3A_4, %dot_general3A {dimension_numbers = #tpu.dot_dimension_numbers<[1], [0], [0], [1], [0, 0, 1, 1], [], []>, transpose_lhs_hint = false} : vector<2048x128xf32>, vector<128x32xf32>, vector<2048x32xf32> -> vector<2048x32xf32>
    %swap3A = arith.constant 0 : index
    %swap3A_6 = arith.constant 0 : index
    %swap3A_7 = vector.load %arg3[%swap3A, %swap3A_6] : memref<2048x32xf32, #tpu.memory_space<vmem>>, vector<2048x32xf32>
    tpu.vector_store %arg3[%swap3A, %swap3A_6], %dot_general3A_5 {strides = array<i32>} : memref<2048x32xf32, #tpu.memory_space<vmem>>, vector<2048x32xf32>,
    return
  }
  func.func @transform_0(%arg0: i32) -> (i32, i32) {
    %c0_i32 = arith.constant 0 : i32
    %c0_i32_0 = arith.constant 0 : i32
    return %arg0, %c0_i32 : i32, i32
  }
  func.func @transform_1(%arg0: i32) -> (i32, i32) {
    %c0_i32 = arith.constant 0 : i32
    %c0_i32_0 = arith.constant 0 : i32
    %c0_i32_1 = arith.constant 0 : i32
    return %c0_i32, %c0_i32_0 : i32, i32
  }
  func.func @transform_2(%arg0: i32) -> (i32, i32) {
    %c0_i32 = arith.constant 0 : i32
    %c0_i32_0 = arith.constant 0 : i32
    return %arg0, %c0_i32 : i32, i32
  }
}

module attributes {stable_mosaic.version = 14 : i64} {
  func.func @_tc1b_body(%arg0: i32, %arg1: memref<2x2048xf32, #tpu.memory_space<vmem>>, %arg2: memref<2048x32xf32, #tpu.memory_space<vmem>>, %arg3: memref<2048x1xf32, #tpu.memory_space<vmem>>, %arg4: memref<2048x32xf32, #tpu.memory_space<vmem>>) attributes {dimension_semantics = [#tpu.dimension_semantics<arbitrary>], iteration_bounds = array<i64: 5>, scalar_prefetch = 0 : i64, scratch_operands = 0 : i64, tpu.core_type = #tpu.core_type<tc>, window_params = [{transform_indices = @transform_0, window_bounds = array<i64: 2, 2048>}, {transform_indices = @transform_1, window_bounds = array<i64: 2048, 32>}, {transform_indices = @transform_2, window_bounds = array<i64: 2048, 1>}, {transform_indices = @transform_3, window_bounds = array<i64: 2048, 32>}]} {
    %get3A = arith.constant 0 : index
    %get3A_0 = arith.constant 0 : index
    %get3A_1 = vector.load %arg1[%get3A, %get3A_0] : memref<2x2048xf32, #tpu.memory_space<vmem>>, vector<2x2048xf32>
    %slice3A = vector.extract_strided_slice %get3A_1 {offsets = [0, 0], sizes = [1, 2048], strides = [1, 1]} : vector<2x2048xf32> to vector<1x2048xf32>
    %squeeze3A = vector.shape_cast %slice3A : vector<1x2048xf32> to vector<2048xf32>
    %slice3A_2 = vector.extract_strided_slice %get3A_1 {offsets = [1, 0], sizes = [1, 2048], strides = [1, 1]} : vector<2x2048xf32> to vector<1x2048xf32>
    %squeeze3A_3 = vector.shape_cast %slice3A_2 : vector<1x2048xf32> to vector<2048xf32>
    %add3A = arith.addf %squeeze3A, %squeeze3A_3 : vector<2048xf32>
    %gt3A = arith.constant 0.000000e+00 : f32
    %gt3A_4 = vector.broadcast %gt3A : f32 to vector<2048xf32>
    %gt3A_5 = arith.cmpf ogt, %add3A, %gt3A_4 : vector<2048xf32>
    %jit3A = arith.constant 1.000000e+00 : f32
    %broadcast_in_dim3A = vector.broadcast %jit3A : f32 to vector<2048xf32>
    %select_n3A = arith.select %gt3A_5, %add3A, %broadcast_in_dim3A : vector<2048xi1>, vector<2048xf32>
    %gt3A_6 = arith.constant 0.000000e+00 : f32
    %gt3A_7 = vector.broadcast %gt3A_6 : f32 to vector<2048xf32>
    %gt3A_8 = arith.cmpf ogt, %add3A, %gt3A_7 : vector<2048xf32>
    %rsqrt3A = math.rsqrt %select_n3A : vector<2048xf32>
    %jit3A_9 = arith.constant 0.000000e+00 : f32
    %broadcast_in_dim3A_10 = vector.broadcast %jit3A_9 : f32 to vector<2048xf32>
    %select_n3A_11 = arith.select %gt3A_8, %rsqrt3A, %broadcast_in_dim3A_10 : vector<2048xi1>, vector<2048xf32>
    %broadcast_in_dim3A_12 = vector.shape_cast %select_n3A_11 : vector<2048xf32> to vector<2048x1xf32>
    %swap3A = arith.constant 0 : index
    %swap3A_13 = arith.constant 0 : index
    %swap3A_14 = vector.load %arg3[%swap3A, %swap3A_13] : memref<2048x1xf32, #tpu.memory_space<vmem>>, vector<2048x1xf32>
    tpu.vector_store %arg3[%swap3A, %swap3A_13], %broadcast_in_dim3A_12 {strides = array<i32>} : memref<2048x1xf32, #tpu.memory_space<vmem>>, vector<2048x1xf32>,
    %get3A_15 = arith.constant 0 : index
    %get3A_16 = arith.constant 0 : index
    %get3A_17 = vector.load %arg2[%get3A_15, %get3A_16] : memref<2048x32xf32, #tpu.memory_space<vmem>>, vector<2048x32xf32>
    %mul3A = vector.broadcast %broadcast_in_dim3A_12 : vector<2048x1xf32> to vector<2048x32xf32>
    %mul3A_18 = arith.mulf %get3A_17, %mul3A : vector<2048x32xf32>
    %swap3A_19 = arith.constant 0 : index
    %swap3A_20 = arith.constant 0 : index
    %swap3A_21 = vector.load %arg4[%swap3A_19, %swap3A_20] : memref<2048x32xf32, #tpu.memory_space<vmem>>, vector<2048x32xf32>
    tpu.vector_store %arg4[%swap3A_19, %swap3A_20], %mul3A_18 {strides = array<i32>} : memref<2048x32xf32, #tpu.memory_space<vmem>>, vector<2048x32xf32>,
    return
  }
  func.func @transform_0(%arg0: i32) -> (i32, i32) {
    %c0_i32 = arith.constant 0 : i32
    %c0_i32_0 = arith.constant 0 : i32
    return %c0_i32, %arg0 : i32, i32
  }
  func.func @transform_1(%arg0: i32) -> (i32, i32) {
    %c0_i32 = arith.constant 0 : i32
    %c0_i32_0 = arith.constant 0 : i32
    return %arg0, %c0_i32 : i32, i32
  }
  func.func @transform_2(%arg0: i32) -> (i32, i32) {
    %c0_i32 = arith.constant 0 : i32
    %c0_i32_0 = arith.constant 0 : i32
    return %arg0, %c0_i32 : i32, i32
  }
  func.func @transform_3(%arg0: i32) -> (i32, i32) {
    %c0_i32 = arith.constant 0 : i32
    %c0_i32_0 = arith.constant 0 : i32
    return %arg0, %c0_i32 : i32, i32
  }
}

module attributes {stable_mosaic.version = 14 : i64} {
  func.func @_tc2_body(%arg0: i32, %arg1: memref<2x2048x32xf32, #tpu.memory_space<vmem>>, %arg2: memref<2048x1xf32, #tpu.memory_space<vmem>>, %arg3: memref<1x32xf32, #tpu.memory_space<vmem>>, %arg4: memref<32x32xf32, #tpu.memory_space<vmem>>, %arg5: memref<2048x32xf32, #tpu.memory_space<vmem>>, %arg6: memref<2048x32xf32, #tpu.memory_space<vmem>>) attributes {dimension_semantics = [#tpu.dimension_semantics<arbitrary>], iteration_bounds = array<i64: 5>, scalar_prefetch = 0 : i64, scratch_operands = 0 : i64, tpu.core_type = #tpu.core_type<tc>, window_params = [{transform_indices = @transform_0, window_bounds = array<i64: 2, 2048, 32>}, {transform_indices = @transform_1, window_bounds = array<i64: 2048, 1>}, {pipeline_mode = #tpu.pipeline_mode<synchronous>, transform_indices = @transform_2, window_bounds = array<i64: 1, 32>}, {pipeline_mode = #tpu.pipeline_mode<synchronous>, transform_indices = @transform_3, window_bounds = array<i64: 32, 32>}, {transform_indices = @transform_4, window_bounds = array<i64: 2048, 32>}, {transform_indices = @transform_5, window_bounds = array<i64: 2048, 32>}]} {
    %get3A = arith.constant 0 : index
    %get3A_0 = arith.constant 0 : index
    %get3A_1 = arith.constant 0 : index
    %get3A_2 = vector.load %arg1[%get3A, %get3A_0, %get3A_1] : memref<2x2048x32xf32, #tpu.memory_space<vmem>>, vector<1x2048x32xf32>
    %get3A_3 = vector.shape_cast %get3A_2 : vector<1x2048x32xf32> to vector<2048x32xf32>
    %get3A_4 = arith.constant 1 : index
    %get3A_5 = arith.constant 0 : index
    %get3A_6 = arith.constant 0 : index
    %get3A_7 = vector.load %arg1[%get3A_4, %get3A_5, %get3A_6] : memref<2x2048x32xf32, #tpu.memory_space<vmem>>, vector<1x2048x32xf32>
    %get3A_8 = vector.shape_cast %get3A_7 : vector<1x2048x32xf32> to vector<2048x32xf32>
    %add3A = arith.addf %get3A_3, %get3A_8 : vector<2048x32xf32>
    %get3A_9 = arith.constant 0 : index
    %get3A_10 = arith.constant 0 : index
    %get3A_11 = vector.load %arg2[%get3A_9, %get3A_10] : memref<2048x1xf32, #tpu.memory_space<vmem>>, vector<2048x1xf32>
    %mul3A = vector.broadcast %get3A_11 : vector<2048x1xf32> to vector<2048x32xf32>
    %mul3A_12 = arith.mulf %add3A, %mul3A : vector<2048x32xf32>
    %get3A_13 = arith.constant 0 : index
    %get3A_14 = arith.constant 0 : index
    %get3A_15 = vector.load %arg3[%get3A_13, %get3A_14] : memref<1x32xf32, #tpu.memory_space<vmem>>, vector<1x32xf32>
    %add3A_16 = vector.broadcast %get3A_15 : vector<1x32xf32> to vector<2048x32xf32>
    %add3A_17 = arith.addf %mul3A_12, %add3A_16 : vector<2048x32xf32>
    %max3A = arith.constant 0.000000e+00 : f32
    %max3A_18 = vector.broadcast %max3A : f32 to vector<2048x32xf32>
    %max3A_19 = arith.maximumf %add3A_17, %max3A_18 : vector<2048x32xf32>
    %swap3A = arith.constant 0 : index
    %swap3A_20 = arith.constant 0 : index
    %swap3A_21 = vector.load %arg5[%swap3A, %swap3A_20] : memref<2048x32xf32, #tpu.memory_space<vmem>>, vector<2048x32xf32>
    tpu.vector_store %arg5[%swap3A, %swap3A_20], %max3A_19 {strides = array<i32>} : memref<2048x32xf32, #tpu.memory_space<vmem>>, vector<2048x32xf32>,
    %get3A_22 = arith.constant 0 : index
    %get3A_23 = arith.constant 0 : index
    %get3A_24 = vector.load %arg4[%get3A_22, %get3A_23] : memref<32x32xf32, #tpu.memory_space<vmem>>, vector<32x32xf32>
    %dot_general3A = arith.constant dense<0.000000e+00> : vector<2048x32xf32>
    %dot_general3A_25 = tpu.matmul %max3A_19, %get3A_24, %dot_general3A {dimension_numbers = #tpu.dot_dimension_numbers<[1], [0], [0], [1], [0, 0, 1, 1], [], []>, transpose_lhs_hint = false} : vector<2048x32xf32>, vector<32x32xf32>, vector<2048x32xf32> -> vector<2048x32xf32>
    %mul3A_26 = vector.broadcast %get3A_11 : vector<2048x1xf32> to vector<2048x32xf32>
    %mul3A_27 = arith.mulf %dot_general3A_25, %mul3A_26 : vector<2048x32xf32>
    %swap3A_28 = arith.constant 0 : index
    %swap3A_29 = arith.constant 0 : index
    %swap3A_30 = vector.load %arg6[%swap3A_28, %swap3A_29] : memref<2048x32xf32, #tpu.memory_space<vmem>>, vector<2048x32xf32>
    tpu.vector_store %arg6[%swap3A_28, %swap3A_29], %mul3A_27 {strides = array<i32>} : memref<2048x32xf32, #tpu.memory_space<vmem>>, vector<2048x32xf32>,
    return
  }
  func.func @transform_0(%arg0: i32) -> (i32, i32, i32) {
    %c0_i32 = arith.constant 0 : i32
    %c0_i32_0 = arith.constant 0 : i32
    %c0_i32_1 = arith.constant 0 : i32
    return %c0_i32, %arg0, %c0_i32_0 : i32, i32, i32
  }
  func.func @transform_1(%arg0: i32) -> (i32, i32) {
    %c0_i32 = arith.constant 0 : i32
    %c0_i32_0 = arith.constant 0 : i32
    return %arg0, %c0_i32 : i32, i32
  }
  func.func @transform_2(%arg0: i32) -> (i32, i32) {
    %c0_i32 = arith.constant 0 : i32
    %c0_i32_0 = arith.constant 0 : i32
    %c0_i32_1 = arith.constant 0 : i32
    return %c0_i32, %c0_i32_0 : i32, i32
  }
  func.func @transform_3(%arg0: i32) -> (i32, i32) {
    %c0_i32 = arith.constant 0 : i32
    %c0_i32_0 = arith.constant 0 : i32
    %c0_i32_1 = arith.constant 0 : i32
    return %c0_i32, %c0_i32_0 : i32, i32
  }
  func.func @transform_4(%arg0: i32) -> (i32, i32) {
    %c0_i32 = arith.constant 0 : i32
    %c0_i32_0 = arith.constant 0 : i32
    return %arg0, %c0_i32 : i32, i32
  }
  func.func @transform_5(%arg0: i32) -> (i32, i32) {
    %c0_i32 = arith.constant 0 : i32
    %c0_i32_0 = arith.constant 0 : i32
    return %arg0, %c0_i32 : i32, i32
  }
}

module attributes {stable_mosaic.version = 14 : i64} {
  func.func @_tc3_body(%arg0: i32, %arg1: memref<2x2048x32xf32, #tpu.memory_space<vmem>>, %arg2: memref<2048x1xf32, #tpu.memory_space<vmem>>, %arg3: memref<1x32xf32, #tpu.memory_space<vmem>>, %arg4: memref<2048x128xf32, #tpu.memory_space<vmem>>, %arg5: memref<2048x32xf32, #tpu.memory_space<vmem>>, %arg6: memref<2048x32xf32, #tpu.memory_space<vmem>>, %arg7: memref<128x10xf32, #tpu.memory_space<vmem>>, %arg8: memref<32x10xf32, #tpu.memory_space<vmem>>, %arg9: memref<32x10xf32, #tpu.memory_space<vmem>>, %arg10: memref<32x10xf32, #tpu.memory_space<vmem>>, %arg11: memref<1x10xf32, #tpu.memory_space<vmem>>, %arg12: memref<2048x10xf32, #tpu.memory_space<vmem>>) attributes {dimension_semantics = [#tpu.dimension_semantics<arbitrary>], iteration_bounds = array<i64: 5>, scalar_prefetch = 0 : i64, scratch_operands = 0 : i64, tpu.core_type = #tpu.core_type<tc>, window_params = [{transform_indices = @transform_0, window_bounds = array<i64: 2, 2048, 32>}, {transform_indices = @transform_1, window_bounds = array<i64: 2048, 1>}, {pipeline_mode = #tpu.pipeline_mode<synchronous>, transform_indices = @transform_2, window_bounds = array<i64: 1, 32>}, {transform_indices = @transform_3, window_bounds = array<i64: 2048, 128>}, {transform_indices = @transform_4, window_bounds = array<i64: 2048, 32>}, {transform_indices = @transform_5, window_bounds = array<i64: 2048, 32>}, {pipeline_mode = #tpu.pipeline_mode<synchronous>, transform_indices = @transform_6, window_bounds = array<i64: 128, 10>}, {pipeline_mode = #tpu.pipeline_mode<synchronous>, transform_indices = @transform_7, window_bounds = array<i64: 32, 10>}, {pipeline_mode = #tpu.pipeline_mode<synchronous>, transform_indices = @transform_8, window_bounds = array<i64: 32, 10>}, {pipeline_mode = #tpu.pipeline_mode<synchronous>, transform_indices = @transform_9, window_bounds = array<i64: 32, 10>}, {pipeline_mode = #tpu.pipeline_mode<synchronous>, transform_indices = @transform_10, window_bounds = array<i64: 1, 10>}, {transform_indices = @transform_11, window_bounds = array<i64: 2048, 10>}]} {
    %get3A = arith.constant 0 : index
    %get3A_0 = arith.constant 0 : index
    %get3A_1 = arith.constant 0 : index
    %get3A_2 = vector.load %arg1[%get3A, %get3A_0, %get3A_1] : memref<2x2048x32xf32, #tpu.memory_space<vmem>>, vector<1x2048x32xf32>
    %get3A_3 = vector.shape_cast %get3A_2 : vector<1x2048x32xf32> to vector<2048x32xf32>
    %get3A_4 = arith.constant 1 : index
    %get3A_5 = arith.constant 0 : index
    %get3A_6 = arith.constant 0 : index
    %get3A_7 = vector.load %arg1[%get3A_4, %get3A_5, %get3A_6] : memref<2x2048x32xf32, #tpu.memory_space<vmem>>, vector<1x2048x32xf32>
    %get3A_8 = vector.shape_cast %get3A_7 : vector<1x2048x32xf32> to vector<2048x32xf32>
    %add3A = arith.addf %get3A_3, %get3A_8 : vector<2048x32xf32>
    %get3A_9 = arith.constant 0 : index
    %get3A_10 = arith.constant 0 : index
    %get3A_11 = vector.load %arg2[%get3A_9, %get3A_10] : memref<2048x1xf32, #tpu.memory_space<vmem>>, vector<2048x1xf32>
    %mul3A = vector.broadcast %get3A_11 : vector<2048x1xf32> to vector<2048x32xf32>
    %mul3A_12 = arith.mulf %add3A, %mul3A : vector<2048x32xf32>
    %get3A_13 = arith.constant 0 : index
    %get3A_14 = arith.constant 0 : index
    %get3A_15 = vector.load %arg3[%get3A_13, %get3A_14] : memref<1x32xf32, #tpu.memory_space<vmem>>, vector<1x32xf32>
    %add3A_16 = vector.broadcast %get3A_15 : vector<1x32xf32> to vector<2048x32xf32>
    %add3A_17 = arith.addf %mul3A_12, %add3A_16 : vector<2048x32xf32>
    %max3A = arith.constant 0.000000e+00 : f32
    %max3A_18 = vector.broadcast %max3A : f32 to vector<2048x32xf32>
    %max3A_19 = arith.maximumf %add3A_17, %max3A_18 : vector<2048x32xf32>
    %get3A_20 = arith.constant 0 : index
    %get3A_21 = arith.constant 0 : index
    %get3A_22 = vector.load %arg4[%get3A_20, %get3A_21] : memref<2048x128xf32, #tpu.memory_space<vmem>>, vector<2048x128xf32>
    %get3A_23 = arith.constant 0 : index
    %get3A_24 = arith.constant 0 : index
    %get3A_25 = vector.load %arg7[%get3A_23, %get3A_24] : memref<128x10xf32, #tpu.memory_space<vmem>>, vector<128x10xf32>
    %dot_general3A = arith.constant dense<0.000000e+00> : vector<2048x10xf32>
    %dot_general3A_26 = tpu.matmul %get3A_22, %get3A_25, %dot_general3A {dimension_numbers = #tpu.dot_dimension_numbers<[1], [0], [0], [1], [0, 0, 1, 1], [], []>, transpose_lhs_hint = false} : vector<2048x128xf32>, vector<128x10xf32>, vector<2048x10xf32> -> vector<2048x10xf32>
    %get3A_27 = arith.constant 0 : index
    %get3A_28 = arith.constant 0 : index
    %get3A_29 = vector.load %arg5[%get3A_27, %get3A_28] : memref<2048x32xf32, #tpu.memory_space<vmem>>, vector<2048x32xf32>
    %get3A_30 = arith.constant 0 : index
    %get3A_31 = arith.constant 0 : index
    %get3A_32 = vector.load %arg8[%get3A_30, %get3A_31] : memref<32x10xf32, #tpu.memory_space<vmem>>, vector<32x10xf32>
    %dot_general3A_33 = arith.constant dense<0.000000e+00> : vector<2048x10xf32>
    %dot_general3A_34 = tpu.matmul %get3A_29, %get3A_32, %dot_general3A_33 {dimension_numbers = #tpu.dot_dimension_numbers<[1], [0], [0], [1], [0, 0, 1, 1], [], []>, transpose_lhs_hint = false} : vector<2048x32xf32>, vector<32x10xf32>, vector<2048x10xf32> -> vector<2048x10xf32>
    %add3A_35 = arith.addf %dot_general3A_26, %dot_general3A_34 : vector<2048x10xf32>
    %get3A_36 = arith.constant 0 : index
    %get3A_37 = arith.constant 0 : index
    %get3A_38 = vector.load %arg6[%get3A_36, %get3A_37] : memref<2048x32xf32, #tpu.memory_space<vmem>>, vector<2048x32xf32>
    %get3A_39 = arith.constant 0 : index
    %get3A_40 = arith.constant 0 : index
    %get3A_41 = vector.load %arg9[%get3A_39, %get3A_40] : memref<32x10xf32, #tpu.memory_space<vmem>>, vector<32x10xf32>
    %dot_general3A_42 = arith.constant dense<0.000000e+00> : vector<2048x10xf32>
    %dot_general3A_43 = tpu.matmul %get3A_38, %get3A_41, %dot_general3A_42 {dimension_numbers = #tpu.dot_dimension_numbers<[1], [0], [0], [1], [0, 0, 1, 1], [], []>, transpose_lhs_hint = false} : vector<2048x32xf32>, vector<32x10xf32>, vector<2048x10xf32> -> vector<2048x10xf32>
    %add3A_44 = arith.addf %add3A_35, %dot_general3A_43 : vector<2048x10xf32>
    %get3A_45 = arith.constant 0 : index
    %get3A_46 = arith.constant 0 : index
    %get3A_47 = vector.load %arg10[%get3A_45, %get3A_46] : memref<32x10xf32, #tpu.memory_space<vmem>>, vector<32x10xf32>
    %dot_general3A_48 = arith.constant dense<0.000000e+00> : vector<2048x10xf32>
    %dot_general3A_49 = tpu.matmul %max3A_19, %get3A_47, %dot_general3A_48 {dimension_numbers = #tpu.dot_dimension_numbers<[1], [0], [0], [1], [0, 0, 1, 1], [], []>, transpose_lhs_hint = false} : vector<2048x32xf32>, vector<32x10xf32>, vector<2048x10xf32> -> vector<2048x10xf32>
    %add3A_50 = arith.addf %add3A_44, %dot_general3A_49 : vector<2048x10xf32>
    %get3A_51 = arith.constant 0 : index
    %get3A_52 = arith.constant 0 : index
    %get3A_53 = vector.load %arg11[%get3A_51, %get3A_52] : memref<1x10xf32, #tpu.memory_space<vmem>>, vector<1x10xf32>
    %add3A_54 = vector.broadcast %get3A_53 : vector<1x10xf32> to vector<2048x10xf32>
    %add3A_55 = arith.addf %add3A_50, %add3A_54 : vector<2048x10xf32>
    %reduce_max3A = arith.constant dense<0xFF800000> : vector<2048xf32>
    %reduce_max3A_56 = vector.multi_reduction <maximumf>, %add3A_55, %reduce_max3A [1] : vector<2048x10xf32> to vector<2048xf32>
    %broadcast_in_dim3A = vector.shape_cast %reduce_max3A_56 : vector<2048xf32> to vector<2048x1xf32>
    %sub3A = vector.broadcast %broadcast_in_dim3A : vector<2048x1xf32> to vector<2048x10xf32>
    %sub3A_57 = arith.subf %add3A_55, %sub3A : vector<2048x10xf32>
    %exp3A = math.exp %sub3A_57 : vector<2048x10xf32>
    %reduce_sum3A = arith.constant dense<0.000000e+00> : vector<2048xf32>
    %reduce_sum3A_58 = vector.multi_reduction <add>, %exp3A, %reduce_sum3A [1] : vector<2048x10xf32> to vector<2048xf32>
    %broadcast_in_dim3A_59 = vector.shape_cast %reduce_sum3A_58 : vector<2048xf32> to vector<2048x1xf32>
    %log3A = math.log %broadcast_in_dim3A_59 : vector<2048x1xf32>
    %add3A_60 = arith.addf %log3A, %broadcast_in_dim3A : vector<2048x1xf32>
    %sub3A_61 = vector.broadcast %add3A_60 : vector<2048x1xf32> to vector<2048x10xf32>
    %sub3A_62 = arith.subf %add3A_55, %sub3A_61 : vector<2048x10xf32>
    %swap3A = arith.constant 0 : index
    %swap3A_63 = arith.constant 0 : index
    %swap3A_64 = vector.load %arg12[%swap3A, %swap3A_63] : memref<2048x10xf32, #tpu.memory_space<vmem>>, vector<2048x10xf32>
    tpu.vector_store %arg12[%swap3A, %swap3A_63], %sub3A_62 {strides = array<i32>} : memref<2048x10xf32, #tpu.memory_space<vmem>>, vector<2048x10xf32>,
    return
  }
  func.func @transform_0(%arg0: i32) -> (i32, i32, i32) {
    %c0_i32 = arith.constant 0 : i32
    %c0_i32_0 = arith.constant 0 : i32
    %c0_i32_1 = arith.constant 0 : i32
    return %c0_i32, %arg0, %c0_i32_0 : i32, i32, i32
  }
  func.func @transform_1(%arg0: i32) -> (i32, i32) {
    %c0_i32 = arith.constant 0 : i32
    %c0_i32_0 = arith.constant 0 : i32
    return %arg0, %c0_i32 : i32, i32
  }
  func.func @transform_2(%arg0: i32) -> (i32, i32) {
    %c0_i32 = arith.constant 0 : i32
    %c0_i32_0 = arith.constant 0 : i32
    %c0_i32_1 = arith.constant 0 : i32
    return %c0_i32, %c0_i32_0 : i32, i32
  }
  func.func @transform_3(%arg0: i32) -> (i32, i32) {
    %c0_i32 = arith.constant 0 : i32
    %c0_i32_0 = arith.constant 0 : i32
    return %arg0, %c0_i32 : i32, i32
  }
  func.func @transform_4(%arg0: i32) -> (i32, i32) {
    %c0_i32 = arith.constant 0 : i32
    %c0_i32_0 = arith.constant 0 : i32
    return %arg0, %c0_i32 : i32, i32
  }
  func.func @transform_5(%arg0: i32) -> (i32, i32) {
    %c0_i32 = arith.constant 0 : i32
    %c0_i32_0 = arith.constant 0 : i32
    return %arg0, %c0_i32 : i32, i32
  }
  func.func @transform_6(%arg0: i32) -> (i32, i32) {
    %c0_i32 = arith.constant 0 : i32
    %c0_i32_0 = arith.constant 0 : i32
    %c0_i32_1 = arith.constant 0 : i32
    return %c0_i32, %c0_i32_0 : i32, i32
  }
  func.func @transform_7(%arg0: i32) -> (i32, i32) {
    %c0_i32 = arith.constant 0 : i32
    %c0_i32_0 = arith.constant 0 : i32
    %c0_i32_1 = arith.constant 0 : i32
    return %c0_i32, %c0_i32_0 : i32, i32
  }
  func.func @transform_8(%arg0: i32) -> (i32, i32) {
    %c0_i32 = arith.constant 0 : i32
    %c0_i32_0 = arith.constant 0 : i32
    %c0_i32_1 = arith.constant 0 : i32
    return %c0_i32, %c0_i32_0 : i32, i32
  }
  func.func @transform_9(%arg0: i32) -> (i32, i32) {
    %c0_i32 = arith.constant 0 : i32
    %c0_i32_0 = arith.constant 0 : i32
    %c0_i32_1 = arith.constant 0 : i32
    return %c0_i32, %c0_i32_0 : i32, i32
  }
  func.func @transform_10(%arg0: i32) -> (i32, i32) {
    %c0_i32 = arith.constant 0 : i32
    %c0_i32_0 = arith.constant 0 : i32
    %c0_i32_1 = arith.constant 0 : i32
    return %c0_i32, %c0_i32_0 : i32, i32
  }
  func.func @transform_11(%arg0: i32) -> (i32, i32) {
    %c0_i32 = arith.constant 0 : i32
    %c0_i32_0 = arith.constant 0 : i32
    return %arg0, %c0_i32 : i32, i32
  }
}

</mosaic_0001>

<sc_bundles>
// kernel: kernel.11.cloned.1.call-start
scs
__scs_entry_jumppad:
0x0: {  	(pc) =	sbr.rel $0x88, $3  }
0x1: {  	(tag) =	ssettag $0x0;
	lr =	simm.s32 $0x1  }
0x2: {  	[smem:$0x3F97] =	sst lr;
	_ =	strace $0xD0000000  }
0x3: {  	_ = 	snop  }
0x4: {  	_ = 	snop  }
0x5: {  	_ = 	snop  }
0x6: {  	_ = 	snop  }
0x7: {  	_ = 	snop  }
__scs_overlays_trampoline_lowered:
0x8: {  	[smem:$0x3FA6] =	sst s0  }
0x9: {  	[smem:$0x3FA7] =	sst s1  }
0xa: {  	[smem:$0x3FA8] =	sst s2  }
0xb: {  	[smem:$0x3FA9] =	sst s3  }
0xc: {  	[smem:$0x3FAA] =	sst s4  }
0xd: {  	[smem:$0x3FAB] =	sst s5  }
0xe: {  	[smem:$0x3FAC] =	sst s6  }
0xf: {  	[smem:$0x3FAD] =	sst s7  }
0x10: {  	[smem:$0x3FAE] =	sst s8  }
0x11: {  	[smem:$0x3FAF] =	sst s9;
	s0 =	simm.s32 @!p0 $0x0  }
0x12: {  	s1 =	sld [smem:$0x3F95];
	s0 =	simm.s32 @p0 $0x1  }
0x13: {  	[smem:$0x3FB0] =	sst s0;
	s0 =	simm.s32 @!p1 $0x0  }
0x14: {  	s2 =	sld [smem:$0x3F94];
	s0 =	simm.s32 @p1 $0x1  }
0x15: {  	[smem:$0x3FB1] =	sst s0;
	s0 =	simm.s32 @!p2 $0x0  }
0x16: {  	s3 =	sld [smem:$0x3FDB];
	s0 =	simm.s32 @p2 $0x1  }
0x17: {  	s4 =	simm.s32 $0x1BF5;
	[smem:$0x3FB3] =	sst s0  }
0x18: {  	s0 =	sld [smem:$0x3F96];
	_ =	swait.ge [sflag:s4], $0x0  }
0x19: {  	s7 =	sld [smem:$0x3F97]  }
0x1a: {  	s8 =	sadd.s32 $0xFFFFE003, lr  }
0x1b: {  	s9 =	sadd.s32 $0xFFFFFEF7, lr;
	s5 =	simm.s32 $0xFFFFFFFF;
	p2 =	slt.u32 s8, $0xFFFFF086  }
0x1c: {  	p1 =	slt.u32 s9, $0xF7A;
	s5 =	simm.s32 @!p2 $0x0  }
0x1d: {  	s5 =	simm.s32 @p1 $0x1;
	p0 =	seq.s32 s7, s2  }
0x1e: {  	s7 =	smul.u32 @!p0 $0xF7A, s2;
	p2 =	seq.s32 @!p0 s5, $0x0  }
0x1f: {  	s9 =	smul.u32 $0xF7A, s1;
	s8 =	simm.s32 @!p0 $0x1BF5;
	p2 =	por !p2, p0  }
0x20: {  	[sflag:s8] =	ssyncset.s32 @!p0 $0xFFFFF086;
	s6 =	sadd.s32 @!p0 s3, s7;
	s7 =	simm.s32 @!p0 $0x108  }
0x21: {  	s3 =	sadd.s32 s3, s9;
	s6 =	sadd.s32 @!p0 $0x88, s6;
	s7 =	simm.s32 @p2 $0x1082  }
0x22: {  	[simem:s7], [sflag:s8] =	dma.local @!p0 [hbm:s6], $0xF7A  }
0x23: {  	s9 =	sor.u32 $0xD0000000, s2;
	s6 =	simm.s32 $0x108;
	_ =	swait.ge @!p0 [sflag:s8], $0x0  }
0x24: {  	s3 =	sadd.s32 $0x88, s3;
	s6 =	simm.s32 @!p1 $0x1082;
	[sflag:s4] =	ssyncset.s32 $0xFFFFF086  }
0x25: {  	[simem:s6], [sflag:s4] =	dma.local [hbm:s3], $0xF7A  }
0x26: {  	[smem:$0x3F97] =	sst s1;
	(tag) =	ssettag s2;
	_ =	strace s9  }
0x27: {  	s1 =	sld [smem:$0x3FA7]  }
0x28: {  	s2 =	sld [smem:$0x3FA8]  }
0x29: {  	s4 =	sld [smem:$0x3FAA]  }
0x2a: {  	p0 =	seq.s32 s5, $0x0;
	s5 =	sld [smem:$0x3FAB]  }
0x2b: {  	s6 =	sld [smem:$0x3FAC]  }
0x2c: {  	s7 =	sld [smem:$0x3FAD]  }
0x2d: {  	s3 =	simm.s32 $0x108;
	s8 =	sld [smem:$0x3FAE]  }
0x2e: {  	s3 =	simm.s32 @!p0 $0x1082;
	s9 =	sld [smem:$0x3FAF]  }
0x2f: {  	lr =	sadd.s32 s0, s3;
	s0 =	sld [smem:$0x3FA6]  }
0x30: {  	s3 =	sld [smem:$0x3FA9]  }
0x31: {  	[smem:$0x3FB2] =	sst s10  }
0x32: {  	s10 =	sld [smem:$0x3FB0];
	_ =	sdelay $0x3  }
0x33: {  	p0 =	seq.s32 s10, $0x1;
	s10 =	sld [smem:$0x3FB2];
	_ =	sdelay $0x3  }
0x34: {  	[smem:$0x3FB2] =	sst s10  }
0x35: {  	s10 =	sld [smem:$0x3FB1];
	_ =	sdelay $0x3  }
0x36: {  	p1 =	seq.s32 s10, $0x1;
	s10 =	sld [smem:$0x3FB2];
	_ =	sdelay $0x3  }
0x37: {  	[smem:$0x3FB2] =	sst s10  }
0x38: {  	s10 =	sld [smem:$0x3FB3]  }
0x39: {  	_ = 	snop;
	(pc) =	sbr.ind lr, $3  }
0x3a: {  	_ = 	snop  }
0x3b: {  	_ = 	snop  }
0x3c: {  	p2 =	seq.s32 s10, $0x1;
	s10 =	sld [smem:$0x3FB2]  }
0x3d: {  	_ =	shalt  }
0x3e: {  	_ =	shalt  }
0x3f: {  	_ =	shalt  }
0x40: {  	_ =	shalt  }
0x41: {  	_ =	shalt  }
0x42: {  	_ =	shalt  }
0x43: {  	_ =	shalt  }
0x44: {  	_ =	shalt  }
0x45: {  	_ =	shalt  }
0x46: {  	_ =	shalt  }
0x47: {  	_ =	shalt  }
0x48: {  	_ =	shalt  }
0x49: {  	_ =	shalt  }
0x4a: {  	_ =	shalt  }
0x4b: {  	_ =	shalt  }
0x4c: {  	_ =	shalt  }
0x4d: {  	_ =	shalt  }
0x4e: {  	_ =	shalt  }
0x4f: {  	_ =	shalt  }
0x50: {  	_ =	shalt  }
0x51: {  	_ =	shalt  }
0x52: {  	_ =	shalt  }
0x53: {  	_ =	shalt  }
0x54: {  	_ =	shalt  }
0x55: {  	_ =	shalt  }
0x56: {  	_ =	shalt  }
0x57: {  	_ =	shalt  }
0x58: {  	_ =	shalt  }
0x59: {  	_ =	shalt  }
0x5a: {  	_ =	shalt  }
0x5b: {  	_ =	shalt  }
0x5c: {  	_ =	shalt  }
0x5d: {  	_ =	shalt  }
0x5e: {  	_ =	shalt  }
0x5f: {  	_ =	shalt  }
0x60: {  	_ =	shalt  }
0x61: {  	_ =	shalt  }
0x62: {  	_ =	shalt  }
0x63: {  	_ =	shalt  }
0x64: {  	_ =	shalt  }
0x65: {  	_ =	shalt  }
0x66: {  	_ =	shalt  }
0x67: {  	_ =	shalt  }
0x68: {  	_ =	shalt  }
0x69: {  	_ =	shalt  }
0x6a: {  	_ =	shalt  }
0x6b: {  	_ =	shalt  }
0x6c: {  	_ =	shalt  }
0x6d: {  	_ =	shalt  }
0x6e: {  	_ =	shalt  }
0x6f: {  	_ =	shalt  }
0x70: {  	_ =	shalt  }
0x71: {  	_ =	shalt  }
0x72: {  	_ =	shalt  }
0x73: {  	_ =	shalt  }
0x74: {  	_ =	shalt  }
0x75: {  	_ =	shalt  }
0x76: {  	_ =	shalt  }
0x77: {  	_ =	shalt  }
0x78: {  	_ =	shalt  }
0x79: {  	_ =	shalt  }
0x7a: {  	_ =	shalt  }
0x7b: {  	_ =	shalt  }
0x7c: {  	_ =	shalt  }
0x7d: {  	_ =	shalt  }
0x7e: {  	_ =	shalt  }
0x7f: {  	_ =	shalt  }
0x80: {  	_ =	shalt  }
0x81: {  	_ =	shalt  }
0x82: {  	_ =	shalt  }
0x83: {  	_ =	shalt  }
0x84: {  	_ =	shalt  }
0x85: {  	_ =	shalt  }
0x86: {  	_ =	shalt  }
0x87: {  	_ =	shalt  }
.Lfunc_end0:
.L_simem_size_0:
called_computation_lowered:
.L_overlay_start_0:
0x88: {  	s2 =	sld [smem:$0x3FD9]  }
0x89: {  	s3 =	sld [smem:$0x3FFE];
	_ =	sdelay $0x1  }
0x8a: {  	s1 =	srdreg.scid  }
0x8b: {  	s0 =	sand.u32 $0x1, s1  }
0x8c: {  	s17 =	sshll.u32 s0, $0xA;
	s2 =	sadd.s32 s3, s2  }
0x8d: {  	s2 =	sadd.s32 s2, s17  }
0x8e: {  	[smem:$0x3FBE] =	sst s2  }
0x8f: {  	_ = 	snop  }
0x90: {  	s2 =	sld [smem:$0x3FD0];
	(tm) =	ssettm $0x1  }
0x91: {  	s18 =	sld [smem:$0x3FFB];
	_ =	sdelay $0x3  }
0x92: {  	_ =	strace s18  }
0x93: {  	s3 =	sld [smem:$0x3FFC];
	_ =	sdelay $0x3  }
0x94: {  	_ =	strace s3  }
0x95: {  	s3 =	sld [smem:$0x3FFD];
	_ =	sdelay $0x3  }
0x96: {  	_ =	strace s3  }
0x97: {  	_ =	strace $0x8FFFFFFF  }
0x98: {  	s19 =	sld [smem:$0x3FDB];
	_ =	sdelay $0x1  }
0x99: {  	s4 =	simm.s32 $_scs_section_size  }
0x9a: {  	s5 =	simm.s32 $_size__tile_overlayer_lowered;
	s6 =	simm.s32 $_tile_overlayer_lowered  }
0x9b: {  	s22 =	simm.s32 $0x1BFF;
	s21 =	sshll.u32 s6, $0x1;
	s3 =	sadd.s32 s4, s19  }
0x9c: {  	s7 =	simm.s32 $0x0;
	s20 =	sshll.u32 s5, $0x1;
	s5 =	sadd.s32 s21, s3  }
0x9d: {  	[timem:s7], [sflag:s22] =	dma.local [hbm:s5], s20  }
0x9e: {  	_ =	swait.ge [sflag:s22], s20  }
0x9f: {  	s4 =	ssub.s32 $0x0, s20;
	[sflag:s22] =	ssyncset.done $0x0  }
0xa0: {  	[sflag:s22] =	ssyncadd.s32 s4;
	_ =	sdelay $0x1  }
0xa1: {  	s23 =	simm.s32 $0x1B8B  }
0xa2: {  	_ =	swait.ge [sflag:s23], $0x1  }
0xa3: {  	[sflag:s23] =	ssyncset.done $0x0  }
0xa4: {  	s25 =	simm.s32 $0x1B8E;
	s24 =	sld [smem:$0x3FFE];
	[sflag:s23] =	ssyncadd.s32 $0xFFFFFFFF  }
0xa5: {  	s26 =	simm.s32 $execute0_lowered;
	[smem:$0x3FD2] =	sst s25  }
0xa6: {  	s5 =	sshll.u32 s26, $0x1;
	_ =	strace $0x80000046;
	[dreg:$0x1] =	wrdreg $0xFFFFFFFF  }
0xa7: {  	s28 =	simm.s32 $_size_execute0_lowered;
	s3 =	sadd.s32 s3, s5;
	[dreg:$0x0] =	wrdreg $0x0  }
0xa8: {  	s5 =	sshll.u32 s28, $0x1;
	[dreg:$0x2] =	wrdreg s3  }
0xa9: {  	[dreg:$0x3] =	wrdreg s5  }
0xaa: {  	[dreg:$0x4] =	wrdreg $0xC0  }
0xab: {  	_ =	task [dreg:s7], $0x5FFFF  }
0xac: {  	[dreg:$0x1] =	wrdreg $0xFFFFFFFF  }
0xad: {  	[dreg:$0x0] =	wrdreg $0x60  }
0xae: {  	[dreg:$0x2] =	wrdreg s24  }
0xaf: {  	[dreg:$0x3] =	wrdreg s2  }
0xb0: {  	[dreg:$0x4] =	wrdreg $0x28000  }
0xb1: {  	[dreg:$0x5] =	wrdreg $0x9  }
0xb2: {  	_ =	task.clear_ibuf [dreg:s7], $0x6FFFF;
	_ =	strace $0x90000046  }
0xb3: {  	s29 =	simm.s32 $0x9;
	_ =	strace $0x80000048  }
0xb4: {  	_ =	swait.ge [sflag:s29], $0x1  }
0xb5: {  	[sflag:s29] =	ssyncadd.s32 $0xFFFFFFFF  }
0xb6: {  	_ =	strace $0x90000048  }
0xb7: {  	_ =	sfence  }
0xb8: {  	s30 =	sld [smem:$0x0];
	_ =	sdelay $0x2  }
0xb9: {  	s31 =	sshll.u32 s1, $0xD;
	s1 =	sshrl.u32 s1, $0x2  }
0xba: {  	s3 =	sand.u32 $0x4000, s31;
	s1 =	sadd.s32 s1, s30  }
0xbb: {  	s0 =	sor.u32 s3, s0;
	s1 =	sshll.u32 s1, $0x11  }
0xbc: {  	s0 =	sor.u32 s1, s0  }
0xbd: {  	s0 =	sadd.s32 $0x8F2B, s0  }
0xbe: {  	[sflag:s0] =	ssyncadd.remote.s32 $0x1  }
0xbf: {  	_ =	sfence.sel $0xFFFF  }
0xc0: {  	[dreg:$0x0] =	wrdreg $0xFFFFFFFF;
	(pc) =	sbr.abs _section_cstart, $3  }
0xc1: {  	[dreg:$0x1] =	wrdreg $0xFFFFFFFF  }
0xc2: {  	_ =	task.clear_ibuf [dreg:s7], $0x2FFFF;
	_ =	strace $0x9FFFFFFF  }
0xc3: {  	(tm) =	ssettm $0x7FFFFFFF  }
tec
execute0_lowered:
.L_overlay_start_1:
0x0: {  	(tag) =	ssettag $0x1  }
0x1: {  	s6 =	rddreg [dreg:$0x0]  }
0x2: {  	s7 =	rddreg [dreg:$0x1]  }
0x3: {  	s1 =	rddreg [dreg:$0x2]  }
0x4: {  	s0 =	rddreg [dreg:$0x3];
	s2 =	simm.s32 $0x0  }
0x5: {  	s3 =	srdreg.scid;
	s15 =	simm.s32 $0x0;
	[smem:$0x7FF] =	sst s2  }
0x6: {  	s5 =	sand.u32 $0x1, s3;
	s3 =	stileid.u32;
	s4 =	sadd.s32 $0x17A00, s6  }
0x7: {  	s13 =	sadd.s32 $0xDC40, s6;
	_ =	strace $0x80000047;
	s10 =	smul.u32 $0x280, s3  }
0x8: {  	s8 =	ssub.s32 $0x2, s5;
	s28 =	sshll.u32 s3, $0x1;
	s11 =	smul.u32 $0x2800, s5  }
0x9: {  	s29 =	sshll.u32 s3, $0x6;
	p0 =	sgt.u32 s3, $0x1;
	s9 =	sshrl.u32 s8, $0x1  }
0xa: {  	s8 =	ssub.s32 s8, s9;
	s9 =	sor.u32 s5, s28;
	s12 =	sadd.s32 s10, s1  }
0xb: {  	s5 =	sor.u32 $0x1C02, s29;
	s30 =	sadd.s32 s10, s11;
	s11 =	simm.s32 $0x80  }
0xc: {  	s31 =	smul.u32 $0x4E0, s9;
	s9 =	sshll.u32 s9, $0x4;
	s6 =	sshrl.u32 s30, $0x3  }
0xd: {  	s14 =	sor.u32 $0x9C00, s9;
	s6 =	sadd.s32 s7, s6;
	s7 =	smax.u32 s8, $0x1  }
0xe: {  	s8 =	sshrl.u32 s12, $0x3;
	s9 =	simm.s32 $0x2;
	s12 =	simm.s32 $0x2780  }
0xf: {  	v0 =	vimm.f32 $1.000000000e+00;
	s10 =	sadd.s32 s31, s13;
	s13 =	sadd.s32 @!p0 s13, s14;
	s14 =	simm.s32 $0x1  }
.LBB2_1:
0x10: {  	[tilespmem:$0x2780] =	vst v0  }
0x11: {  	[tilespmem:$0x2790] =	vst v0  }
0x12: {  	[tilespmem:$0x27A0] =	vst v0  }
0x13: {  	[tilespmem:$0x27B0] =	vst v0  }
0x14: {  	[tilespmem:$0x27C0] =	vst v0  }
0x15: {  	[tilespmem:$0x27D0] =	vst v0  }
0x16: {  	[tilespmem:$0x27E0] =	vst v0  }
0x17: {  	[tilespmem:$0x27F0] =	vst v0  }
0x18: {  	[spmem:s8], [sflag:s5] =	dma.local [hbm:s4], $0x50  }
0x19: {  	_ =	swait.ge [sflag:s9], $0x50  }
0x1a: {  	[sflag:s9] =	ssyncset.done $0x0  }
0x1b: {  	[sflag:s9] =	ssyncadd.s32 $0xFFFFFFB0  }
0x1c: {  	[bflag:$0x0] =	sbarrier.arrive $0xFFFF  }
0x1d: {  	[tilespmem:s2], [sflag:$0x2] =	stream.linear.gather [hbm4b:s10+s2], $0x2700, $0x38;
	[tilespmem:$0x2A80] =	vst v63  }
0x1e: {  	_ =	swait.ge [sflag:s9], $0x2700  }
0x1f: {  	[sflag:s9] =	ssyncset.done $0x0  }
0x20: {  	s16 =	simm.s32 $0x200;
	s17 =	simm.s32 $0x0;
	[sflag:s9] =	ssyncadd.s32 $0xFFFFD900  }
.LBB2_2:
0x21: {  	[spmem:s1] =	stream.indirect.scatter.add.f32 [tilespmem:s12], [sflag:$0x1], $0x1, s17, s11, $0xb8;
	[tilespmem:$0x2A80] =	vst v63  }
0x22: {  	s17 =	smov.u32 s16;
	p1 =	sne.s32 s16, $0x9A00  }
.Ltmp0:
0x23: {  	s16 =	sadd.s32 $0x200, s16;
	(pc) =	sbr.rel @p1 .LBB2_2-.Ltmp0, $2  }
0x24: {  	_ =	sdelay $0x2  }
0x25: {  	s17 =	sshra.s32 s17, $0x2  }
0x26: {  	[spmem:s1] =	stream.indirect.scatter.add.f32 [tilespmem:s12], [sflag:$0x1], $0x1, s17, s11, $0xb8;
	[tilespmem:$0x2A80] =	vst v63  }
0x27: {  	s16 =	simm.s32 @!p0 $0x0;
	s17 =	simm.s32 @!p0 $0x2700  }
0x28: {  	[tilespmem:s17], [sflag:$0x2] =	stream.linear.gather @!p0 [hbm4b:s13+s16], $0x80, $0x38;
	[tilespmem:$0x2A80] =	vst v63  }
0x29: {  	s16 =	simm.s32 @!p0 $0x2  }
0x2a: {  	_ =	swait.ge @!p0 [sflag:s16], $0x80  }
0x2b: {  	[sflag:s16] =	ssyncset.done @!p0 $0x0  }
0x2c: {  	s18 =	simm.s32 @!p0 $0x2780;
	[sflag:s16] =	ssyncadd.s32 @!p0 $0xFFFFFF80;
	s16 =	simm.s32 @!p0 $0x80  }
0x2d: {  	[spmem:s1] =	stream.indirect.scatter.add.f32 @!p0 [tilespmem:s18], [sflag:$0x1], $0x1, s17, s16, $0xb8;
	[tilespmem:$0x2A80] =	vst v63  }
0x2e: {  	_ =	swait.ge [sflag:s14], $0x80  }
0x2f: {  	s16 =	simm.s32 $0x4D;
	[sflag:s14] =	ssyncset.done $0x0  }
.LBB2_4:
0x30: {  	p1 =	sne.s32 s16, $0x1;
	s16 =	sadd.s32 $0xFFFFFFFF, s16;
	[sflag:s14] =	ssyncadd.s32 $0xFFFFFF80  }
.Ltmp1:
0x31: {  	(pc) =	sbr.rel @p1 .LBB2_4-.Ltmp1, $3  }
0x32: {  	_ =	sdelay $0x1  }
0x33: {  	_ =	swait.ge [sflag:s14], $0x80  }
0x34: {  	[sflag:s14] =	ssyncset.done $0x0  }
0x35: {  	[sflag:s14] =	ssyncadd.s32 $0xFFFFFF80;
	s16 =	simm.s32 @!p0 $0x1  }
0x36: {  	_ =	swait.ge @!p0 [sflag:s16], $0x80  }
0x37: {  	s15 =	sadd.s32 $0x1, s15;
	[sflag:s16] =	ssyncset.done @!p0 $0x0  }
0x38: {  	p1 =	sne.s32 s15, s7;
	[sflag:s16] =	ssyncadd.s32 @!p0 $0xFFFFFF80  }
.Ltmp2:
0x39: {  	[bflag:$0x0] =	sbarrier.arrive $0xFFFF;
	(pc) =	sbr.rel @p1 .LBB2_1-.Ltmp2, $4  }
0x3a: {  	[hbm:s6], [sflag:s5] =	dma.local [spmem:s8], $0x50  }
0x3b: {  	_ =	swait.ge [sflag:s9], $0x50  }
0x3c: {  	[sflag:s9] =	ssyncset.done $0x0  }
0x3d: {  	[sflag:s9] =	ssyncadd.s32 $0xFFFFFFB0  }
0x3e: {  	_ =	sfence.sel $0x180000  }
0x3f: {  	[bflag:$0x0] =	sbarrier.arrive $0xFFFF  }
0x40: {  	p0 =	sne.s32 s3, $0x0;
	_ =	strace $0x90000047  }
0x41: {  	s0 =	sadd.s32 @!p0 $0x100000, s0;
	[bflag:$0x2] =	sbarrier.arrive $0xFFFF  }
0x42: {  	[sflag:s0] =	ssyncadd.tile.s32 @!p0 $0x1;
	_ =	shalt  }
.Lfunc_end2:
_tile_overlayer_lowered:
.L_overlay_start_2:
0x43: {  	(tag) =	ssettag $0x2  }
0x44: {  	s0 =	rddreg [dreg:$0x0];
	s2 =	stileid.u32  }
0x45: {  	s1 =	rddreg [dreg:$0x1];
	p0 =	sne.s32 s2, $0x0  }
0x46: {  	s3 =	rddreg [dreg:$0x2];
	[bflag:$0x3] =	sbarrier.arrive $0xFFFF;
	s2 =	simm.s32 @!p0 $0x1C02  }
0x47: {  	[timem:s3], [sflag:s2] =	dma.local @!p0 [hbm:s0], s1  }
0x48: {  	s0 =	simm.s32 @!p0 $0x2  }
0x49: {  	_ =	swait.ge @!p0 [sflag:s0], s1  }
0x4a: {  	s1 =	ssub.s32 @!p0 $0x0, s1;
	[sflag:s0] =	ssyncset.done @!p0 $0x0  }
0x4b: {  	[sflag:s0] =	ssyncadd.s32 @!p0 s1  }
0x4c: {  	[bflag:$0x3] =	sbarrier.arrive $0xFFFF  }
0x4d: {  	_ =	shalt  }

// kernel: kernel.14.cloned.1.call-start
scs
__scs_entry_jumppad:
0x0: {  	(pc) =	sbr.rel $0x88, $3  }
0x1: {  	(tag) =	ssettag $0x0;
	lr =	simm.s32 $0x1  }
0x2: {  	[smem:$0x3F97] =	sst lr;
	_ =	strace $0xD0000000  }
0x3: {  	_ = 	snop  }
0x4: {  	_ = 	snop  }
0x5: {  	_ = 	snop  }
0x6: {  	_ = 	snop  }
0x7: {  	_ = 	snop  }
__scs_overlays_trampoline_lowered:
0x8: {  	[smem:$0x3FA6] =	sst s0  }
0x9: {  	[smem:$0x3FA7] =	sst s1  }
0xa: {  	[smem:$0x3FA8] =	sst s2  }
0xb: {  	[smem:$0x3FA9] =	sst s3  }
0xc: {  	[smem:$0x3FAA] =	sst s4  }
0xd: {  	[smem:$0x3FAB] =	sst s5  }
0xe: {  	[smem:$0x3FAC] =	sst s6  }
0xf: {  	[smem:$0x3FAD] =	sst s7  }
0x10: {  	[smem:$0x3FAE] =	sst s8  }
0x11: {  	[smem:$0x3FAF] =	sst s9;
	s0 =	simm.s32 @!p0 $0x0  }
0x12: {  	s1 =	sld [smem:$0x3F95];
	s0 =	simm.s32 @p0 $0x1  }
0x13: {  	[smem:$0x3FB0] =	sst s0;
	s0 =	simm.s32 @!p1 $0x0  }
0x14: {  	s2 =	sld [smem:$0x3F94];
	s0 =	simm.s32 @p1 $0x1  }
0x15: {  	[smem:$0x3FB1] =	sst s0;
	s0 =	simm.s32 @!p2 $0x0  }
0x16: {  	s3 =	sld [smem:$0x3FDB];
	s0 =	simm.s32 @p2 $0x1  }
0x17: {  	s4 =	simm.s32 $0x1BF5;
	[smem:$0x3FB3] =	sst s0  }
0x18: {  	s0 =	sld [smem:$0x3F96];
	_ =	swait.ge [sflag:s4], $0x0  }
0x19: {  	s7 =	sld [smem:$0x3F97]  }
0x1a: {  	s8 =	sadd.s32 $0xFFFFE003, lr  }
0x1b: {  	s9 =	sadd.s32 $0xFFFFFEF7, lr;
	s5 =	simm.s32 $0xFFFFFFFF;
	p2 =	slt.u32 s8, $0xFFFFF086  }
0x1c: {  	p1 =	slt.u32 s9, $0xF7A;
	s5 =	simm.s32 @!p2 $0x0  }
0x1d: {  	s5 =	simm.s32 @p1 $0x1;
	p0 =	seq.s32 s7, s2  }
0x1e: {  	s7 =	smul.u32 @!p0 $0xF7A, s2;
	p2 =	seq.s32 @!p0 s5, $0x0  }
0x1f: {  	s9 =	smul.u32 $0xF7A, s1;
	s8 =	simm.s32 @!p0 $0x1BF5;
	p2 =	por !p2, p0  }
0x20: {  	[sflag:s8] =	ssyncset.s32 @!p0 $0xFFFFF086;
	s6 =	sadd.s32 @!p0 s3, s7;
	s7 =	simm.s32 @!p0 $0x108  }
0x21: {  	s3 =	sadd.s32 s3, s9;
	s6 =	sadd.s32 @!p0 $0x88, s6;
	s7 =	simm.s32 @p2 $0x1082  }
0x22: {  	[simem:s7], [sflag:s8] =	dma.local @!p0 [hbm:s6], $0xF7A  }
0x23: {  	s9 =	sor.u32 $0xD0000000, s2;
	s6 =	simm.s32 $0x108;
	_ =	swait.ge @!p0 [sflag:s8], $0x0  }
0x24: {  	s3 =	sadd.s32 $0x88, s3;
	s6 =	simm.s32 @!p1 $0x1082;
	[sflag:s4] =	ssyncset.s32 $0xFFFFF086  }
0x25: {  	[simem:s6], [sflag:s4] =	dma.local [hbm:s3], $0xF7A  }
0x26: {  	[smem:$0x3F97] =	sst s1;
	(tag) =	ssettag s2;
	_ =	strace s9  }
0x27: {  	s1 =	sld [smem:$0x3FA7]  }
0x28: {  	s2 =	sld [smem:$0x3FA8]  }
0x29: {  	s4 =	sld [smem:$0x3FAA]  }
0x2a: {  	p0 =	seq.s32 s5, $0x0;
	s5 =	sld [smem:$0x3FAB]  }
0x2b: {  	s6 =	sld [smem:$0x3FAC]  }
0x2c: {  	s7 =	sld [smem:$0x3FAD]  }
0x2d: {  	s3 =	simm.s32 $0x108;
	s8 =	sld [smem:$0x3FAE]  }
0x2e: {  	s3 =	simm.s32 @!p0 $0x1082;
	s9 =	sld [smem:$0x3FAF]  }
0x2f: {  	lr =	sadd.s32 s0, s3;
	s0 =	sld [smem:$0x3FA6]  }
0x30: {  	s3 =	sld [smem:$0x3FA9]  }
0x31: {  	[smem:$0x3FB2] =	sst s10  }
0x32: {  	s10 =	sld [smem:$0x3FB0];
	_ =	sdelay $0x3  }
0x33: {  	p0 =	seq.s32 s10, $0x1;
	s10 =	sld [smem:$0x3FB2];
	_ =	sdelay $0x3  }
0x34: {  	[smem:$0x3FB2] =	sst s10  }
0x35: {  	s10 =	sld [smem:$0x3FB1];
	_ =	sdelay $0x3  }
0x36: {  	p1 =	seq.s32 s10, $0x1;
	s10 =	sld [smem:$0x3FB2];
	_ =	sdelay $0x3  }
0x37: {  	[smem:$0x3FB2] =	sst s10  }
0x38: {  	s10 =	sld [smem:$0x3FB3]  }
0x39: {  	_ = 	snop;
	(pc) =	sbr.ind lr, $3  }
0x3a: {  	_ = 	snop  }
0x3b: {  	_ = 	snop  }
0x3c: {  	p2 =	seq.s32 s10, $0x1;
	s10 =	sld [smem:$0x3FB2]  }
0x3d: {  	_ =	shalt  }
0x3e: {  	_ =	shalt  }
0x3f: {  	_ =	shalt  }
0x40: {  	_ =	shalt  }
0x41: {  	_ =	shalt  }
0x42: {  	_ =	shalt  }
0x43: {  	_ =	shalt  }
0x44: {  	_ =	shalt  }
0x45: {  	_ =	shalt  }
0x46: {  	_ =	shalt  }
0x47: {  	_ =	shalt  }
0x48: {  	_ =	shalt  }
0x49: {  	_ =	shalt  }
0x4a: {  	_ =	shalt  }
0x4b: {  	_ =	shalt  }
0x4c: {  	_ =	shalt  }
0x4d: {  	_ =	shalt  }
0x4e: {  	_ =	shalt  }
0x4f: {  	_ =	shalt  }
0x50: {  	_ =	shalt  }
0x51: {  	_ =	shalt  }
0x52: {  	_ =	shalt  }
0x53: {  	_ =	shalt  }
0x54: {  	_ =	shalt  }
0x55: {  	_ =	shalt  }
0x56: {  	_ =	shalt  }
0x57: {  	_ =	shalt  }
0x58: {  	_ =	shalt  }
0x59: {  	_ =	shalt  }
0x5a: {  	_ =	shalt  }
0x5b: {  	_ =	shalt  }
0x5c: {  	_ =	shalt  }
0x5d: {  	_ =	shalt  }
0x5e: {  	_ =	shalt  }
0x5f: {  	_ =	shalt  }
0x60: {  	_ =	shalt  }
0x61: {  	_ =	shalt  }
0x62: {  	_ =	shalt  }
0x63: {  	_ =	shalt  }
0x64: {  	_ =	shalt  }
0x65: {  	_ =	shalt  }
0x66: {  	_ =	shalt  }
0x67: {  	_ =	shalt  }
0x68: {  	_ =	shalt  }
0x69: {  	_ =	shalt  }
0x6a: {  	_ =	shalt  }
0x6b: {  	_ =	shalt  }
0x6c: {  	_ =	shalt  }
0x6d: {  	_ =	shalt  }
0x6e: {  	_ =	shalt  }
0x6f: {  	_ =	shalt  }
0x70: {  	_ =	shalt  }
0x71: {  	_ =	shalt  }
0x72: {  	_ =	shalt  }
0x73: {  	_ =	shalt  }
0x74: {  	_ =	shalt  }
0x75: {  	_ =	shalt  }
0x76: {  	_ =	shalt  }
0x77: {  	_ =	shalt  }
0x78: {  	_ =	shalt  }
0x79: {  	_ =	shalt  }
0x7a: {  	_ =	shalt  }
0x7b: {  	_ =	shalt  }
0x7c: {  	_ =	shalt  }
0x7d: {  	_ =	shalt  }
0x7e: {  	_ =	shalt  }
0x7f: {  	_ =	shalt  }
0x80: {  	_ =	shalt  }
0x81: {  	_ =	shalt  }
0x82: {  	_ =	shalt  }
0x83: {  	_ =	shalt  }
0x84: {  	_ =	shalt  }
0x85: {  	_ =	shalt  }
0x86: {  	_ =	shalt  }
0x87: {  	_ =	shalt  }
.Lfunc_end0:
.L_simem_size_0:
called_computation.1_lowered:
.L_overlay_start_0:
0x88: {  	s2 =	sld [smem:$0x3FD9]  }
0x89: {  	s3 =	sld [smem:$0x3FFE];
	_ =	sdelay $0x1  }
0x8a: {  	s1 =	srdreg.scid  }
0x8b: {  	s0 =	sand.u32 $0x1, s1  }
0x8c: {  	s17 =	sshll.u32 s0, $0xA;
	s2 =	sadd.s32 s3, s2  }
0x8d: {  	s2 =	sadd.s32 s2, s17  }
0x8e: {  	[smem:$0x3FBE] =	sst s2  }
0x8f: {  	_ = 	snop  }
0x90: {  	s2 =	sld [smem:$0x3FD0];
	(tm) =	ssettm $0x1  }
0x91: {  	s18 =	sld [smem:$0x3FFB];
	_ =	sdelay $0x3  }
0x92: {  	_ =	strace s18  }
0x93: {  	s3 =	sld [smem:$0x3FFC];
	_ =	sdelay $0x3  }
0x94: {  	_ =	strace s3  }
0x95: {  	s3 =	sld [smem:$0x3FFD];
	_ =	sdelay $0x3  }
0x96: {  	_ =	strace s3  }
0x97: {  	_ =	strace $0x8FFFFFFF  }
0x98: {  	s19 =	sld [smem:$0x3FDB];
	_ =	sdelay $0x1  }
0x99: {  	s4 =	simm.s32 $_scs_section_size  }
0x9a: {  	s5 =	simm.s32 $_size__tile_overlayer_lowered;
	s6 =	simm.s32 $_tile_overlayer_lowered  }
0x9b: {  	s22 =	simm.s32 $0x1BFF;
	s21 =	sshll.u32 s6, $0x1;
	s3 =	sadd.s32 s4, s19  }
0x9c: {  	s7 =	simm.s32 $0x0;
	s20 =	sshll.u32 s5, $0x1;
	s5 =	sadd.s32 s21, s3  }
0x9d: {  	[timem:s7], [sflag:s22] =	dma.local [hbm:s5], s20  }
0x9e: {  	_ =	swait.ge [sflag:s22], s20  }
0x9f: {  	s4 =	ssub.s32 $0x0, s20;
	[sflag:s22] =	ssyncset.done $0x0  }
0xa0: {  	[sflag:s22] =	ssyncadd.s32 s4;
	_ =	sdelay $0x1  }
0xa1: {  	s23 =	simm.s32 $0x1B8B  }
0xa2: {  	_ =	swait.ge [sflag:s23], $0x1  }
0xa3: {  	[sflag:s23] =	ssyncset.done $0x0  }
0xa4: {  	s25 =	simm.s32 $0x1B8E;
	s24 =	sld [smem:$0x3FFE];
	[sflag:s23] =	ssyncadd.s32 $0xFFFFFFFF  }
0xa5: {  	s26 =	simm.s32 $execute0_lowered;
	[smem:$0x3FD2] =	sst s25  }
0xa6: {  	s5 =	sshll.u32 s26, $0x1;
	_ =	strace $0x80000049;
	[dreg:$0x1] =	wrdreg $0xFFFFFFFF  }
0xa7: {  	s28 =	simm.s32 $_size_execute0_lowered;
	s3 =	sadd.s32 s3, s5;
	[dreg:$0x0] =	wrdreg $0x0  }
0xa8: {  	s5 =	sshll.u32 s28, $0x1;
	[dreg:$0x2] =	wrdreg s3  }
0xa9: {  	[dreg:$0x3] =	wrdreg s5  }
0xaa: {  	[dreg:$0x4] =	wrdreg $0xC0  }
0xab: {  	_ =	task [dreg:s7], $0x5FFFF  }
0xac: {  	[dreg:$0x1] =	wrdreg $0xFFFFFFFF  }
0xad: {  	[dreg:$0x0] =	wrdreg $0x60  }
0xae: {  	[dreg:$0x2] =	wrdreg s24  }
0xaf: {  	[dreg:$0x3] =	wrdreg s2  }
0xb0: {  	[dreg:$0x4] =	wrdreg $0xBB000  }
0xb1: {  	[dreg:$0x5] =	wrdreg $0x10B000  }
0xb2: {  	[dreg:$0x6] =	wrdreg $0x9  }
0xb3: {  	_ =	task.clear_ibuf [dreg:s7], $0x7FFFF;
	_ =	strace $0x90000049  }
0xb4: {  	s29 =	simm.s32 $0x9;
	_ =	strace $0x8000004B  }
0xb5: {  	_ =	swait.ge [sflag:s29], $0x1  }
0xb6: {  	[sflag:s29] =	ssyncadd.s32 $0xFFFFFFFF  }
0xb7: {  	_ =	strace $0x9000004B  }
0xb8: {  	_ =	sfence  }
0xb9: {  	s30 =	sld [smem:$0x0];
	_ =	sdelay $0x2  }
0xba: {  	s31 =	sshll.u32 s1, $0xD;
	s1 =	sshrl.u32 s1, $0x2  }
0xbb: {  	s3 =	sand.u32 $0x4000, s31;
	s1 =	sadd.s32 s1, s30  }
0xbc: {  	s0 =	sor.u32 s3, s0;
	s1 =	sshll.u32 s1, $0x11  }
0xbd: {  	s0 =	sor.u32 s1, s0  }
0xbe: {  	s0 =	sadd.s32 $0x8F2B, s0  }
0xbf: {  	[sflag:s0] =	ssyncadd.remote.s32 $0x1  }
0xc0: {  	_ =	sfence.sel $0xFFFF  }
0xc1: {  	[dreg:$0x0] =	wrdreg $0xFFFFFFFF;
	(pc) =	sbr.abs _section_cstart, $3  }
0xc2: {  	[dreg:$0x1] =	wrdreg $0xFFFFFFFF  }
0xc3: {  	_ =	task.clear_ibuf [dreg:s7], $0x2FFFF;
	_ =	strace $0x9FFFFFFF  }
0xc4: {  	(tm) =	ssettm $0x7FFFFFFF  }
0xc5: {  	_ =	shalt  }
tec
execute0_lowered:
.L_overlay_start_1:
0x0: {  	(tag) =	ssettag $0x1  }
0x1: {  	s0 =	rddreg [dreg:$0x0]  }
0x2: {  	s3 =	rddreg [dreg:$0x2];
	s1 =	srdreg.scid  }
0x3: {  	s15 =	stileid.u32;
	s4 =	rddreg [dreg:$0x3]  }
0x4: {  	s5 =	simm.s32 $0x0;
	s29 =	simm.s32 $0x8B00;
	s31 =	simm.s32 $0x9B00  }
0x5: {  	s28 =	simm.s32 $0x6;
	s30 =	simm.s32 $0x9;
	s2 =	smul.u32 $0x5000, s15  }
0x6: {  	s1 =	sand.u32 $0x1, s1;
	[smem:$0x7FF] =	sst s5;
	s11 =	smul.u32 $0x2100, s15  }
0x7: {  	s8 =	sadd.s32 $0x4000, s0;
	s19 =	sshll.u32 s15, $0x6;
	s14 =	smul.u32 $0x5A0, s15  }
0x8: {  	s20 =	sadd.s32 $0xDC40, s0;
	p1 =	slt.u32 s15, $0x4;
	s21 =	sshll.u32 s15, $0x4  }
0x9: {  	s6 =	smul.u32 $0x50000, s1;
	_ =	strace $0x8000004A;
	s9 =	ssub.s32 $0x2, s1  }
0xa: {  	p0 =	seq.s32 s1, $0x0;
	[dreg:$0x8] =	wrdreg s20;
	s18 =	sshrl.u32 s9, $0x1  }
0xb: {  	s12 =	sadd.s32 s2, s3;
	s13 =	sshrl.u32 s2, $0x3;
	s11 =	sshrl.u32 s11, $0x3  }
0xc: {  	s22 =	sadd.s32 s8, s14;
	p0 =	por !p0, !p1;
	p1 =	sne.s32 s1, $0x0  }
0xd: {  	s26 =	sadd.s32 s14, s20;
	s1 =	simm.s32 $0x1;
	s20 =	simm.s32 $0x8  }
0xe: {  	s14 =	simm.s32 $0xC;
	s7 =	sadd.s32 s2, s6;
	s6 =	sadd.s32 $0x17A00, s0  }
0xf: {  	s9 =	ssub.s32 s9, s18;
	s2 =	sadd.s32 s2, s4;
	s11 =	sadd.s32 $0x5A00, s11  }
0x10: {  	[dreg:$0x9] =	wrdreg s22;
	p0 =	por !p0, !p0;
	s17 =	sshrl.u32 s12, $0x3  }
0x11: {  	s18 =	simm.s32 $0xD;
	[dreg:$0xf] =	wrdreg s26;
	s22 =	simm.s32 $0x80  }
0x12: {  	s26 =	simm.s32 $0x7B00;
	s12 =	simm.s32 $0x3;
	s7 =	sshrl.u32 s7, $0x3  }
0x13: {  	s13 =	sadd.s32 s6, s13;
	[dreg:$0x6] =	wrdreg s11;
	s11 =	sadd.s32 s8, s11  }
0x14: {  	s24 =	smax.u32 s9, $0x1;
	s25 =	sshrl.u32 s2, $0x3;
	[dreg:$0x5] =	wrdreg s13  }
0x15: {  	s9 =	simm.s32 $0x7;
	s2 =	simm.s32 $0xA;
	[dreg:$0x7] =	wrdreg s11  }
0x16: {  	s10 =	sadd.s32 s7, s0;
	s7 =	sor.u32 $0x1C0D, s19;
	[dreg:$0xd] =	wrdreg s24  }
.Ltmp0:
0x17: {  	s0 =	sor.u32 $0x9C00, s21;
	[dreg:$0xe] =	wrdreg s25;
	(pc) =	sbr.rel .LBB2_1-.Ltmp0, $4  }
0x18: {  	s24 =	simm.s32 $0x6B00;
	s21 =	simm.s32 $0x4;
	s25 =	simm.s32 $0x5  }
0x19: {  	[dreg:$0xa] =	wrdreg s0;
	s0 =	sadd.s32 s8, s0;
	s23 =	sadd.s32 $0x21A00, s10  }
0x1a: {  	s10 =	simm.s32 $0x2;
	s8 =	simm.s32 $0xB;
	[dreg:$0xb] =	wrdreg s0  }
0x1b: {  	[dreg:$0xc] =	wrdreg s23;
	s23 =	simm.s32 $0x5B00;
	s0 =	simm.s32 $0xAB00  }
.LBB2_8:
0x1c: {  	_ =	swait.ge [sflag:s20], $0x1000  }
0x1d: {  	[sflag:s20] =	ssyncset.done $0x0  }
0x1e: {  	[sflag:s20] =	ssyncadd.s32 $0xFFFFF000  }
0x1f: {  	_ =	swait.ge [sflag:s30], $0x1000  }
0x20: {  	[sflag:s30] =	ssyncset.done $0x0  }
0x21: {  	[sflag:s30] =	ssyncadd.s32 $0xFFFFF000  }
0x22: {  	_ =	swait.ge [sflag:s2], $0x1000  }
0x23: {  	[sflag:s2] =	ssyncset.done $0x0  }
0x24: {  	[sflag:s2] =	ssyncadd.s32 $0xFFFFF000  }
0x25: {  	_ =	swait.ge [sflag:s8], $0x1000  }
0x26: {  	[sflag:s8] =	ssyncset.done $0x0  }
0x27: {  	[sflag:s8] =	ssyncadd.s32 $0xFFFFF000  }
0x28: {  	_ =	swait.ge [sflag:s14], $0x1000  }
0x29: {  	[sflag:s14] =	ssyncset.done $0x0  }
0x2a: {  	[sflag:s14] =	ssyncadd.s32 $0xFFFFF000  }
.LBB2_9:
0x2b: {  	s15 =	simm.s32 @p0 $0x0  }
0x2c: {  	s16 =	simm.s32 @p0 $0x5A00;
	s11 =	rddreg [dreg:$0xb];
	s19 =	simm.s32 @p0 $0xD  }
0x2d: {  	[tilespmem:s16], [sflag:$0xD] =	stream.linear.gather @p0 [hbm4b:s11+s15], $0x80, $0x38;
	[tilespmem:$0x15B00] =	vst v63  }
0x2e: {  	_ =	swait.ge @p0 [sflag:s19], $0x80  }
0x2f: {  	s11 =	rddreg [dreg:$0x8]  }
0x30: {  	[sflag:s19] =	ssyncset.done @p0 $0x0;
	s13 =	rddreg [dreg:$0xa]  }
0x31: {  	[sflag:s19] =	ssyncadd.s32 @p0 $0xFFFFFF80;
	s13 =	sadd.s32 @p0 s13, s11;
	s11 =	simm.s32 @p0 $0x5A80  }
0x32: {  	[tilespmem:s11], [sflag:$0xD] =	stream.linear.gather @p0 [hbm4b:s13+s15], $0x80, $0x38;
	[tilespmem:$0x15B00] =	vst v63  }
0x33: {  	_ =	swait.ge @p0 [sflag:s19], $0x80  }
0x34: {  	[sflag:s19] =	ssyncset.done @p0 $0x0  }
0x35: {  	s13 =	simm.s32 @p0 $0x80;
	s15 =	simm.s32 @p0 $0x5B00;
	[sflag:s19] =	ssyncadd.s32 @p0 $0xFFFFFF80  }
0x36: {  	[tilespmem:s15], [sflag:$0x1] =	stream.indirect.gather @p0 [hbm4b:s6+s13], $0x20, s16, s13, $0xb8;
	[tilespmem:$0x15B00] =	vst v63  }
0x37: {  	s16 =	simm.s32 @p0 $0x1  }
0x38: {  	_ =	swait.ge @p0 [sflag:s16], $0x1000  }
0x39: {  	[sflag:s16] =	ssyncset.done @p0 $0x0  }
0x3a: {  	[sflag:s16] =	ssyncadd.s32 @p0 $0xFFFFF000  }
0x3b: {  	[spmem:s3] =	stream.indirect.scatter.add.f32 @p0 [tilespmem:s15], [sflag:$0xD], $0x20, s11, s13, $0xb8;
	[tilespmem:$0x15B00] =	vst v63  }
0x3c: {  	_ =	swait.ge @p0 [sflag:s19], $0x1000  }
0x3d: {  	[sflag:s19] =	ssyncset.done @p0 $0x0  }
0x3e: {  	[sflag:s19] =	ssyncadd.s32 @p0 $0xFFFFF000  }
0x3f: {  	[bflag:$0x0] =	sbarrier.arrive $0xFFFF  }
0x40: {  	s16 =	rddreg [dreg:$0xc]  }
0x41: {  	[hbm:s16], [sflag:s7] =	dma.local [spmem:s17], $0xA00  }
0x42: {  	_ =	swait.ge [sflag:s18], $0xA00  }
0x43: {  	s5 =	sadd.s32 $0x1, s5;
	s19 =	rddreg [dreg:$0xd]  }
0x44: {  	p2 =	sne.s32 s5, s19  }
.Ltmp1:
0x45: {  	_ = 	snop;
	(pc) =	sbr.rel @!p2 .LBB2_10-.Ltmp1, $3  }
0x46: {  	_ =	sdelay $0x1  }
0x47: {  	[sflag:s18] =	ssyncset.done $0x0  }
0x48: {  	[sflag:s18] =	ssyncadd.s32 $0xFFFFF600  }
.LBB2_1:
0x49: {  	s11 =	rddreg [dreg:$0x1]  }
0x4a: {  	[spmem:s17], [sflag:s7] =	dma.local [hbm:s11], $0xA00  }
0x4b: {  	_ =	swait.ge [sflag:s18], $0xA00  }
0x4c: {  	[sflag:s18] =	ssyncset.done $0x0;
	s19 =	rddreg [dreg:$0x5]  }
0x4d: {  	s13 =	rddreg [dreg:$0xe];
	[sflag:s18] =	ssyncadd.s32 $0xFFFFF600  }
0x4e: {  	[spmem:s13], [sflag:s7] =	dma.local [hbm:s19], $0xA00  }
.Ltmp2:
0x4f: {  	_ =	swait.ge [sflag:s18], $0xA00;
	(pc) =	sbr.rel @p1 .LBB2_5-.Ltmp2, $4  }
0x50: {  	[sflag:s18] =	ssyncset.done $0x0  }
0x51: {  	[sflag:s18] =	ssyncadd.s32 $0xFFFFF600  }
0x52: {  	[bflag:$0x0] =	sbarrier.arrive $0xFFFF  }
0x53: {  	s15 =	simm.s32 $0x0  }
0x54: {  	s11 =	rddreg [dreg:$0x9]  }
0x55: {  	[tilespmem:s15], [sflag:$0xD] =	stream.linear.gather [hbm4b:s11+s15], $0x2D00, $0x38;
	[tilespmem:$0x15B00] =	vst v63  }
0x56: {  	_ =	swait.ge [sflag:s18], $0x2D00  }
0x57: {  	[sflag:s18] =	ssyncset.done $0x0  }
0x58: {  	s13 =	simm.s32 $0x2D00;
	s16 =	rddreg [dreg:$0xf];
	[sflag:s18] =	ssyncadd.s32 $0xFFFFD300  }
0x59: {  	[tilespmem:s13], [sflag:$0xD] =	stream.linear.gather [hbm4b:s16+s15], $0x2D00, $0x38;
	[tilespmem:$0x15B00] =	vst v63  }
0x5a: {  	_ =	swait.ge [sflag:s18], $0x2D00  }
0x5b: {  	[sflag:s18] =	ssyncset.done $0x0  }
0x5c: {  	[sflag:s18] =	ssyncadd.s32 $0xFFFFD300  }
0x5d: {  	[tilespmem:s23], [sflag:$0x1] =	stream.indirect.gather [hbm4b:s6+s22], $0x20, s15, s22, $0xb8;
	[tilespmem:$0x15B00] =	vst v63  }
0x5e: {  	_ = 	snop  }
0x5f: {  	[tilespmem:s24], [sflag:$0x2] =	stream.indirect.gather [hbm4b:s6+s22], $0x20, s22, s22, $0xb8;
	[tilespmem:$0x15B00] =	vst v63  }
0x60: {  	s19 =	simm.s32 $0x100  }
0x61: {  	[tilespmem:s26], [sflag:$0x3] =	stream.indirect.gather [hbm4b:s6+s22], $0x20, s19, s22, $0xb8;
	[tilespmem:$0x15B00] =	vst v63  }
0x62: {  	s13 =	simm.s32 $0x180  }
0x63: {  	[tilespmem:s29], [sflag:$0x4] =	stream.indirect.gather [hbm4b:s6+s22], $0x20, s13, s22, $0xb8;
	[tilespmem:$0x15B00] =	vst v63  }
0x64: {  	s16 =	simm.s32 $0x200  }
0x65: {  	[tilespmem:s31], [sflag:$0x5] =	stream.indirect.gather [hbm4b:s6+s22], $0x20, s16, s22, $0xb8;
	[tilespmem:$0x15B00] =	vst v63  }
0x66: {  	s19 =	simm.s32 $0x280  }
0x67: {  	[tilespmem:s0], [sflag:$0x6] =	stream.indirect.gather [hbm4b:s6+s22], $0x20, s19, s22, $0xb8;
	[tilespmem:$0x15B00] =	vst v63  }
.LBB2_3:
0x68: {  	_ =	swait.ge [sflag:s1], $0x1000  }
0x69: {  	s16 =	sshra.s32 s15, $0x2;
	[sflag:s1] =	ssyncset.done $0x0  }
0x6a: {  	s19 =	sadd.s32 $0x2D00, s16;
	[sflag:s1] =	ssyncadd.s32 $0xFFFFF000  }
0x6b: {  	[spmem:s3] =	stream.indirect.scatter.add.f32 [tilespmem:s23], [sflag:$0x7], $0x20, s19, s22, $0xb8;
	[tilespmem:$0x15B00] =	vst v63  }
0x6c: {  	_ =	swait.ge [sflag:s10], $0x1000  }
0x6d: {  	[sflag:s10] =	ssyncset.done $0x0  }
0x6e: {  	s13 =	sadd.s32 $0x2D80, s16;
	[sflag:s10] =	ssyncadd.s32 $0xFFFFF000  }
0x6f: {  	[spmem:s3] =	stream.indirect.scatter.add.f32 [tilespmem:s24], [sflag:$0x8], $0x20, s13, s22, $0xb8;
	[tilespmem:$0x15B00] =	vst v63  }
0x70: {  	_ =	swait.ge [sflag:s12], $0x1000  }
0x71: {  	[sflag:s12] =	ssyncset.done $0x0  }
0x72: {  	s11 =	sadd.s32 $0x2E00, s16;
	[sflag:s12] =	ssyncadd.s32 $0xFFFFF000  }
0x73: {  	[spmem:s3] =	stream.indirect.scatter.add.f32 [tilespmem:s26], [sflag:$0x9], $0x20, s11, s22, $0xb8;
	[tilespmem:$0x15B00] =	vst v63  }
0x74: {  	_ =	swait.ge [sflag:s21], $0x1000  }
0x75: {  	[sflag:s21] =	ssyncset.done $0x0  }
0x76: {  	s13 =	sadd.s32 $0x2E80, s16;
	[sflag:s21] =	ssyncadd.s32 $0xFFFFF000  }
0x77: {  	[spmem:s3] =	stream.indirect.scatter.add.f32 [tilespmem:s29], [sflag:$0xA], $0x20, s13, s22, $0xb8;
	[tilespmem:$0x15B00] =	vst v63  }
0x78: {  	_ =	swait.ge [sflag:s25], $0x1000  }
0x79: {  	[sflag:s25] =	ssyncset.done $0x0  }
0x7a: {  	s11 =	sadd.s32 $0x2F00, s16;
	[sflag:s25] =	ssyncadd.s32 $0xFFFFF000  }
0x7b: {  	[spmem:s3] =	stream.indirect.scatter.add.f32 [tilespmem:s31], [sflag:$0xB], $0x20, s11, s22, $0xb8;
	[tilespmem:$0x15B00] =	vst v63  }
0x7c: {  	_ =	swait.ge [sflag:s28], $0x1000  }
0x7d: {  	p2 =	seq.s32 s15, $0xA800;
	[sflag:s28] =	ssyncset.done $0x0  }
.Ltmp3:
0x7e: {  	s13 =	sadd.s32 $0x2F80, s16;
	[sflag:s28] =	ssyncadd.s32 $0xFFFFF000;
	(pc) =	sbr.rel @p2 .LBB2_8-.Ltmp3, $4  }
0x7f: {  	[spmem:s3] =	stream.indirect.scatter.add.f32 [tilespmem:s0], [sflag:$0xC], $0x20, s13, s22, $0xb8;
	[tilespmem:$0x15B00] =	vst v63  }
0x80: {  	_ =	swait.ge [sflag:s9], $0x1000  }
0x81: {  	[sflag:s9] =	ssyncset.done $0x0  }
0x82: {  	[sflag:s9] =	ssyncadd.s32 $0xFFFFF000  }
0x83: {  	s19 =	sadd.s32 $0x300, s16  }
0x84: {  	[tilespmem:s23], [sflag:$0x1] =	stream.indirect.gather [hbm4b:s6+s22], $0x20, s19, s22, $0xb8;
	[tilespmem:$0x15B00] =	vst v63  }
0x85: {  	_ =	swait.ge [sflag:s20], $0x1000  }
0x86: {  	[sflag:s20] =	ssyncset.done $0x0  }
0x87: {  	s11 =	sadd.s32 $0x380, s16;
	[sflag:s20] =	ssyncadd.s32 $0xFFFFF000  }
0x88: {  	[tilespmem:s24], [sflag:$0x2] =	stream.indirect.gather [hbm4b:s6+s22], $0x20, s11, s22, $0xb8;
	[tilespmem:$0x15B00] =	vst v63  }
0x89: {  	_ =	swait.ge [sflag:s30], $0x1000  }
0x8a: {  	[sflag:s30] =	ssyncset.done $0x0  }
0x8b: {  	s13 =	sadd.s32 $0x400, s16;
	[sflag:s30] =	ssyncadd.s32 $0xFFFFF000  }
0x8c: {  	[tilespmem:s26], [sflag:$0x3] =	stream.indirect.gather [hbm4b:s6+s22], $0x20, s13, s22, $0xb8;
	[tilespmem:$0x15B00] =	vst v63  }
0x8d: {  	_ =	swait.ge [sflag:s2], $0x1000  }
0x8e: {  	[sflag:s2] =	ssyncset.done $0x0  }
0x8f: {  	s11 =	sadd.s32 $0x480, s16;
	[sflag:s2] =	ssyncadd.s32 $0xFFFFF000  }
0x90: {  	[tilespmem:s29], [sflag:$0x4] =	stream.indirect.gather [hbm4b:s6+s22], $0x20, s11, s22, $0xb8;
	[tilespmem:$0x15B00] =	vst v63  }
0x91: {  	_ =	swait.ge [sflag:s8], $0x1000  }
0x92: {  	s15 =	sadd.s32 $0xC00, s15;
	[sflag:s8] =	ssyncset.done $0x0  }
0x93: {  	p2 =	seq.s32 s15, $0xB400;
	s13 =	sadd.s32 $0x500, s16;
	[sflag:s8] =	ssyncadd.s32 $0xFFFFF000  }
0x94: {  	[tilespmem:s31], [sflag:$0x5] =	stream.indirect.gather [hbm4b:s6+s22], $0x20, s13, s22, $0xb8;
	[tilespmem:$0x15B00] =	vst v63  }
.Ltmp4:
0x95: {  	_ = 	snop;
	(pc) =	sbr.rel @!p2 .LBB2_3-.Ltmp4, $4  }
.Ltmp5:
0x96: {  	_ =	swait.ge [sflag:s14], $0x1000;
	(pc) =	sbr.rel @p2 .LBB2_9-.Ltmp5, $4  }
0x97: {  	[sflag:s14] =	ssyncset.done $0x0  }
0x98: {  	s19 =	sadd.s32 $0x580, s16;
	[sflag:s14] =	ssyncadd.s32 $0xFFFFF000  }
0x99: {  	[tilespmem:s0], [sflag:$0x6] =	stream.indirect.gather [hbm4b:s6+s22], $0x20, s19, s22, $0xb8;
	[tilespmem:$0x15B00] =	vst v63  }
0x9a: {  	_ = 	snop  }
.LBB2_5:
0x9b: {  	s11 =	rddreg [dreg:$0x7]  }
0x9c: {  	[tilespmem:s15], [sflag:$0xD] =	stream.linear.gather [hbm4b:s11+s15], $0x2100, $0x38;
	[tilespmem:$0x15B00] =	vst v63  }
0x9d: {  	_ =	swait.ge [sflag:s18], $0x2100  }
0x9e: {  	s19 =	rddreg [dreg:$0x6]  }
0x9f: {  	[sflag:s18] =	ssyncset.done $0x0;
	s13 =	rddreg [dreg:$0x8]  }
0xa0: {  	[sflag:s18] =	ssyncadd.s32 $0xFFFFDF00;
	s16 =	sadd.s32 s19, s13;
	s13 =	simm.s32 $0x2D00  }
0xa1: {  	[tilespmem:s13], [sflag:$0xD] =	stream.linear.gather [hbm4b:s16+s15], $0x2100, $0x38;
	[tilespmem:$0x15B00] =	vst v63  }
0xa2: {  	_ =	swait.ge [sflag:s18], $0x2100  }
0xa3: {  	[sflag:s18] =	ssyncset.done $0x0  }
0xa4: {  	[sflag:s18] =	ssyncadd.s32 $0xFFFFDF00  }
0xa5: {  	[tilespmem:s23], [sflag:$0x1] =	stream.indirect.gather [spmem:s4], $0x20, s15, s22, $0xb8;
	[tilespmem:$0x15B00] =	vst v63  }
0xa6: {  	_ = 	snop  }
0xa7: {  	[tilespmem:s24], [sflag:$0x2] =	stream.indirect.gather [spmem:s4], $0x20, s22, s22, $0xb8;
	[tilespmem:$0x15B00] =	vst v63  }
0xa8: {  	s19 =	simm.s32 $0x100  }
0xa9: {  	[tilespmem:s26], [sflag:$0x3] =	stream.indirect.gather [spmem:s4], $0x20, s19, s22, $0xb8;
	[tilespmem:$0x15B00] =	vst v63  }
0xaa: {  	s13 =	simm.s32 $0x180  }
0xab: {  	[tilespmem:s29], [sflag:$0x4] =	stream.indirect.gather [spmem:s4], $0x20, s13, s22, $0xb8;
	[tilespmem:$0x15B00] =	vst v63  }
0xac: {  	s16 =	simm.s32 $0x200  }
0xad: {  	[tilespmem:s31], [sflag:$0x5] =	stream.indirect.gather [spmem:s4], $0x20, s16, s22, $0xb8;
	[tilespmem:$0x15B00] =	vst v63  }
0xae: {  	s19 =	simm.s32 $0x280  }
0xaf: {  	[tilespmem:s0], [sflag:$0x6] =	stream.indirect.gather [spmem:s4], $0x20, s19, s22, $0xb8;
	[tilespmem:$0x15B00] =	vst v63  }
.LBB2_6:
0xb0: {  	_ =	swait.ge [sflag:s1], $0x1000  }
0xb1: {  	s16 =	sshra.s32 s15, $0x2;
	[sflag:s1] =	ssyncset.done $0x0  }
0xb2: {  	s19 =	sadd.s32 $0x2D00, s16;
	[sflag:s1] =	ssyncadd.s32 $0xFFFFF000  }
0xb3: {  	[spmem:s3] =	stream.indirect.scatter.add.f32 [tilespmem:s23], [sflag:$0x7], $0x20, s19, s22, $0xb8;
	[tilespmem:$0x15B00] =	vst v63  }
0xb4: {  	_ =	swait.ge [sflag:s10], $0x1000  }
0xb5: {  	[sflag:s10] =	ssyncset.done $0x0  }
0xb6: {  	s13 =	sadd.s32 $0x2D80, s16;
	[sflag:s10] =	ssyncadd.s32 $0xFFFFF000  }
0xb7: {  	[spmem:s3] =	stream.indirect.scatter.add.f32 [tilespmem:s24], [sflag:$0x8], $0x20, s13, s22, $0xb8;
	[tilespmem:$0x15B00] =	vst v63  }
0xb8: {  	_ =	swait.ge [sflag:s12], $0x1000  }
0xb9: {  	[sflag:s12] =	ssyncset.done $0x0  }
0xba: {  	s11 =	sadd.s32 $0x2E00, s16;
	[sflag:s12] =	ssyncadd.s32 $0xFFFFF000  }
0xbb: {  	[spmem:s3] =	stream.indirect.scatter.add.f32 [tilespmem:s26], [sflag:$0x9], $0x20, s11, s22, $0xb8;
	[tilespmem:$0x15B00] =	vst v63  }
0xbc: {  	_ =	swait.ge [sflag:s21], $0x1000  }
0xbd: {  	[sflag:s21] =	ssyncset.done $0x0  }
0xbe: {  	s13 =	sadd.s32 $0x2E80, s16;
	[sflag:s21] =	ssyncadd.s32 $0xFFFFF000  }
0xbf: {  	[spmem:s3] =	stream.indirect.scatter.add.f32 [tilespmem:s29], [sflag:$0xA], $0x20, s13, s22, $0xb8;
	[tilespmem:$0x15B00] =	vst v63  }
0xc0: {  	_ =	swait.ge [sflag:s25], $0x1000  }
0xc1: {  	[sflag:s25] =	ssyncset.done $0x0  }
0xc2: {  	s11 =	sadd.s32 $0x2F00, s16;
	[sflag:s25] =	ssyncadd.s32 $0xFFFFF000  }
0xc3: {  	[spmem:s3] =	stream.indirect.scatter.add.f32 [tilespmem:s31], [sflag:$0xB], $0x20, s11, s22, $0xb8;
	[tilespmem:$0x15B00] =	vst v63  }
0xc4: {  	_ =	swait.ge [sflag:s28], $0x1000  }
0xc5: {  	p2 =	seq.s32 s15, $0x7800;
	[sflag:s28] =	ssyncset.done $0x0  }
.Ltmp6:
0xc6: {  	s13 =	sadd.s32 $0x2F80, s16;
	[sflag:s28] =	ssyncadd.s32 $0xFFFFF000;
	(pc) =	sbr.rel @p2 .LBB2_8-.Ltmp6, $4  }
0xc7: {  	[spmem:s3] =	stream.indirect.scatter.add.f32 [tilespmem:s0], [sflag:$0xC], $0x20, s13, s22, $0xb8;
	[tilespmem:$0x15B00] =	vst v63  }
0xc8: {  	_ =	swait.ge [sflag:s9], $0x1000  }
0xc9: {  	[sflag:s9] =	ssyncset.done $0x0  }
0xca: {  	[sflag:s9] =	ssyncadd.s32 $0xFFFFF000  }
0xcb: {  	s19 =	sadd.s32 $0x300, s16  }
0xcc: {  	[tilespmem:s23], [sflag:$0x1] =	stream.indirect.gather [spmem:s4], $0x20, s19, s22, $0xb8;
	[tilespmem:$0x15B00] =	vst v63  }
0xcd: {  	_ =	swait.ge [sflag:s20], $0x1000  }
0xce: {  	[sflag:s20] =	ssyncset.done $0x0  }
0xcf: {  	s11 =	sadd.s32 $0x380, s16;
	[sflag:s20] =	ssyncadd.s32 $0xFFFFF000  }
0xd0: {  	[tilespmem:s24], [sflag:$0x2] =	stream.indirect.gather [spmem:s4], $0x20, s11, s22, $0xb8;
	[tilespmem:$0x15B00] =	vst v63  }
0xd1: {  	_ =	swait.ge [sflag:s30], $0x1000  }
0xd2: {  	[sflag:s30] =	ssyncset.done $0x0  }
0xd3: {  	s13 =	sadd.s32 $0x400, s16;
	[sflag:s30] =	ssyncadd.s32 $0xFFFFF000  }
0xd4: {  	[tilespmem:s26], [sflag:$0x3] =	stream.indirect.gather [spmem:s4], $0x20, s13, s22, $0xb8;
	[tilespmem:$0x15B00] =	vst v63  }
0xd5: {  	_ =	swait.ge [sflag:s2], $0x1000  }
0xd6: {  	[sflag:s2] =	ssyncset.done $0x0  }
0xd7: {  	s11 =	sadd.s32 $0x480, s16;
	[sflag:s2] =	ssyncadd.s32 $0xFFFFF000  }
0xd8: {  	[tilespmem:s29], [sflag:$0x4] =	stream.indirect.gather [spmem:s4], $0x20, s11, s22, $0xb8;
	[tilespmem:$0x15B00] =	vst v63  }
0xd9: {  	_ =	swait.ge [sflag:s8], $0x1000  }
0xda: {  	s15 =	sadd.s32 $0xC00, s15;
	[sflag:s8] =	ssyncset.done $0x0  }
0xdb: {  	p2 =	seq.s32 s15, $0x8400;
	s13 =	sadd.s32 $0x500, s16;
	[sflag:s8] =	ssyncadd.s32 $0xFFFFF000  }
0xdc: {  	[tilespmem:s31], [sflag:$0x5] =	stream.indirect.gather [spmem:s4], $0x20, s13, s22, $0xb8;
	[tilespmem:$0x15B00] =	vst v63  }
.Ltmp7:
0xdd: {  	_ = 	snop;
	(pc) =	sbr.rel @!p2 .LBB2_6-.Ltmp7, $4  }
.Ltmp8:
0xde: {  	_ =	swait.ge [sflag:s14], $0x1000;
	(pc) =	sbr.rel @p2 .LBB2_9-.Ltmp8, $4  }
0xdf: {  	[sflag:s14] =	ssyncset.done $0x0  }
0xe0: {  	s19 =	sadd.s32 $0x580, s16;
	[sflag:s14] =	ssyncadd.s32 $0xFFFFF000  }
0xe1: {  	[tilespmem:s0], [sflag:$0x6] =	stream.indirect.gather [spmem:s4], $0x20, s19, s22, $0xb8;
	[tilespmem:$0x15B00] =	vst v63  }
0xe2: {  	_ = 	snop  }
.LBB2_10:
0xe3: {  	_ =	sfence.sel $0x180000  }
0xe4: {  	[bflag:$0x0] =	sbarrier.arrive $0xFFFF  }
0xe5: {  	_ =	strace $0x9000004A  }
0xe6: {  	s0 =	stileid.u32;
	[bflag:$0x2] =	sbarrier.arrive $0xFFFF  }
0xe7: {  	p0 =	sne.s32 s0, $0x0;
	s0 =	rddreg [dreg:$0x4]  }
0xe8: {  	s0 =	sadd.s32 @!p0 $0x100000, s0  }
0xe9: {  	[sflag:s0] =	ssyncadd.tile.s32 @!p0 $0x1;
	_ =	shalt  }
.Lfunc_end2:
_tile_overlayer_lowered:
.L_overlay_start_2:
0xea: {  	(tag) =	ssettag $0x2  }
0xeb: {  	s0 =	rddreg [dreg:$0x0];
	s2 =	stileid.u32  }
0xec: {  	s1 =	rddreg [dreg:$0x1];
	p0 =	sne.s32 s2, $0x0  }
0xed: {  	s3 =	rddreg [dreg:$0x2];
	[bflag:$0x3] =	sbarrier.arrive $0xFFFF;
	s2 =	simm.s32 @!p0 $0x1C0D  }
0xee: {  	[timem:s3], [sflag:s2] =	dma.local @!p0 [hbm:s0], s1  }
0xef: {  	s0 =	simm.s32 @!p0 $0xD  }
0xf0: {  	_ =	swait.ge @!p0 [sflag:s0], s1  }
0xf1: {  	s1 =	ssub.s32 @!p0 $0x0, s1;
	[sflag:s0] =	ssyncset.done @!p0 $0x0  }
0xf2: {  	[sflag:s0] =	ssyncadd.s32 @!p0 s1  }
0xf3: {  	[bflag:$0x3] =	sbarrier.arrive $0xFFFF  }
0xf4: {  	_ =	shalt  }

// kernel: kernel.17.cloned.1.call-start
scs
__scs_entry_jumppad:
0x0: {  	(pc) =	sbr.rel $0x88, $3  }
0x1: {  	(tag) =	ssettag $0x0;
	lr =	simm.s32 $0x1  }
0x2: {  	[smem:$0x3F97] =	sst lr;
	_ =	strace $0xD0000000  }
0x3: {  	_ = 	snop  }
0x4: {  	_ = 	snop  }
0x5: {  	_ = 	snop  }
0x6: {  	_ = 	snop  }
0x7: {  	_ = 	snop  }
__scs_overlays_trampoline_lowered:
0x8: {  	[smem:$0x3FA6] =	sst s0  }
0x9: {  	[smem:$0x3FA7] =	sst s1  }
0xa: {  	[smem:$0x3FA8] =	sst s2  }
0xb: {  	[smem:$0x3FA9] =	sst s3  }
0xc: {  	[smem:$0x3FAA] =	sst s4  }
0xd: {  	[smem:$0x3FAB] =	sst s5  }
0xe: {  	[smem:$0x3FAC] =	sst s6  }
0xf: {  	[smem:$0x3FAD] =	sst s7  }
0x10: {  	[smem:$0x3FAE] =	sst s8  }
0x11: {  	[smem:$0x3FAF] =	sst s9;
	s0 =	simm.s32 @!p0 $0x0  }
0x12: {  	s1 =	sld [smem:$0x3F95];
	s0 =	simm.s32 @p0 $0x1  }
0x13: {  	[smem:$0x3FB0] =	sst s0;
	s0 =	simm.s32 @!p1 $0x0  }
0x14: {  	s2 =	sld [smem:$0x3F94];
	s0 =	simm.s32 @p1 $0x1  }
0x15: {  	[smem:$0x3FB1] =	sst s0;
	s0 =	simm.s32 @!p2 $0x0  }
0x16: {  	s3 =	sld [smem:$0x3FDB];
	s0 =	simm.s32 @p2 $0x1  }
0x17: {  	s4 =	simm.s32 $0x1BF5;
	[smem:$0x3FB3] =	sst s0  }
0x18: {  	s0 =	sld [smem:$0x3F96];
	_ =	swait.ge [sflag:s4], $0x0  }
0x19: {  	s7 =	sld [smem:$0x3F97]  }
0x1a: {  	s8 =	sadd.s32 $0xFFFFE003, lr  }
0x1b: {  	s9 =	sadd.s32 $0xFFFFFEF7, lr;
	s5 =	simm.s32 $0xFFFFFFFF;
	p2 =	slt.u32 s8, $0xFFFFF086  }
0x1c: {  	p1 =	slt.u32 s9, $0xF7A;
	s5 =	simm.s32 @!p2 $0x0  }
0x1d: {  	s5 =	simm.s32 @p1 $0x1;
	p0 =	seq.s32 s7, s2  }
0x1e: {  	s7 =	smul.u32 @!p0 $0xF7A, s2;
	p2 =	seq.s32 @!p0 s5, $0x0  }
0x1f: {  	s9 =	smul.u32 $0xF7A, s1;
	s8 =	simm.s32 @!p0 $0x1BF5;
	p2 =	por !p2, p0  }
0x20: {  	[sflag:s8] =	ssyncset.s32 @!p0 $0xFFFFF086;
	s6 =	sadd.s32 @!p0 s3, s7;
	s7 =	simm.s32 @!p0 $0x108  }
0x21: {  	s3 =	sadd.s32 s3, s9;
	s6 =	sadd.s32 @!p0 $0x88, s6;
	s7 =	simm.s32 @p2 $0x1082  }
0x22: {  	[simem:s7], [sflag:s8] =	dma.local @!p0 [hbm:s6], $0xF7A  }
0x23: {  	s9 =	sor.u32 $0xD0000000, s2;
	s6 =	simm.s32 $0x108;
	_ =	swait.ge @!p0 [sflag:s8], $0x0  }
0x24: {  	s3 =	sadd.s32 $0x88, s3;
	s6 =	simm.s32 @!p1 $0x1082;
	[sflag:s4] =	ssyncset.s32 $0xFFFFF086  }
0x25: {  	[simem:s6], [sflag:s4] =	dma.local [hbm:s3], $0xF7A  }
0x26: {  	[smem:$0x3F97] =	sst s1;
	(tag) =	ssettag s2;
	_ =	strace s9  }
0x27: {  	s1 =	sld [smem:$0x3FA7]  }
0x28: {  	s2 =	sld [smem:$0x3FA8]  }
0x29: {  	s4 =	sld [smem:$0x3FAA]  }
0x2a: {  	p0 =	seq.s32 s5, $0x0;
	s5 =	sld [smem:$0x3FAB]  }
0x2b: {  	s6 =	sld [smem:$0x3FAC]  }
0x2c: {  	s7 =	sld [smem:$0x3FAD]  }
0x2d: {  	s3 =	simm.s32 $0x108;
	s8 =	sld [smem:$0x3FAE]  }
0x2e: {  	s3 =	simm.s32 @!p0 $0x1082;
	s9 =	sld [smem:$0x3FAF]  }
0x2f: {  	lr =	sadd.s32 s0, s3;
	s0 =	sld [smem:$0x3FA6]  }
0x30: {  	s3 =	sld [smem:$0x3FA9]  }
0x31: {  	[smem:$0x3FB2] =	sst s10  }
0x32: {  	s10 =	sld [smem:$0x3FB0];
	_ =	sdelay $0x3  }
0x33: {  	p0 =	seq.s32 s10, $0x1;
	s10 =	sld [smem:$0x3FB2];
	_ =	sdelay $0x3  }
0x34: {  	[smem:$0x3FB2] =	sst s10  }
0x35: {  	s10 =	sld [smem:$0x3FB1];
	_ =	sdelay $0x3  }
0x36: {  	p1 =	seq.s32 s10, $0x1;
	s10 =	sld [smem:$0x3FB2];
	_ =	sdelay $0x3  }
0x37: {  	[smem:$0x3FB2] =	sst s10  }
0x38: {  	s10 =	sld [smem:$0x3FB3]  }
0x39: {  	_ = 	snop;
	(pc) =	sbr.ind lr, $3  }
0x3a: {  	_ = 	snop  }
0x3b: {  	_ = 	snop  }
0x3c: {  	p2 =	seq.s32 s10, $0x1;
	s10 =	sld [smem:$0x3FB2]  }
0x3d: {  	_ =	shalt  }
0x3e: {  	_ =	shalt  }
0x3f: {  	_ =	shalt  }
0x40: {  	_ =	shalt  }
0x41: {  	_ =	shalt  }
0x42: {  	_ =	shalt  }
0x43: {  	_ =	shalt  }
0x44: {  	_ =	shalt  }
0x45: {  	_ =	shalt  }
0x46: {  	_ =	shalt  }
0x47: {  	_ =	shalt  }
0x48: {  	_ =	shalt  }
0x49: {  	_ =	shalt  }
0x4a: {  	_ =	shalt  }
0x4b: {  	_ =	shalt  }
0x4c: {  	_ =	shalt  }
0x4d: {  	_ =	shalt  }
0x4e: {  	_ =	shalt  }
0x4f: {  	_ =	shalt  }
0x50: {  	_ =	shalt  }
0x51: {  	_ =	shalt  }
0x52: {  	_ =	shalt  }
0x53: {  	_ =	shalt  }
0x54: {  	_ =	shalt  }
0x55: {  	_ =	shalt  }
0x56: {  	_ =	shalt  }
0x57: {  	_ =	shalt  }
0x58: {  	_ =	shalt  }
0x59: {  	_ =	shalt  }
0x5a: {  	_ =	shalt  }
0x5b: {  	_ =	shalt  }
0x5c: {  	_ =	shalt  }
0x5d: {  	_ =	shalt  }
0x5e: {  	_ =	shalt  }
0x5f: {  	_ =	shalt  }
0x60: {  	_ =	shalt  }
0x61: {  	_ =	shalt  }
0x62: {  	_ =	shalt  }
0x63: {  	_ =	shalt  }
0x64: {  	_ =	shalt  }
0x65: {  	_ =	shalt  }
0x66: {  	_ =	shalt  }
0x67: {  	_ =	shalt  }
0x68: {  	_ =	shalt  }
0x69: {  	_ =	shalt  }
0x6a: {  	_ =	shalt  }
0x6b: {  	_ =	shalt  }
0x6c: {  	_ =	shalt  }
0x6d: {  	_ =	shalt  }
0x6e: {  	_ =	shalt  }
0x6f: {  	_ =	shalt  }
0x70: {  	_ =	shalt  }
0x71: {  	_ =	shalt  }
0x72: {  	_ =	shalt  }
0x73: {  	_ =	shalt  }
0x74: {  	_ =	shalt  }
0x75: {  	_ =	shalt  }
0x76: {  	_ =	shalt  }
0x77: {  	_ =	shalt  }
0x78: {  	_ =	shalt  }
0x79: {  	_ =	shalt  }
0x7a: {  	_ =	shalt  }
0x7b: {  	_ =	shalt  }
0x7c: {  	_ =	shalt  }
0x7d: {  	_ =	shalt  }
0x7e: {  	_ =	shalt  }
0x7f: {  	_ =	shalt  }
0x80: {  	_ =	shalt  }
0x81: {  	_ =	shalt  }
0x82: {  	_ =	shalt  }
0x83: {  	_ =	shalt  }
0x84: {  	_ =	shalt  }
0x85: {  	_ =	shalt  }
0x86: {  	_ =	shalt  }
0x87: {  	_ =	shalt  }
.Lfunc_end0:
.L_simem_size_0:
called_computation.2_lowered:
.L_overlay_start_0:
0x88: {  	s2 =	sld [smem:$0x3FD9]  }
0x89: {  	s3 =	sld [smem:$0x3FFE];
	_ =	sdelay $0x1  }
0x8a: {  	s1 =	srdreg.scid  }
0x8b: {  	s0 =	sand.u32 $0x1, s1  }
0x8c: {  	s17 =	sshll.u32 s0, $0xA;
	s2 =	sadd.s32 s3, s2  }
0x8d: {  	s2 =	sadd.s32 s2, s17  }
0x8e: {  	[smem:$0x3FBE] =	sst s2  }
0x8f: {  	_ = 	snop  }
0x90: {  	s2 =	sld [smem:$0x3FD0];
	(tm) =	ssettm $0x1  }
0x91: {  	s18 =	sld [smem:$0x3FFB];
	_ =	sdelay $0x3  }
0x92: {  	_ =	strace s18  }
0x93: {  	s3 =	sld [smem:$0x3FFC];
	_ =	sdelay $0x3  }
0x94: {  	_ =	strace s3  }
0x95: {  	s3 =	sld [smem:$0x3FFD];
	_ =	sdelay $0x3  }
0x96: {  	_ =	strace s3  }
0x97: {  	_ =	strace $0x8FFFFFFF  }
0x98: {  	s19 =	sld [smem:$0x3FDB];
	_ =	sdelay $0x1  }
0x99: {  	s4 =	simm.s32 $_scs_section_size  }
0x9a: {  	s5 =	simm.s32 $_size__tile_overlayer_lowered;
	s6 =	simm.s32 $_tile_overlayer_lowered  }
0x9b: {  	s22 =	simm.s32 $0x1BFF;
	s21 =	sshll.u32 s6, $0x1;
	s3 =	sadd.s32 s4, s19  }
0x9c: {  	s7 =	simm.s32 $0x0;
	s20 =	sshll.u32 s5, $0x1;
	s5 =	sadd.s32 s21, s3  }
0x9d: {  	[timem:s7], [sflag:s22] =	dma.local [hbm:s5], s20  }
0x9e: {  	_ =	swait.ge [sflag:s22], s20  }
0x9f: {  	s4 =	ssub.s32 $0x0, s20;
	[sflag:s22] =	ssyncset.done $0x0  }
0xa0: {  	[sflag:s22] =	ssyncadd.s32 s4;
	_ =	sdelay $0x1  }
0xa1: {  	s23 =	simm.s32 $0x1B8B  }
0xa2: {  	_ =	swait.ge [sflag:s23], $0x1  }
0xa3: {  	[sflag:s23] =	ssyncset.done $0x0  }
0xa4: {  	s25 =	simm.s32 $0x1B8E;
	s24 =	sld [smem:$0x3FFE];
	[sflag:s23] =	ssyncadd.s32 $0xFFFFFFFF  }
0xa5: {  	s26 =	simm.s32 $execute0_lowered;
	[smem:$0x3FD2] =	sst s25  }
0xa6: {  	s5 =	sshll.u32 s26, $0x1;
	_ =	strace $0x8000004C;
	[dreg:$0x1] =	wrdreg $0xFFFFFFFF  }
0xa7: {  	s28 =	simm.s32 $_size_execute0_lowered;
	s3 =	sadd.s32 s3, s5;
	[dreg:$0x0] =	wrdreg $0x0  }
0xa8: {  	s5 =	sshll.u32 s28, $0x1;
	[dreg:$0x2] =	wrdreg s3  }
0xa9: {  	[dreg:$0x3] =	wrdreg s5  }
0xaa: {  	[dreg:$0x4] =	wrdreg $0xC0  }
0xab: {  	_ =	task [dreg:s7], $0x5FFFF  }
0xac: {  	[dreg:$0x1] =	wrdreg $0xFFFFFFFF  }
0xad: {  	[dreg:$0x0] =	wrdreg $0x60  }
0xae: {  	[dreg:$0x2] =	wrdreg s24  }
0xaf: {  	[dreg:$0x3] =	wrdreg s2  }
0xb0: {  	[dreg:$0x4] =	wrdreg $0xBB000  }
0xb1: {  	[dreg:$0x5] =	wrdreg $0x10B000  }
0xb2: {  	[dreg:$0x6] =	wrdreg $0x9  }
0xb3: {  	_ =	task.clear_ibuf [dreg:s7], $0x7FFFF;
	_ =	strace $0x9000004C  }
0xb4: {  	s29 =	simm.s32 $0x9;
	_ =	strace $0x8000004E  }
0xb5: {  	_ =	swait.ge [sflag:s29], $0x1  }
0xb6: {  	[sflag:s29] =	ssyncadd.s32 $0xFFFFFFFF  }
0xb7: {  	_ =	strace $0x9000004E  }
0xb8: {  	_ =	sfence  }
0xb9: {  	s30 =	sld [smem:$0x0];
	_ =	sdelay $0x2  }
0xba: {  	s31 =	sshll.u32 s1, $0xD;
	s1 =	sshrl.u32 s1, $0x2  }
0xbb: {  	s3 =	sand.u32 $0x4000, s31;
	s1 =	sadd.s32 s1, s30  }
0xbc: {  	s0 =	sor.u32 s3, s0;
	s1 =	sshll.u32 s1, $0x11  }
0xbd: {  	s0 =	sor.u32 s1, s0  }
0xbe: {  	s0 =	sadd.s32 $0x8F2B, s0  }
0xbf: {  	[sflag:s0] =	ssyncadd.remote.s32 $0x1  }
0xc0: {  	_ =	sfence.sel $0xFFFF  }
0xc1: {  	[dreg:$0x0] =	wrdreg $0xFFFFFFFF;
	(pc) =	sbr.abs _section_cstart, $3  }
0xc2: {  	[dreg:$0x1] =	wrdreg $0xFFFFFFFF  }
0xc3: {  	_ =	task.clear_ibuf [dreg:s7], $0x2FFFF;
	_ =	strace $0x9FFFFFFF  }
0xc4: {  	(tm) =	ssettm $0x7FFFFFFF  }
0xc5: {  	_ =	shalt  }
tec
execute0_lowered:
.L_overlay_start_1:
0x0: {  	(tag) =	ssettag $0x1  }
0x1: {  	s0 =	rddreg [dreg:$0x0]  }
0x2: {  	s3 =	rddreg [dreg:$0x2];
	s1 =	srdreg.scid  }
0x3: {  	s15 =	stileid.u32;
	s4 =	rddreg [dreg:$0x3]  }
0x4: {  	s5 =	simm.s32 $0x0;
	s29 =	simm.s32 $0x8B00;
	s31 =	simm.s32 $0x9B00  }
0x5: {  	s28 =	simm.s32 $0x6;
	s30 =	simm.s32 $0x9;
	s2 =	smul.u32 $0x5000, s15  }
0x6: {  	s1 =	sand.u32 $0x1, s1;
	[smem:$0x7FF] =	sst s5;
	s11 =	smul.u32 $0x2100, s15  }
0x7: {  	s8 =	sadd.s32 $0x4000, s0;
	s19 =	sshll.u32 s15, $0x6;
	s14 =	smul.u32 $0x5A0, s15  }
0x8: {  	s20 =	sadd.s32 $0xDC40, s0;
	p1 =	slt.u32 s15, $0x4;
	s21 =	sshll.u32 s15, $0x4  }
0x9: {  	s6 =	smul.u32 $0x50000, s1;
	_ =	strace $0x8000004D;
	s9 =	ssub.s32 $0x2, s1  }
0xa: {  	p0 =	seq.s32 s1, $0x0;
	[dreg:$0x8] =	wrdreg s20;
	s18 =	sshrl.u32 s9, $0x1  }
0xb: {  	s12 =	sadd.s32 s2, s3;
	s13 =	sshrl.u32 s2, $0x3;
	s11 =	sshrl.u32 s11, $0x3  }
0xc: {  	s22 =	sadd.s32 s8, s14;
	p0 =	por !p0, !p1;
	p1 =	sne.s32 s1, $0x0  }
0xd: {  	s26 =	sadd.s32 s14, s20;
	s1 =	simm.s32 $0x1;
	s20 =	simm.s32 $0x8  }
0xe: {  	s14 =	simm.s32 $0xC;
	s7 =	sadd.s32 s2, s6;
	s6 =	sadd.s32 $0x3FA00, s0  }
0xf: {  	s9 =	ssub.s32 s9, s18;
	s2 =	sadd.s32 s2, s4;
	s11 =	sadd.s32 $0x5A00, s11  }
0x10: {  	[dreg:$0x9] =	wrdreg s22;
	p0 =	por !p0, !p0;
	s17 =	sshrl.u32 s12, $0x3  }
0x11: {  	s18 =	simm.s32 $0xD;
	[dreg:$0xf] =	wrdreg s26;
	s22 =	simm.s32 $0x80  }
0x12: {  	s26 =	simm.s32 $0x7B00;
	s12 =	simm.s32 $0x3;
	s7 =	sshrl.u32 s7, $0x3  }
0x13: {  	s13 =	sadd.s32 s6, s13;
	[dreg:$0x6] =	wrdreg s11;
	s11 =	sadd.s32 s8, s11  }
0x14: {  	s24 =	smax.u32 s9, $0x1;
	s25 =	sshrl.u32 s2, $0x3;
	[dreg:$0x5] =	wrdreg s13  }
0x15: {  	s9 =	simm.s32 $0x7;
	s2 =	simm.s32 $0xA;
	[dreg:$0x7] =	wrdreg s11  }
0x16: {  	s10 =	sadd.s32 s7, s0;
	s7 =	sor.u32 $0x1C0D, s19;
	[dreg:$0xd] =	wrdreg s24  }
.Ltmp0:
0x17: {  	s0 =	sor.u32 $0x9C00, s21;
	[dreg:$0xe] =	wrdreg s25;
	(pc) =	sbr.rel .LBB2_1-.Ltmp0, $4  }
0x18: {  	s24 =	simm.s32 $0x6B00;
	s21 =	simm.s32 $0x4;
	s25 =	simm.s32 $0x5  }
0x19: {  	[dreg:$0xa] =	wrdreg s0;
	s0 =	sadd.s32 s8, s0;
	s23 =	sadd.s32 $0x49A00, s10  }
0x1a: {  	s10 =	simm.s32 $0x2;
	s8 =	simm.s32 $0xB;
	[dreg:$0xb] =	wrdreg s0  }
0x1b: {  	[dreg:$0xc] =	wrdreg s23;
	s23 =	simm.s32 $0x5B00;
	s0 =	simm.s32 $0xAB00  }
.LBB2_8:
0x1c: {  	_ =	swait.ge [sflag:s20], $0x1000  }
0x1d: {  	[sflag:s20] =	ssyncset.done $0x0  }
0x1e: {  	[sflag:s20] =	ssyncadd.s32 $0xFFFFF000  }
0x1f: {  	_ =	swait.ge [sflag:s30], $0x1000  }
0x20: {  	[sflag:s30] =	ssyncset.done $0x0  }
0x21: {  	[sflag:s30] =	ssyncadd.s32 $0xFFFFF000  }
0x22: {  	_ =	swait.ge [sflag:s2], $0x1000  }
0x23: {  	[sflag:s2] =	ssyncset.done $0x0  }
0x24: {  	[sflag:s2] =	ssyncadd.s32 $0xFFFFF000  }
0x25: {  	_ =	swait.ge [sflag:s8], $0x1000  }
0x26: {  	[sflag:s8] =	ssyncset.done $0x0  }
0x27: {  	[sflag:s8] =	ssyncadd.s32 $0xFFFFF000  }
0x28: {  	_ =	swait.ge [sflag:s14], $0x1000  }
0x29: {  	[sflag:s14] =	ssyncset.done $0x0  }
0x2a: {  	[sflag:s14] =	ssyncadd.s32 $0xFFFFF000  }
.LBB2_9:
0x2b: {  	s15 =	simm.s32 @p0 $0x0  }
0x2c: {  	s16 =	simm.s32 @p0 $0x5A00;
	s11 =	rddreg [dreg:$0xb];
	s19 =	simm.s32 @p0 $0xD  }
0x2d: {  	[tilespmem:s16], [sflag:$0xD] =	stream.linear.gather @p0 [hbm4b:s11+s15], $0x80, $0x38;
	[tilespmem:$0x15B00] =	vst v63  }
0x2e: {  	_ =	swait.ge @p0 [sflag:s19], $0x80  }
0x2f: {  	s11 =	rddreg [dreg:$0x8]  }
0x30: {  	[sflag:s19] =	ssyncset.done @p0 $0x0;
	s13 =	rddreg [dreg:$0xa]  }
0x31: {  	[sflag:s19] =	ssyncadd.s32 @p0 $0xFFFFFF80;
	s13 =	sadd.s32 @p0 s13, s11;
	s11 =	simm.s32 @p0 $0x5A80  }
0x32: {  	[tilespmem:s11], [sflag:$0xD] =	stream.linear.gather @p0 [hbm4b:s13+s15], $0x80, $0x38;
	[tilespmem:$0x15B00] =	vst v63  }
0x33: {  	_ =	swait.ge @p0 [sflag:s19], $0x80  }
0x34: {  	[sflag:s19] =	ssyncset.done @p0 $0x0  }
0x35: {  	s13 =	simm.s32 @p0 $0x80;
	s15 =	simm.s32 @p0 $0x5B00;
	[sflag:s19] =	ssyncadd.s32 @p0 $0xFFFFFF80  }
0x36: {  	[tilespmem:s15], [sflag:$0x1] =	stream.indirect.gather @p0 [hbm4b:s6+s13], $0x20, s16, s13, $0xb8;
	[tilespmem:$0x15B00] =	vst v63  }
0x37: {  	s16 =	simm.s32 @p0 $0x1  }
0x38: {  	_ =	swait.ge @p0 [sflag:s16], $0x1000  }
0x39: {  	[sflag:s16] =	ssyncset.done @p0 $0x0  }
0x3a: {  	[sflag:s16] =	ssyncadd.s32 @p0 $0xFFFFF000  }
0x3b: {  	[spmem:s3] =	stream.indirect.scatter.add.f32 @p0 [tilespmem:s15], [sflag:$0xD], $0x20, s11, s13, $0xb8;
	[tilespmem:$0x15B00] =	vst v63  }
0x3c: {  	_ =	swait.ge @p0 [sflag:s19], $0x1000  }
0x3d: {  	[sflag:s19] =	ssyncset.done @p0 $0x0  }
0x3e: {  	[sflag:s19] =	ssyncadd.s32 @p0 $0xFFFFF000  }
0x3f: {  	[bflag:$0x0] =	sbarrier.arrive $0xFFFF  }
0x40: {  	s16 =	rddreg [dreg:$0xc]  }
0x41: {  	[hbm:s16], [sflag:s7] =	dma.local [spmem:s17], $0xA00  }
0x42: {  	_ =	swait.ge [sflag:s18], $0xA00  }
0x43: {  	s5 =	sadd.s32 $0x1, s5;
	s19 =	rddreg [dreg:$0xd]  }
0x44: {  	p2 =	sne.s32 s5, s19  }
.Ltmp1:
0x45: {  	_ = 	snop;
	(pc) =	sbr.rel @!p2 .LBB2_10-.Ltmp1, $3  }
0x46: {  	_ =	sdelay $0x1  }
0x47: {  	[sflag:s18] =	ssyncset.done $0x0  }
0x48: {  	[sflag:s18] =	ssyncadd.s32 $0xFFFFF600  }
.LBB2_1:
0x49: {  	s11 =	rddreg [dreg:$0x1]  }
0x4a: {  	[spmem:s17], [sflag:s7] =	dma.local [hbm:s11], $0xA00  }
0x4b: {  	_ =	swait.ge [sflag:s18], $0xA00  }
0x4c: {  	[sflag:s18] =	ssyncset.done $0x0;
	s19 =	rddreg [dreg:$0x5]  }
0x4d: {  	s13 =	rddreg [dreg:$0xe];
	[sflag:s18] =	ssyncadd.s32 $0xFFFFF600  }
0x4e: {  	[spmem:s13], [sflag:s7] =	dma.local [hbm:s19], $0xA00  }
.Ltmp2:
0x4f: {  	_ =	swait.ge [sflag:s18], $0xA00;
	(pc) =	sbr.rel @p1 .LBB2_5-.Ltmp2, $4  }
0x50: {  	[sflag:s18] =	ssyncset.done $0x0  }
0x51: {  	[sflag:s18] =	ssyncadd.s32 $0xFFFFF600  }
0x52: {  	[bflag:$0x0] =	sbarrier.arrive $0xFFFF  }
0x53: {  	s15 =	simm.s32 $0x0  }
0x54: {  	s11 =	rddreg [dreg:$0x9]  }
0x55: {  	[tilespmem:s15], [sflag:$0xD] =	stream.linear.gather [hbm4b:s11+s15], $0x2D00, $0x38;
	[tilespmem:$0x15B00] =	vst v63  }
0x56: {  	_ =	swait.ge [sflag:s18], $0x2D00  }
0x57: {  	[sflag:s18] =	ssyncset.done $0x0  }
0x58: {  	s13 =	simm.s32 $0x2D00;
	s16 =	rddreg [dreg:$0xf];
	[sflag:s18] =	ssyncadd.s32 $0xFFFFD300  }
0x59: {  	[tilespmem:s13], [sflag:$0xD] =	stream.linear.gather [hbm4b:s16+s15], $0x2D00, $0x38;
	[tilespmem:$0x15B00] =	vst v63  }
0x5a: {  	_ =	swait.ge [sflag:s18], $0x2D00  }
0x5b: {  	[sflag:s18] =	ssyncset.done $0x0  }
0x5c: {  	[sflag:s18] =	ssyncadd.s32 $0xFFFFD300  }
0x5d: {  	[tilespmem:s23], [sflag:$0x1] =	stream.indirect.gather [hbm4b:s6+s22], $0x20, s15, s22, $0xb8;
	[tilespmem:$0x15B00] =	vst v63  }
0x5e: {  	_ = 	snop  }
0x5f: {  	[tilespmem:s24], [sflag:$0x2] =	stream.indirect.gather [hbm4b:s6+s22], $0x20, s22, s22, $0xb8;
	[tilespmem:$0x15B00] =	vst v63  }
0x60: {  	s19 =	simm.s32 $0x100  }
0x61: {  	[tilespmem:s26], [sflag:$0x3] =	stream.indirect.gather [hbm4b:s6+s22], $0x20, s19, s22, $0xb8;
	[tilespmem:$0x15B00] =	vst v63  }
0x62: {  	s13 =	simm.s32 $0x180  }
0x63: {  	[tilespmem:s29], [sflag:$0x4] =	stream.indirect.gather [hbm4b:s6+s22], $0x20, s13, s22, $0xb8;
	[tilespmem:$0x15B00] =	vst v63  }
0x64: {  	s16 =	simm.s32 $0x200  }
0x65: {  	[tilespmem:s31], [sflag:$0x5] =	stream.indirect.gather [hbm4b:s6+s22], $0x20, s16, s22, $0xb8;
	[tilespmem:$0x15B00] =	vst v63  }
0x66: {  	s19 =	simm.s32 $0x280  }
0x67: {  	[tilespmem:s0], [sflag:$0x6] =	stream.indirect.gather [hbm4b:s6+s22], $0x20, s19, s22, $0xb8;
	[tilespmem:$0x15B00] =	vst v63  }
.LBB2_3:
0x68: {  	_ =	swait.ge [sflag:s1], $0x1000  }
0x69: {  	s16 =	sshra.s32 s15, $0x2;
	[sflag:s1] =	ssyncset.done $0x0  }
0x6a: {  	s19 =	sadd.s32 $0x2D00, s16;
	[sflag:s1] =	ssyncadd.s32 $0xFFFFF000  }
0x6b: {  	[spmem:s3] =	stream.indirect.scatter.add.f32 [tilespmem:s23], [sflag:$0x7], $0x20, s19, s22, $0xb8;
	[tilespmem:$0x15B00] =	vst v63  }
0x6c: {  	_ =	swait.ge [sflag:s10], $0x1000  }
0x6d: {  	[sflag:s10] =	ssyncset.done $0x0  }
0x6e: {  	s13 =	sadd.s32 $0x2D80, s16;
	[sflag:s10] =	ssyncadd.s32 $0xFFFFF000  }
0x6f: {  	[spmem:s3] =	stream.indirect.scatter.add.f32 [tilespmem:s24], [sflag:$0x8], $0x20, s13, s22, $0xb8;
	[tilespmem:$0x15B00] =	vst v63  }
0x70: {  	_ =	swait.ge [sflag:s12], $0x1000  }
0x71: {  	[sflag:s12] =	ssyncset.done $0x0  }
0x72: {  	s11 =	sadd.s32 $0x2E00, s16;
	[sflag:s12] =	ssyncadd.s32 $0xFFFFF000  }
0x73: {  	[spmem:s3] =	stream.indirect.scatter.add.f32 [tilespmem:s26], [sflag:$0x9], $0x20, s11, s22, $0xb8;
	[tilespmem:$0x15B00] =	vst v63  }
0x74: {  	_ =	swait.ge [sflag:s21], $0x1000  }
0x75: {  	[sflag:s21] =	ssyncset.done $0x0  }
0x76: {  	s13 =	sadd.s32 $0x2E80, s16;
	[sflag:s21] =	ssyncadd.s32 $0xFFFFF000  }
0x77: {  	[spmem:s3] =	stream.indirect.scatter.add.f32 [tilespmem:s29], [sflag:$0xA], $0x20, s13, s22, $0xb8;
	[tilespmem:$0x15B00] =	vst v63  }
0x78: {  	_ =	swait.ge [sflag:s25], $0x1000  }
0x79: {  	[sflag:s25] =	ssyncset.done $0x0  }
0x7a: {  	s11 =	sadd.s32 $0x2F00, s16;
	[sflag:s25] =	ssyncadd.s32 $0xFFFFF000  }
0x7b: {  	[spmem:s3] =	stream.indirect.scatter.add.f32 [tilespmem:s31], [sflag:$0xB], $0x20, s11, s22, $0xb8;
	[tilespmem:$0x15B00] =	vst v63  }
0x7c: {  	_ =	swait.ge [sflag:s28], $0x1000  }
0x7d: {  	p2 =	seq.s32 s15, $0xA800;
	[sflag:s28] =	ssyncset.done $0x0  }
.Ltmp3:
0x7e: {  	s13 =	sadd.s32 $0x2F80, s16;
	[sflag:s28] =	ssyncadd.s32 $0xFFFFF000;
	(pc) =	sbr.rel @p2 .LBB2_8-.Ltmp3, $4  }
0x7f: {  	[spmem:s3] =	stream.indirect.scatter.add.f32 [tilespmem:s0], [sflag:$0xC], $0x20, s13, s22, $0xb8;
	[tilespmem:$0x15B00] =	vst v63  }
0x80: {  	_ =	swait.ge [sflag:s9], $0x1000  }
0x81: {  	[sflag:s9] =	ssyncset.done $0x0  }
0x82: {  	[sflag:s9] =	ssyncadd.s32 $0xFFFFF000  }
0x83: {  	s19 =	sadd.s32 $0x300, s16  }
0x84: {  	[tilespmem:s23], [sflag:$0x1] =	stream.indirect.gather [hbm4b:s6+s22], $0x20, s19, s22, $0xb8;
	[tilespmem:$0x15B00] =	vst v63  }
0x85: {  	_ =	swait.ge [sflag:s20], $0x1000  }
0x86: {  	[sflag:s20] =	ssyncset.done $0x0  }
0x87: {  	s11 =	sadd.s32 $0x380, s16;
	[sflag:s20] =	ssyncadd.s32 $0xFFFFF000  }
0x88: {  	[tilespmem:s24], [sflag:$0x2] =	stream.indirect.gather [hbm4b:s6+s22], $0x20, s11, s22, $0xb8;
	[tilespmem:$0x15B00] =	vst v63  }
0x89: {  	_ =	swait.ge [sflag:s30], $0x1000  }
0x8a: {  	[sflag:s30] =	ssyncset.done $0x0  }
0x8b: {  	s13 =	sadd.s32 $0x400, s16;
	[sflag:s30] =	ssyncadd.s32 $0xFFFFF000  }
0x8c: {  	[tilespmem:s26], [sflag:$0x3] =	stream.indirect.gather [hbm4b:s6+s22], $0x20, s13, s22, $0xb8;
	[tilespmem:$0x15B00] =	vst v63  }
0x8d: {  	_ =	swait.ge [sflag:s2], $0x1000  }
0x8e: {  	[sflag:s2] =	ssyncset.done $0x0  }
0x8f: {  	s11 =	sadd.s32 $0x480, s16;
	[sflag:s2] =	ssyncadd.s32 $0xFFFFF000  }
0x90: {  	[tilespmem:s29], [sflag:$0x4] =	stream.indirect.gather [hbm4b:s6+s22], $0x20, s11, s22, $0xb8;
	[tilespmem:$0x15B00] =	vst v63  }
0x91: {  	_ =	swait.ge [sflag:s8], $0x1000  }
0x92: {  	s15 =	sadd.s32 $0xC00, s15;
	[sflag:s8] =	ssyncset.done $0x0  }
0x93: {  	p2 =	seq.s32 s15, $0xB400;
	s13 =	sadd.s32 $0x500, s16;
	[sflag:s8] =	ssyncadd.s32 $0xFFFFF000  }
0x94: {  	[tilespmem:s31], [sflag:$0x5] =	stream.indirect.gather [hbm4b:s6+s22], $0x20, s13, s22, $0xb8;
	[tilespmem:$0x15B00] =	vst v63  }
.Ltmp4:
0x95: {  	_ = 	snop;
	(pc) =	sbr.rel @!p2 .LBB2_3-.Ltmp4, $4  }
.Ltmp5:
0x96: {  	_ =	swait.ge [sflag:s14], $0x1000;
	(pc) =	sbr.rel @p2 .LBB2_9-.Ltmp5, $4  }
0x97: {  	[sflag:s14] =	ssyncset.done $0x0  }
0x98: {  	s19 =	sadd.s32 $0x580, s16;
	[sflag:s14] =	ssyncadd.s32 $0xFFFFF000  }
0x99: {  	[tilespmem:s0], [sflag:$0x6] =	stream.indirect.gather [hbm4b:s6+s22], $0x20, s19, s22, $0xb8;
	[tilespmem:$0x15B00] =	vst v63  }
0x9a: {  	_ = 	snop  }
.LBB2_5:
0x9b: {  	s11 =	rddreg [dreg:$0x7]  }
0x9c: {  	[tilespmem:s15], [sflag:$0xD] =	stream.linear.gather [hbm4b:s11+s15], $0x2100, $0x38;
	[tilespmem:$0x15B00] =	vst v63  }
0x9d: {  	_ =	swait.ge [sflag:s18], $0x2100  }
0x9e: {  	s19 =	rddreg [dreg:$0x6]  }
0x9f: {  	[sflag:s18] =	ssyncset.done $0x0;
	s13 =	rddreg [dreg:$0x8]  }
0xa0: {  	[sflag:s18] =	ssyncadd.s32 $0xFFFFDF00;
	s16 =	sadd.s32 s19, s13;
	s13 =	simm.s32 $0x2D00  }
0xa1: {  	[tilespmem:s13], [sflag:$0xD] =	stream.linear.gather [hbm4b:s16+s15], $0x2100, $0x38;
	[tilespmem:$0x15B00] =	vst v63  }
0xa2: {  	_ =	swait.ge [sflag:s18], $0x2100  }
0xa3: {  	[sflag:s18] =	ssyncset.done $0x0  }
0xa4: {  	[sflag:s18] =	ssyncadd.s32 $0xFFFFDF00  }
0xa5: {  	[tilespmem:s23], [sflag:$0x1] =	stream.indirect.gather [spmem:s4], $0x20, s15, s22, $0xb8;
	[tilespmem:$0x15B00] =	vst v63  }
0xa6: {  	_ = 	snop  }
0xa7: {  	[tilespmem:s24], [sflag:$0x2] =	stream.indirect.gather [spmem:s4], $0x20, s22, s22, $0xb8;
	[tilespmem:$0x15B00] =	vst v63  }
0xa8: {  	s19 =	simm.s32 $0x100  }
0xa9: {  	[tilespmem:s26], [sflag:$0x3] =	stream.indirect.gather [spmem:s4], $0x20, s19, s22, $0xb8;
	[tilespmem:$0x15B00] =	vst v63  }
0xaa: {  	s13 =	simm.s32 $0x180  }
0xab: {  	[tilespmem:s29], [sflag:$0x4] =	stream.indirect.gather [spmem:s4], $0x20, s13, s22, $0xb8;
	[tilespmem:$0x15B00] =	vst v63  }
0xac: {  	s16 =	simm.s32 $0x200  }
0xad: {  	[tilespmem:s31], [sflag:$0x5] =	stream.indirect.gather [spmem:s4], $0x20, s16, s22, $0xb8;
	[tilespmem:$0x15B00] =	vst v63  }
0xae: {  	s19 =	simm.s32 $0x280  }
0xaf: {  	[tilespmem:s0], [sflag:$0x6] =	stream.indirect.gather [spmem:s4], $0x20, s19, s22, $0xb8;
	[tilespmem:$0x15B00] =	vst v63  }
.LBB2_6:
0xb0: {  	_ =	swait.ge [sflag:s1], $0x1000  }
0xb1: {  	s16 =	sshra.s32 s15, $0x2;
	[sflag:s1] =	ssyncset.done $0x0  }
0xb2: {  	s19 =	sadd.s32 $0x2D00, s16;
	[sflag:s1] =	ssyncadd.s32 $0xFFFFF000  }
0xb3: {  	[spmem:s3] =	stream.indirect.scatter.add.f32 [tilespmem:s23], [sflag:$0x7], $0x20, s19, s22, $0xb8;
	[tilespmem:$0x15B00] =	vst v63  }
0xb4: {  	_ =	swait.ge [sflag:s10], $0x1000  }
0xb5: {  	[sflag:s10] =	ssyncset.done $0x0  }
0xb6: {  	s13 =	sadd.s32 $0x2D80, s16;
	[sflag:s10] =	ssyncadd.s32 $0xFFFFF000  }
0xb7: {  	[spmem:s3] =	stream.indirect.scatter.add.f32 [tilespmem:s24], [sflag:$0x8], $0x20, s13, s22, $0xb8;
	[tilespmem:$0x15B00] =	vst v63  }
0xb8: {  	_ =	swait.ge [sflag:s12], $0x1000  }
0xb9: {  	[sflag:s12] =	ssyncset.done $0x0  }
0xba: {  	s11 =	sadd.s32 $0x2E00, s16;
	[sflag:s12] =	ssyncadd.s32 $0xFFFFF000  }
0xbb: {  	[spmem:s3] =	stream.indirect.scatter.add.f32 [tilespmem:s26], [sflag:$0x9], $0x20, s11, s22, $0xb8;
	[tilespmem:$0x15B00] =	vst v63  }
0xbc: {  	_ =	swait.ge [sflag:s21], $0x1000  }
0xbd: {  	[sflag:s21] =	ssyncset.done $0x0  }
0xbe: {  	s13 =	sadd.s32 $0x2E80, s16;
	[sflag:s21] =	ssyncadd.s32 $0xFFFFF000  }
0xbf: {  	[spmem:s3] =	stream.indirect.scatter.add.f32 [tilespmem:s29], [sflag:$0xA], $0x20, s13, s22, $0xb8;
	[tilespmem:$0x15B00] =	vst v63  }
0xc0: {  	_ =	swait.ge [sflag:s25], $0x1000  }
0xc1: {  	[sflag:s25] =	ssyncset.done $0x0  }
0xc2: {  	s11 =	sadd.s32 $0x2F00, s16;
	[sflag:s25] =	ssyncadd.s32 $0xFFFFF000  }
0xc3: {  	[spmem:s3] =	stream.indirect.scatter.add.f32 [tilespmem:s31], [sflag:$0xB], $0x20, s11, s22, $0xb8;
	[tilespmem:$0x15B00] =	vst v63  }
0xc4: {  	_ =	swait.ge [sflag:s28], $0x1000  }
0xc5: {  	p2 =	seq.s32 s15, $0x7800;
	[sflag:s28] =	ssyncset.done $0x0  }
.Ltmp6:
0xc6: {  	s13 =	sadd.s32 $0x2F80, s16;
	[sflag:s28] =	ssyncadd.s32 $0xFFFFF000;
	(pc) =	sbr.rel @p2 .LBB2_8-.Ltmp6, $4  }
0xc7: {  	[spmem:s3] =	stream.indirect.scatter.add.f32 [tilespmem:s0], [sflag:$0xC], $0x20, s13, s22, $0xb8;
	[tilespmem:$0x15B00] =	vst v63  }
0xc8: {  	_ =	swait.ge [sflag:s9], $0x1000  }
0xc9: {  	[sflag:s9] =	ssyncset.done $0x0  }
0xca: {  	[sflag:s9] =	ssyncadd.s32 $0xFFFFF000  }
0xcb: {  	s19 =	sadd.s32 $0x300, s16  }
0xcc: {  	[tilespmem:s23], [sflag:$0x1] =	stream.indirect.gather [spmem:s4], $0x20, s19, s22, $0xb8;
	[tilespmem:$0x15B00] =	vst v63  }
0xcd: {  	_ =	swait.ge [sflag:s20], $0x1000  }
0xce: {  	[sflag:s20] =	ssyncset.done $0x0  }
0xcf: {  	s11 =	sadd.s32 $0x380, s16;
	[sflag:s20] =	ssyncadd.s32 $0xFFFFF000  }
0xd0: {  	[tilespmem:s24], [sflag:$0x2] =	stream.indirect.gather [spmem:s4], $0x20, s11, s22, $0xb8;
	[tilespmem:$0x15B00] =	vst v63  }
0xd1: {  	_ =	swait.ge [sflag:s30], $0x1000  }
0xd2: {  	[sflag:s30] =	ssyncset.done $0x0  }
0xd3: {  	s13 =	sadd.s32 $0x400, s16;
	[sflag:s30] =	ssyncadd.s32 $0xFFFFF000  }
0xd4: {  	[tilespmem:s26], [sflag:$0x3] =	stream.indirect.gather [spmem:s4], $0x20, s13, s22, $0xb8;
	[tilespmem:$0x15B00] =	vst v63  }
0xd5: {  	_ =	swait.ge [sflag:s2], $0x1000  }
0xd6: {  	[sflag:s2] =	ssyncset.done $0x0  }
0xd7: {  	s11 =	sadd.s32 $0x480, s16;
	[sflag:s2] =	ssyncadd.s32 $0xFFFFF000  }
0xd8: {  	[tilespmem:s29], [sflag:$0x4] =	stream.indirect.gather [spmem:s4], $0x20, s11, s22, $0xb8;
	[tilespmem:$0x15B00] =	vst v63  }
0xd9: {  	_ =	swait.ge [sflag:s8], $0x1000  }
0xda: {  	s15 =	sadd.s32 $0xC00, s15;
	[sflag:s8] =	ssyncset.done $0x0  }
0xdb: {  	p2 =	seq.s32 s15, $0x8400;
	s13 =	sadd.s32 $0x500, s16;
	[sflag:s8] =	ssyncadd.s32 $0xFFFFF000  }
0xdc: {  	[tilespmem:s31], [sflag:$0x5] =	stream.indirect.gather [spmem:s4], $0x20, s13, s22, $0xb8;
	[tilespmem:$0x15B00] =	vst v63  }
.Ltmp7:
0xdd: {  	_ = 	snop;
	(pc) =	sbr.rel @!p2 .LBB2_6-.Ltmp7, $4  }
.Ltmp8:
0xde: {  	_ =	swait.ge [sflag:s14], $0x1000;
	(pc) =	sbr.rel @p2 .LBB2_9-.Ltmp8, $4  }
0xdf: {  	[sflag:s14] =	ssyncset.done $0x0  }
0xe0: {  	s19 =	sadd.s32 $0x580, s16;
	[sflag:s14] =	ssyncadd.s32 $0xFFFFF000  }
0xe1: {  	[tilespmem:s0], [sflag:$0x6] =	stream.indirect.gather [spmem:s4], $0x20, s19, s22, $0xb8;
	[tilespmem:$0x15B00] =	vst v63  }
0xe2: {  	_ = 	snop  }
.LBB2_10:
0xe3: {  	_ =	sfence.sel $0x180000  }
0xe4: {  	[bflag:$0x0] =	sbarrier.arrive $0xFFFF  }
0xe5: {  	_ =	strace $0x9000004D  }
0xe6: {  	s0 =	stileid.u32;
	[bflag:$0x2] =	sbarrier.arrive $0xFFFF  }
0xe7: {  	p0 =	sne.s32 s0, $0x0;
	s0 =	rddreg [dreg:$0x4]  }
0xe8: {  	s0 =	sadd.s32 @!p0 $0x100000, s0  }
0xe9: {  	[sflag:s0] =	ssyncadd.tile.s32 @!p0 $0x1;
	_ =	shalt  }
.Lfunc_end2:
_tile_overlayer_lowered:
.L_overlay_start_2:
0xea: {  	(tag) =	ssettag $0x2  }
0xeb: {  	s0 =	rddreg [dreg:$0x0];
	s2 =	stileid.u32  }
0xec: {  	s1 =	rddreg [dreg:$0x1];
	p0 =	sne.s32 s2, $0x0  }
0xed: {  	s3 =	rddreg [dreg:$0x2];
	[bflag:$0x3] =	sbarrier.arrive $0xFFFF;
	s2 =	simm.s32 @!p0 $0x1C0D  }
0xee: {  	[timem:s3], [sflag:s2] =	dma.local @!p0 [hbm:s0], s1  }
0xef: {  	s0 =	simm.s32 @!p0 $0xD  }
0xf0: {  	_ =	swait.ge @!p0 [sflag:s0], s1  }
0xf1: {  	s1 =	ssub.s32 @!p0 $0x0, s1;
	[sflag:s0] =	ssyncset.done @!p0 $0x0  }
0xf2: {  	[sflag:s0] =	ssyncadd.s32 @!p0 s1  }
0xf3: {  	[bflag:$0x3] =	sbarrier.arrive $0xFFFF  }
0xf4: {  	_ =	shalt  }

// kernel: kernel.20.cloned.1.call-start
scs
__scs_entry_jumppad:
0x0: {  	(pc) =	sbr.rel $0x88, $3  }
0x1: {  	(tag) =	ssettag $0x0;
	lr =	simm.s32 $0x1  }
0x2: {  	[smem:$0x3F97] =	sst lr;
	_ =	strace $0xD0000000  }
0x3: {  	_ = 	snop  }
0x4: {  	_ = 	snop  }
0x5: {  	_ = 	snop  }
0x6: {  	_ = 	snop  }
0x7: {  	_ = 	snop  }
__scs_overlays_trampoline_lowered:
0x8: {  	[smem:$0x3FA6] =	sst s0  }
0x9: {  	[smem:$0x3FA7] =	sst s1  }
0xa: {  	[smem:$0x3FA8] =	sst s2  }
0xb: {  	[smem:$0x3FA9] =	sst s3  }
0xc: {  	[smem:$0x3FAA] =	sst s4  }
0xd: {  	[smem:$0x3FAB] =	sst s5  }
0xe: {  	[smem:$0x3FAC] =	sst s6  }
0xf: {  	[smem:$0x3FAD] =	sst s7  }
0x10: {  	[smem:$0x3FAE] =	sst s8  }
0x11: {  	[smem:$0x3FAF] =	sst s9;
	s0 =	simm.s32 @!p0 $0x0  }
0x12: {  	s1 =	sld [smem:$0x3F95];
	s0 =	simm.s32 @p0 $0x1  }
0x13: {  	[smem:$0x3FB0] =	sst s0;
	s0 =	simm.s32 @!p1 $0x0  }
0x14: {  	s2 =	sld [smem:$0x3F94];
	s0 =	simm.s32 @p1 $0x1  }
0x15: {  	[smem:$0x3FB1] =	sst s0;
	s0 =	simm.s32 @!p2 $0x0  }
0x16: {  	s3 =	sld [smem:$0x3FDB];
	s0 =	simm.s32 @p2 $0x1  }
0x17: {  	s4 =	simm.s32 $0x1BF5;
	[smem:$0x3FB3] =	sst s0  }
0x18: {  	s0 =	sld [smem:$0x3F96];
	_ =	swait.ge [sflag:s4], $0x0  }
0x19: {  	s7 =	sld [smem:$0x3F97]  }
0x1a: {  	s8 =	sadd.s32 $0xFFFFE003, lr  }
0x1b: {  	s9 =	sadd.s32 $0xFFFFFEF7, lr;
	s5 =	simm.s32 $0xFFFFFFFF;
	p2 =	slt.u32 s8, $0xFFFFF086  }
0x1c: {  	p1 =	slt.u32 s9, $0xF7A;
	s5 =	simm.s32 @!p2 $0x0  }
0x1d: {  	s5 =	simm.s32 @p1 $0x1;
	p0 =	seq.s32 s7, s2  }
0x1e: {  	s7 =	smul.u32 @!p0 $0xF7A, s2;
	p2 =	seq.s32 @!p0 s5, $0x0  }
0x1f: {  	s9 =	smul.u32 $0xF7A, s1;
	s8 =	simm.s32 @!p0 $0x1BF5;
	p2 =	por !p2, p0  }
0x20: {  	[sflag:s8] =	ssyncset.s32 @!p0 $0xFFFFF086;
	s6 =	sadd.s32 @!p0 s3, s7;
	s7 =	simm.s32 @!p0 $0x108  }
0x21: {  	s3 =	sadd.s32 s3, s9;
	s6 =	sadd.s32 @!p0 $0x88, s6;
	s7 =	simm.s32 @p2 $0x1082  }
0x22: {  	[simem:s7], [sflag:s8] =	dma.local @!p0 [hbm:s6], $0xF7A  }
0x23: {  	s9 =	sor.u32 $0xD0000000, s2;
	s6 =	simm.s32 $0x108;
	_ =	swait.ge @!p0 [sflag:s8], $0x0  }
0x24: {  	s3 =	sadd.s32 $0x88, s3;
	s6 =	simm.s32 @!p1 $0x1082;
	[sflag:s4] =	ssyncset.s32 $0xFFFFF086  }
0x25: {  	[simem:s6], [sflag:s4] =	dma.local [hbm:s3], $0xF7A  }
0x26: {  	[smem:$0x3F97] =	sst s1;
	(tag) =	ssettag s2;
	_ =	strace s9  }
0x27: {  	s1 =	sld [smem:$0x3FA7]  }
0x28: {  	s2 =	sld [smem:$0x3FA8]  }
0x29: {  	s4 =	sld [smem:$0x3FAA]  }
0x2a: {  	p0 =	seq.s32 s5, $0x0;
	s5 =	sld [smem:$0x3FAB]  }
0x2b: {  	s6 =	sld [smem:$0x3FAC]  }
0x2c: {  	s7 =	sld [smem:$0x3FAD]  }
0x2d: {  	s3 =	simm.s32 $0x108;
	s8 =	sld [smem:$0x3FAE]  }
0x2e: {  	s3 =	simm.s32 @!p0 $0x1082;
	s9 =	sld [smem:$0x3FAF]  }
0x2f: {  	lr =	sadd.s32 s0, s3;
	s0 =	sld [smem:$0x3FA6]  }
0x30: {  	s3 =	sld [smem:$0x3FA9]  }
0x31: {  	[smem:$0x3FB2] =	sst s10  }
0x32: {  	s10 =	sld [smem:$0x3FB0];
	_ =	sdelay $0x3  }
0x33: {  	p0 =	seq.s32 s10, $0x1;
	s10 =	sld [smem:$0x3FB2];
	_ =	sdelay $0x3  }
0x34: {  	[smem:$0x3FB2] =	sst s10  }
0x35: {  	s10 =	sld [smem:$0x3FB1];
	_ =	sdelay $0x3  }
0x36: {  	p1 =	seq.s32 s10, $0x1;
	s10 =	sld [smem:$0x3FB2];
	_ =	sdelay $0x3  }
0x37: {  	[smem:$0x3FB2] =	sst s10  }
0x38: {  	s10 =	sld [smem:$0x3FB3]  }
0x39: {  	_ = 	snop;
	(pc) =	sbr.ind lr, $3  }
0x3a: {  	_ = 	snop  }
0x3b: {  	_ = 	snop  }
0x3c: {  	p2 =	seq.s32 s10, $0x1;
	s10 =	sld [smem:$0x3FB2]  }
0x3d: {  	_ =	shalt  }
0x3e: {  	_ =	shalt  }
0x3f: {  	_ =	shalt  }
0x40: {  	_ =	shalt  }
0x41: {  	_ =	shalt  }
0x42: {  	_ =	shalt  }
0x43: {  	_ =	shalt  }
0x44: {  	_ =	shalt  }
0x45: {  	_ =	shalt  }
0x46: {  	_ =	shalt  }
0x47: {  	_ =	shalt  }
0x48: {  	_ =	shalt  }
0x49: {  	_ =	shalt  }
0x4a: {  	_ =	shalt  }
0x4b: {  	_ =	shalt  }
0x4c: {  	_ =	shalt  }
0x4d: {  	_ =	shalt  }
0x4e: {  	_ =	shalt  }
0x4f: {  	_ =	shalt  }
0x50: {  	_ =	shalt  }
0x51: {  	_ =	shalt  }
0x52: {  	_ =	shalt  }
0x53: {  	_ =	shalt  }
0x54: {  	_ =	shalt  }
0x55: {  	_ =	shalt  }
0x56: {  	_ =	shalt  }
0x57: {  	_ =	shalt  }
0x58: {  	_ =	shalt  }
0x59: {  	_ =	shalt  }
0x5a: {  	_ =	shalt  }
0x5b: {  	_ =	shalt  }
0x5c: {  	_ =	shalt  }
0x5d: {  	_ =	shalt  }
0x5e: {  	_ =	shalt  }
0x5f: {  	_ =	shalt  }
0x60: {  	_ =	shalt  }
0x61: {  	_ =	shalt  }
0x62: {  	_ =	shalt  }
0x63: {  	_ =	shalt  }
0x64: {  	_ =	shalt  }
0x65: {  	_ =	shalt  }
0x66: {  	_ =	shalt  }
0x67: {  	_ =	shalt  }
0x68: {  	_ =	shalt  }
0x69: {  	_ =	shalt  }
0x6a: {  	_ =	shalt  }
0x6b: {  	_ =	shalt  }
0x6c: {  	_ =	shalt  }
0x6d: {  	_ =	shalt  }
0x6e: {  	_ =	shalt  }
0x6f: {  	_ =	shalt  }
0x70: {  	_ =	shalt  }
0x71: {  	_ =	shalt  }
0x72: {  	_ =	shalt  }
0x73: {  	_ =	shalt  }
0x74: {  	_ =	shalt  }
0x75: {  	_ =	shalt  }
0x76: {  	_ =	shalt  }
0x77: {  	_ =	shalt  }
0x78: {  	_ =	shalt  }
0x79: {  	_ =	shalt  }
0x7a: {  	_ =	shalt  }
0x7b: {  	_ =	shalt  }
0x7c: {  	_ =	shalt  }
0x7d: {  	_ =	shalt  }
0x7e: {  	_ =	shalt  }
0x7f: {  	_ =	shalt  }
0x80: {  	_ =	shalt  }
0x81: {  	_ =	shalt  }
0x82: {  	_ =	shalt  }
0x83: {  	_ =	shalt  }
0x84: {  	_ =	shalt  }
0x85: {  	_ =	shalt  }
0x86: {  	_ =	shalt  }
0x87: {  	_ =	shalt  }
.Lfunc_end0:
.L_simem_size_0:
called_computation.3_lowered:
.L_overlay_start_0:
0x88: {  	s2 =	sld [smem:$0x3FD9]  }
0x89: {  	s3 =	sld [smem:$0x3FFE];
	_ =	sdelay $0x1  }
0x8a: {  	s1 =	srdreg.scid  }
0x8b: {  	s0 =	sand.u32 $0x1, s1  }
0x8c: {  	s17 =	sshll.u32 s0, $0xA;
	s2 =	sadd.s32 s3, s2  }
0x8d: {  	s2 =	sadd.s32 s2, s17  }
0x8e: {  	[smem:$0x3FBE] =	sst s2  }
0x8f: {  	_ = 	snop  }
0x90: {  	s2 =	sld [smem:$0x3FD0];
	(tm) =	ssettm $0x1  }
0x91: {  	s18 =	sld [smem:$0x3FFB];
	_ =	sdelay $0x3  }
0x92: {  	_ =	strace s18  }
0x93: {  	s3 =	sld [smem:$0x3FFC];
	_ =	sdelay $0x3  }
0x94: {  	_ =	strace s3  }
0x95: {  	s3 =	sld [smem:$0x3FFD];
	_ =	sdelay $0x3  }
0x96: {  	_ =	strace s3  }
0x97: {  	_ =	strace $0x8FFFFFFF  }
0x98: {  	s19 =	sld [smem:$0x3FDB];
	_ =	sdelay $0x1  }
0x99: {  	s4 =	simm.s32 $_scs_section_size  }
0x9a: {  	s5 =	simm.s32 $_size__tile_overlayer_lowered;
	s6 =	simm.s32 $_tile_overlayer_lowered  }
0x9b: {  	s22 =	simm.s32 $0x1BFF;
	s21 =	sshll.u32 s6, $0x1;
	s3 =	sadd.s32 s4, s19  }
0x9c: {  	s7 =	simm.s32 $0x0;
	s20 =	sshll.u32 s5, $0x1;
	s5 =	sadd.s32 s21, s3  }
0x9d: {  	[timem:s7], [sflag:s22] =	dma.local [hbm:s5], s20  }
0x9e: {  	_ =	swait.ge [sflag:s22], s20  }
0x9f: {  	s4 =	ssub.s32 $0x0, s20;
	[sflag:s22] =	ssyncset.done $0x0  }
0xa0: {  	[sflag:s22] =	ssyncadd.s32 s4;
	_ =	sdelay $0x1  }
0xa1: {  	s23 =	simm.s32 $0x1B8B  }
0xa2: {  	_ =	swait.ge [sflag:s23], $0x1  }
0xa3: {  	[sflag:s23] =	ssyncset.done $0x0  }
0xa4: {  	s25 =	simm.s32 $0x1B8E;
	s24 =	sld [smem:$0x3FFE];
	[sflag:s23] =	ssyncadd.s32 $0xFFFFFFFF  }
0xa5: {  	s26 =	simm.s32 $execute0_lowered;
	[smem:$0x3FD2] =	sst s25  }
0xa6: {  	s5 =	sshll.u32 s26, $0x1;
	_ =	strace $0x8000004F;
	[dreg:$0x1] =	wrdreg $0xFFFFFFFF  }
0xa7: {  	s28 =	simm.s32 $_size_execute0_lowered;
	s3 =	sadd.s32 s3, s5;
	[dreg:$0x0] =	wrdreg $0x0  }
0xa8: {  	s5 =	sshll.u32 s28, $0x1;
	[dreg:$0x2] =	wrdreg s3  }
0xa9: {  	[dreg:$0x3] =	wrdreg s5  }
0xaa: {  	[dreg:$0x4] =	wrdreg $0xC0  }
0xab: {  	_ =	task [dreg:s7], $0x5FFFF  }
0xac: {  	[dreg:$0x1] =	wrdreg $0xFFFFFFFF  }
0xad: {  	[dreg:$0x0] =	wrdreg $0x60  }
0xae: {  	[dreg:$0x2] =	wrdreg s24  }
0xaf: {  	[dreg:$0x3] =	wrdreg s2  }
0xb0: {  	[dreg:$0x4] =	wrdreg $0xBB000  }
0xb1: {  	[dreg:$0x5] =	wrdreg $0x10B000  }
0xb2: {  	[dreg:$0x6] =	wrdreg $0x9  }
0xb3: {  	_ =	task.clear_ibuf [dreg:s7], $0x7FFFF;
	_ =	strace $0x9000004F  }
0xb4: {  	s29 =	simm.s32 $0x9;
	_ =	strace $0x80000051  }
0xb5: {  	_ =	swait.ge [sflag:s29], $0x1  }
0xb6: {  	[sflag:s29] =	ssyncadd.s32 $0xFFFFFFFF  }
0xb7: {  	_ =	strace $0x90000051  }
0xb8: {  	_ =	sfence  }
0xb9: {  	s30 =	sld [smem:$0x0];
	_ =	sdelay $0x2  }
0xba: {  	s31 =	sshll.u32 s1, $0xD;
	s1 =	sshrl.u32 s1, $0x2  }
0xbb: {  	s3 =	sand.u32 $0x4000, s31;
	s1 =	sadd.s32 s1, s30  }
0xbc: {  	s0 =	sor.u32 s3, s0;
	s1 =	sshll.u32 s1, $0x11  }
0xbd: {  	s0 =	sor.u32 s1, s0  }
0xbe: {  	s0 =	sadd.s32 $0x8F2B, s0  }
0xbf: {  	[sflag:s0] =	ssyncadd.remote.s32 $0x1  }
0xc0: {  	_ =	sfence.sel $0xFFFF  }
0xc1: {  	[dreg:$0x0] =	wrdreg $0xFFFFFFFF;
	(pc) =	sbr.abs _section_cstart, $3  }
0xc2: {  	[dreg:$0x1] =	wrdreg $0xFFFFFFFF  }
0xc3: {  	_ =	task.clear_ibuf [dreg:s7], $0x2FFFF;
	_ =	strace $0x9FFFFFFF  }
0xc4: {  	(tm) =	ssettm $0x7FFFFFFF  }
0xc5: {  	_ =	shalt  }
tec
execute0_lowered:
.L_overlay_start_1:
0x0: {  	(tag) =	ssettag $0x1  }
0x1: {  	s0 =	rddreg [dreg:$0x0]  }
0x2: {  	s3 =	rddreg [dreg:$0x2];
	s1 =	srdreg.scid  }
0x3: {  	s15 =	stileid.u32;
	s4 =	rddreg [dreg:$0x3]  }
0x4: {  	s5 =	simm.s32 $0x0;
	s29 =	simm.s32 $0x8B00;
	s31 =	simm.s32 $0x9B00  }
0x5: {  	s28 =	simm.s32 $0x6;
	s30 =	simm.s32 $0x9;
	s2 =	smul.u32 $0x5000, s15  }
0x6: {  	s1 =	sand.u32 $0x1, s1;
	[smem:$0x7FF] =	sst s5;
	s11 =	smul.u32 $0x2100, s15  }
0x7: {  	s8 =	sadd.s32 $0x4000, s0;
	s19 =	sshll.u32 s15, $0x6;
	s14 =	smul.u32 $0x5A0, s15  }
0x8: {  	s20 =	sadd.s32 $0xDC40, s0;
	p1 =	slt.u32 s15, $0x4;
	s21 =	sshll.u32 s15, $0x4  }
0x9: {  	s6 =	smul.u32 $0x50000, s1;
	_ =	strace $0x80000050;
	s9 =	ssub.s32 $0x2, s1  }
0xa: {  	p0 =	seq.s32 s1, $0x0;
	[dreg:$0x8] =	wrdreg s20;
	s18 =	sshrl.u32 s9, $0x1  }
0xb: {  	s12 =	sadd.s32 s2, s3;
	s13 =	sshrl.u32 s2, $0x3;
	s11 =	sshrl.u32 s11, $0x3  }
0xc: {  	s22 =	sadd.s32 s8, s14;
	p0 =	por !p0, !p1;
	p1 =	sne.s32 s1, $0x0  }
0xd: {  	s26 =	sadd.s32 s14, s20;
	s1 =	simm.s32 $0x1;
	s20 =	simm.s32 $0x8  }
0xe: {  	s14 =	simm.s32 $0xC;
	s7 =	sadd.s32 s2, s6;
	s6 =	sadd.s32 $0x67A00, s0  }
0xf: {  	s9 =	ssub.s32 s9, s18;
	s2 =	sadd.s32 s2, s4;
	s11 =	sadd.s32 $0x5A00, s11  }
0x10: {  	[dreg:$0x9] =	wrdreg s22;
	p0 =	por !p0, !p0;
	s17 =	sshrl.u32 s12, $0x3  }
0x11: {  	s18 =	simm.s32 $0xD;
	[dreg:$0xf] =	wrdreg s26;
	s22 =	simm.s32 $0x80  }
0x12: {  	s26 =	simm.s32 $0x7B00;
	s12 =	simm.s32 $0x3;
	s7 =	sshrl.u32 s7, $0x3  }
0x13: {  	s13 =	sadd.s32 s6, s13;
	[dreg:$0x6] =	wrdreg s11;
	s11 =	sadd.s32 s8, s11  }
0x14: {  	s24 =	smax.u32 s9, $0x1;
	s25 =	sshrl.u32 s2, $0x3;
	[dreg:$0x5] =	wrdreg s13  }
0x15: {  	s9 =	simm.s32 $0x7;
	s2 =	simm.s32 $0xA;
	[dreg:$0x7] =	wrdreg s11  }
0x16: {  	s10 =	sadd.s32 s7, s0;
	s7 =	sor.u32 $0x1C0D, s19;
	[dreg:$0xd] =	wrdreg s24  }
.Ltmp0:
0x17: {  	s0 =	sor.u32 $0x9C00, s21;
	[dreg:$0xe] =	wrdreg s25;
	(pc) =	sbr.rel .LBB2_1-.Ltmp0, $4  }
0x18: {  	s24 =	simm.s32 $0x6B00;
	s21 =	simm.s32 $0x4;
	s25 =	simm.s32 $0x5  }
0x19: {  	[dreg:$0xa] =	wrdreg s0;
	s0 =	sadd.s32 s8, s0;
	s23 =	sadd.s32 $0x71A00, s10  }
0x1a: {  	s10 =	simm.s32 $0x2;
	s8 =	simm.s32 $0xB;
	[dreg:$0xb] =	wrdreg s0  }
0x1b: {  	[dreg:$0xc] =	wrdreg s23;
	s23 =	simm.s32 $0x5B00;
	s0 =	simm.s32 $0xAB00  }
.LBB2_8:
0x1c: {  	_ =	swait.ge [sflag:s20], $0x1000  }
0x1d: {  	[sflag:s20] =	ssyncset.done $0x0  }
0x1e: {  	[sflag:s20] =	ssyncadd.s32 $0xFFFFF000  }
0x1f: {  	_ =	swait.ge [sflag:s30], $0x1000  }
0x20: {  	[sflag:s30] =	ssyncset.done $0x0  }
0x21: {  	[sflag:s30] =	ssyncadd.s32 $0xFFFFF000  }
0x22: {  	_ =	swait.ge [sflag:s2], $0x1000  }
0x23: {  	[sflag:s2] =	ssyncset.done $0x0  }
0x24: {  	[sflag:s2] =	ssyncadd.s32 $0xFFFFF000  }
0x25: {  	_ =	swait.ge [sflag:s8], $0x1000  }
0x26: {  	[sflag:s8] =	ssyncset.done $0x0  }
0x27: {  	[sflag:s8] =	ssyncadd.s32 $0xFFFFF000  }
0x28: {  	_ =	swait.ge [sflag:s14], $0x1000  }
0x29: {  	[sflag:s14] =	ssyncset.done $0x0  }
0x2a: {  	[sflag:s14] =	ssyncadd.s32 $0xFFFFF000  }
.LBB2_9:
0x2b: {  	s15 =	simm.s32 @p0 $0x0  }
0x2c: {  	s16 =	simm.s32 @p0 $0x5A00;
	s11 =	rddreg [dreg:$0xb];
	s19 =	simm.s32 @p0 $0xD  }
0x2d: {  	[tilespmem:s16], [sflag:$0xD] =	stream.linear.gather @p0 [hbm4b:s11+s15], $0x80, $0x38;
	[tilespmem:$0x15B00] =	vst v63  }
0x2e: {  	_ =	swait.ge @p0 [sflag:s19], $0x80  }
0x2f: {  	s11 =	rddreg [dreg:$0x8]  }
0x30: {  	[sflag:s19] =	ssyncset.done @p0 $0x0;
	s13 =	rddreg [dreg:$0xa]  }
0x31: {  	[sflag:s19] =	ssyncadd.s32 @p0 $0xFFFFFF80;
	s13 =	sadd.s32 @p0 s13, s11;
	s11 =	simm.s32 @p0 $0x5A80  }
0x32: {  	[tilespmem:s11], [sflag:$0xD] =	stream.linear.gather @p0 [hbm4b:s13+s15], $0x80, $0x38;
	[tilespmem:$0x15B00] =	vst v63  }
0x33: {  	_ =	swait.ge @p0 [sflag:s19], $0x80  }
0x34: {  	[sflag:s19] =	ssyncset.done @p0 $0x0  }
0x35: {  	s13 =	simm.s32 @p0 $0x80;
	s15 =	simm.s32 @p0 $0x5B00;
	[sflag:s19] =	ssyncadd.s32 @p0 $0xFFFFFF80  }
0x36: {  	[tilespmem:s15], [sflag:$0x1] =	stream.indirect.gather @p0 [hbm4b:s6+s13], $0x20, s16, s13, $0xb8;
	[tilespmem:$0x15B00] =	vst v63  }
0x37: {  	s16 =	simm.s32 @p0 $0x1  }
0x38: {  	_ =	swait.ge @p0 [sflag:s16], $0x1000  }
0x39: {  	[sflag:s16] =	ssyncset.done @p0 $0x0  }
0x3a: {  	[sflag:s16] =	ssyncadd.s32 @p0 $0xFFFFF000  }
0x3b: {  	[spmem:s3] =	stream.indirect.scatter.add.f32 @p0 [tilespmem:s15], [sflag:$0xD], $0x20, s11, s13, $0xb8;
	[tilespmem:$0x15B00] =	vst v63  }
0x3c: {  	_ =	swait.ge @p0 [sflag:s19], $0x1000  }
0x3d: {  	[sflag:s19] =	ssyncset.done @p0 $0x0  }
0x3e: {  	[sflag:s19] =	ssyncadd.s32 @p0 $0xFFFFF000  }
0x3f: {  	[bflag:$0x0] =	sbarrier.arrive $0xFFFF  }
0x40: {  	s16 =	rddreg [dreg:$0xc]  }
0x41: {  	[hbm:s16], [sflag:s7] =	dma.local [spmem:s17], $0xA00  }
0x42: {  	_ =	swait.ge [sflag:s18], $0xA00  }
0x43: {  	s5 =	sadd.s32 $0x1, s5;
	s19 =	rddreg [dreg:$0xd]  }
0x44: {  	p2 =	sne.s32 s5, s19  }
.Ltmp1:
0x45: {  	_ = 	snop;
	(pc) =	sbr.rel @!p2 .LBB2_10-.Ltmp1, $3  }
0x46: {  	_ =	sdelay $0x1  }
0x47: {  	[sflag:s18] =	ssyncset.done $0x0  }
0x48: {  	[sflag:s18] =	ssyncadd.s32 $0xFFFFF600  }
.LBB2_1:
0x49: {  	s11 =	rddreg [dreg:$0x1]  }
0x4a: {  	[spmem:s17], [sflag:s7] =	dma.local [hbm:s11], $0xA00  }
0x4b: {  	_ =	swait.ge [sflag:s18], $0xA00  }
0x4c: {  	[sflag:s18] =	ssyncset.done $0x0;
	s19 =	rddreg [dreg:$0x5]  }
0x4d: {  	s13 =	rddreg [dreg:$0xe];
	[sflag:s18] =	ssyncadd.s32 $0xFFFFF600  }
0x4e: {  	[spmem:s13], [sflag:s7] =	dma.local [hbm:s19], $0xA00  }
.Ltmp2:
0x4f: {  	_ =	swait.ge [sflag:s18], $0xA00;
	(pc) =	sbr.rel @p1 .LBB2_5-.Ltmp2, $4  }
0x50: {  	[sflag:s18] =	ssyncset.done $0x0  }
0x51: {  	[sflag:s18] =	ssyncadd.s32 $0xFFFFF600  }
0x52: {  	[bflag:$0x0] =	sbarrier.arrive $0xFFFF  }
0x53: {  	s15 =	simm.s32 $0x0  }
0x54: {  	s11 =	rddreg [dreg:$0x9]  }
0x55: {  	[tilespmem:s15], [sflag:$0xD] =	stream.linear.gather [hbm4b:s11+s15], $0x2D00, $0x38;
	[tilespmem:$0x15B00] =	vst v63  }
0x56: {  	_ =	swait.ge [sflag:s18], $0x2D00  }
0x57: {  	[sflag:s18] =	ssyncset.done $0x0  }
0x58: {  	s13 =	simm.s32 $0x2D00;
	s16 =	rddreg [dreg:$0xf];
	[sflag:s18] =	ssyncadd.s32 $0xFFFFD300  }
0x59: {  	[tilespmem:s13], [sflag:$0xD] =	stream.linear.gather [hbm4b:s16+s15], $0x2D00, $0x38;
	[tilespmem:$0x15B00] =	vst v63  }
0x5a: {  	_ =	swait.ge [sflag:s18], $0x2D00  }
0x5b: {  	[sflag:s18] =	ssyncset.done $0x0  }
0x5c: {  	[sflag:s18] =	ssyncadd.s32 $0xFFFFD300  }
0x5d: {  	[tilespmem:s23], [sflag:$0x1] =	stream.indirect.gather [hbm4b:s6+s22], $0x20, s15, s22, $0xb8;
	[tilespmem:$0x15B00] =	vst v63  }
0x5e: {  	_ = 	snop  }
0x5f: {  	[tilespmem:s24], [sflag:$0x2] =	stream.indirect.gather [hbm4b:s6+s22], $0x20, s22, s22, $0xb8;
	[tilespmem:$0x15B00] =	vst v63  }
0x60: {  	s19 =	simm.s32 $0x100  }
0x61: {  	[tilespmem:s26], [sflag:$0x3] =	stream.indirect.gather [hbm4b:s6+s22], $0x20, s19, s22, $0xb8;
	[tilespmem:$0x15B00] =	vst v63  }
0x62: {  	s13 =	simm.s32 $0x180  }
0x63: {  	[tilespmem:s29], [sflag:$0x4] =	stream.indirect.gather [hbm4b:s6+s22], $0x20, s13, s22, $0xb8;
	[tilespmem:$0x15B00] =	vst v63  }
0x64: {  	s16 =	simm.s32 $0x200  }
0x65: {  	[tilespmem:s31], [sflag:$0x5] =	stream.indirect.gather [hbm4b:s6+s22], $0x20, s16, s22, $0xb8;
	[tilespmem:$0x15B00] =	vst v63  }
0x66: {  	s19 =	simm.s32 $0x280  }
0x67: {  	[tilespmem:s0], [sflag:$0x6] =	stream.indirect.gather [hbm4b:s6+s22], $0x20, s19, s22, $0xb8;
	[tilespmem:$0x15B00] =	vst v63  }
.LBB2_3:
0x68: {  	_ =	swait.ge [sflag:s1], $0x1000  }
0x69: {  	s16 =	sshra.s32 s15, $0x2;
	[sflag:s1] =	ssyncset.done $0x0  }
0x6a: {  	s19 =	sadd.s32 $0x2D00, s16;
	[sflag:s1] =	ssyncadd.s32 $0xFFFFF000  }
0x6b: {  	[spmem:s3] =	stream.indirect.scatter.add.f32 [tilespmem:s23], [sflag:$0x7], $0x20, s19, s22, $0xb8;
	[tilespmem:$0x15B00] =	vst v63  }
0x6c: {  	_ =	swait.ge [sflag:s10], $0x1000  }
0x6d: {  	[sflag:s10] =	ssyncset.done $0x0  }
0x6e: {  	s13 =	sadd.s32 $0x2D80, s16;
	[sflag:s10] =	ssyncadd.s32 $0xFFFFF000  }
0x6f: {  	[spmem:s3] =	stream.indirect.scatter.add.f32 [tilespmem:s24], [sflag:$0x8], $0x20, s13, s22, $0xb8;
	[tilespmem:$0x15B00] =	vst v63  }
0x70: {  	_ =	swait.ge [sflag:s12], $0x1000  }
0x71: {  	[sflag:s12] =	ssyncset.done $0x0  }
0x72: {  	s11 =	sadd.s32 $0x2E00, s16;
	[sflag:s12] =	ssyncadd.s32 $0xFFFFF000  }
0x73: {  	[spmem:s3] =	stream.indirect.scatter.add.f32 [tilespmem:s26], [sflag:$0x9], $0x20, s11, s22, $0xb8;
	[tilespmem:$0x15B00] =	vst v63  }
0x74: {  	_ =	swait.ge [sflag:s21], $0x1000  }
0x75: {  	[sflag:s21] =	ssyncset.done $0x0  }
0x76: {  	s13 =	sadd.s32 $0x2E80, s16;
	[sflag:s21] =	ssyncadd.s32 $0xFFFFF000  }
0x77: {  	[spmem:s3] =	stream.indirect.scatter.add.f32 [tilespmem:s29], [sflag:$0xA], $0x20, s13, s22, $0xb8;
	[tilespmem:$0x15B00] =	vst v63  }
0x78: {  	_ =	swait.ge [sflag:s25], $0x1000  }
0x79: {  	[sflag:s25] =	ssyncset.done $0x0  }
0x7a: {  	s11 =	sadd.s32 $0x2F00, s16;
	[sflag:s25] =	ssyncadd.s32 $0xFFFFF000  }
0x7b: {  	[spmem:s3] =	stream.indirect.scatter.add.f32 [tilespmem:s31], [sflag:$0xB], $0x20, s11, s22, $0xb8;
	[tilespmem:$0x15B00] =	vst v63  }
0x7c: {  	_ =	swait.ge [sflag:s28], $0x1000  }
0x7d: {  	p2 =	seq.s32 s15, $0xA800;
	[sflag:s28] =	ssyncset.done $0x0  }
.Ltmp3:
0x7e: {  	s13 =	sadd.s32 $0x2F80, s16;
	[sflag:s28] =	ssyncadd.s32 $0xFFFFF000;
	(pc) =	sbr.rel @p2 .LBB2_8-.Ltmp3, $4  }
0x7f: {  	[spmem:s3] =	stream.indirect.scatter.add.f32 [tilespmem:s0], [sflag:$0xC], $0x20, s13, s22, $0xb8;
	[tilespmem:$0x15B00] =	vst v63  }
0x80: {  	_ =	swait.ge [sflag:s9], $0x1000  }
0x81: {  	[sflag:s9] =	ssyncset.done $0x0  }
0x82: {  	[sflag:s9] =	ssyncadd.s32 $0xFFFFF000  }
0x83: {  	s19 =	sadd.s32 $0x300, s16  }
0x84: {  	[tilespmem:s23], [sflag:$0x1] =	stream.indirect.gather [hbm4b:s6+s22], $0x20, s19, s22, $0xb8;
	[tilespmem:$0x15B00] =	vst v63  }
0x85: {  	_ =	swait.ge [sflag:s20], $0x1000  }
0x86: {  	[sflag:s20] =	ssyncset.done $0x0  }
0x87: {  	s11 =	sadd.s32 $0x380, s16;
	[sflag:s20] =	ssyncadd.s32 $0xFFFFF000  }
0x88: {  	[tilespmem:s24], [sflag:$0x2] =	stream.indirect.gather [hbm4b:s6+s22], $0x20, s11, s22, $0xb8;
	[tilespmem:$0x15B00] =	vst v63  }
0x89: {  	_ =	swait.ge [sflag:s30], $0x1000  }
0x8a: {  	[sflag:s30] =	ssyncset.done $0x0  }
0x8b: {  	s13 =	sadd.s32 $0x400, s16;
	[sflag:s30] =	ssyncadd.s32 $0xFFFFF000  }
0x8c: {  	[tilespmem:s26], [sflag:$0x3] =	stream.indirect.gather [hbm4b:s6+s22], $0x20, s13, s22, $0xb8;
	[tilespmem:$0x15B00] =	vst v63  }
0x8d: {  	_ =	swait.ge [sflag:s2], $0x1000  }
0x8e: {  	[sflag:s2] =	ssyncset.done $0x0  }
0x8f: {  	s11 =	sadd.s32 $0x480, s16;
	[sflag:s2] =	ssyncadd.s32 $0xFFFFF000  }
0x90: {  	[tilespmem:s29], [sflag:$0x4] =	stream.indirect.gather [hbm4b:s6+s22], $0x20, s11, s22, $0xb8;
	[tilespmem:$0x15B00] =	vst v63  }
0x91: {  	_ =	swait.ge [sflag:s8], $0x1000  }
0x92: {  	s15 =	sadd.s32 $0xC00, s15;
	[sflag:s8] =	ssyncset.done $0x0  }
0x93: {  	p2 =	seq.s32 s15, $0xB400;
	s13 =	sadd.s32 $0x500, s16;
	[sflag:s8] =	ssyncadd.s32 $0xFFFFF000  }
0x94: {  	[tilespmem:s31], [sflag:$0x5] =	stream.indirect.gather [hbm4b:s6+s22], $0x20, s13, s22, $0xb8;
	[tilespmem:$0x15B00] =	vst v63  }
.Ltmp4:
0x95: {  	_ = 	snop;
	(pc) =	sbr.rel @!p2 .LBB2_3-.Ltmp4, $4  }
.Ltmp5:
0x96: {  	_ =	swait.ge [sflag:s14], $0x1000;
	(pc) =	sbr.rel @p2 .LBB2_9-.Ltmp5, $4  }
0x97: {  	[sflag:s14] =	ssyncset.done $0x0  }
0x98: {  	s19 =	sadd.s32 $0x580, s16;
	[sflag:s14] =	ssyncadd.s32 $0xFFFFF000  }
0x99: {  	[tilespmem:s0], [sflag:$0x6] =	stream.indirect.gather [hbm4b:s6+s22], $0x20, s19, s22, $0xb8;
	[tilespmem:$0x15B00] =	vst v63  }
0x9a: {  	_ = 	snop  }
.LBB2_5:
0x9b: {  	s11 =	rddreg [dreg:$0x7]  }
0x9c: {  	[tilespmem:s15], [sflag:$0xD] =	stream.linear.gather [hbm4b:s11+s15], $0x2100, $0x38;
	[tilespmem:$0x15B00] =	vst v63  }
0x9d: {  	_ =	swait.ge [sflag:s18], $0x2100  }
0x9e: {  	s19 =	rddreg [dreg:$0x6]  }
0x9f: {  	[sflag:s18] =	ssyncset.done $0x0;
	s13 =	rddreg [dreg:$0x8]  }
0xa0: {  	[sflag:s18] =	ssyncadd.s32 $0xFFFFDF00;
	s16 =	sadd.s32 s19, s13;
	s13 =	simm.s32 $0x2D00  }
0xa1: {  	[tilespmem:s13], [sflag:$0xD] =	stream.linear.gather [hbm4b:s16+s15], $0x2100, $0x38;
	[tilespmem:$0x15B00] =	vst v63  }
0xa2: {  	_ =	swait.ge [sflag:s18], $0x2100  }
0xa3: {  	[sflag:s18] =	ssyncset.done $0x0  }
0xa4: {  	[sflag:s18] =	ssyncadd.s32 $0xFFFFDF00  }
0xa5: {  	[tilespmem:s23], [sflag:$0x1] =	stream.indirect.gather [spmem:s4], $0x20, s15, s22, $0xb8;
	[tilespmem:$0x15B00] =	vst v63  }
0xa6: {  	_ = 	snop  }
0xa7: {  	[tilespmem:s24], [sflag:$0x2] =	stream.indirect.gather [spmem:s4], $0x20, s22, s22, $0xb8;
	[tilespmem:$0x15B00] =	vst v63  }
0xa8: {  	s19 =	simm.s32 $0x100  }
0xa9: {  	[tilespmem:s26], [sflag:$0x3] =	stream.indirect.gather [spmem:s4], $0x20, s19, s22, $0xb8;
	[tilespmem:$0x15B00] =	vst v63  }
0xaa: {  	s13 =	simm.s32 $0x180  }
0xab: {  	[tilespmem:s29], [sflag:$0x4] =	stream.indirect.gather [spmem:s4], $0x20, s13, s22, $0xb8;
	[tilespmem:$0x15B00] =	vst v63  }
0xac: {  	s16 =	simm.s32 $0x200  }
0xad: {  	[tilespmem:s31], [sflag:$0x5] =	stream.indirect.gather [spmem:s4], $0x20, s16, s22, $0xb8;
	[tilespmem:$0x15B00] =	vst v63  }
0xae: {  	s19 =	simm.s32 $0x280  }
0xaf: {  	[tilespmem:s0], [sflag:$0x6] =	stream.indirect.gather [spmem:s4], $0x20, s19, s22, $0xb8;
	[tilespmem:$0x15B00] =	vst v63  }
.LBB2_6:
0xb0: {  	_ =	swait.ge [sflag:s1], $0x1000  }
0xb1: {  	s16 =	sshra.s32 s15, $0x2;
	[sflag:s1] =	ssyncset.done $0x0  }
0xb2: {  	s19 =	sadd.s32 $0x2D00, s16;
	[sflag:s1] =	ssyncadd.s32 $0xFFFFF000  }
0xb3: {  	[spmem:s3] =	stream.indirect.scatter.add.f32 [tilespmem:s23], [sflag:$0x7], $0x20, s19, s22, $0xb8;
	[tilespmem:$0x15B00] =	vst v63  }
0xb4: {  	_ =	swait.ge [sflag:s10], $0x1000  }
0xb5: {  	[sflag:s10] =	ssyncset.done $0x0  }
0xb6: {  	s13 =	sadd.s32 $0x2D80, s16;
	[sflag:s10] =	ssyncadd.s32 $0xFFFFF000  }
0xb7: {  	[spmem:s3] =	stream.indirect.scatter.add.f32 [tilespmem:s24], [sflag:$0x8], $0x20, s13, s22, $0xb8;
	[tilespmem:$0x15B00] =	vst v63  }
0xb8: {  	_ =	swait.ge [sflag:s12], $0x1000  }
0xb9: {  	[sflag:s12] =	ssyncset.done $0x0  }
0xba: {  	s11 =	sadd.s32 $0x2E00, s16;
	[sflag:s12] =	ssyncadd.s32 $0xFFFFF000  }
0xbb: {  	[spmem:s3] =	stream.indirect.scatter.add.f32 [tilespmem:s26], [sflag:$0x9], $0x20, s11, s22, $0xb8;
	[tilespmem:$0x15B00] =	vst v63  }
0xbc: {  	_ =	swait.ge [sflag:s21], $0x1000  }
0xbd: {  	[sflag:s21] =	ssyncset.done $0x0  }
0xbe: {  	s13 =	sadd.s32 $0x2E80, s16;
	[sflag:s21] =	ssyncadd.s32 $0xFFFFF000  }
0xbf: {  	[spmem:s3] =	stream.indirect.scatter.add.f32 [tilespmem:s29], [sflag:$0xA], $0x20, s13, s22, $0xb8;
	[tilespmem:$0x15B00] =	vst v63  }
0xc0: {  	_ =	swait.ge [sflag:s25], $0x1000  }
0xc1: {  	[sflag:s25] =	ssyncset.done $0x0  }
0xc2: {  	s11 =	sadd.s32 $0x2F00, s16;
	[sflag:s25] =	ssyncadd.s32 $0xFFFFF000  }
0xc3: {  	[spmem:s3] =	stream.indirect.scatter.add.f32 [tilespmem:s31], [sflag:$0xB], $0x20, s11, s22, $0xb8;
	[tilespmem:$0x15B00] =	vst v63  }
0xc4: {  	_ =	swait.ge [sflag:s28], $0x1000  }
0xc5: {  	p2 =	seq.s32 s15, $0x7800;
	[sflag:s28] =	ssyncset.done $0x0  }
.Ltmp6:
0xc6: {  	s13 =	sadd.s32 $0x2F80, s16;
	[sflag:s28] =	ssyncadd.s32 $0xFFFFF000;
	(pc) =	sbr.rel @p2 .LBB2_8-.Ltmp6, $4  }
0xc7: {  	[spmem:s3] =	stream.indirect.scatter.add.f32 [tilespmem:s0], [sflag:$0xC], $0x20, s13, s22, $0xb8;
	[tilespmem:$0x15B00] =	vst v63  }
0xc8: {  	_ =	swait.ge [sflag:s9], $0x1000  }
0xc9: {  	[sflag:s9] =	ssyncset.done $0x0  }
0xca: {  	[sflag:s9] =	ssyncadd.s32 $0xFFFFF000  }
0xcb: {  	s19 =	sadd.s32 $0x300, s16  }
0xcc: {  	[tilespmem:s23], [sflag:$0x1] =	stream.indirect.gather [spmem:s4], $0x20, s19, s22, $0xb8;
	[tilespmem:$0x15B00] =	vst v63  }
0xcd: {  	_ =	swait.ge [sflag:s20], $0x1000  }
0xce: {  	[sflag:s20] =	ssyncset.done $0x0  }
0xcf: {  	s11 =	sadd.s32 $0x380, s16;
	[sflag:s20] =	ssyncadd.s32 $0xFFFFF000  }
0xd0: {  	[tilespmem:s24], [sflag:$0x2] =	stream.indirect.gather [spmem:s4], $0x20, s11, s22, $0xb8;
	[tilespmem:$0x15B00] =	vst v63  }
0xd1: {  	_ =	swait.ge [sflag:s30], $0x1000  }
0xd2: {  	[sflag:s30] =	ssyncset.done $0x0  }
0xd3: {  	s13 =	sadd.s32 $0x400, s16;
	[sflag:s30] =	ssyncadd.s32 $0xFFFFF000  }
0xd4: {  	[tilespmem:s26], [sflag:$0x3] =	stream.indirect.gather [spmem:s4], $0x20, s13, s22, $0xb8;
	[tilespmem:$0x15B00] =	vst v63  }
0xd5: {  	_ =	swait.ge [sflag:s2], $0x1000  }
0xd6: {  	[sflag:s2] =	ssyncset.done $0x0  }
0xd7: {  	s11 =	sadd.s32 $0x480, s16;
	[sflag:s2] =	ssyncadd.s32 $0xFFFFF000  }
0xd8: {  	[tilespmem:s29], [sflag:$0x4] =	stream.indirect.gather [spmem:s4], $0x20, s11, s22, $0xb8;
	[tilespmem:$0x15B00] =	vst v63  }
0xd9: {  	_ =	swait.ge [sflag:s8], $0x1000  }
0xda: {  	s15 =	sadd.s32 $0xC00, s15;
	[sflag:s8] =	ssyncset.done $0x0  }
0xdb: {  	p2 =	seq.s32 s15, $0x8400;
	s13 =	sadd.s32 $0x500, s16;
	[sflag:s8] =	ssyncadd.s32 $0xFFFFF000  }
0xdc: {  	[tilespmem:s31], [sflag:$0x5] =	stream.indirect.gather [spmem:s4], $0x20, s13, s22, $0xb8;
	[tilespmem:$0x15B00] =	vst v63  }
.Ltmp7:
0xdd: {  	_ = 	snop;
	(pc) =	sbr.rel @!p2 .LBB2_6-.Ltmp7, $4  }
.Ltmp8:
0xde: {  	_ =	swait.ge [sflag:s14], $0x1000;
	(pc) =	sbr.rel @p2 .LBB2_9-.Ltmp8, $4  }
0xdf: {  	[sflag:s14] =	ssyncset.done $0x0  }
0xe0: {  	s19 =	sadd.s32 $0x580, s16;
	[sflag:s14] =	ssyncadd.s32 $0xFFFFF000  }
0xe1: {  	[tilespmem:s0], [sflag:$0x6] =	stream.indirect.gather [spmem:s4], $0x20, s19, s22, $0xb8;
	[tilespmem:$0x15B00] =	vst v63  }
0xe2: {  	_ = 	snop  }
.LBB2_10:
0xe3: {  	_ =	sfence.sel $0x180000  }
0xe4: {  	[bflag:$0x0] =	sbarrier.arrive $0xFFFF  }
0xe5: {  	_ =	strace $0x90000050  }
0xe6: {  	s0 =	stileid.u32;
	[bflag:$0x2] =	sbarrier.arrive $0xFFFF  }
0xe7: {  	p0 =	sne.s32 s0, $0x0;
	s0 =	rddreg [dreg:$0x4]  }
0xe8: {  	s0 =	sadd.s32 @!p0 $0x100000, s0  }
0xe9: {  	[sflag:s0] =	ssyncadd.tile.s32 @!p0 $0x1;
	_ =	shalt  }
.Lfunc_end2:
_tile_overlayer_lowered:
.L_overlay_start_2:
0xea: {  	(tag) =	ssettag $0x2  }
0xeb: {  	s0 =	rddreg [dreg:$0x0];
	s2 =	stileid.u32  }
0xec: {  	s1 =	rddreg [dreg:$0x1];
	p0 =	sne.s32 s2, $0x0  }
0xed: {  	s3 =	rddreg [dreg:$0x2];
	[bflag:$0x3] =	sbarrier.arrive $0xFFFF;
	s2 =	simm.s32 @!p0 $0x1C0D  }
0xee: {  	[timem:s3], [sflag:s2] =	dma.local @!p0 [hbm:s0], s1  }
0xef: {  	s0 =	simm.s32 @!p0 $0xD  }
0xf0: {  	_ =	swait.ge @!p0 [sflag:s0], s1  }
0xf1: {  	s1 =	ssub.s32 @!p0 $0x0, s1;
	[sflag:s0] =	ssyncset.done @!p0 $0x0  }
0xf2: {  	[sflag:s0] =	ssyncadd.s32 @!p0 s1  }
0xf3: {  	[bflag:$0x3] =	sbarrier.arrive $0xFFFF  }
0xf4: {  	_ =	shalt  }

</sc_bundles>
